<compile_context>
chip_gen: v7x
topology: tpu7x:2x2x1
jax: 0.10.2.dev20260603
libtpu: 0.0.44.dev20260713+nightly
codegen_flags: <defaults>
</compile_context>

<pallas_src>
import functools

import jax
import jax.numpy as jnp
from jax import lax
from jax.experimental import pallas as pl
from jax.experimental.pallas import tpu as pltpu
from jax.experimental.pallas import tpu_sc as plsc

H = 128
G = 16
NUM_CORES = 2
NUM_SUBCORES = 16
NUM_TILES = NUM_CORES * NUM_SUBCORES
ROWS_PER_TILE = 320
N_PAD = NUM_TILES * ROWS_PER_TILE
CH = 128
ROW_BLK = 512
HIGH = lax.Precision.HIGHEST



def _sc_agg_body(nchunks, h_hbm, src3_hbm, dst3_hbm, zero_hbm,
                 out_hbm, sidx, didx, rows, acc_sh,
                 isem0, isem1, isem2, isem3, gsem0, gsem1, ssem0, ssem1):
    cid = lax.axis_index("c")
    sid = lax.axis_index("s")
    wid = cid * NUM_SUBCORES + sid
    isems = (isem0, isem1, isem2, isem3)
    gsems = (gsem0, gsem1)
    ssems = (ssem0, ssem1)

    def i_start(c, q):
        pltpu.async_copy(src3_hbm.at[wid, c], sidx.at[q], isems[q])
        pltpu.async_copy(dst3_hbm.at[wid, c], didx.at[q], isems[q])

    def i_wait(q):
        pltpu.make_async_copy(src3_hbm.at[wid, 0], sidx.at[q],
                              isems[q]).wait()
        pltpu.make_async_copy(dst3_hbm.at[wid, 0], didx.at[q],
                              isems[q]).wait()

    def g_start(q, p):
        pltpu.async_copy(h_hbm.at[sidx.at[q]], rows.at[p], gsems[p])

    def g_wait(q, p):
        pltpu.make_async_copy(h_hbm.at[sidx.at[q]], rows.at[p],
                              gsems[p]).wait()

    def s_start(q, p):
        pltpu.async_copy(rows.at[p], acc_sh.at[didx.at[q]], ssems[p],
                         add=True)

    def s_wait(q, p):
        pltpu.make_async_copy(rows.at[p], acc_sh.at[didx.at[q]],
                              ssems[p]).wait()

    i_start(0, 0)
    pltpu.sync_copy(zero_hbm.at[pl.ds(sid * ROWS_PER_TILE, ROWS_PER_TILE)],
                    acc_sh.at[pl.ds(sid * ROWS_PER_TILE, ROWS_PER_TILE)])
    plsc.subcore_barrier()

    def step(i, q, p):
        i_wait(q)

        @pl.when(i < nchunks - 1)
        def _():
            i_start(i + 1, (q + 1) % 4)

        @pl.when(i >= 2)
        def _():
            s_wait(q, p)

        g_start(q, p)
        g_wait(q, p)
        s_start(q, p)

    def body(j, carry):
        i0 = 4 * j
        step(i0, 0, 0)
        step(i0 + 1, 1, 1)
        step(i0 + 2, 2, 0)
        step(i0 + 3, 3, 1)
        return carry

    lax.fori_loop(0, nchunks // 4, body, 0)
    s_wait(2, 0)
    s_wait(3, 1)
    plsc.subcore_barrier()
    pltpu.sync_copy(acc_sh.at[pl.ds(sid * ROWS_PER_TILE, ROWS_PER_TILE)],
                    out_hbm.at[cid, pl.ds(sid * ROWS_PER_TILE, ROWS_PER_TILE)])


def _sc_agg(h, src3, dst3, zeros, nchunks):
    mesh = plsc.VectorSubcoreMesh(core_axis_name="c", subcore_axis_name="s")
    return pl.kernel(
        functools.partial(_sc_agg_body, nchunks),
        out_type=jax.ShapeDtypeStruct((NUM_CORES, N_PAD, H), jnp.float32),
        mesh=mesh,
        scratch_types=[
            pltpu.VMEM((4, CH), jnp.int32),
            pltpu.VMEM((4, CH), jnp.int32),
            pltpu.VMEM((2, CH, H), jnp.float32),
            pltpu.VMEM_SHARED((N_PAD, H), jnp.float32),
            pltpu.SemaphoreType.DMA,
            pltpu.SemaphoreType.DMA,
            pltpu.SemaphoreType.DMA,
            pltpu.SemaphoreType.DMA,
            pltpu.SemaphoreType.DMA,
            pltpu.SemaphoreType.DMA,
            pltpu.SemaphoreType.DMA,
            pltpu.SemaphoreType.DMA,
        ],
    )(h, src3, dst3, zeros)


def _sc_deg_body(chunks_per_tile, dst3_hbm, out_hbm, didx2, hist):
    cid = lax.axis_index("c")
    sid = lax.axis_index("s")
    wid = cid * NUM_SUBCORES + sid

    def zbody(i, carry):
        hist[pl.ds(i * 16, 16)] = jnp.zeros((16,), jnp.float32)
        return carry

    lax.fori_loop(0, N_PAD // 16, zbody, 0)
    pltpu.sync_copy(dst3_hbm.at[wid], didx2)

    ones16 = jnp.ones((16,), jnp.float32)

    def body(g, carry):
        c = g // (CH // 16)
        k = g % (CH // 16)
        idx = didx2.at[c][pl.ds(k * 16, 16)]
        plsc.addupdate_scatter(hist, [idx], ones16)
        return carry

    lax.fori_loop(0, chunks_per_tile * (CH // 16), body, 0)
    pltpu.sync_copy(hist, out_hbm.at[wid])


def _sc_deg(dst3, chunks_per_tile):
    mesh = plsc.VectorSubcoreMesh(core_axis_name="c", subcore_axis_name="s")
    return pl.kernel(
        functools.partial(_sc_deg_body, chunks_per_tile),
        out_type=jax.ShapeDtypeStruct((NUM_TILES, N_PAD), jnp.float32),
        mesh=mesh,
        scratch_types=[
            pltpu.VMEM((chunks_per_tile, CH), jnp.int32),
            pltpu.VMEM((N_PAD,), jnp.float32),
        ],
        compiler_params=pltpu.CompilerParams(needs_layout_passes=False),
    )(dst3)



def _embed_body(x_ref, w_ref, b_ref, o_ref):
    o_ref[...] = jnp.maximum(
        jnp.dot(x_ref[...], w_ref[...], precision=HIGH) + b_ref[...], 0.0)


def _embed(x_pad, W_emb, b_emb):
    grid = (N_PAD // ROW_BLK,)
    return pl.pallas_call(
        _embed_body,
        grid=grid,
        in_specs=[
            pl.BlockSpec((ROW_BLK, H), lambda i: (i, 0)),
            pl.BlockSpec((H, H), lambda i: (0, 0)),
            pl.BlockSpec((1, H), lambda i: (0, 0)),
        ],
        out_specs=pl.BlockSpec((ROW_BLK, H), lambda i: (i, 0)),
        out_shape=jax.ShapeDtypeStruct((N_PAD, H), jnp.float32),
    )(x_pad, W_emb, b_emb.reshape(1, H))


def _recip_body(h_ref, o_ref):
    deg = jnp.sum(h_ref[...], axis=0)
    o_ref[...] = (1.0 / jnp.maximum(deg, 1.0))[:, None]


def _recip_deg(hists):
    return pl.pallas_call(
        _recip_body,
        out_shape=jax.ShapeDtypeStruct((N_PAD, 1), jnp.float32),
    )(hists)


def _layer_body(h_ref, a0_ref, a1_ref, rd_ref, ws_ref, wn_ref, b_ref, o_ref):
    agg = (a0_ref[...] + a1_ref[...]) * rd_ref[...]
    o_ref[...] = jnp.maximum(
        jnp.dot(h_ref[...], ws_ref[...], precision=HIGH)
        + jnp.dot(agg, wn_ref[...], precision=HIGH) + b_ref[...], 0.0)


def _layer(h, agg2, rd, Ws, Wn, b):
    grid = (N_PAD // ROW_BLK,)
    row_spec = pl.BlockSpec((ROW_BLK, H), lambda i: (i, 0))
    w_spec = pl.BlockSpec((H, H), lambda i: (0, 0))
    return pl.pallas_call(
        _layer_body,
        grid=grid,
        in_specs=[
            row_spec,
            row_spec,
            row_spec,
            pl.BlockSpec((ROW_BLK, 1), lambda i: (i, 0)),
            w_spec,
            w_spec,
            pl.BlockSpec((1, H), lambda i: (0, 0)),
        ],
        out_specs=row_spec,
        out_shape=jax.ShapeDtypeStruct((N_PAD, H), jnp.float32),
    )(h, agg2[0], agg2[1], rd, Ws, Wn, b.reshape(1, H))


def _pool_body(h_ref, bt_ref, w1_ref, b1_ref, w2_ref, b2_ref, o_ref,
               acc_ref, cnt_ref):
    i = pl.program_id(0)
    nsteps = pl.num_programs(0)

    @pl.when(i == 0)
    def _():
        acc_ref[...] = jnp.zeros_like(acc_ref)
        cnt_ref[...] = jnp.zeros_like(cnt_ref)

    b = bt_ref[0, 0, :]
    onehot = (b[:, None]
              == lax.broadcasted_iota(jnp.int32, (ROW_BLK, G), 1)
              ).astype(jnp.float32)
    acc_ref[...] += lax.dot_general(
        onehot, h_ref[...], (((0,), (0,)), ((), ())), precision=HIGH)
    cnt_ref[...] += lax.dot_general(
        onehot, jnp.ones((ROW_BLK, 1), jnp.float32),
        (((0,), (0,)), ((), ())), precision=HIGH)

    @pl.when(i == nsteps - 1)
    def _():
        pooled = acc_ref[...] / jnp.maximum(cnt_ref[...], 1.0)
        hid = jnp.maximum(
            jnp.dot(pooled, w1_ref[...], precision=HIGH) + b1_ref[...], 0.0)
        o_ref[...] = jnp.dot(hid, w2_ref[...], precision=HIGH) + b2_ref[...]


def _pool_head(h, batch3d, W1, b1, W2, b2):
    grid = (N_PAD // ROW_BLK,)
    return pl.pallas_call(
        _pool_body,
        grid=grid,
        in_specs=[
            pl.BlockSpec((ROW_BLK, H), lambda i: (i, 0)),
            pl.BlockSpec((1, 1, ROW_BLK), lambda i: (i, 0, 0)),
            pl.BlockSpec((H, H), lambda i: (0, 0)),
            pl.BlockSpec((1, H), lambda i: (0, 0)),
            pl.BlockSpec((H, 1), lambda i: (0, 0)),
            pl.BlockSpec((1, 1), lambda i: (0, 0)),
        ],
        out_specs=pl.BlockSpec((G, 1), lambda i: (0, 0)),
        out_shape=jax.ShapeDtypeStruct((G, 1), jnp.float32),
        scratch_shapes=[
            pltpu.VMEM((G, H), jnp.float32),
            pltpu.VMEM((G, 1), jnp.float32),
        ],
    )(h, batch3d, W1, b1.reshape(1, H), W2, b2.reshape(1, 1))



def kernel(x, edge_index, batch, W_emb, b_emb, W_self, W_nbr, b_conv,
           W1, b1, W2, b2):
    n = x.shape[0]
    e = edge_index.shape[1]
    num_layers = W_self.shape[0]

    chunks_per_tile = 4 * (-(-e // (NUM_TILES * CH * 4)))
    e_pad = NUM_TILES * CH * chunks_per_tile

    src = edge_index[0]
    dst = edge_index[1]
    srcp = jnp.concatenate(
        [src, jnp.zeros((e_pad - e,), src.dtype)]).astype(jnp.int32)
    dstp = jnp.concatenate(
        [dst, jnp.full((e_pad - e,), N_PAD - 1, dst.dtype)]).astype(jnp.int32)
    src3 = srcp.reshape(NUM_TILES, chunks_per_tile, CH)
    dst3 = dstp.reshape(NUM_TILES, chunks_per_tile, CH)

    x_pad = jnp.pad(x, ((0, N_PAD - n), (0, 0)))
    batch3d = jnp.pad(batch.astype(jnp.int32), (0, N_PAD - n),
                      constant_values=G).reshape(N_PAD // ROW_BLK, 1, ROW_BLK)
    zeros = jnp.zeros((N_PAD, H), jnp.float32)

    hists = _sc_deg(dst3, chunks_per_tile)
    rd = _recip_deg(hists)
    h = _embed(x_pad, W_emb, b_emb)
    for l in range(num_layers):
        agg2 = _sc_agg(h, src3, dst3, zeros, chunks_per_tile)
        h = _layer(h, agg2, rd, W_self[l], W_nbr[l], b_conv[l])
    return _pool_head(h, batch3d, W1, b1, W2, b2)

# --- scband reference (transcript-rebuilt; emitter-appended) ---
"""Pipeline reference for scband-hetero-base-4810363372956 (READ-ONLY COPY).

The authoritative reference and input builder live on the scoring server;
editing this copy changes nothing except your own understanding.
"""

import jax, jax.numpy as jnp
import numpy as np

N = 10000
E = 320000
D = 128
H = 128
L = 4
G = 16

def setup_inputs(seed: int = 0) -> dict:
    key = jax.random.key(seed)
    ks = jax.random.split(key, 12)
    x = jax.random.normal(ks[0], (N, D), dtype=jnp.float32)
    edge_index = jax.random.randint(ks[1], (2, E), 0, N)
    batch = jnp.sort(jax.random.randint(ks[2], (N,), 0, G))
    W_emb = jax.random.normal(ks[3], (D, H), dtype=jnp.float32) * 0.05
    b_emb = jnp.zeros((H,), dtype=jnp.float32)
    W_self = jax.random.normal(ks[4], (L, H, H), dtype=jnp.float32) * 0.05
    W_nbr = jax.random.normal(ks[5], (L, H, H), dtype=jnp.float32) * 0.05
    b_conv = jnp.zeros((L, H), dtype=jnp.float32)
    W1 = jax.random.normal(ks[6], (H, H), dtype=jnp.float32) * 0.05
    b1 = jnp.zeros((H,), dtype=jnp.float32)
    W2 = jax.random.normal(ks[7], (H, 1), dtype=jnp.float32) * 0.05
    b2 = jnp.zeros((1,), dtype=jnp.float32)
    return {"x": x, "edge_index": edge_index, "batch": batch,
            "W_emb": W_emb, "b_emb": b_emb, "W_self": W_self, "W_nbr": W_nbr,
            "b_conv": b_conv, "W1": W1, "b1": b1, "W2": W2, "b2": b2}

def reference(x, edge_index, batch, W_emb, b_emb, W_self, W_nbr, b_conv, W1, b1, W2, b2):
    # node embedder (per-node-type Linear; single node type 'atom')
    h = jax.nn.relu(x @ W_emb + b_emb)
    src = edge_index[0]
    dst = edge_index[1]
    ones_e = jnp.ones((src.shape[0],), dtype=x.dtype)
    deg = jax.ops.segment_sum(ones_e, dst, num_segments=N)
    deg = jnp.maximum(deg, 1.0)[:, None]
    # hetero conv stack (shared relation weights; aggr='sum' over the single relation)
    for l in range(L):
        msgs = h[src]  # gather (memory-bound)
        agg = jax.ops.segment_sum(msgs, dst, num_segments=N) / deg  # scatter-add + mean norm
        h = jax.nn.relu(h @ W_self[l] + agg @ W_nbr[l] + b_conv[l])
    # global mean pool over graphs in the batch
    ones_n = jnp.ones((N,), dtype=x.dtype)
    cnt = jnp.maximum(jax.ops.segment_sum(ones_n, batch, num_segments=G), 1.0)[:, None]
    pooled = jax.ops.segment_sum(h, batch, num_segments=G) / cnt
    # graph head MLP
    hid = jax.nn.relu(pooled @ W1 + b1)
    out = hid @ W2 + b2
    return out

if __name__ == "__main__":
    import jax
    _d = setup_inputs()
    print(jax.jit(kernel)(*tuple(_d.values())))

</pallas_src>

<mosaic_0001>
#map = affine_map<(d0, d1) -> (0, 0)>
#map1 = affine_map<(d0, d1) -> (0, 0, 0)>
module attributes {stable_mosaic.version = 14 : i64} {
  func.func @_sc_agg_body(%arg0: i32, %arg1: i32, %arg2: memref<10240x128xf32, #tpu.memory_space<hbm>>, %arg3: memref<32x80x128xi32, #tpu.memory_space<hbm>>, %arg4: memref<32x80x128xi32, #tpu.memory_space<hbm>>, %arg5: memref<10240x128xf32, #tpu.memory_space<hbm>>, %arg6: memref<2x10240x128xf32, #tpu.memory_space<hbm>>, %arg7: memref<4x128xi32, #tpu.memory_space<vmem>>, %arg8: memref<4x128xi32, #tpu.memory_space<vmem>>, %arg9: memref<2x128x128xf32, #tpu.memory_space<vmem>>, %arg10: memref<10240x128xf32, #tpu.memory_space<vmem_shared>>, %arg11: memref<!tpu.dma_semaphore, #tpu.memory_space<semaphore_mem>>, %arg12: memref<!tpu.dma_semaphore, #tpu.memory_space<semaphore_mem>>, %arg13: memref<!tpu.dma_semaphore, #tpu.memory_space<semaphore_mem>>, %arg14: memref<!tpu.dma_semaphore, #tpu.memory_space<semaphore_mem>>, %arg15: memref<!tpu.dma_semaphore, #tpu.memory_space<semaphore_mem>>, %arg16: memref<!tpu.dma_semaphore, #tpu.memory_space<semaphore_mem>>, %arg17: memref<!tpu.dma_semaphore, #tpu.memory_space<semaphore_mem>>, %arg18: memref<!tpu.dma_semaphore, #tpu.memory_space<semaphore_mem>>) attributes {dimension_semantics = [#tpu.dimension_semantics<core_parallel>, #tpu.dimension_semantics<subcore_parallel>], iteration_bounds = array<i64: 2, 16>, scalar_prefetch = 0 : i64, scratch_operands = 12 : i64, tpu.core_type = #tpu.core_type<sc_vector_subcore>, window_params = [{transform_indices = #map}, {transform_indices = #map1}, {transform_indices = #map1}, {transform_indices = #map}, {transform_indices = #map1}]} {
    %mul3A = arith.constant 16 : i32
    %mul3A_0 = arith.muli %arg0, %mul3A : i32
    %add3A = arith.addi %mul3A_0, %arg1 : i32
    %dma_start3A = arith.constant 0 : i32
    %dma_start3A_1 = arith.constant 0 : i32
    %dma_start3A_2 = arith.constant 0 : i32
    %dma_start3A_3 = tpu.memref_slice %arg7[%dma_start3A_1, %dma_start3A_2] : memref<4x128xi32, #tpu.memory_space<vmem>> -> memref<1x128xi32, #tpu.memory_space<vmem>>
    %dma_start3A_4 = tpu.memref_squeeze %dma_start3A_3 : memref<1x128xi32, #tpu.memory_space<vmem>> -> memref<128xi32, #tpu.memory_space<vmem>>
    %dma_start3A_5 = arith.constant 0 : i32
    %dma_start3A_6 = tpu.memref_slice %arg3[%add3A, %dma_start3A, %dma_start3A_5] : memref<32x80x128xi32, #tpu.memory_space<hbm>> -> memref<1x1x128xi32, #tpu.memory_space<hbm>>
    %dma_start3A_7 = tpu.memref_squeeze %dma_start3A_6 : memref<1x1x128xi32, #tpu.memory_space<hbm>> -> memref<128xi32, #tpu.memory_space<hbm>>
    %dma_start3A_8 = arith.constant 0 : i32
    %dma_start3A_9 = tpu.memref_slice %arg7[%dma_start3A_1, %dma_start3A_8] : memref<4x128xi32, #tpu.memory_space<vmem>> -> memref<1x128xi32, #tpu.memory_space<vmem>>
    %dma_start3A_10 = tpu.memref_squeeze %dma_start3A_9 : memref<1x128xi32, #tpu.memory_space<vmem>> -> memref<128xi32, #tpu.memory_space<vmem>>
    %dma_start3A_11 = arith.constant 0 : i32
    %dma_start3A_12 = tpu.memref_slice %arg3[%add3A, %dma_start3A, %dma_start3A_11] : memref<32x80x128xi32, #tpu.memory_space<hbm>> -> memref<1x1x128xi32, #tpu.memory_space<hbm>>
    %dma_start3A_13 = tpu.memref_squeeze %dma_start3A_12 : memref<1x1x128xi32, #tpu.memory_space<hbm>> -> memref<128xi32, #tpu.memory_space<hbm>>
    tpu.enqueue_dma source(%dma_start3A_13 : memref<128xi32, #tpu.memory_space<hbm>>) target(%dma_start3A_10 : memref<128xi32, #tpu.memory_space<vmem>>) target_semaphore(%arg11 : memref<!tpu.dma_semaphore, #tpu.memory_space<semaphore_mem>>)
    %dma_start3A_14 = arith.constant 0 : i32
    %dma_start3A_15 = arith.constant 0 : i32
    %dma_start3A_16 = arith.constant 0 : i32
    %dma_start3A_17 = tpu.memref_slice %arg8[%dma_start3A_15, %dma_start3A_16] : memref<4x128xi32, #tpu.memory_space<vmem>> -> memref<1x128xi32, #tpu.memory_space<vmem>>
    %dma_start3A_18 = tpu.memref_squeeze %dma_start3A_17 : memref<1x128xi32, #tpu.memory_space<vmem>> -> memref<128xi32, #tpu.memory_space<vmem>>
    %dma_start3A_19 = arith.constant 0 : i32
    %dma_start3A_20 = tpu.memref_slice %arg4[%add3A, %dma_start3A_14, %dma_start3A_19] : memref<32x80x128xi32, #tpu.memory_space<hbm>> -> memref<1x1x128xi32, #tpu.memory_space<hbm>>
    %dma_start3A_21 = tpu.memref_squeeze %dma_start3A_20 : memref<1x1x128xi32, #tpu.memory_space<hbm>> -> memref<128xi32, #tpu.memory_space<hbm>>
    %dma_start3A_22 = arith.constant 0 : i32
    %dma_start3A_23 = tpu.memref_slice %arg8[%dma_start3A_15, %dma_start3A_22] : memref<4x128xi32, #tpu.memory_space<vmem>> -> memref<1x128xi32, #tpu.memory_space<vmem>>
    %dma_start3A_24 = tpu.memref_squeeze %dma_start3A_23 : memref<1x128xi32, #tpu.memory_space<vmem>> -> memref<128xi32, #tpu.memory_space<vmem>>
    %dma_start3A_25 = arith.constant 0 : i32
    %dma_start3A_26 = tpu.memref_slice %arg4[%add3A, %dma_start3A_14, %dma_start3A_25] : memref<32x80x128xi32, #tpu.memory_space<hbm>> -> memref<1x1x128xi32, #tpu.memory_space<hbm>>
    %dma_start3A_27 = tpu.memref_squeeze %dma_start3A_26 : memref<1x1x128xi32, #tpu.memory_space<hbm>> -> memref<128xi32, #tpu.memory_space<hbm>>
    tpu.enqueue_dma source(%dma_start3A_27 : memref<128xi32, #tpu.memory_space<hbm>>) target(%dma_start3A_24 : memref<128xi32, #tpu.memory_space<vmem>>) target_semaphore(%arg11 : memref<!tpu.dma_semaphore, #tpu.memory_space<semaphore_mem>>)
    %mul3A_28 = arith.constant 320 : i32
    %mul3A_29 = arith.muli %arg1, %mul3A_28 : i32
    %mul3A_30 = arith.constant 320 : i32
    %mul3A_31 = arith.muli %arg1, %mul3A_30 : i32
    "tpu.region"() ({
      %run_scoped3A = tpu.sem_alloc : memref<!tpu.dma_semaphore, #tpu.memory_space<semaphore_mem>>
      %dma_start3A_65 = arith.constant 0 : i32
      %dma_start3A_66 = tpu.memref_slice %arg10[%mul3A_31, %dma_start3A_65] : memref<10240x128xf32, #tpu.memory_space<vmem_shared>> -> memref<320x128xf32, #tpu.memory_space<vmem_shared>>
      %dma_start3A_67 = arith.constant 0 : i32
      %dma_start3A_68 = tpu.memref_slice %arg5[%mul3A_29, %dma_start3A_67] : memref<10240x128xf32, #tpu.memory_space<hbm>> -> memref<320x128xf32, #tpu.memory_space<hbm>>
      tpu.enqueue_dma source(%dma_start3A_68 : memref<320x128xf32, #tpu.memory_space<hbm>>) target(%dma_start3A_66 : memref<320x128xf32, #tpu.memory_space<vmem_shared>>) target_semaphore(%run_scoped3A : memref<!tpu.dma_semaphore, #tpu.memory_space<semaphore_mem>>)
      %dma_wait3A_69 = arith.constant 0 : i32
      %dma_wait3A_70 = tpu.memref_slice %arg10[%mul3A_31, %dma_wait3A_69] : memref<10240x128xf32, #tpu.memory_space<vmem_shared>> -> memref<320x128xf32, #tpu.memory_space<vmem_shared>>
      %dma_wait3A_71 = arith.constant 0 : i32
      %dma_wait3A_72 = tpu.memref_slice %arg5[%mul3A_29, %dma_wait3A_71] : memref<10240x128xf32, #tpu.memory_space<hbm>> -> memref<320x128xf32, #tpu.memory_space<hbm>>
      tpu.wait_dma2 semaphore(%run_scoped3A : memref<!tpu.dma_semaphore, #tpu.memory_space<semaphore_mem>>) src(%dma_wait3A_72 : memref<320x128xf32, #tpu.memory_space<hbm>>) dst(%dma_wait3A_70 : memref<320x128xf32, #tpu.memory_space<vmem_shared>>)
      tpu.yield
    }) : () -> ()
    %barrier3A = arith.constant 0 : index
    tpu.barrier barrier_id(%barrier3A)
    %scan3A = arith.constant 0 : i32
    %scan3A_32 = arith.constant 0 : i32
    %scan3A_33 = arith.constant 20 : i32
    %scan3A_34 = arith.addi %scan3A_32, %scan3A_33 : i32
    %scan3A_35 = arith.constant 1 : i32
    scf.for %scan3A_65 = %scan3A_32 to %scan3A_34 step %scan3A_35  : i32 {
      %mul3A_66 = arith.constant 4 : i32
      %mul3A_67 = arith.muli %mul3A_66, %scan3A_65 : i32
      %dma_wait3A_68 = arith.constant 0 : i32
      %dma_wait3A_69 = arith.constant 0 : i32
      %dma_wait3A_70 = arith.constant 0 : i32
      %dma_wait3A_71 = tpu.memref_slice %arg7[%dma_wait3A_69, %dma_wait3A_70] : memref<4x128xi32, #tpu.memory_space<vmem>> -> memref<1x128xi32, #tpu.memory_space<vmem>>
      %dma_wait3A_72 = tpu.memref_squeeze %dma_wait3A_71 : memref<1x128xi32, #tpu.memory_space<vmem>> -> memref<128xi32, #tpu.memory_space<vmem>>
      %dma_wait3A_73 = arith.constant 0 : i32
      %dma_wait3A_74 = tpu.memref_slice %arg3[%add3A, %dma_wait3A_68, %dma_wait3A_73] : memref<32x80x128xi32, #tpu.memory_space<hbm>> -> memref<1x1x128xi32, #tpu.memory_space<hbm>>
      %dma_wait3A_75 = tpu.memref_squeeze %dma_wait3A_74 : memref<1x1x128xi32, #tpu.memory_space<hbm>> -> memref<128xi32, #tpu.memory_space<hbm>>
      %dma_wait3A_76 = arith.constant 0 : i32
      %dma_wait3A_77 = tpu.memref_slice %arg7[%dma_wait3A_69, %dma_wait3A_76] : memref<4x128xi32, #tpu.memory_space<vmem>> -> memref<1x128xi32, #tpu.memory_space<vmem>>
      %dma_wait3A_78 = tpu.memref_squeeze %dma_wait3A_77 : memref<1x128xi32, #tpu.memory_space<vmem>> -> memref<128xi32, #tpu.memory_space<vmem>>
      %dma_wait3A_79 = arith.constant 0 : i32
      %dma_wait3A_80 = tpu.memref_slice %arg3[%add3A, %dma_wait3A_68, %dma_wait3A_79] : memref<32x80x128xi32, #tpu.memory_space<hbm>> -> memref<1x1x128xi32, #tpu.memory_space<hbm>>
      %dma_wait3A_81 = tpu.memref_squeeze %dma_wait3A_80 : memref<1x1x128xi32, #tpu.memory_space<hbm>> -> memref<128xi32, #tpu.memory_space<hbm>>
      tpu.wait_dma2 semaphore(%arg11 : memref<!tpu.dma_semaphore, #tpu.memory_space<semaphore_mem>>) src(%dma_wait3A_81 : memref<128xi32, #tpu.memory_space<hbm>>) dst(%dma_wait3A_78 : memref<128xi32, #tpu.memory_space<vmem>>)
      %dma_wait3A_82 = arith.constant 0 : i32
      %dma_wait3A_83 = arith.constant 0 : i32
      %dma_wait3A_84 = arith.constant 0 : i32
      %dma_wait3A_85 = tpu.memref_slice %arg8[%dma_wait3A_83, %dma_wait3A_84] : memref<4x128xi32, #tpu.memory_space<vmem>> -> memref<1x128xi32, #tpu.memory_space<vmem>>
      %dma_wait3A_86 = tpu.memref_squeeze %dma_wait3A_85 : memref<1x128xi32, #tpu.memory_space<vmem>> -> memref<128xi32, #tpu.memory_space<vmem>>
      %dma_wait3A_87 = arith.constant 0 : i32
      %dma_wait3A_88 = tpu.memref_slice %arg4[%add3A, %dma_wait3A_82, %dma_wait3A_87] : memref<32x80x128xi32, #tpu.memory_space<hbm>> -> memref<1x1x128xi32, #tpu.memory_space<hbm>>
      %dma_wait3A_89 = tpu.memref_squeeze %dma_wait3A_88 : memref<1x1x128xi32, #tpu.memory_space<hbm>> -> memref<128xi32, #tpu.memory_space<hbm>>
      %dma_wait3A_90 = arith.constant 0 : i32
      %dma_wait3A_91 = tpu.memref_slice %arg8[%dma_wait3A_83, %dma_wait3A_90] : memref<4x128xi32, #tpu.memory_space<vmem>> -> memref<1x128xi32, #tpu.memory_space<vmem>>
      %dma_wait3A_92 = tpu.memref_squeeze %dma_wait3A_91 : memref<1x128xi32, #tpu.memory_space<vmem>> -> memref<128xi32, #tpu.memory_space<vmem>>
      %dma_wait3A_93 = arith.constant 0 : i32
      %dma_wait3A_94 = tpu.memref_slice %arg4[%add3A, %dma_wait3A_82, %dma_wait3A_93] : memref<32x80x128xi32, #tpu.memory_space<hbm>> -> memref<1x1x128xi32, #tpu.memory_space<hbm>>
      %dma_wait3A_95 = tpu.memref_squeeze %dma_wait3A_94 : memref<1x1x128xi32, #tpu.memory_space<hbm>> -> memref<128xi32, #tpu.memory_space<hbm>>
      tpu.wait_dma2 semaphore(%arg11 : memref<!tpu.dma_semaphore, #tpu.memory_space<semaphore_mem>>) src(%dma_wait3A_95 : memref<128xi32, #tpu.memory_space<hbm>>) dst(%dma_wait3A_92 : memref<128xi32, #tpu.memory_space<vmem>>)
      %lt3A = arith.constant 79 : i32
      %lt3A_96 = arith.cmpi slt, %mul3A_67, %lt3A : i32
      %convert_element_type3A = arith.extui %lt3A_96 : i1 to i32
      %cond3A = arith.constant 0 : i32
      %cond3A_97 = arith.cmpi ne, %convert_element_type3A, %cond3A : i32
      scf.if %cond3A_97 {
        %add3A_366 = arith.constant 1 : i32
        %add3A_367 = arith.addi %mul3A_67, %add3A_366 : i32
        %dma_start3A_368 = arith.constant 1 : i32
        %dma_start3A_369 = arith.constant 0 : i32
        %dma_start3A_370 = tpu.memref_slice %arg7[%dma_start3A_368, %dma_start3A_369] : memref<4x128xi32, #tpu.memory_space<vmem>> -> memref<1x128xi32, #tpu.memory_space<vmem>>
        %dma_start3A_371 = tpu.memref_squeeze %dma_start3A_370 : memref<1x128xi32, #tpu.memory_space<vmem>> -> memref<128xi32, #tpu.memory_space<vmem>>
        %dma_start3A_372 = arith.constant 0 : i32
        %dma_start3A_373 = tpu.memref_slice %arg3[%add3A, %add3A_367, %dma_start3A_372] : memref<32x80x128xi32, #tpu.memory_space<hbm>> -> memref<1x1x128xi32, #tpu.memory_space<hbm>>
        %dma_start3A_374 = tpu.memref_squeeze %dma_start3A_373 : memref<1x1x128xi32, #tpu.memory_space<hbm>> -> memref<128xi32, #tpu.memory_space<hbm>>
        %dma_start3A_375 = arith.constant 0 : i32
        %dma_start3A_376 = tpu.memref_slice %arg7[%dma_start3A_368, %dma_start3A_375] : memref<4x128xi32, #tpu.memory_space<vmem>> -> memref<1x128xi32, #tpu.memory_space<vmem>>
        %dma_start3A_377 = tpu.memref_squeeze %dma_start3A_376 : memref<1x128xi32, #tpu.memory_space<vmem>> -> memref<128xi32, #tpu.memory_space<vmem>>
        %dma_start3A_378 = arith.constant 0 : i32
        %dma_start3A_379 = tpu.memref_slice %arg3[%add3A, %add3A_367, %dma_start3A_378] : memref<32x80x128xi32, #tpu.memory_space<hbm>> -> memref<1x1x128xi32, #tpu.memory_space<hbm>>
        %dma_start3A_380 = tpu.memref_squeeze %dma_start3A_379 : memref<1x1x128xi32, #tpu.memory_space<hbm>> -> memref<128xi32, #tpu.memory_space<hbm>>
        tpu.enqueue_dma source(%dma_start3A_380 : memref<128xi32, #tpu.memory_space<hbm>>) target(%dma_start3A_377 : memref<128xi32, #tpu.memory_space<vmem>>) target_semaphore(%arg12 : memref<!tpu.dma_semaphore, #tpu.memory_space<semaphore_mem>>)
        %dma_start3A_381 = arith.constant 1 : i32
        %dma_start3A_382 = arith.constant 0 : i32
        %dma_start3A_383 = tpu.memref_slice %arg8[%dma_start3A_381, %dma_start3A_382] : memref<4x128xi32, #tpu.memory_space<vmem>> -> memref<1x128xi32, #tpu.memory_space<vmem>>
        %dma_start3A_384 = tpu.memref_squeeze %dma_start3A_383 : memref<1x128xi32, #tpu.memory_space<vmem>> -> memref<128xi32, #tpu.memory_space<vmem>>
        %dma_start3A_385 = arith.constant 0 : i32
        %dma_start3A_386 = tpu.memref_slice %arg4[%add3A, %add3A_367, %dma_start3A_385] : memref<32x80x128xi32, #tpu.memory_space<hbm>> -> memref<1x1x128xi32, #tpu.memory_space<hbm>>
        %dma_start3A_387 = tpu.memref_squeeze %dma_start3A_386 : memref<1x1x128xi32, #tpu.memory_space<hbm>> -> memref<128xi32, #tpu.memory_space<hbm>>
        %dma_start3A_388 = arith.constant 0 : i32
        %dma_start3A_389 = tpu.memref_slice %arg8[%dma_start3A_381, %dma_start3A_388] : memref<4x128xi32, #tpu.memory_space<vmem>> -> memref<1x128xi32, #tpu.memory_space<vmem>>
        %dma_start3A_390 = tpu.memref_squeeze %dma_start3A_389 : memref<1x128xi32, #tpu.memory_space<vmem>> -> memref<128xi32, #tpu.memory_space<vmem>>
        %dma_start3A_391 = arith.constant 0 : i32
        %dma_start3A_392 = tpu.memref_slice %arg4[%add3A, %add3A_367, %dma_start3A_391] : memref<32x80x128xi32, #tpu.memory_space<hbm>> -> memref<1x1x128xi32, #tpu.memory_space<hbm>>
        %dma_start3A_393 = tpu.memref_squeeze %dma_start3A_392 : memref<1x1x128xi32, #tpu.memory_space<hbm>> -> memref<128xi32, #tpu.memory_space<hbm>>
        tpu.enqueue_dma source(%dma_start3A_393 : memref<128xi32, #tpu.memory_space<hbm>>) target(%dma_start3A_390 : memref<128xi32, #tpu.memory_space<vmem>>) target_semaphore(%arg12 : memref<!tpu.dma_semaphore, #tpu.memory_space<semaphore_mem>>)
      } else {
      }
      %ge3A = arith.constant 2 : i32
      %ge3A_98 = arith.cmpi sge, %mul3A_67, %ge3A : i32
      %convert_element_type3A_99 = arith.extui %ge3A_98 : i1 to i32
      %cond3A_100 = arith.constant 0 : i32
      %cond3A_101 = arith.cmpi ne, %convert_element_type3A_99, %cond3A_100 : i32
      scf.if %cond3A_101 {
        %dma_wait3A_366 = arith.constant 0 : i32
        %dma_wait3A_367 = arith.constant 0 : i32
        %dma_wait3A_368 = arith.constant 0 : i32
        %dma_wait3A_369 = arith.constant 0 : i32
        %dma_wait3A_370 = tpu.memref_slice %arg9[%dma_wait3A_366, %dma_wait3A_368, %dma_wait3A_369] : memref<2x128x128xf32, #tpu.memory_space<vmem>> -> memref<1x128x128xf32, #tpu.memory_space<vmem>>
        %dma_wait3A_371 = tpu.memref_squeeze %dma_wait3A_370 : memref<1x128x128xf32, #tpu.memory_space<vmem>> -> memref<128x128xf32, #tpu.memory_space<vmem>>
        %dma_wait3A_372 = arith.constant 0 : i32
        %dma_wait3A_373 = tpu.memref_slice %arg8[%dma_wait3A_367, %dma_wait3A_372] : memref<4x128xi32, #tpu.memory_space<vmem>> -> memref<1x128xi32, #tpu.memory_space<vmem>>
        %dma_wait3A_374 = tpu.memref_squeeze %dma_wait3A_373 : memref<1x128xi32, #tpu.memory_space<vmem>> -> memref<128xi32, #tpu.memory_space<vmem>>
        %dma_wait3A_375 = arith.constant 0 : i32
        %dma_wait3A_376 = arith.constant 0 : i32
        %dma_wait3A_377 = tpu.memref_slice %arg10[%dma_wait3A_375, %dma_wait3A_376] : memref<10240x128xf32, #tpu.memory_space<vmem_shared>> -> memref<10240x128xf32, #tpu.memory_space<vmem_shared>>
        tpu.wait_indirect_dma semaphore(%arg17 : memref<!tpu.dma_semaphore, #tpu.memory_space<semaphore_mem>>) src(%dma_wait3A_371 : memref<128x128xf32, #tpu.memory_space<vmem>>) dst(%dma_wait3A_377 : memref<10240x128xf32, #tpu.memory_space<vmem_shared>>)
      } else {
      }
      %dma_start3A_102 = arith.constant 0 : i32
      %dma_start3A_103 = arith.constant 0 : i32
      %dma_start3A_104 = arith.constant 0 : i32
      %dma_start3A_105 = arith.constant 0 : i32
      %dma_start3A_106 = tpu.memref_slice %arg9[%dma_start3A_103, %dma_start3A_104, %dma_start3A_105] : memref<2x128x128xf32, #tpu.memory_space<vmem>> -> memref<1x128x128xf32, #tpu.memory_space<vmem>>
      %dma_start3A_107 = tpu.memref_squeeze %dma_start3A_106 : memref<1x128x128xf32, #tpu.memory_space<vmem>> -> memref<128x128xf32, #tpu.memory_space<vmem>>
      %dma_start3A_108 = arith.constant 0 : i32
      %dma_start3A_109 = tpu.memref_slice %arg7[%dma_start3A_102, %dma_start3A_108] : memref<4x128xi32, #tpu.memory_space<vmem>> -> memref<1x128xi32, #tpu.memory_space<vmem>>
      %dma_start3A_110 = tpu.memref_squeeze %dma_start3A_109 : memref<1x128xi32, #tpu.memory_space<vmem>> -> memref<128xi32, #tpu.memory_space<vmem>>
      %dma_start3A_111 = arith.constant 0 : i32
      %dma_start3A_112 = arith.constant 0 : i32
      %dma_start3A_113 = tpu.memref_slice %arg2[%dma_start3A_111, %dma_start3A_112] : memref<10240x128xf32, #tpu.memory_space<hbm>> -> memref<10240x128xf32, #tpu.memory_space<hbm>>
      tpu.enqueue_indirect_dma source(%dma_start3A_113 : memref<10240x128xf32, #tpu.memory_space<hbm>>) target(%dma_start3A_107 : memref<128x128xf32, #tpu.memory_space<vmem>>) offsets(%dma_start3A_110 : memref<128xi32, #tpu.memory_space<vmem>>) semaphore(%arg15 : memref<!tpu.dma_semaphore, #tpu.memory_space<semaphore_mem>>)
      %dma_wait3A_114 = arith.constant 0 : i32
      %dma_wait3A_115 = arith.constant 0 : i32
      %dma_wait3A_116 = arith.constant 0 : i32
      %dma_wait3A_117 = arith.constant 0 : i32
      %dma_wait3A_118 = tpu.memref_slice %arg9[%dma_wait3A_115, %dma_wait3A_116, %dma_wait3A_117] : memref<2x128x128xf32, #tpu.memory_space<vmem>> -> memref<1x128x128xf32, #tpu.memory_space<vmem>>
      %dma_wait3A_119 = tpu.memref_squeeze %dma_wait3A_118 : memref<1x128x128xf32, #tpu.memory_space<vmem>> -> memref<128x128xf32, #tpu.memory_space<vmem>>
      %dma_wait3A_120 = arith.constant 0 : i32
      %dma_wait3A_121 = tpu.memref_slice %arg7[%dma_wait3A_114, %dma_wait3A_120] : memref<4x128xi32, #tpu.memory_space<vmem>> -> memref<1x128xi32, #tpu.memory_space<vmem>>
      %dma_wait3A_122 = tpu.memref_squeeze %dma_wait3A_121 : memref<1x128xi32, #tpu.memory_space<vmem>> -> memref<128xi32, #tpu.memory_space<vmem>>
      %dma_wait3A_123 = arith.constant 0 : i32
      %dma_wait3A_124 = arith.constant 0 : i32
      %dma_wait3A_125 = tpu.memref_slice %arg2[%dma_wait3A_123, %dma_wait3A_124] : memref<10240x128xf32, #tpu.memory_space<hbm>> -> memref<10240x128xf32, #tpu.memory_space<hbm>>
      tpu.wait_indirect_dma semaphore(%arg15 : memref<!tpu.dma_semaphore, #tpu.memory_space<semaphore_mem>>) src(%dma_wait3A_125 : memref<10240x128xf32, #tpu.memory_space<hbm>>) dst(%dma_wait3A_119 : memref<128x128xf32, #tpu.memory_space<vmem>>)
      %dma_start3A_126 = arith.constant 0 : i32
      %dma_start3A_127 = arith.constant 0 : i32
      %dma_start3A_128 = arith.constant 0 : i32
      %dma_start3A_129 = arith.constant 0 : i32
      %dma_start3A_130 = tpu.memref_slice %arg9[%dma_start3A_126, %dma_start3A_128, %dma_start3A_129] : memref<2x128x128xf32, #tpu.memory_space<vmem>> -> memref<1x128x128xf32, #tpu.memory_space<vmem>>
      %dma_start3A_131 = tpu.memref_squeeze %dma_start3A_130 : memref<1x128x128xf32, #tpu.memory_space<vmem>> -> memref<128x128xf32, #tpu.memory_space<vmem>>
      %dma_start3A_132 = arith.constant 0 : i32
      %dma_start3A_133 = tpu.memref_slice %arg8[%dma_start3A_127, %dma_start3A_132] : memref<4x128xi32, #tpu.memory_space<vmem>> -> memref<1x128xi32, #tpu.memory_space<vmem>>
      %dma_start3A_134 = tpu.memref_squeeze %dma_start3A_133 : memref<1x128xi32, #tpu.memory_space<vmem>> -> memref<128xi32, #tpu.memory_space<vmem>>
      %dma_start3A_135 = arith.constant 0 : i32
      %dma_start3A_136 = arith.constant 0 : i32
      %dma_start3A_137 = tpu.memref_slice %arg10[%dma_start3A_135, %dma_start3A_136] : memref<10240x128xf32, #tpu.memory_space<vmem_shared>> -> memref<10240x128xf32, #tpu.memory_space<vmem_shared>>
      tpu.enqueue_indirect_dma source(%dma_start3A_131 : memref<128x128xf32, #tpu.memory_space<vmem>>) target(%dma_start3A_137 : memref<10240x128xf32, #tpu.memory_space<vmem_shared>>) offsets(%dma_start3A_134 : memref<128xi32, #tpu.memory_space<vmem>>) semaphore(%arg17 : memref<!tpu.dma_semaphore, #tpu.memory_space<semaphore_mem>>) {add = true}
      %add3A_138 = arith.constant 1 : i32
      %add3A_139 = arith.addi %mul3A_67, %add3A_138 : i32
      %dma_wait3A_140 = arith.constant 0 : i32
      %dma_wait3A_141 = arith.constant 1 : i32
      %dma_wait3A_142 = arith.constant 0 : i32
      %dma_wait3A_143 = tpu.memref_slice %arg7[%dma_wait3A_141, %dma_wait3A_142] : memref<4x128xi32, #tpu.memory_space<vmem>> -> memref<1x128xi32, #tpu.memory_space<vmem>>
      %dma_wait3A_144 = tpu.memref_squeeze %dma_wait3A_143 : memref<1x128xi32, #tpu.memory_space<vmem>> -> memref<128xi32, #tpu.memory_space<vmem>>
      %dma_wait3A_145 = arith.constant 0 : i32
      %dma_wait3A_146 = tpu.memref_slice %arg3[%add3A, %dma_wait3A_140, %dma_wait3A_145] : memref<32x80x128xi32, #tpu.memory_space<hbm>> -> memref<1x1x128xi32, #tpu.memory_space<hbm>>
      %dma_wait3A_147 = tpu.memref_squeeze %dma_wait3A_146 : memref<1x1x128xi32, #tpu.memory_space<hbm>> -> memref<128xi32, #tpu.memory_space<hbm>>
      %dma_wait3A_148 = arith.constant 0 : i32
      %dma_wait3A_149 = tpu.memref_slice %arg7[%dma_wait3A_141, %dma_wait3A_148] : memref<4x128xi32, #tpu.memory_space<vmem>> -> memref<1x128xi32, #tpu.memory_space<vmem>>
      %dma_wait3A_150 = tpu.memref_squeeze %dma_wait3A_149 : memref<1x128xi32, #tpu.memory_space<vmem>> -> memref<128xi32, #tpu.memory_space<vmem>>
      %dma_wait3A_151 = arith.constant 0 : i32
      %dma_wait3A_152 = tpu.memref_slice %arg3[%add3A, %dma_wait3A_140, %dma_wait3A_151] : memref<32x80x128xi32, #tpu.memory_space<hbm>> -> memref<1x1x128xi32, #tpu.memory_space<hbm>>
      %dma_wait3A_153 = tpu.memref_squeeze %dma_wait3A_152 : memref<1x1x128xi32, #tpu.memory_space<hbm>> -> memref<128xi32, #tpu.memory_space<hbm>>
      tpu.wait_dma2 semaphore(%arg12 : memref<!tpu.dma_semaphore, #tpu.memory_space<semaphore_mem>>) src(%dma_wait3A_153 : memref<128xi32, #tpu.memory_space<hbm>>) dst(%dma_wait3A_150 : memref<128xi32, #tpu.memory_space<vmem>>)
      %dma_wait3A_154 = arith.constant 0 : i32
      %dma_wait3A_155 = arith.constant 1 : i32
      %dma_wait3A_156 = arith.constant 0 : i32
      %dma_wait3A_157 = tpu.memref_slice %arg8[%dma_wait3A_155, %dma_wait3A_156] : memref<4x128xi32, #tpu.memory_space<vmem>> -> memref<1x128xi32, #tpu.memory_space<vmem>>
      %dma_wait3A_158 = tpu.memref_squeeze %dma_wait3A_157 : memref<1x128xi32, #tpu.memory_space<vmem>> -> memref<128xi32, #tpu.memory_space<vmem>>
      %dma_wait3A_159 = arith.constant 0 : i32
      %dma_wait3A_160 = tpu.memref_slice %arg4[%add3A, %dma_wait3A_154, %dma_wait3A_159] : memref<32x80x128xi32, #tpu.memory_space<hbm>> -> memref<1x1x128xi32, #tpu.memory_space<hbm>>
      %dma_wait3A_161 = tpu.memref_squeeze %dma_wait3A_160 : memref<1x1x128xi32, #tpu.memory_space<hbm>> -> memref<128xi32, #tpu.memory_space<hbm>>
      %dma_wait3A_162 = arith.constant 0 : i32
      %dma_wait3A_163 = tpu.memref_slice %arg8[%dma_wait3A_155, %dma_wait3A_162] : memref<4x128xi32, #tpu.memory_space<vmem>> -> memref<1x128xi32, #tpu.memory_space<vmem>>
      %dma_wait3A_164 = tpu.memref_squeeze %dma_wait3A_163 : memref<1x128xi32, #tpu.memory_space<vmem>> -> memref<128xi32, #tpu.memory_space<vmem>>
      %dma_wait3A_165 = arith.constant 0 : i32
      %dma_wait3A_166 = tpu.memref_slice %arg4[%add3A, %dma_wait3A_154, %dma_wait3A_165] : memref<32x80x128xi32, #tpu.memory_space<hbm>> -> memref<1x1x128xi32, #tpu.memory_space<hbm>>
      %dma_wait3A_167 = tpu.memref_squeeze %dma_wait3A_166 : memref<1x1x128xi32, #tpu.memory_space<hbm>> -> memref<128xi32, #tpu.memory_space<hbm>>
      tpu.wait_dma2 semaphore(%arg12 : memref<!tpu.dma_semaphore, #tpu.memory_space<semaphore_mem>>) src(%dma_wait3A_167 : memref<128xi32, #tpu.memory_space<hbm>>) dst(%dma_wait3A_164 : memref<128xi32, #tpu.memory_space<vmem>>)
      %lt3A_168 = arith.constant 79 : i32
      %lt3A_169 = arith.cmpi slt, %add3A_139, %lt3A_168 : i32
      %convert_element_type3A_170 = arith.extui %lt3A_169 : i1 to i32
      %cond3A_171 = arith.constant 0 : i32
      %cond3A_172 = arith.cmpi ne, %convert_element_type3A_170, %cond3A_171 : i32
      scf.if %cond3A_172 {
        %add3A_366 = arith.constant 1 : i32
        %add3A_367 = arith.addi %add3A_139, %add3A_366 : i32
        %dma_start3A_368 = arith.constant 2 : i32
        %dma_start3A_369 = arith.constant 0 : i32
        %dma_start3A_370 = tpu.memref_slice %arg7[%dma_start3A_368, %dma_start3A_369] : memref<4x128xi32, #tpu.memory_space<vmem>> -> memref<1x128xi32, #tpu.memory_space<vmem>>
        %dma_start3A_371 = tpu.memref_squeeze %dma_start3A_370 : memref<1x128xi32, #tpu.memory_space<vmem>> -> memref<128xi32, #tpu.memory_space<vmem>>
        %dma_start3A_372 = arith.constant 0 : i32
        %dma_start3A_373 = tpu.memref_slice %arg3[%add3A, %add3A_367, %dma_start3A_372] : memref<32x80x128xi32, #tpu.memory_space<hbm>> -> memref<1x1x128xi32, #tpu.memory_space<hbm>>
        %dma_start3A_374 = tpu.memref_squeeze %dma_start3A_373 : memref<1x1x128xi32, #tpu.memory_space<hbm>> -> memref<128xi32, #tpu.memory_space<hbm>>
        %dma_start3A_375 = arith.constant 0 : i32
        %dma_start3A_376 = tpu.memref_slice %arg7[%dma_start3A_368, %dma_start3A_375] : memref<4x128xi32, #tpu.memory_space<vmem>> -> memref<1x128xi32, #tpu.memory_space<vmem>>
        %dma_start3A_377 = tpu.memref_squeeze %dma_start3A_376 : memref<1x128xi32, #tpu.memory_space<vmem>> -> memref<128xi32, #tpu.memory_space<vmem>>
        %dma_start3A_378 = arith.constant 0 : i32
        %dma_start3A_379 = tpu.memref_slice %arg3[%add3A, %add3A_367, %dma_start3A_378] : memref<32x80x128xi32, #tpu.memory_space<hbm>> -> memref<1x1x128xi32, #tpu.memory_space<hbm>>
        %dma_start3A_380 = tpu.memref_squeeze %dma_start3A_379 : memref<1x1x128xi32, #tpu.memory_space<hbm>> -> memref<128xi32, #tpu.memory_space<hbm>>
        tpu.enqueue_dma source(%dma_start3A_380 : memref<128xi32, #tpu.memory_space<hbm>>) target(%dma_start3A_377 : memref<128xi32, #tpu.memory_space<vmem>>) target_semaphore(%arg13 : memref<!tpu.dma_semaphore, #tpu.memory_space<semaphore_mem>>)
        %dma_start3A_381 = arith.constant 2 : i32
        %dma_start3A_382 = arith.constant 0 : i32
        %dma_start3A_383 = tpu.memref_slice %arg8[%dma_start3A_381, %dma_start3A_382] : memref<4x128xi32, #tpu.memory_space<vmem>> -> memref<1x128xi32, #tpu.memory_space<vmem>>
        %dma_start3A_384 = tpu.memref_squeeze %dma_start3A_383 : memref<1x128xi32, #tpu.memory_space<vmem>> -> memref<128xi32, #tpu.memory_space<vmem>>
        %dma_start3A_385 = arith.constant 0 : i32
        %dma_start3A_386 = tpu.memref_slice %arg4[%add3A, %add3A_367, %dma_start3A_385] : memref<32x80x128xi32, #tpu.memory_space<hbm>> -> memref<1x1x128xi32, #tpu.memory_space<hbm>>
        %dma_start3A_387 = tpu.memref_squeeze %dma_start3A_386 : memref<1x1x128xi32, #tpu.memory_space<hbm>> -> memref<128xi32, #tpu.memory_space<hbm>>
        %dma_start3A_388 = arith.constant 0 : i32
        %dma_start3A_389 = tpu.memref_slice %arg8[%dma_start3A_381, %dma_start3A_388] : memref<4x128xi32, #tpu.memory_space<vmem>> -> memref<1x128xi32, #tpu.memory_space<vmem>>
        %dma_start3A_390 = tpu.memref_squeeze %dma_start3A_389 : memref<1x128xi32, #tpu.memory_space<vmem>> -> memref<128xi32, #tpu.memory_space<vmem>>
        %dma_start3A_391 = arith.constant 0 : i32
        %dma_start3A_392 = tpu.memref_slice %arg4[%add3A, %add3A_367, %dma_start3A_391] : memref<32x80x128xi32, #tpu.memory_space<hbm>> -> memref<1x1x128xi32, #tpu.memory_space<hbm>>
        %dma_start3A_393 = tpu.memref_squeeze %dma_start3A_392 : memref<1x1x128xi32, #tpu.memory_space<hbm>> -> memref<128xi32, #tpu.memory_space<hbm>>
        tpu.enqueue_dma source(%dma_start3A_393 : memref<128xi32, #tpu.memory_space<hbm>>) target(%dma_start3A_390 : memref<128xi32, #tpu.memory_space<vmem>>) target_semaphore(%arg13 : memref<!tpu.dma_semaphore, #tpu.memory_space<semaphore_mem>>)
      } else {
      }
      %ge3A_173 = arith.constant 2 : i32
      %ge3A_174 = arith.cmpi sge, %add3A_139, %ge3A_173 : i32
      %convert_element_type3A_175 = arith.extui %ge3A_174 : i1 to i32
      %cond3A_176 = arith.constant 0 : i32
      %cond3A_177 = arith.cmpi ne, %convert_element_type3A_175, %cond3A_176 : i32
      scf.if %cond3A_177 {
        %dma_wait3A_366 = arith.constant 1 : i32
        %dma_wait3A_367 = arith.constant 1 : i32
        %dma_wait3A_368 = arith.constant 0 : i32
        %dma_wait3A_369 = arith.constant 0 : i32
        %dma_wait3A_370 = tpu.memref_slice %arg9[%dma_wait3A_366, %dma_wait3A_368, %dma_wait3A_369] : memref<2x128x128xf32, #tpu.memory_space<vmem>> -> memref<1x128x128xf32, #tpu.memory_space<vmem>>
        %dma_wait3A_371 = tpu.memref_squeeze %dma_wait3A_370 : memref<1x128x128xf32, #tpu.memory_space<vmem>> -> memref<128x128xf32, #tpu.memory_space<vmem>>
        %dma_wait3A_372 = arith.constant 0 : i32
        %dma_wait3A_373 = tpu.memref_slice %arg8[%dma_wait3A_367, %dma_wait3A_372] : memref<4x128xi32, #tpu.memory_space<vmem>> -> memref<1x128xi32, #tpu.memory_space<vmem>>
        %dma_wait3A_374 = tpu.memref_squeeze %dma_wait3A_373 : memref<1x128xi32, #tpu.memory_space<vmem>> -> memref<128xi32, #tpu.memory_space<vmem>>
        %dma_wait3A_375 = arith.constant 0 : i32
        %dma_wait3A_376 = arith.constant 0 : i32
        %dma_wait3A_377 = tpu.memref_slice %arg10[%dma_wait3A_375, %dma_wait3A_376] : memref<10240x128xf32, #tpu.memory_space<vmem_shared>> -> memref<10240x128xf32, #tpu.memory_space<vmem_shared>>
        tpu.wait_indirect_dma semaphore(%arg18 : memref<!tpu.dma_semaphore, #tpu.memory_space<semaphore_mem>>) src(%dma_wait3A_371 : memref<128x128xf32, #tpu.memory_space<vmem>>) dst(%dma_wait3A_377 : memref<10240x128xf32, #tpu.memory_space<vmem_shared>>)
      } else {
      }
      %dma_start3A_178 = arith.constant 1 : i32
      %dma_start3A_179 = arith.constant 1 : i32
      %dma_start3A_180 = arith.constant 0 : i32
      %dma_start3A_181 = arith.constant 0 : i32
      %dma_start3A_182 = tpu.memref_slice %arg9[%dma_start3A_179, %dma_start3A_180, %dma_start3A_181] : memref<2x128x128xf32, #tpu.memory_space<vmem>> -> memref<1x128x128xf32, #tpu.memory_space<vmem>>
      %dma_start3A_183 = tpu.memref_squeeze %dma_start3A_182 : memref<1x128x128xf32, #tpu.memory_space<vmem>> -> memref<128x128xf32, #tpu.memory_space<vmem>>
      %dma_start3A_184 = arith.constant 0 : i32
      %dma_start3A_185 = tpu.memref_slice %arg7[%dma_start3A_178, %dma_start3A_184] : memref<4x128xi32, #tpu.memory_space<vmem>> -> memref<1x128xi32, #tpu.memory_space<vmem>>
      %dma_start3A_186 = tpu.memref_squeeze %dma_start3A_185 : memref<1x128xi32, #tpu.memory_space<vmem>> -> memref<128xi32, #tpu.memory_space<vmem>>
      %dma_start3A_187 = arith.constant 0 : i32
      %dma_start3A_188 = arith.constant 0 : i32
      %dma_start3A_189 = tpu.memref_slice %arg2[%dma_start3A_187, %dma_start3A_188] : memref<10240x128xf32, #tpu.memory_space<hbm>> -> memref<10240x128xf32, #tpu.memory_space<hbm>>
      tpu.enqueue_indirect_dma source(%dma_start3A_189 : memref<10240x128xf32, #tpu.memory_space<hbm>>) target(%dma_start3A_183 : memref<128x128xf32, #tpu.memory_space<vmem>>) offsets(%dma_start3A_186 : memref<128xi32, #tpu.memory_space<vmem>>) semaphore(%arg16 : memref<!tpu.dma_semaphore, #tpu.memory_space<semaphore_mem>>)
      %dma_wait3A_190 = arith.constant 1 : i32
      %dma_wait3A_191 = arith.constant 1 : i32
      %dma_wait3A_192 = arith.constant 0 : i32
      %dma_wait3A_193 = arith.constant 0 : i32
      %dma_wait3A_194 = tpu.memref_slice %arg9[%dma_wait3A_191, %dma_wait3A_192, %dma_wait3A_193] : memref<2x128x128xf32, #tpu.memory_space<vmem>> -> memref<1x128x128xf32, #tpu.memory_space<vmem>>
      %dma_wait3A_195 = tpu.memref_squeeze %dma_wait3A_194 : memref<1x128x128xf32, #tpu.memory_space<vmem>> -> memref<128x128xf32, #tpu.memory_space<vmem>>
      %dma_wait3A_196 = arith.constant 0 : i32
      %dma_wait3A_197 = tpu.memref_slice %arg7[%dma_wait3A_190, %dma_wait3A_196] : memref<4x128xi32, #tpu.memory_space<vmem>> -> memref<1x128xi32, #tpu.memory_space<vmem>>
      %dma_wait3A_198 = tpu.memref_squeeze %dma_wait3A_197 : memref<1x128xi32, #tpu.memory_space<vmem>> -> memref<128xi32, #tpu.memory_space<vmem>>
      %dma_wait3A_199 = arith.constant 0 : i32
      %dma_wait3A_200 = arith.constant 0 : i32
      %dma_wait3A_201 = tpu.memref_slice %arg2[%dma_wait3A_199, %dma_wait3A_200] : memref<10240x128xf32, #tpu.memory_space<hbm>> -> memref<10240x128xf32, #tpu.memory_space<hbm>>
      tpu.wait_indirect_dma semaphore(%arg16 : memref<!tpu.dma_semaphore, #tpu.memory_space<semaphore_mem>>) src(%dma_wait3A_201 : memref<10240x128xf32, #tpu.memory_space<hbm>>) dst(%dma_wait3A_195 : memref<128x128xf32, #tpu.memory_space<vmem>>)
      %dma_start3A_202 = arith.constant 1 : i32
      %dma_start3A_203 = arith.constant 1 : i32
      %dma_start3A_204 = arith.constant 0 : i32
      %dma_start3A_205 = arith.constant 0 : i32
      %dma_start3A_206 = tpu.memref_slice %arg9[%dma_start3A_202, %dma_start3A_204, %dma_start3A_205] : memref<2x128x128xf32, #tpu.memory_space<vmem>> -> memref<1x128x128xf32, #tpu.memory_space<vmem>>
      %dma_start3A_207 = tpu.memref_squeeze %dma_start3A_206 : memref<1x128x128xf32, #tpu.memory_space<vmem>> -> memref<128x128xf32, #tpu.memory_space<vmem>>
      %dma_start3A_208 = arith.constant 0 : i32
      %dma_start3A_209 = tpu.memref_slice %arg8[%dma_start3A_203, %dma_start3A_208] : memref<4x128xi32, #tpu.memory_space<vmem>> -> memref<1x128xi32, #tpu.memory_space<vmem>>
      %dma_start3A_210 = tpu.memref_squeeze %dma_start3A_209 : memref<1x128xi32, #tpu.memory_space<vmem>> -> memref<128xi32, #tpu.memory_space<vmem>>
      %dma_start3A_211 = arith.constant 0 : i32
      %dma_start3A_212 = arith.constant 0 : i32
      %dma_start3A_213 = tpu.memref_slice %arg10[%dma_start3A_211, %dma_start3A_212] : memref<10240x128xf32, #tpu.memory_space<vmem_shared>> -> memref<10240x128xf32, #tpu.memory_space<vmem_shared>>
      tpu.enqueue_indirect_dma source(%dma_start3A_207 : memref<128x128xf32, #tpu.memory_space<vmem>>) target(%dma_start3A_213 : memref<10240x128xf32, #tpu.memory_space<vmem_shared>>) offsets(%dma_start3A_210 : memref<128xi32, #tpu.memory_space<vmem>>) semaphore(%arg18 : memref<!tpu.dma_semaphore, #tpu.memory_space<semaphore_mem>>) {add = true}
      %add3A_214 = arith.constant 2 : i32
      %add3A_215 = arith.addi %mul3A_67, %add3A_214 : i32
      %dma_wait3A_216 = arith.constant 0 : i32
      %dma_wait3A_217 = arith.constant 2 : i32
      %dma_wait3A_218 = arith.constant 0 : i32
      %dma_wait3A_219 = tpu.memref_slice %arg7[%dma_wait3A_217, %dma_wait3A_218] : memref<4x128xi32, #tpu.memory_space<vmem>> -> memref<1x128xi32, #tpu.memory_space<vmem>>
      %dma_wait3A_220 = tpu.memref_squeeze %dma_wait3A_219 : memref<1x128xi32, #tpu.memory_space<vmem>> -> memref<128xi32, #tpu.memory_space<vmem>>
      %dma_wait3A_221 = arith.constant 0 : i32
      %dma_wait3A_222 = tpu.memref_slice %arg3[%add3A, %dma_wait3A_216, %dma_wait3A_221] : memref<32x80x128xi32, #tpu.memory_space<hbm>> -> memref<1x1x128xi32, #tpu.memory_space<hbm>>
      %dma_wait3A_223 = tpu.memref_squeeze %dma_wait3A_222 : memref<1x1x128xi32, #tpu.memory_space<hbm>> -> memref<128xi32, #tpu.memory_space<hbm>>
      %dma_wait3A_224 = arith.constant 0 : i32
      %dma_wait3A_225 = tpu.memref_slice %arg7[%dma_wait3A_217, %dma_wait3A_224] : memref<4x128xi32, #tpu.memory_space<vmem>> -> memref<1x128xi32, #tpu.memory_space<vmem>>
      %dma_wait3A_226 = tpu.memref_squeeze %dma_wait3A_225 : memref<1x128xi32, #tpu.memory_space<vmem>> -> memref<128xi32, #tpu.memory_space<vmem>>
      %dma_wait3A_227 = arith.constant 0 : i32
      %dma_wait3A_228 = tpu.memref_slice %arg3[%add3A, %dma_wait3A_216, %dma_wait3A_227] : memref<32x80x128xi32, #tpu.memory_space<hbm>> -> memref<1x1x128xi32, #tpu.memory_space<hbm>>
      %dma_wait3A_229 = tpu.memref_squeeze %dma_wait3A_228 : memref<1x1x128xi32, #tpu.memory_space<hbm>> -> memref<128xi32, #tpu.memory_space<hbm>>
      tpu.wait_dma2 semaphore(%arg13 : memref<!tpu.dma_semaphore, #tpu.memory_space<semaphore_mem>>) src(%dma_wait3A_229 : memref<128xi32, #tpu.memory_space<hbm>>) dst(%dma_wait3A_226 : memref<128xi32, #tpu.memory_space<vmem>>)
      %dma_wait3A_230 = arith.constant 0 : i32
      %dma_wait3A_231 = arith.constant 2 : i32
      %dma_wait3A_232 = arith.constant 0 : i32
      %dma_wait3A_233 = tpu.memref_slice %arg8[%dma_wait3A_231, %dma_wait3A_232] : memref<4x128xi32, #tpu.memory_space<vmem>> -> memref<1x128xi32, #tpu.memory_space<vmem>>
      %dma_wait3A_234 = tpu.memref_squeeze %dma_wait3A_233 : memref<1x128xi32, #tpu.memory_space<vmem>> -> memref<128xi32, #tpu.memory_space<vmem>>
      %dma_wait3A_235 = arith.constant 0 : i32
      %dma_wait3A_236 = tpu.memref_slice %arg4[%add3A, %dma_wait3A_230, %dma_wait3A_235] : memref<32x80x128xi32, #tpu.memory_space<hbm>> -> memref<1x1x128xi32, #tpu.memory_space<hbm>>
      %dma_wait3A_237 = tpu.memref_squeeze %dma_wait3A_236 : memref<1x1x128xi32, #tpu.memory_space<hbm>> -> memref<128xi32, #tpu.memory_space<hbm>>
      %dma_wait3A_238 = arith.constant 0 : i32
      %dma_wait3A_239 = tpu.memref_slice %arg8[%dma_wait3A_231, %dma_wait3A_238] : memref<4x128xi32, #tpu.memory_space<vmem>> -> memref<1x128xi32, #tpu.memory_space<vmem>>
      %dma_wait3A_240 = tpu.memref_squeeze %dma_wait3A_239 : memref<1x128xi32, #tpu.memory_space<vmem>> -> memref<128xi32, #tpu.memory_space<vmem>>
      %dma_wait3A_241 = arith.constant 0 : i32
      %dma_wait3A_242 = tpu.memref_slice %arg4[%add3A, %dma_wait3A_230, %dma_wait3A_241] : memref<32x80x128xi32, #tpu.memory_space<hbm>> -> memref<1x1x128xi32, #tpu.memory_space<hbm>>
      %dma_wait3A_243 = tpu.memref_squeeze %dma_wait3A_242 : memref<1x1x128xi32, #tpu.memory_space<hbm>> -> memref<128xi32, #tpu.memory_space<hbm>>
      tpu.wait_dma2 semaphore(%arg13 : memref<!tpu.dma_semaphore, #tpu.memory_space<semaphore_mem>>) src(%dma_wait3A_243 : memref<128xi32, #tpu.memory_space<hbm>>) dst(%dma_wait3A_240 : memref<128xi32, #tpu.memory_space<vmem>>)
      %lt3A_244 = arith.constant 79 : i32
      %lt3A_245 = arith.cmpi slt, %add3A_215, %lt3A_244 : i32
      %convert_element_type3A_246 = arith.extui %lt3A_245 : i1 to i32
      %cond3A_247 = arith.constant 0 : i32
      %cond3A_248 = arith.cmpi ne, %convert_element_type3A_246, %cond3A_247 : i32
      scf.if %cond3A_248 {
        %add3A_366 = arith.constant 1 : i32
        %add3A_367 = arith.addi %add3A_215, %add3A_366 : i32
        %dma_start3A_368 = arith.constant 3 : i32
        %dma_start3A_369 = arith.constant 0 : i32
        %dma_start3A_370 = tpu.memref_slice %arg7[%dma_start3A_368, %dma_start3A_369] : memref<4x128xi32, #tpu.memory_space<vmem>> -> memref<1x128xi32, #tpu.memory_space<vmem>>
        %dma_start3A_371 = tpu.memref_squeeze %dma_start3A_370 : memref<1x128xi32, #tpu.memory_space<vmem>> -> memref<128xi32, #tpu.memory_space<vmem>>
        %dma_start3A_372 = arith.constant 0 : i32
        %dma_start3A_373 = tpu.memref_slice %arg3[%add3A, %add3A_367, %dma_start3A_372] : memref<32x80x128xi32, #tpu.memory_space<hbm>> -> memref<1x1x128xi32, #tpu.memory_space<hbm>>
        %dma_start3A_374 = tpu.memref_squeeze %dma_start3A_373 : memref<1x1x128xi32, #tpu.memory_space<hbm>> -> memref<128xi32, #tpu.memory_space<hbm>>
        %dma_start3A_375 = arith.constant 0 : i32
        %dma_start3A_376 = tpu.memref_slice %arg7[%dma_start3A_368, %dma_start3A_375] : memref<4x128xi32, #tpu.memory_space<vmem>> -> memref<1x128xi32, #tpu.memory_space<vmem>>
        %dma_start3A_377 = tpu.memref_squeeze %dma_start3A_376 : memref<1x128xi32, #tpu.memory_space<vmem>> -> memref<128xi32, #tpu.memory_space<vmem>>
        %dma_start3A_378 = arith.constant 0 : i32
        %dma_start3A_379 = tpu.memref_slice %arg3[%add3A, %add3A_367, %dma_start3A_378] : memref<32x80x128xi32, #tpu.memory_space<hbm>> -> memref<1x1x128xi32, #tpu.memory_space<hbm>>
        %dma_start3A_380 = tpu.memref_squeeze %dma_start3A_379 : memref<1x1x128xi32, #tpu.memory_space<hbm>> -> memref<128xi32, #tpu.memory_space<hbm>>
        tpu.enqueue_dma source(%dma_start3A_380 : memref<128xi32, #tpu.memory_space<hbm>>) target(%dma_start3A_377 : memref<128xi32, #tpu.memory_space<vmem>>) target_semaphore(%arg14 : memref<!tpu.dma_semaphore, #tpu.memory_space<semaphore_mem>>)
        %dma_start3A_381 = arith.constant 3 : i32
        %dma_start3A_382 = arith.constant 0 : i32
        %dma_start3A_383 = tpu.memref_slice %arg8[%dma_start3A_381, %dma_start3A_382] : memref<4x128xi32, #tpu.memory_space<vmem>> -> memref<1x128xi32, #tpu.memory_space<vmem>>
        %dma_start3A_384 = tpu.memref_squeeze %dma_start3A_383 : memref<1x128xi32, #tpu.memory_space<vmem>> -> memref<128xi32, #tpu.memory_space<vmem>>
        %dma_start3A_385 = arith.constant 0 : i32
        %dma_start3A_386 = tpu.memref_slice %arg4[%add3A, %add3A_367, %dma_start3A_385] : memref<32x80x128xi32, #tpu.memory_space<hbm>> -> memref<1x1x128xi32, #tpu.memory_space<hbm>>
        %dma_start3A_387 = tpu.memref_squeeze %dma_start3A_386 : memref<1x1x128xi32, #tpu.memory_space<hbm>> -> memref<128xi32, #tpu.memory_space<hbm>>
        %dma_start3A_388 = arith.constant 0 : i32
        %dma_start3A_389 = tpu.memref_slice %arg8[%dma_start3A_381, %dma_start3A_388] : memref<4x128xi32, #tpu.memory_space<vmem>> -> memref<1x128xi32, #tpu.memory_space<vmem>>
        %dma_start3A_390 = tpu.memref_squeeze %dma_start3A_389 : memref<1x128xi32, #tpu.memory_space<vmem>> -> memref<128xi32, #tpu.memory_space<vmem>>
        %dma_start3A_391 = arith.constant 0 : i32
        %dma_start3A_392 = tpu.memref_slice %arg4[%add3A, %add3A_367, %dma_start3A_391] : memref<32x80x128xi32, #tpu.memory_space<hbm>> -> memref<1x1x128xi32, #tpu.memory_space<hbm>>
        %dma_start3A_393 = tpu.memref_squeeze %dma_start3A_392 : memref<1x1x128xi32, #tpu.memory_space<hbm>> -> memref<128xi32, #tpu.memory_space<hbm>>
        tpu.enqueue_dma source(%dma_start3A_393 : memref<128xi32, #tpu.memory_space<hbm>>) target(%dma_start3A_390 : memref<128xi32, #tpu.memory_space<vmem>>) target_semaphore(%arg14 : memref<!tpu.dma_semaphore, #tpu.memory_space<semaphore_mem>>)
      } else {
      }
      %ge3A_249 = arith.constant 2 : i32
      %ge3A_250 = arith.cmpi sge, %add3A_215, %ge3A_249 : i32
      %convert_element_type3A_251 = arith.extui %ge3A_250 : i1 to i32
      %cond3A_252 = arith.constant 0 : i32
      %cond3A_253 = arith.cmpi ne, %convert_element_type3A_251, %cond3A_252 : i32
      scf.if %cond3A_253 {
        %dma_wait3A_366 = arith.constant 0 : i32
        %dma_wait3A_367 = arith.constant 2 : i32
        %dma_wait3A_368 = arith.constant 0 : i32
        %dma_wait3A_369 = arith.constant 0 : i32
        %dma_wait3A_370 = tpu.memref_slice %arg9[%dma_wait3A_366, %dma_wait3A_368, %dma_wait3A_369] : memref<2x128x128xf32, #tpu.memory_space<vmem>> -> memref<1x128x128xf32, #tpu.memory_space<vmem>>
        %dma_wait3A_371 = tpu.memref_squeeze %dma_wait3A_370 : memref<1x128x128xf32, #tpu.memory_space<vmem>> -> memref<128x128xf32, #tpu.memory_space<vmem>>
        %dma_wait3A_372 = arith.constant 0 : i32
        %dma_wait3A_373 = tpu.memref_slice %arg8[%dma_wait3A_367, %dma_wait3A_372] : memref<4x128xi32, #tpu.memory_space<vmem>> -> memref<1x128xi32, #tpu.memory_space<vmem>>
        %dma_wait3A_374 = tpu.memref_squeeze %dma_wait3A_373 : memref<1x128xi32, #tpu.memory_space<vmem>> -> memref<128xi32, #tpu.memory_space<vmem>>
        %dma_wait3A_375 = arith.constant 0 : i32
        %dma_wait3A_376 = arith.constant 0 : i32
        %dma_wait3A_377 = tpu.memref_slice %arg10[%dma_wait3A_375, %dma_wait3A_376] : memref<10240x128xf32, #tpu.memory_space<vmem_shared>> -> memref<10240x128xf32, #tpu.memory_space<vmem_shared>>
        tpu.wait_indirect_dma semaphore(%arg17 : memref<!tpu.dma_semaphore, #tpu.memory_space<semaphore_mem>>) src(%dma_wait3A_371 : memref<128x128xf32, #tpu.memory_space<vmem>>) dst(%dma_wait3A_377 : memref<10240x128xf32, #tpu.memory_space<vmem_shared>>)
      } else {
      }
      %dma_start3A_254 = arith.constant 2 : i32
      %dma_start3A_255 = arith.constant 0 : i32
      %dma_start3A_256 = arith.constant 0 : i32
      %dma_start3A_257 = arith.constant 0 : i32
      %dma_start3A_258 = tpu.memref_slice %arg9[%dma_start3A_255, %dma_start3A_256, %dma_start3A_257] : memref<2x128x128xf32, #tpu.memory_space<vmem>> -> memref<1x128x128xf32, #tpu.memory_space<vmem>>
      %dma_start3A_259 = tpu.memref_squeeze %dma_start3A_258 : memref<1x128x128xf32, #tpu.memory_space<vmem>> -> memref<128x128xf32, #tpu.memory_space<vmem>>
      %dma_start3A_260 = arith.constant 0 : i32
      %dma_start3A_261 = tpu.memref_slice %arg7[%dma_start3A_254, %dma_start3A_260] : memref<4x128xi32, #tpu.memory_space<vmem>> -> memref<1x128xi32, #tpu.memory_space<vmem>>
      %dma_start3A_262 = tpu.memref_squeeze %dma_start3A_261 : memref<1x128xi32, #tpu.memory_space<vmem>> -> memref<128xi32, #tpu.memory_space<vmem>>
      %dma_start3A_263 = arith.constant 0 : i32
      %dma_start3A_264 = arith.constant 0 : i32
      %dma_start3A_265 = tpu.memref_slice %arg2[%dma_start3A_263, %dma_start3A_264] : memref<10240x128xf32, #tpu.memory_space<hbm>> -> memref<10240x128xf32, #tpu.memory_space<hbm>>
      tpu.enqueue_indirect_dma source(%dma_start3A_265 : memref<10240x128xf32, #tpu.memory_space<hbm>>) target(%dma_start3A_259 : memref<128x128xf32, #tpu.memory_space<vmem>>) offsets(%dma_start3A_262 : memref<128xi32, #tpu.memory_space<vmem>>) semaphore(%arg15 : memref<!tpu.dma_semaphore, #tpu.memory_space<semaphore_mem>>)
      %dma_wait3A_266 = arith.constant 2 : i32
      %dma_wait3A_267 = arith.constant 0 : i32
      %dma_wait3A_268 = arith.constant 0 : i32
      %dma_wait3A_269 = arith.constant 0 : i32
      %dma_wait3A_270 = tpu.memref_slice %arg9[%dma_wait3A_267, %dma_wait3A_268, %dma_wait3A_269] : memref<2x128x128xf32, #tpu.memory_space<vmem>> -> memref<1x128x128xf32, #tpu.memory_space<vmem>>
      %dma_wait3A_271 = tpu.memref_squeeze %dma_wait3A_270 : memref<1x128x128xf32, #tpu.memory_space<vmem>> -> memref<128x128xf32, #tpu.memory_space<vmem>>
      %dma_wait3A_272 = arith.constant 0 : i32
      %dma_wait3A_273 = tpu.memref_slice %arg7[%dma_wait3A_266, %dma_wait3A_272] : memref<4x128xi32, #tpu.memory_space<vmem>> -> memref<1x128xi32, #tpu.memory_space<vmem>>
      %dma_wait3A_274 = tpu.memref_squeeze %dma_wait3A_273 : memref<1x128xi32, #tpu.memory_space<vmem>> -> memref<128xi32, #tpu.memory_space<vmem>>
      %dma_wait3A_275 = arith.constant 0 : i32
      %dma_wait3A_276 = arith.constant 0 : i32
      %dma_wait3A_277 = tpu.memref_slice %arg2[%dma_wait3A_275, %dma_wait3A_276] : memref<10240x128xf32, #tpu.memory_space<hbm>> -> memref<10240x128xf32, #tpu.memory_space<hbm>>
      tpu.wait_indirect_dma semaphore(%arg15 : memref<!tpu.dma_semaphore, #tpu.memory_space<semaphore_mem>>) src(%dma_wait3A_277 : memref<10240x128xf32, #tpu.memory_space<hbm>>) dst(%dma_wait3A_271 : memref<128x128xf32, #tpu.memory_space<vmem>>)
      %dma_start3A_278 = arith.constant 0 : i32
      %dma_start3A_279 = arith.constant 2 : i32
      %dma_start3A_280 = arith.constant 0 : i32
      %dma_start3A_281 = arith.constant 0 : i32
      %dma_start3A_282 = tpu.memref_slice %arg9[%dma_start3A_278, %dma_start3A_280, %dma_start3A_281] : memref<2x128x128xf32, #tpu.memory_space<vmem>> -> memref<1x128x128xf32, #tpu.memory_space<vmem>>
      %dma_start3A_283 = tpu.memref_squeeze %dma_start3A_282 : memref<1x128x128xf32, #tpu.memory_space<vmem>> -> memref<128x128xf32, #tpu.memory_space<vmem>>
      %dma_start3A_284 = arith.constant 0 : i32
      %dma_start3A_285 = tpu.memref_slice %arg8[%dma_start3A_279, %dma_start3A_284] : memref<4x128xi32, #tpu.memory_space<vmem>> -> memref<1x128xi32, #tpu.memory_space<vmem>>
      %dma_start3A_286 = tpu.memref_squeeze %dma_start3A_285 : memref<1x128xi32, #tpu.memory_space<vmem>> -> memref<128xi32, #tpu.memory_space<vmem>>
      %dma_start3A_287 = arith.constant 0 : i32
      %dma_start3A_288 = arith.constant 0 : i32
      %dma_start3A_289 = tpu.memref_slice %arg10[%dma_start3A_287, %dma_start3A_288] : memref<10240x128xf32, #tpu.memory_space<vmem_shared>> -> memref<10240x128xf32, #tpu.memory_space<vmem_shared>>
      tpu.enqueue_indirect_dma source(%dma_start3A_283 : memref<128x128xf32, #tpu.memory_space<vmem>>) target(%dma_start3A_289 : memref<10240x128xf32, #tpu.memory_space<vmem_shared>>) offsets(%dma_start3A_286 : memref<128xi32, #tpu.memory_space<vmem>>) semaphore(%arg17 : memref<!tpu.dma_semaphore, #tpu.memory_space<semaphore_mem>>) {add = true}
      %add3A_290 = arith.constant 3 : i32
      %add3A_291 = arith.addi %mul3A_67, %add3A_290 : i32
      %dma_wait3A_292 = arith.constant 0 : i32
      %dma_wait3A_293 = arith.constant 3 : i32
      %dma_wait3A_294 = arith.constant 0 : i32
      %dma_wait3A_295 = tpu.memref_slice %arg7[%dma_wait3A_293, %dma_wait3A_294] : memref<4x128xi32, #tpu.memory_space<vmem>> -> memref<1x128xi32, #tpu.memory_space<vmem>>
      %dma_wait3A_296 = tpu.memref_squeeze %dma_wait3A_295 : memref<1x128xi32, #tpu.memory_space<vmem>> -> memref<128xi32, #tpu.memory_space<vmem>>
      %dma_wait3A_297 = arith.constant 0 : i32
      %dma_wait3A_298 = tpu.memref_slice %arg3[%add3A, %dma_wait3A_292, %dma_wait3A_297] : memref<32x80x128xi32, #tpu.memory_space<hbm>> -> memref<1x1x128xi32, #tpu.memory_space<hbm>>
      %dma_wait3A_299 = tpu.memref_squeeze %dma_wait3A_298 : memref<1x1x128xi32, #tpu.memory_space<hbm>> -> memref<128xi32, #tpu.memory_space<hbm>>
      %dma_wait3A_300 = arith.constant 0 : i32
      %dma_wait3A_301 = tpu.memref_slice %arg7[%dma_wait3A_293, %dma_wait3A_300] : memref<4x128xi32, #tpu.memory_space<vmem>> -> memref<1x128xi32, #tpu.memory_space<vmem>>
      %dma_wait3A_302 = tpu.memref_squeeze %dma_wait3A_301 : memref<1x128xi32, #tpu.memory_space<vmem>> -> memref<128xi32, #tpu.memory_space<vmem>>
      %dma_wait3A_303 = arith.constant 0 : i32
      %dma_wait3A_304 = tpu.memref_slice %arg3[%add3A, %dma_wait3A_292, %dma_wait3A_303] : memref<32x80x128xi32, #tpu.memory_space<hbm>> -> memref<1x1x128xi32, #tpu.memory_space<hbm>>
      %dma_wait3A_305 = tpu.memref_squeeze %dma_wait3A_304 : memref<1x1x128xi32, #tpu.memory_space<hbm>> -> memref<128xi32, #tpu.memory_space<hbm>>
      tpu.wait_dma2 semaphore(%arg14 : memref<!tpu.dma_semaphore, #tpu.memory_space<semaphore_mem>>) src(%dma_wait3A_305 : memref<128xi32, #tpu.memory_space<hbm>>) dst(%dma_wait3A_302 : memref<128xi32, #tpu.memory_space<vmem>>)
      %dma_wait3A_306 = arith.constant 0 : i32
      %dma_wait3A_307 = arith.constant 3 : i32
      %dma_wait3A_308 = arith.constant 0 : i32
      %dma_wait3A_309 = tpu.memref_slice %arg8[%dma_wait3A_307, %dma_wait3A_308] : memref<4x128xi32, #tpu.memory_space<vmem>> -> memref<1x128xi32, #tpu.memory_space<vmem>>
      %dma_wait3A_310 = tpu.memref_squeeze %dma_wait3A_309 : memref<1x128xi32, #tpu.memory_space<vmem>> -> memref<128xi32, #tpu.memory_space<vmem>>
      %dma_wait3A_311 = arith.constant 0 : i32
      %dma_wait3A_312 = tpu.memref_slice %arg4[%add3A, %dma_wait3A_306, %dma_wait3A_311] : memref<32x80x128xi32, #tpu.memory_space<hbm>> -> memref<1x1x128xi32, #tpu.memory_space<hbm>>
      %dma_wait3A_313 = tpu.memref_squeeze %dma_wait3A_312 : memref<1x1x128xi32, #tpu.memory_space<hbm>> -> memref<128xi32, #tpu.memory_space<hbm>>
      %dma_wait3A_314 = arith.constant 0 : i32
      %dma_wait3A_315 = tpu.memref_slice %arg8[%dma_wait3A_307, %dma_wait3A_314] : memref<4x128xi32, #tpu.memory_space<vmem>> -> memref<1x128xi32, #tpu.memory_space<vmem>>
      %dma_wait3A_316 = tpu.memref_squeeze %dma_wait3A_315 : memref<1x128xi32, #tpu.memory_space<vmem>> -> memref<128xi32, #tpu.memory_space<vmem>>
      %dma_wait3A_317 = arith.constant 0 : i32
      %dma_wait3A_318 = tpu.memref_slice %arg4[%add3A, %dma_wait3A_306, %dma_wait3A_317] : memref<32x80x128xi32, #tpu.memory_space<hbm>> -> memref<1x1x128xi32, #tpu.memory_space<hbm>>
      %dma_wait3A_319 = tpu.memref_squeeze %dma_wait3A_318 : memref<1x1x128xi32, #tpu.memory_space<hbm>> -> memref<128xi32, #tpu.memory_space<hbm>>
      tpu.wait_dma2 semaphore(%arg14 : memref<!tpu.dma_semaphore, #tpu.memory_space<semaphore_mem>>) src(%dma_wait3A_319 : memref<128xi32, #tpu.memory_space<hbm>>) dst(%dma_wait3A_316 : memref<128xi32, #tpu.memory_space<vmem>>)
      %lt3A_320 = arith.constant 79 : i32
      %lt3A_321 = arith.cmpi slt, %add3A_291, %lt3A_320 : i32
      %convert_element_type3A_322 = arith.extui %lt3A_321 : i1 to i32
      %cond3A_323 = arith.constant 0 : i32
      %cond3A_324 = arith.cmpi ne, %convert_element_type3A_322, %cond3A_323 : i32
      scf.if %cond3A_324 {
        %add3A_366 = arith.constant 1 : i32
        %add3A_367 = arith.addi %add3A_291, %add3A_366 : i32
        %dma_start3A_368 = arith.constant 0 : i32
        %dma_start3A_369 = arith.constant 0 : i32
        %dma_start3A_370 = tpu.memref_slice %arg7[%dma_start3A_368, %dma_start3A_369] : memref<4x128xi32, #tpu.memory_space<vmem>> -> memref<1x128xi32, #tpu.memory_space<vmem>>
        %dma_start3A_371 = tpu.memref_squeeze %dma_start3A_370 : memref<1x128xi32, #tpu.memory_space<vmem>> -> memref<128xi32, #tpu.memory_space<vmem>>
        %dma_start3A_372 = arith.constant 0 : i32
        %dma_start3A_373 = tpu.memref_slice %arg3[%add3A, %add3A_367, %dma_start3A_372] : memref<32x80x128xi32, #tpu.memory_space<hbm>> -> memref<1x1x128xi32, #tpu.memory_space<hbm>>
        %dma_start3A_374 = tpu.memref_squeeze %dma_start3A_373 : memref<1x1x128xi32, #tpu.memory_space<hbm>> -> memref<128xi32, #tpu.memory_space<hbm>>
        %dma_start3A_375 = arith.constant 0 : i32
        %dma_start3A_376 = tpu.memref_slice %arg7[%dma_start3A_368, %dma_start3A_375] : memref<4x128xi32, #tpu.memory_space<vmem>> -> memref<1x128xi32, #tpu.memory_space<vmem>>
        %dma_start3A_377 = tpu.memref_squeeze %dma_start3A_376 : memref<1x128xi32, #tpu.memory_space<vmem>> -> memref<128xi32, #tpu.memory_space<vmem>>
        %dma_start3A_378 = arith.constant 0 : i32
        %dma_start3A_379 = tpu.memref_slice %arg3[%add3A, %add3A_367, %dma_start3A_378] : memref<32x80x128xi32, #tpu.memory_space<hbm>> -> memref<1x1x128xi32, #tpu.memory_space<hbm>>
        %dma_start3A_380 = tpu.memref_squeeze %dma_start3A_379 : memref<1x1x128xi32, #tpu.memory_space<hbm>> -> memref<128xi32, #tpu.memory_space<hbm>>
        tpu.enqueue_dma source(%dma_start3A_380 : memref<128xi32, #tpu.memory_space<hbm>>) target(%dma_start3A_377 : memref<128xi32, #tpu.memory_space<vmem>>) target_semaphore(%arg11 : memref<!tpu.dma_semaphore, #tpu.memory_space<semaphore_mem>>)
        %dma_start3A_381 = arith.constant 0 : i32
        %dma_start3A_382 = arith.constant 0 : i32
        %dma_start3A_383 = tpu.memref_slice %arg8[%dma_start3A_381, %dma_start3A_382] : memref<4x128xi32, #tpu.memory_space<vmem>> -> memref<1x128xi32, #tpu.memory_space<vmem>>
        %dma_start3A_384 = tpu.memref_squeeze %dma_start3A_383 : memref<1x128xi32, #tpu.memory_space<vmem>> -> memref<128xi32, #tpu.memory_space<vmem>>
        %dma_start3A_385 = arith.constant 0 : i32
        %dma_start3A_386 = tpu.memref_slice %arg4[%add3A, %add3A_367, %dma_start3A_385] : memref<32x80x128xi32, #tpu.memory_space<hbm>> -> memref<1x1x128xi32, #tpu.memory_space<hbm>>
        %dma_start3A_387 = tpu.memref_squeeze %dma_start3A_386 : memref<1x1x128xi32, #tpu.memory_space<hbm>> -> memref<128xi32, #tpu.memory_space<hbm>>
        %dma_start3A_388 = arith.constant 0 : i32
        %dma_start3A_389 = tpu.memref_slice %arg8[%dma_start3A_381, %dma_start3A_388] : memref<4x128xi32, #tpu.memory_space<vmem>> -> memref<1x128xi32, #tpu.memory_space<vmem>>
        %dma_start3A_390 = tpu.memref_squeeze %dma_start3A_389 : memref<1x128xi32, #tpu.memory_space<vmem>> -> memref<128xi32, #tpu.memory_space<vmem>>
        %dma_start3A_391 = arith.constant 0 : i32
        %dma_start3A_392 = tpu.memref_slice %arg4[%add3A, %add3A_367, %dma_start3A_391] : memref<32x80x128xi32, #tpu.memory_space<hbm>> -> memref<1x1x128xi32, #tpu.memory_space<hbm>>
        %dma_start3A_393 = tpu.memref_squeeze %dma_start3A_392 : memref<1x1x128xi32, #tpu.memory_space<hbm>> -> memref<128xi32, #tpu.memory_space<hbm>>
        tpu.enqueue_dma source(%dma_start3A_393 : memref<128xi32, #tpu.memory_space<hbm>>) target(%dma_start3A_390 : memref<128xi32, #tpu.memory_space<vmem>>) target_semaphore(%arg11 : memref<!tpu.dma_semaphore, #tpu.memory_space<semaphore_mem>>)
      } else {
      }
      %ge3A_325 = arith.constant 2 : i32
      %ge3A_326 = arith.cmpi sge, %add3A_291, %ge3A_325 : i32
      %convert_element_type3A_327 = arith.extui %ge3A_326 : i1 to i32
      %cond3A_328 = arith.constant 0 : i32
      %cond3A_329 = arith.cmpi ne, %convert_element_type3A_327, %cond3A_328 : i32
      scf.if %cond3A_329 {
        %dma_wait3A_366 = arith.constant 1 : i32
        %dma_wait3A_367 = arith.constant 3 : i32
        %dma_wait3A_368 = arith.constant 0 : i32
        %dma_wait3A_369 = arith.constant 0 : i32
        %dma_wait3A_370 = tpu.memref_slice %arg9[%dma_wait3A_366, %dma_wait3A_368, %dma_wait3A_369] : memref<2x128x128xf32, #tpu.memory_space<vmem>> -> memref<1x128x128xf32, #tpu.memory_space<vmem>>
        %dma_wait3A_371 = tpu.memref_squeeze %dma_wait3A_370 : memref<1x128x128xf32, #tpu.memory_space<vmem>> -> memref<128x128xf32, #tpu.memory_space<vmem>>
        %dma_wait3A_372 = arith.constant 0 : i32
        %dma_wait3A_373 = tpu.memref_slice %arg8[%dma_wait3A_367, %dma_wait3A_372] : memref<4x128xi32, #tpu.memory_space<vmem>> -> memref<1x128xi32, #tpu.memory_space<vmem>>
        %dma_wait3A_374 = tpu.memref_squeeze %dma_wait3A_373 : memref<1x128xi32, #tpu.memory_space<vmem>> -> memref<128xi32, #tpu.memory_space<vmem>>
        %dma_wait3A_375 = arith.constant 0 : i32
        %dma_wait3A_376 = arith.constant 0 : i32
        %dma_wait3A_377 = tpu.memref_slice %arg10[%dma_wait3A_375, %dma_wait3A_376] : memref<10240x128xf32, #tpu.memory_space<vmem_shared>> -> memref<10240x128xf32, #tpu.memory_space<vmem_shared>>
        tpu.wait_indirect_dma semaphore(%arg18 : memref<!tpu.dma_semaphore, #tpu.memory_space<semaphore_mem>>) src(%dma_wait3A_371 : memref<128x128xf32, #tpu.memory_space<vmem>>) dst(%dma_wait3A_377 : memref<10240x128xf32, #tpu.memory_space<vmem_shared>>)
      } else {
      }
      %dma_start3A_330 = arith.constant 3 : i32
      %dma_start3A_331 = arith.constant 1 : i32
      %dma_start3A_332 = arith.constant 0 : i32
      %dma_start3A_333 = arith.constant 0 : i32
      %dma_start3A_334 = tpu.memref_slice %arg9[%dma_start3A_331, %dma_start3A_332, %dma_start3A_333] : memref<2x128x128xf32, #tpu.memory_space<vmem>> -> memref<1x128x128xf32, #tpu.memory_space<vmem>>
      %dma_start3A_335 = tpu.memref_squeeze %dma_start3A_334 : memref<1x128x128xf32, #tpu.memory_space<vmem>> -> memref<128x128xf32, #tpu.memory_space<vmem>>
      %dma_start3A_336 = arith.constant 0 : i32
      %dma_start3A_337 = tpu.memref_slice %arg7[%dma_start3A_330, %dma_start3A_336] : memref<4x128xi32, #tpu.memory_space<vmem>> -> memref<1x128xi32, #tpu.memory_space<vmem>>
      %dma_start3A_338 = tpu.memref_squeeze %dma_start3A_337 : memref<1x128xi32, #tpu.memory_space<vmem>> -> memref<128xi32, #tpu.memory_space<vmem>>
      %dma_start3A_339 = arith.constant 0 : i32
      %dma_start3A_340 = arith.constant 0 : i32
      %dma_start3A_341 = tpu.memref_slice %arg2[%dma_start3A_339, %dma_start3A_340] : memref<10240x128xf32, #tpu.memory_space<hbm>> -> memref<10240x128xf32, #tpu.memory_space<hbm>>
      tpu.enqueue_indirect_dma source(%dma_start3A_341 : memref<10240x128xf32, #tpu.memory_space<hbm>>) target(%dma_start3A_335 : memref<128x128xf32, #tpu.memory_space<vmem>>) offsets(%dma_start3A_338 : memref<128xi32, #tpu.memory_space<vmem>>) semaphore(%arg16 : memref<!tpu.dma_semaphore, #tpu.memory_space<semaphore_mem>>)
      %dma_wait3A_342 = arith.constant 3 : i32
      %dma_wait3A_343 = arith.constant 1 : i32
      %dma_wait3A_344 = arith.constant 0 : i32
      %dma_wait3A_345 = arith.constant 0 : i32
      %dma_wait3A_346 = tpu.memref_slice %arg9[%dma_wait3A_343, %dma_wait3A_344, %dma_wait3A_345] : memref<2x128x128xf32, #tpu.memory_space<vmem>> -> memref<1x128x128xf32, #tpu.memory_space<vmem>>
      %dma_wait3A_347 = tpu.memref_squeeze %dma_wait3A_346 : memref<1x128x128xf32, #tpu.memory_space<vmem>> -> memref<128x128xf32, #tpu.memory_space<vmem>>
      %dma_wait3A_348 = arith.constant 0 : i32
      %dma_wait3A_349 = tpu.memref_slice %arg7[%dma_wait3A_342, %dma_wait3A_348] : memref<4x128xi32, #tpu.memory_space<vmem>> -> memref<1x128xi32, #tpu.memory_space<vmem>>
      %dma_wait3A_350 = tpu.memref_squeeze %dma_wait3A_349 : memref<1x128xi32, #tpu.memory_space<vmem>> -> memref<128xi32, #tpu.memory_space<vmem>>
      %dma_wait3A_351 = arith.constant 0 : i32
      %dma_wait3A_352 = arith.constant 0 : i32
      %dma_wait3A_353 = tpu.memref_slice %arg2[%dma_wait3A_351, %dma_wait3A_352] : memref<10240x128xf32, #tpu.memory_space<hbm>> -> memref<10240x128xf32, #tpu.memory_space<hbm>>
      tpu.wait_indirect_dma semaphore(%arg16 : memref<!tpu.dma_semaphore, #tpu.memory_space<semaphore_mem>>) src(%dma_wait3A_353 : memref<10240x128xf32, #tpu.memory_space<hbm>>) dst(%dma_wait3A_347 : memref<128x128xf32, #tpu.memory_space<vmem>>)
      %dma_start3A_354 = arith.constant 1 : i32
      %dma_start3A_355 = arith.constant 3 : i32
      %dma_start3A_356 = arith.constant 0 : i32
      %dma_start3A_357 = arith.constant 0 : i32
      %dma_start3A_358 = tpu.memref_slice %arg9[%dma_start3A_354, %dma_start3A_356, %dma_start3A_357] : memref<2x128x128xf32, #tpu.memory_space<vmem>> -> memref<1x128x128xf32, #tpu.memory_space<vmem>>
      %dma_start3A_359 = tpu.memref_squeeze %dma_start3A_358 : memref<1x128x128xf32, #tpu.memory_space<vmem>> -> memref<128x128xf32, #tpu.memory_space<vmem>>
      %dma_start3A_360 = arith.constant 0 : i32
      %dma_start3A_361 = tpu.memref_slice %arg8[%dma_start3A_355, %dma_start3A_360] : memref<4x128xi32, #tpu.memory_space<vmem>> -> memref<1x128xi32, #tpu.memory_space<vmem>>
      %dma_start3A_362 = tpu.memref_squeeze %dma_start3A_361 : memref<1x128xi32, #tpu.memory_space<vmem>> -> memref<128xi32, #tpu.memory_space<vmem>>
      %dma_start3A_363 = arith.constant 0 : i32
      %dma_start3A_364 = arith.constant 0 : i32
      %dma_start3A_365 = tpu.memref_slice %arg10[%dma_start3A_363, %dma_start3A_364] : memref<10240x128xf32, #tpu.memory_space<vmem_shared>> -> memref<10240x128xf32, #tpu.memory_space<vmem_shared>>
      tpu.enqueue_indirect_dma source(%dma_start3A_359 : memref<128x128xf32, #tpu.memory_space<vmem>>) target(%dma_start3A_365 : memref<10240x128xf32, #tpu.memory_space<vmem_shared>>) offsets(%dma_start3A_362 : memref<128xi32, #tpu.memory_space<vmem>>) semaphore(%arg18 : memref<!tpu.dma_semaphore, #tpu.memory_space<semaphore_mem>>) {add = true}
    }
    %scan3A_36 = arith.constant 20 : i32
    %dma_wait3A = arith.constant 0 : i32
    %dma_wait3A_37 = arith.constant 2 : i32
    %dma_wait3A_38 = arith.constant 0 : i32
    %dma_wait3A_39 = arith.constant 0 : i32
    %dma_wait3A_40 = tpu.memref_slice %arg9[%dma_wait3A, %dma_wait3A_38, %dma_wait3A_39] : memref<2x128x128xf32, #tpu.memory_space<vmem>> -> memref<1x128x128xf32, #tpu.memory_space<vmem>>
    %dma_wait3A_41 = tpu.memref_squeeze %dma_wait3A_40 : memref<1x128x128xf32, #tpu.memory_space<vmem>> -> memref<128x128xf32, #tpu.memory_space<vmem>>
    %dma_wait3A_42 = arith.constant 0 : i32
    %dma_wait3A_43 = tpu.memref_slice %arg8[%dma_wait3A_37, %dma_wait3A_42] : memref<4x128xi32, #tpu.memory_space<vmem>> -> memref<1x128xi32, #tpu.memory_space<vmem>>
    %dma_wait3A_44 = tpu.memref_squeeze %dma_wait3A_43 : memref<1x128xi32, #tpu.memory_space<vmem>> -> memref<128xi32, #tpu.memory_space<vmem>>
    %dma_wait3A_45 = arith.constant 0 : i32
    %dma_wait3A_46 = arith.constant 0 : i32
    %dma_wait3A_47 = tpu.memref_slice %arg10[%dma_wait3A_45, %dma_wait3A_46] : memref<10240x128xf32, #tpu.memory_space<vmem_shared>> -> memref<10240x128xf32, #tpu.memory_space<vmem_shared>>
    tpu.wait_indirect_dma semaphore(%arg17 : memref<!tpu.dma_semaphore, #tpu.memory_space<semaphore_mem>>) src(%dma_wait3A_41 : memref<128x128xf32, #tpu.memory_space<vmem>>) dst(%dma_wait3A_47 : memref<10240x128xf32, #tpu.memory_space<vmem_shared>>)
    %dma_wait3A_48 = arith.constant 1 : i32
    %dma_wait3A_49 = arith.constant 3 : i32
    %dma_wait3A_50 = arith.constant 0 : i32
    %dma_wait3A_51 = arith.constant 0 : i32
    %dma_wait3A_52 = tpu.memref_slice %arg9[%dma_wait3A_48, %dma_wait3A_50, %dma_wait3A_51] : memref<2x128x128xf32, #tpu.memory_space<vmem>> -> memref<1x128x128xf32, #tpu.memory_space<vmem>>
    %dma_wait3A_53 = tpu.memref_squeeze %dma_wait3A_52 : memref<1x128x128xf32, #tpu.memory_space<vmem>> -> memref<128x128xf32, #tpu.memory_space<vmem>>
    %dma_wait3A_54 = arith.constant 0 : i32
    %dma_wait3A_55 = tpu.memref_slice %arg8[%dma_wait3A_49, %dma_wait3A_54] : memref<4x128xi32, #tpu.memory_space<vmem>> -> memref<1x128xi32, #tpu.memory_space<vmem>>
    %dma_wait3A_56 = tpu.memref_squeeze %dma_wait3A_55 : memref<1x128xi32, #tpu.memory_space<vmem>> -> memref<128xi32, #tpu.memory_space<vmem>>
    %dma_wait3A_57 = arith.constant 0 : i32
    %dma_wait3A_58 = arith.constant 0 : i32
    %dma_wait3A_59 = tpu.memref_slice %arg10[%dma_wait3A_57, %dma_wait3A_58] : memref<10240x128xf32, #tpu.memory_space<vmem_shared>> -> memref<10240x128xf32, #tpu.memory_space<vmem_shared>>
    tpu.wait_indirect_dma semaphore(%arg18 : memref<!tpu.dma_semaphore, #tpu.memory_space<semaphore_mem>>) src(%dma_wait3A_53 : memref<128x128xf32, #tpu.memory_space<vmem>>) dst(%dma_wait3A_59 : memref<10240x128xf32, #tpu.memory_space<vmem_shared>>)
    %barrier3A_60 = arith.constant 0 : index
    tpu.barrier barrier_id(%barrier3A_60)
    %mul3A_61 = arith.constant 320 : i32
    %mul3A_62 = arith.muli %arg1, %mul3A_61 : i32
    %mul3A_63 = arith.constant 320 : i32
    %mul3A_64 = arith.muli %arg1, %mul3A_63 : i32
    "tpu.region"() ({
      %run_scoped3A = tpu.sem_alloc : memref<!tpu.dma_semaphore, #tpu.memory_space<semaphore_mem>>
      %dma_start3A_65 = arith.constant 0 : i32
      %dma_start3A_66 = tpu.memref_slice %arg6[%arg0, %mul3A_64, %dma_start3A_65] : memref<2x10240x128xf32, #tpu.memory_space<hbm>> -> memref<1x320x128xf32, #tpu.memory_space<hbm>>
      %dma_start3A_67 = tpu.memref_squeeze %dma_start3A_66 : memref<1x320x128xf32, #tpu.memory_space<hbm>> -> memref<320x128xf32, #tpu.memory_space<hbm>>
      %dma_start3A_68 = arith.constant 0 : i32
      %dma_start3A_69 = tpu.memref_slice %arg10[%mul3A_62, %dma_start3A_68] : memref<10240x128xf32, #tpu.memory_space<vmem_shared>> -> memref<320x128xf32, #tpu.memory_space<vmem_shared>>
      tpu.enqueue_dma source(%dma_start3A_69 : memref<320x128xf32, #tpu.memory_space<vmem_shared>>) target(%dma_start3A_67 : memref<320x128xf32, #tpu.memory_space<hbm>>) target_semaphore(%run_scoped3A : memref<!tpu.dma_semaphore, #tpu.memory_space<semaphore_mem>>)
      %dma_wait3A_70 = arith.constant 0 : i32
      %dma_wait3A_71 = tpu.memref_slice %arg6[%arg0, %mul3A_64, %dma_wait3A_70] : memref<2x10240x128xf32, #tpu.memory_space<hbm>> -> memref<1x320x128xf32, #tpu.memory_space<hbm>>
      %dma_wait3A_72 = tpu.memref_squeeze %dma_wait3A_71 : memref<1x320x128xf32, #tpu.memory_space<hbm>> -> memref<320x128xf32, #tpu.memory_space<hbm>>
      %dma_wait3A_73 = arith.constant 0 : i32
      %dma_wait3A_74 = tpu.memref_slice %arg10[%mul3A_62, %dma_wait3A_73] : memref<10240x128xf32, #tpu.memory_space<vmem_shared>> -> memref<320x128xf32, #tpu.memory_space<vmem_shared>>
      tpu.wait_dma2 semaphore(%run_scoped3A : memref<!tpu.dma_semaphore, #tpu.memory_space<semaphore_mem>>) src(%dma_wait3A_74 : memref<320x128xf32, #tpu.memory_space<vmem_shared>>) dst(%dma_wait3A_72 : memref<320x128xf32, #tpu.memory_space<hbm>>)
      tpu.yield
    }) : () -> ()
    return
  }
}

#map = affine_map<(d0, d1) -> (0, 0)>
#map1 = affine_map<(d0, d1) -> (0, 0, 0)>
module attributes {stable_mosaic.version = 14 : i64} {
  func.func @_sc_agg_body(%arg0: i32, %arg1: i32, %arg2: memref<10240x128xf32, #tpu.memory_space<hbm>>, %arg3: memref<32x80x128xi32, #tpu.memory_space<hbm>>, %arg4: memref<32x80x128xi32, #tpu.memory_space<hbm>>, %arg5: memref<10240x128xf32, #tpu.memory_space<hbm>>, %arg6: memref<2x10240x128xf32, #tpu.memory_space<hbm>>, %arg7: memref<4x128xi32, #tpu.memory_space<vmem>>, %arg8: memref<4x128xi32, #tpu.memory_space<vmem>>, %arg9: memref<2x128x128xf32, #tpu.memory_space<vmem>>, %arg10: memref<10240x128xf32, #tpu.memory_space<vmem_shared>>, %arg11: memref<!tpu.dma_semaphore, #tpu.memory_space<semaphore_mem>>, %arg12: memref<!tpu.dma_semaphore, #tpu.memory_space<semaphore_mem>>, %arg13: memref<!tpu.dma_semaphore, #tpu.memory_space<semaphore_mem>>, %arg14: memref<!tpu.dma_semaphore, #tpu.memory_space<semaphore_mem>>, %arg15: memref<!tpu.dma_semaphore, #tpu.memory_space<semaphore_mem>>, %arg16: memref<!tpu.dma_semaphore, #tpu.memory_space<semaphore_mem>>, %arg17: memref<!tpu.dma_semaphore, #tpu.memory_space<semaphore_mem>>, %arg18: memref<!tpu.dma_semaphore, #tpu.memory_space<semaphore_mem>>) attributes {dimension_semantics = [#tpu.dimension_semantics<core_parallel>, #tpu.dimension_semantics<subcore_parallel>], iteration_bounds = array<i64: 2, 16>, scalar_prefetch = 0 : i64, scratch_operands = 12 : i64, tpu.core_type = #tpu.core_type<sc_vector_subcore>, window_params = [{transform_indices = #map}, {transform_indices = #map1}, {transform_indices = #map1}, {transform_indices = #map}, {transform_indices = #map1}]} {
    %mul3A = arith.constant 16 : i32
    %mul3A_0 = arith.muli %arg0, %mul3A : i32
    %add3A = arith.addi %mul3A_0, %arg1 : i32
    %dma_start3A = arith.constant 0 : i32
    %dma_start3A_1 = arith.constant 0 : i32
    %dma_start3A_2 = arith.constant 0 : i32
    %dma_start3A_3 = tpu.memref_slice %arg7[%dma_start3A_1, %dma_start3A_2] : memref<4x128xi32, #tpu.memory_space<vmem>> -> memref<1x128xi32, #tpu.memory_space<vmem>>
    %dma_start3A_4 = tpu.memref_squeeze %dma_start3A_3 : memref<1x128xi32, #tpu.memory_space<vmem>> -> memref<128xi32, #tpu.memory_space<vmem>>
    %dma_start3A_5 = arith.constant 0 : i32
    %dma_start3A_6 = tpu.memref_slice %arg3[%add3A, %dma_start3A, %dma_start3A_5] : memref<32x80x128xi32, #tpu.memory_space<hbm>> -> memref<1x1x128xi32, #tpu.memory_space<hbm>>
    %dma_start3A_7 = tpu.memref_squeeze %dma_start3A_6 : memref<1x1x128xi32, #tpu.memory_space<hbm>> -> memref<128xi32, #tpu.memory_space<hbm>>
    %dma_start3A_8 = arith.constant 0 : i32
    %dma_start3A_9 = tpu.memref_slice %arg7[%dma_start3A_1, %dma_start3A_8] : memref<4x128xi32, #tpu.memory_space<vmem>> -> memref<1x128xi32, #tpu.memory_space<vmem>>
    %dma_start3A_10 = tpu.memref_squeeze %dma_start3A_9 : memref<1x128xi32, #tpu.memory_space<vmem>> -> memref<128xi32, #tpu.memory_space<vmem>>
    %dma_start3A_11 = arith.constant 0 : i32
    %dma_start3A_12 = tpu.memref_slice %arg3[%add3A, %dma_start3A, %dma_start3A_11] : memref<32x80x128xi32, #tpu.memory_space<hbm>> -> memref<1x1x128xi32, #tpu.memory_space<hbm>>
    %dma_start3A_13 = tpu.memref_squeeze %dma_start3A_12 : memref<1x1x128xi32, #tpu.memory_space<hbm>> -> memref<128xi32, #tpu.memory_space<hbm>>
    tpu.enqueue_dma source(%dma_start3A_13 : memref<128xi32, #tpu.memory_space<hbm>>) target(%dma_start3A_10 : memref<128xi32, #tpu.memory_space<vmem>>) target_semaphore(%arg11 : memref<!tpu.dma_semaphore, #tpu.memory_space<semaphore_mem>>)
    %dma_start3A_14 = arith.constant 0 : i32
    %dma_start3A_15 = arith.constant 0 : i32
    %dma_start3A_16 = arith.constant 0 : i32
    %dma_start3A_17 = tpu.memref_slice %arg8[%dma_start3A_15, %dma_start3A_16] : memref<4x128xi32, #tpu.memory_space<vmem>> -> memref<1x128xi32, #tpu.memory_space<vmem>>
    %dma_start3A_18 = tpu.memref_squeeze %dma_start3A_17 : memref<1x128xi32, #tpu.memory_space<vmem>> -> memref<128xi32, #tpu.memory_space<vmem>>
    %dma_start3A_19 = arith.constant 0 : i32
    %dma_start3A_20 = tpu.memref_slice %arg4[%add3A, %dma_start3A_14, %dma_start3A_19] : memref<32x80x128xi32, #tpu.memory_space<hbm>> -> memref<1x1x128xi32, #tpu.memory_space<hbm>>
    %dma_start3A_21 = tpu.memref_squeeze %dma_start3A_20 : memref<1x1x128xi32, #tpu.memory_space<hbm>> -> memref<128xi32, #tpu.memory_space<hbm>>
    %dma_start3A_22 = arith.constant 0 : i32
    %dma_start3A_23 = tpu.memref_slice %arg8[%dma_start3A_15, %dma_start3A_22] : memref<4x128xi32, #tpu.memory_space<vmem>> -> memref<1x128xi32, #tpu.memory_space<vmem>>
    %dma_start3A_24 = tpu.memref_squeeze %dma_start3A_23 : memref<1x128xi32, #tpu.memory_space<vmem>> -> memref<128xi32, #tpu.memory_space<vmem>>
    %dma_start3A_25 = arith.constant 0 : i32
    %dma_start3A_26 = tpu.memref_slice %arg4[%add3A, %dma_start3A_14, %dma_start3A_25] : memref<32x80x128xi32, #tpu.memory_space<hbm>> -> memref<1x1x128xi32, #tpu.memory_space<hbm>>
    %dma_start3A_27 = tpu.memref_squeeze %dma_start3A_26 : memref<1x1x128xi32, #tpu.memory_space<hbm>> -> memref<128xi32, #tpu.memory_space<hbm>>
    tpu.enqueue_dma source(%dma_start3A_27 : memref<128xi32, #tpu.memory_space<hbm>>) target(%dma_start3A_24 : memref<128xi32, #tpu.memory_space<vmem>>) target_semaphore(%arg11 : memref<!tpu.dma_semaphore, #tpu.memory_space<semaphore_mem>>)
    %mul3A_28 = arith.constant 320 : i32
    %mul3A_29 = arith.muli %arg1, %mul3A_28 : i32
    %mul3A_30 = arith.constant 320 : i32
    %mul3A_31 = arith.muli %arg1, %mul3A_30 : i32
    "tpu.region"() ({
      %run_scoped3A = tpu.sem_alloc : memref<!tpu.dma_semaphore, #tpu.memory_space<semaphore_mem>>
      %dma_start3A_65 = arith.constant 0 : i32
      %dma_start3A_66 = tpu.memref_slice %arg10[%mul3A_31, %dma_start3A_65] : memref<10240x128xf32, #tpu.memory_space<vmem_shared>> -> memref<320x128xf32, #tpu.memory_space<vmem_shared>>
      %dma_start3A_67 = arith.constant 0 : i32
      %dma_start3A_68 = tpu.memref_slice %arg5[%mul3A_29, %dma_start3A_67] : memref<10240x128xf32, #tpu.memory_space<hbm>> -> memref<320x128xf32, #tpu.memory_space<hbm>>
      tpu.enqueue_dma source(%dma_start3A_68 : memref<320x128xf32, #tpu.memory_space<hbm>>) target(%dma_start3A_66 : memref<320x128xf32, #tpu.memory_space<vmem_shared>>) target_semaphore(%run_scoped3A : memref<!tpu.dma_semaphore, #tpu.memory_space<semaphore_mem>>)
      %dma_wait3A_69 = arith.constant 0 : i32
      %dma_wait3A_70 = tpu.memref_slice %arg10[%mul3A_31, %dma_wait3A_69] : memref<10240x128xf32, #tpu.memory_space<vmem_shared>> -> memref<320x128xf32, #tpu.memory_space<vmem_shared>>
      %dma_wait3A_71 = arith.constant 0 : i32
      %dma_wait3A_72 = tpu.memref_slice %arg5[%mul3A_29, %dma_wait3A_71] : memref<10240x128xf32, #tpu.memory_space<hbm>> -> memref<320x128xf32, #tpu.memory_space<hbm>>
      tpu.wait_dma2 semaphore(%run_scoped3A : memref<!tpu.dma_semaphore, #tpu.memory_space<semaphore_mem>>) src(%dma_wait3A_72 : memref<320x128xf32, #tpu.memory_space<hbm>>) dst(%dma_wait3A_70 : memref<320x128xf32, #tpu.memory_space<vmem_shared>>)
      tpu.yield
    }) : () -> ()
    %barrier3A = arith.constant 0 : index
    tpu.barrier barrier_id(%barrier3A)
    %scan3A = arith.constant 0 : i32
    %scan3A_32 = arith.constant 0 : i32
    %scan3A_33 = arith.constant 20 : i32
    %scan3A_34 = arith.addi %scan3A_32, %scan3A_33 : i32
    %scan3A_35 = arith.constant 1 : i32
    scf.for %scan3A_65 = %scan3A_32 to %scan3A_34 step %scan3A_35  : i32 {
      %mul3A_66 = arith.constant 4 : i32
      %mul3A_67 = arith.muli %mul3A_66, %scan3A_65 : i32
      %dma_wait3A_68 = arith.constant 0 : i32
      %dma_wait3A_69 = arith.constant 0 : i32
      %dma_wait3A_70 = arith.constant 0 : i32
      %dma_wait3A_71 = tpu.memref_slice %arg7[%dma_wait3A_69, %dma_wait3A_70] : memref<4x128xi32, #tpu.memory_space<vmem>> -> memref<1x128xi32, #tpu.memory_space<vmem>>
      %dma_wait3A_72 = tpu.memref_squeeze %dma_wait3A_71 : memref<1x128xi32, #tpu.memory_space<vmem>> -> memref<128xi32, #tpu.memory_space<vmem>>
      %dma_wait3A_73 = arith.constant 0 : i32
      %dma_wait3A_74 = tpu.memref_slice %arg3[%add3A, %dma_wait3A_68, %dma_wait3A_73] : memref<32x80x128xi32, #tpu.memory_space<hbm>> -> memref<1x1x128xi32, #tpu.memory_space<hbm>>
      %dma_wait3A_75 = tpu.memref_squeeze %dma_wait3A_74 : memref<1x1x128xi32, #tpu.memory_space<hbm>> -> memref<128xi32, #tpu.memory_space<hbm>>
      %dma_wait3A_76 = arith.constant 0 : i32
      %dma_wait3A_77 = tpu.memref_slice %arg7[%dma_wait3A_69, %dma_wait3A_76] : memref<4x128xi32, #tpu.memory_space<vmem>> -> memref<1x128xi32, #tpu.memory_space<vmem>>
      %dma_wait3A_78 = tpu.memref_squeeze %dma_wait3A_77 : memref<1x128xi32, #tpu.memory_space<vmem>> -> memref<128xi32, #tpu.memory_space<vmem>>
      %dma_wait3A_79 = arith.constant 0 : i32
      %dma_wait3A_80 = tpu.memref_slice %arg3[%add3A, %dma_wait3A_68, %dma_wait3A_79] : memref<32x80x128xi32, #tpu.memory_space<hbm>> -> memref<1x1x128xi32, #tpu.memory_space<hbm>>
      %dma_wait3A_81 = tpu.memref_squeeze %dma_wait3A_80 : memref<1x1x128xi32, #tpu.memory_space<hbm>> -> memref<128xi32, #tpu.memory_space<hbm>>
      tpu.wait_dma2 semaphore(%arg11 : memref<!tpu.dma_semaphore, #tpu.memory_space<semaphore_mem>>) src(%dma_wait3A_81 : memref<128xi32, #tpu.memory_space<hbm>>) dst(%dma_wait3A_78 : memref<128xi32, #tpu.memory_space<vmem>>)
      %dma_wait3A_82 = arith.constant 0 : i32
      %dma_wait3A_83 = arith.constant 0 : i32
      %dma_wait3A_84 = arith.constant 0 : i32
      %dma_wait3A_85 = tpu.memref_slice %arg8[%dma_wait3A_83, %dma_wait3A_84] : memref<4x128xi32, #tpu.memory_space<vmem>> -> memref<1x128xi32, #tpu.memory_space<vmem>>
      %dma_wait3A_86 = tpu.memref_squeeze %dma_wait3A_85 : memref<1x128xi32, #tpu.memory_space<vmem>> -> memref<128xi32, #tpu.memory_space<vmem>>
      %dma_wait3A_87 = arith.constant 0 : i32
      %dma_wait3A_88 = tpu.memref_slice %arg4[%add3A, %dma_wait3A_82, %dma_wait3A_87] : memref<32x80x128xi32, #tpu.memory_space<hbm>> -> memref<1x1x128xi32, #tpu.memory_space<hbm>>
      %dma_wait3A_89 = tpu.memref_squeeze %dma_wait3A_88 : memref<1x1x128xi32, #tpu.memory_space<hbm>> -> memref<128xi32, #tpu.memory_space<hbm>>
      %dma_wait3A_90 = arith.constant 0 : i32
      %dma_wait3A_91 = tpu.memref_slice %arg8[%dma_wait3A_83, %dma_wait3A_90] : memref<4x128xi32, #tpu.memory_space<vmem>> -> memref<1x128xi32, #tpu.memory_space<vmem>>
      %dma_wait3A_92 = tpu.memref_squeeze %dma_wait3A_91 : memref<1x128xi32, #tpu.memory_space<vmem>> -> memref<128xi32, #tpu.memory_space<vmem>>
      %dma_wait3A_93 = arith.constant 0 : i32
      %dma_wait3A_94 = tpu.memref_slice %arg4[%add3A, %dma_wait3A_82, %dma_wait3A_93] : memref<32x80x128xi32, #tpu.memory_space<hbm>> -> memref<1x1x128xi32, #tpu.memory_space<hbm>>
      %dma_wait3A_95 = tpu.memref_squeeze %dma_wait3A_94 : memref<1x1x128xi32, #tpu.memory_space<hbm>> -> memref<128xi32, #tpu.memory_space<hbm>>
      tpu.wait_dma2 semaphore(%arg11 : memref<!tpu.dma_semaphore, #tpu.memory_space<semaphore_mem>>) src(%dma_wait3A_95 : memref<128xi32, #tpu.memory_space<hbm>>) dst(%dma_wait3A_92 : memref<128xi32, #tpu.memory_space<vmem>>)
      %lt3A = arith.constant 79 : i32
      %lt3A_96 = arith.cmpi slt, %mul3A_67, %lt3A : i32
      %convert_element_type3A = arith.extui %lt3A_96 : i1 to i32
      %cond3A = arith.constant 0 : i32
      %cond3A_97 = arith.cmpi ne, %convert_element_type3A, %cond3A : i32
      scf.if %cond3A_97 {
        %add3A_366 = arith.constant 1 : i32
        %add3A_367 = arith.addi %mul3A_67, %add3A_366 : i32
        %dma_start3A_368 = arith.constant 1 : i32
        %dma_start3A_369 = arith.constant 0 : i32
        %dma_start3A_370 = tpu.memref_slice %arg7[%dma_start3A_368, %dma_start3A_369] : memref<4x128xi32, #tpu.memory_space<vmem>> -> memref<1x128xi32, #tpu.memory_space<vmem>>
        %dma_start3A_371 = tpu.memref_squeeze %dma_start3A_370 : memref<1x128xi32, #tpu.memory_space<vmem>> -> memref<128xi32, #tpu.memory_space<vmem>>
        %dma_start3A_372 = arith.constant 0 : i32
        %dma_start3A_373 = tpu.memref_slice %arg3[%add3A, %add3A_367, %dma_start3A_372] : memref<32x80x128xi32, #tpu.memory_space<hbm>> -> memref<1x1x128xi32, #tpu.memory_space<hbm>>
        %dma_start3A_374 = tpu.memref_squeeze %dma_start3A_373 : memref<1x1x128xi32, #tpu.memory_space<hbm>> -> memref<128xi32, #tpu.memory_space<hbm>>
        %dma_start3A_375 = arith.constant 0 : i32
        %dma_start3A_376 = tpu.memref_slice %arg7[%dma_start3A_368, %dma_start3A_375] : memref<4x128xi32, #tpu.memory_space<vmem>> -> memref<1x128xi32, #tpu.memory_space<vmem>>
        %dma_start3A_377 = tpu.memref_squeeze %dma_start3A_376 : memref<1x128xi32, #tpu.memory_space<vmem>> -> memref<128xi32, #tpu.memory_space<vmem>>
        %dma_start3A_378 = arith.constant 0 : i32
        %dma_start3A_379 = tpu.memref_slice %arg3[%add3A, %add3A_367, %dma_start3A_378] : memref<32x80x128xi32, #tpu.memory_space<hbm>> -> memref<1x1x128xi32, #tpu.memory_space<hbm>>
        %dma_start3A_380 = tpu.memref_squeeze %dma_start3A_379 : memref<1x1x128xi32, #tpu.memory_space<hbm>> -> memref<128xi32, #tpu.memory_space<hbm>>
        tpu.enqueue_dma source(%dma_start3A_380 : memref<128xi32, #tpu.memory_space<hbm>>) target(%dma_start3A_377 : memref<128xi32, #tpu.memory_space<vmem>>) target_semaphore(%arg12 : memref<!tpu.dma_semaphore, #tpu.memory_space<semaphore_mem>>)
        %dma_start3A_381 = arith.constant 1 : i32
        %dma_start3A_382 = arith.constant 0 : i32
        %dma_start3A_383 = tpu.memref_slice %arg8[%dma_start3A_381, %dma_start3A_382] : memref<4x128xi32, #tpu.memory_space<vmem>> -> memref<1x128xi32, #tpu.memory_space<vmem>>
        %dma_start3A_384 = tpu.memref_squeeze %dma_start3A_383 : memref<1x128xi32, #tpu.memory_space<vmem>> -> memref<128xi32, #tpu.memory_space<vmem>>
        %dma_start3A_385 = arith.constant 0 : i32
        %dma_start3A_386 = tpu.memref_slice %arg4[%add3A, %add3A_367, %dma_start3A_385] : memref<32x80x128xi32, #tpu.memory_space<hbm>> -> memref<1x1x128xi32, #tpu.memory_space<hbm>>
        %dma_start3A_387 = tpu.memref_squeeze %dma_start3A_386 : memref<1x1x128xi32, #tpu.memory_space<hbm>> -> memref<128xi32, #tpu.memory_space<hbm>>
        %dma_start3A_388 = arith.constant 0 : i32
        %dma_start3A_389 = tpu.memref_slice %arg8[%dma_start3A_381, %dma_start3A_388] : memref<4x128xi32, #tpu.memory_space<vmem>> -> memref<1x128xi32, #tpu.memory_space<vmem>>
        %dma_start3A_390 = tpu.memref_squeeze %dma_start3A_389 : memref<1x128xi32, #tpu.memory_space<vmem>> -> memref<128xi32, #tpu.memory_space<vmem>>
        %dma_start3A_391 = arith.constant 0 : i32
        %dma_start3A_392 = tpu.memref_slice %arg4[%add3A, %add3A_367, %dma_start3A_391] : memref<32x80x128xi32, #tpu.memory_space<hbm>> -> memref<1x1x128xi32, #tpu.memory_space<hbm>>
        %dma_start3A_393 = tpu.memref_squeeze %dma_start3A_392 : memref<1x1x128xi32, #tpu.memory_space<hbm>> -> memref<128xi32, #tpu.memory_space<hbm>>
        tpu.enqueue_dma source(%dma_start3A_393 : memref<128xi32, #tpu.memory_space<hbm>>) target(%dma_start3A_390 : memref<128xi32, #tpu.memory_space<vmem>>) target_semaphore(%arg12 : memref<!tpu.dma_semaphore, #tpu.memory_space<semaphore_mem>>)
      } else {
      }
      %ge3A = arith.constant 2 : i32
      %ge3A_98 = arith.cmpi sge, %mul3A_67, %ge3A : i32
      %convert_element_type3A_99 = arith.extui %ge3A_98 : i1 to i32
      %cond3A_100 = arith.constant 0 : i32
      %cond3A_101 = arith.cmpi ne, %convert_element_type3A_99, %cond3A_100 : i32
      scf.if %cond3A_101 {
        %dma_wait3A_366 = arith.constant 0 : i32
        %dma_wait3A_367 = arith.constant 0 : i32
        %dma_wait3A_368 = arith.constant 0 : i32
        %dma_wait3A_369 = arith.constant 0 : i32
        %dma_wait3A_370 = tpu.memref_slice %arg9[%dma_wait3A_366, %dma_wait3A_368, %dma_wait3A_369] : memref<2x128x128xf32, #tpu.memory_space<vmem>> -> memref<1x128x128xf32, #tpu.memory_space<vmem>>
        %dma_wait3A_371 = tpu.memref_squeeze %dma_wait3A_370 : memref<1x128x128xf32, #tpu.memory_space<vmem>> -> memref<128x128xf32, #tpu.memory_space<vmem>>
        %dma_wait3A_372 = arith.constant 0 : i32
        %dma_wait3A_373 = tpu.memref_slice %arg8[%dma_wait3A_367, %dma_wait3A_372] : memref<4x128xi32, #tpu.memory_space<vmem>> -> memref<1x128xi32, #tpu.memory_space<vmem>>
        %dma_wait3A_374 = tpu.memref_squeeze %dma_wait3A_373 : memref<1x128xi32, #tpu.memory_space<vmem>> -> memref<128xi32, #tpu.memory_space<vmem>>
        %dma_wait3A_375 = arith.constant 0 : i32
        %dma_wait3A_376 = arith.constant 0 : i32
        %dma_wait3A_377 = tpu.memref_slice %arg10[%dma_wait3A_375, %dma_wait3A_376] : memref<10240x128xf32, #tpu.memory_space<vmem_shared>> -> memref<10240x128xf32, #tpu.memory_space<vmem_shared>>
        tpu.wait_indirect_dma semaphore(%arg17 : memref<!tpu.dma_semaphore, #tpu.memory_space<semaphore_mem>>) src(%dma_wait3A_371 : memref<128x128xf32, #tpu.memory_space<vmem>>) dst(%dma_wait3A_377 : memref<10240x128xf32, #tpu.memory_space<vmem_shared>>)
      } else {
      }
      %dma_start3A_102 = arith.constant 0 : i32
      %dma_start3A_103 = arith.constant 0 : i32
      %dma_start3A_104 = arith.constant 0 : i32
      %dma_start3A_105 = arith.constant 0 : i32
      %dma_start3A_106 = tpu.memref_slice %arg9[%dma_start3A_103, %dma_start3A_104, %dma_start3A_105] : memref<2x128x128xf32, #tpu.memory_space<vmem>> -> memref<1x128x128xf32, #tpu.memory_space<vmem>>
      %dma_start3A_107 = tpu.memref_squeeze %dma_start3A_106 : memref<1x128x128xf32, #tpu.memory_space<vmem>> -> memref<128x128xf32, #tpu.memory_space<vmem>>
      %dma_start3A_108 = arith.constant 0 : i32
      %dma_start3A_109 = tpu.memref_slice %arg7[%dma_start3A_102, %dma_start3A_108] : memref<4x128xi32, #tpu.memory_space<vmem>> -> memref<1x128xi32, #tpu.memory_space<vmem>>
      %dma_start3A_110 = tpu.memref_squeeze %dma_start3A_109 : memref<1x128xi32, #tpu.memory_space<vmem>> -> memref<128xi32, #tpu.memory_space<vmem>>
      %dma_start3A_111 = arith.constant 0 : i32
      %dma_start3A_112 = arith.constant 0 : i32
      %dma_start3A_113 = tpu.memref_slice %arg2[%dma_start3A_111, %dma_start3A_112] : memref<10240x128xf32, #tpu.memory_space<hbm>> -> memref<10240x128xf32, #tpu.memory_space<hbm>>
      tpu.enqueue_indirect_dma source(%dma_start3A_113 : memref<10240x128xf32, #tpu.memory_space<hbm>>) target(%dma_start3A_107 : memref<128x128xf32, #tpu.memory_space<vmem>>) offsets(%dma_start3A_110 : memref<128xi32, #tpu.memory_space<vmem>>) semaphore(%arg15 : memref<!tpu.dma_semaphore, #tpu.memory_space<semaphore_mem>>)
      %dma_wait3A_114 = arith.constant 0 : i32
      %dma_wait3A_115 = arith.constant 0 : i32
      %dma_wait3A_116 = arith.constant 0 : i32
      %dma_wait3A_117 = arith.constant 0 : i32
      %dma_wait3A_118 = tpu.memref_slice %arg9[%dma_wait3A_115, %dma_wait3A_116, %dma_wait3A_117] : memref<2x128x128xf32, #tpu.memory_space<vmem>> -> memref<1x128x128xf32, #tpu.memory_space<vmem>>
      %dma_wait3A_119 = tpu.memref_squeeze %dma_wait3A_118 : memref<1x128x128xf32, #tpu.memory_space<vmem>> -> memref<128x128xf32, #tpu.memory_space<vmem>>
      %dma_wait3A_120 = arith.constant 0 : i32
      %dma_wait3A_121 = tpu.memref_slice %arg7[%dma_wait3A_114, %dma_wait3A_120] : memref<4x128xi32, #tpu.memory_space<vmem>> -> memref<1x128xi32, #tpu.memory_space<vmem>>
      %dma_wait3A_122 = tpu.memref_squeeze %dma_wait3A_121 : memref<1x128xi32, #tpu.memory_space<vmem>> -> memref<128xi32, #tpu.memory_space<vmem>>
      %dma_wait3A_123 = arith.constant 0 : i32
      %dma_wait3A_124 = arith.constant 0 : i32
      %dma_wait3A_125 = tpu.memref_slice %arg2[%dma_wait3A_123, %dma_wait3A_124] : memref<10240x128xf32, #tpu.memory_space<hbm>> -> memref<10240x128xf32, #tpu.memory_space<hbm>>
      tpu.wait_indirect_dma semaphore(%arg15 : memref<!tpu.dma_semaphore, #tpu.memory_space<semaphore_mem>>) src(%dma_wait3A_125 : memref<10240x128xf32, #tpu.memory_space<hbm>>) dst(%dma_wait3A_119 : memref<128x128xf32, #tpu.memory_space<vmem>>)
      %dma_start3A_126 = arith.constant 0 : i32
      %dma_start3A_127 = arith.constant 0 : i32
      %dma_start3A_128 = arith.constant 0 : i32
      %dma_start3A_129 = arith.constant 0 : i32
      %dma_start3A_130 = tpu.memref_slice %arg9[%dma_start3A_126, %dma_start3A_128, %dma_start3A_129] : memref<2x128x128xf32, #tpu.memory_space<vmem>> -> memref<1x128x128xf32, #tpu.memory_space<vmem>>
      %dma_start3A_131 = tpu.memref_squeeze %dma_start3A_130 : memref<1x128x128xf32, #tpu.memory_space<vmem>> -> memref<128x128xf32, #tpu.memory_space<vmem>>
      %dma_start3A_132 = arith.constant 0 : i32
      %dma_start3A_133 = tpu.memref_slice %arg8[%dma_start3A_127, %dma_start3A_132] : memref<4x128xi32, #tpu.memory_space<vmem>> -> memref<1x128xi32, #tpu.memory_space<vmem>>
      %dma_start3A_134 = tpu.memref_squeeze %dma_start3A_133 : memref<1x128xi32, #tpu.memory_space<vmem>> -> memref<128xi32, #tpu.memory_space<vmem>>
      %dma_start3A_135 = arith.constant 0 : i32
      %dma_start3A_136 = arith.constant 0 : i32
      %dma_start3A_137 = tpu.memref_slice %arg10[%dma_start3A_135, %dma_start3A_136] : memref<10240x128xf32, #tpu.memory_space<vmem_shared>> -> memref<10240x128xf32, #tpu.memory_space<vmem_shared>>
      tpu.enqueue_indirect_dma source(%dma_start3A_131 : memref<128x128xf32, #tpu.memory_space<vmem>>) target(%dma_start3A_137 : memref<10240x128xf32, #tpu.memory_space<vmem_shared>>) offsets(%dma_start3A_134 : memref<128xi32, #tpu.memory_space<vmem>>) semaphore(%arg17 : memref<!tpu.dma_semaphore, #tpu.memory_space<semaphore_mem>>) {add = true}
      %add3A_138 = arith.constant 1 : i32
      %add3A_139 = arith.addi %mul3A_67, %add3A_138 : i32
      %dma_wait3A_140 = arith.constant 0 : i32
      %dma_wait3A_141 = arith.constant 1 : i32
      %dma_wait3A_142 = arith.constant 0 : i32
      %dma_wait3A_143 = tpu.memref_slice %arg7[%dma_wait3A_141, %dma_wait3A_142] : memref<4x128xi32, #tpu.memory_space<vmem>> -> memref<1x128xi32, #tpu.memory_space<vmem>>
      %dma_wait3A_144 = tpu.memref_squeeze %dma_wait3A_143 : memref<1x128xi32, #tpu.memory_space<vmem>> -> memref<128xi32, #tpu.memory_space<vmem>>
      %dma_wait3A_145 = arith.constant 0 : i32
      %dma_wait3A_146 = tpu.memref_slice %arg3[%add3A, %dma_wait3A_140, %dma_wait3A_145] : memref<32x80x128xi32, #tpu.memory_space<hbm>> -> memref<1x1x128xi32, #tpu.memory_space<hbm>>
      %dma_wait3A_147 = tpu.memref_squeeze %dma_wait3A_146 : memref<1x1x128xi32, #tpu.memory_space<hbm>> -> memref<128xi32, #tpu.memory_space<hbm>>
      %dma_wait3A_148 = arith.constant 0 : i32
      %dma_wait3A_149 = tpu.memref_slice %arg7[%dma_wait3A_141, %dma_wait3A_148] : memref<4x128xi32, #tpu.memory_space<vmem>> -> memref<1x128xi32, #tpu.memory_space<vmem>>
      %dma_wait3A_150 = tpu.memref_squeeze %dma_wait3A_149 : memref<1x128xi32, #tpu.memory_space<vmem>> -> memref<128xi32, #tpu.memory_space<vmem>>
      %dma_wait3A_151 = arith.constant 0 : i32
      %dma_wait3A_152 = tpu.memref_slice %arg3[%add3A, %dma_wait3A_140, %dma_wait3A_151] : memref<32x80x128xi32, #tpu.memory_space<hbm>> -> memref<1x1x128xi32, #tpu.memory_space<hbm>>
      %dma_wait3A_153 = tpu.memref_squeeze %dma_wait3A_152 : memref<1x1x128xi32, #tpu.memory_space<hbm>> -> memref<128xi32, #tpu.memory_space<hbm>>
      tpu.wait_dma2 semaphore(%arg12 : memref<!tpu.dma_semaphore, #tpu.memory_space<semaphore_mem>>) src(%dma_wait3A_153 : memref<128xi32, #tpu.memory_space<hbm>>) dst(%dma_wait3A_150 : memref<128xi32, #tpu.memory_space<vmem>>)
      %dma_wait3A_154 = arith.constant 0 : i32
      %dma_wait3A_155 = arith.constant 1 : i32
      %dma_wait3A_156 = arith.constant 0 : i32
      %dma_wait3A_157 = tpu.memref_slice %arg8[%dma_wait3A_155, %dma_wait3A_156] : memref<4x128xi32, #tpu.memory_space<vmem>> -> memref<1x128xi32, #tpu.memory_space<vmem>>
      %dma_wait3A_158 = tpu.memref_squeeze %dma_wait3A_157 : memref<1x128xi32, #tpu.memory_space<vmem>> -> memref<128xi32, #tpu.memory_space<vmem>>
      %dma_wait3A_159 = arith.constant 0 : i32
      %dma_wait3A_160 = tpu.memref_slice %arg4[%add3A, %dma_wait3A_154, %dma_wait3A_159] : memref<32x80x128xi32, #tpu.memory_space<hbm>> -> memref<1x1x128xi32, #tpu.memory_space<hbm>>
      %dma_wait3A_161 = tpu.memref_squeeze %dma_wait3A_160 : memref<1x1x128xi32, #tpu.memory_space<hbm>> -> memref<128xi32, #tpu.memory_space<hbm>>
      %dma_wait3A_162 = arith.constant 0 : i32
      %dma_wait3A_163 = tpu.memref_slice %arg8[%dma_wait3A_155, %dma_wait3A_162] : memref<4x128xi32, #tpu.memory_space<vmem>> -> memref<1x128xi32, #tpu.memory_space<vmem>>
      %dma_wait3A_164 = tpu.memref_squeeze %dma_wait3A_163 : memref<1x128xi32, #tpu.memory_space<vmem>> -> memref<128xi32, #tpu.memory_space<vmem>>
      %dma_wait3A_165 = arith.constant 0 : i32
      %dma_wait3A_166 = tpu.memref_slice %arg4[%add3A, %dma_wait3A_154, %dma_wait3A_165] : memref<32x80x128xi32, #tpu.memory_space<hbm>> -> memref<1x1x128xi32, #tpu.memory_space<hbm>>
      %dma_wait3A_167 = tpu.memref_squeeze %dma_wait3A_166 : memref<1x1x128xi32, #tpu.memory_space<hbm>> -> memref<128xi32, #tpu.memory_space<hbm>>
      tpu.wait_dma2 semaphore(%arg12 : memref<!tpu.dma_semaphore, #tpu.memory_space<semaphore_mem>>) src(%dma_wait3A_167 : memref<128xi32, #tpu.memory_space<hbm>>) dst(%dma_wait3A_164 : memref<128xi32, #tpu.memory_space<vmem>>)
      %lt3A_168 = arith.constant 79 : i32
      %lt3A_169 = arith.cmpi slt, %add3A_139, %lt3A_168 : i32
      %convert_element_type3A_170 = arith.extui %lt3A_169 : i1 to i32
      %cond3A_171 = arith.constant 0 : i32
      %cond3A_172 = arith.cmpi ne, %convert_element_type3A_170, %cond3A_171 : i32
      scf.if %cond3A_172 {
        %add3A_366 = arith.constant 1 : i32
        %add3A_367 = arith.addi %add3A_139, %add3A_366 : i32
        %dma_start3A_368 = arith.constant 2 : i32
        %dma_start3A_369 = arith.constant 0 : i32
        %dma_start3A_370 = tpu.memref_slice %arg7[%dma_start3A_368, %dma_start3A_369] : memref<4x128xi32, #tpu.memory_space<vmem>> -> memref<1x128xi32, #tpu.memory_space<vmem>>
        %dma_start3A_371 = tpu.memref_squeeze %dma_start3A_370 : memref<1x128xi32, #tpu.memory_space<vmem>> -> memref<128xi32, #tpu.memory_space<vmem>>
        %dma_start3A_372 = arith.constant 0 : i32
        %dma_start3A_373 = tpu.memref_slice %arg3[%add3A, %add3A_367, %dma_start3A_372] : memref<32x80x128xi32, #tpu.memory_space<hbm>> -> memref<1x1x128xi32, #tpu.memory_space<hbm>>
        %dma_start3A_374 = tpu.memref_squeeze %dma_start3A_373 : memref<1x1x128xi32, #tpu.memory_space<hbm>> -> memref<128xi32, #tpu.memory_space<hbm>>
        %dma_start3A_375 = arith.constant 0 : i32
        %dma_start3A_376 = tpu.memref_slice %arg7[%dma_start3A_368, %dma_start3A_375] : memref<4x128xi32, #tpu.memory_space<vmem>> -> memref<1x128xi32, #tpu.memory_space<vmem>>
        %dma_start3A_377 = tpu.memref_squeeze %dma_start3A_376 : memref<1x128xi32, #tpu.memory_space<vmem>> -> memref<128xi32, #tpu.memory_space<vmem>>
        %dma_start3A_378 = arith.constant 0 : i32
        %dma_start3A_379 = tpu.memref_slice %arg3[%add3A, %add3A_367, %dma_start3A_378] : memref<32x80x128xi32, #tpu.memory_space<hbm>> -> memref<1x1x128xi32, #tpu.memory_space<hbm>>
        %dma_start3A_380 = tpu.memref_squeeze %dma_start3A_379 : memref<1x1x128xi32, #tpu.memory_space<hbm>> -> memref<128xi32, #tpu.memory_space<hbm>>
        tpu.enqueue_dma source(%dma_start3A_380 : memref<128xi32, #tpu.memory_space<hbm>>) target(%dma_start3A_377 : memref<128xi32, #tpu.memory_space<vmem>>) target_semaphore(%arg13 : memref<!tpu.dma_semaphore, #tpu.memory_space<semaphore_mem>>)
        %dma_start3A_381 = arith.constant 2 : i32
        %dma_start3A_382 = arith.constant 0 : i32
        %dma_start3A_383 = tpu.memref_slice %arg8[%dma_start3A_381, %dma_start3A_382] : memref<4x128xi32, #tpu.memory_space<vmem>> -> memref<1x128xi32, #tpu.memory_space<vmem>>
        %dma_start3A_384 = tpu.memref_squeeze %dma_start3A_383 : memref<1x128xi32, #tpu.memory_space<vmem>> -> memref<128xi32, #tpu.memory_space<vmem>>
        %dma_start3A_385 = arith.constant 0 : i32
        %dma_start3A_386 = tpu.memref_slice %arg4[%add3A, %add3A_367, %dma_start3A_385] : memref<32x80x128xi32, #tpu.memory_space<hbm>> -> memref<1x1x128xi32, #tpu.memory_space<hbm>>
        %dma_start3A_387 = tpu.memref_squeeze %dma_start3A_386 : memref<1x1x128xi32, #tpu.memory_space<hbm>> -> memref<128xi32, #tpu.memory_space<hbm>>
        %dma_start3A_388 = arith.constant 0 : i32
        %dma_start3A_389 = tpu.memref_slice %arg8[%dma_start3A_381, %dma_start3A_388] : memref<4x128xi32, #tpu.memory_space<vmem>> -> memref<1x128xi32, #tpu.memory_space<vmem>>
        %dma_start3A_390 = tpu.memref_squeeze %dma_start3A_389 : memref<1x128xi32, #tpu.memory_space<vmem>> -> memref<128xi32, #tpu.memory_space<vmem>>
        %dma_start3A_391 = arith.constant 0 : i32
        %dma_start3A_392 = tpu.memref_slice %arg4[%add3A, %add3A_367, %dma_start3A_391] : memref<32x80x128xi32, #tpu.memory_space<hbm>> -> memref<1x1x128xi32, #tpu.memory_space<hbm>>
        %dma_start3A_393 = tpu.memref_squeeze %dma_start3A_392 : memref<1x1x128xi32, #tpu.memory_space<hbm>> -> memref<128xi32, #tpu.memory_space<hbm>>
        tpu.enqueue_dma source(%dma_start3A_393 : memref<128xi32, #tpu.memory_space<hbm>>) target(%dma_start3A_390 : memref<128xi32, #tpu.memory_space<vmem>>) target_semaphore(%arg13 : memref<!tpu.dma_semaphore, #tpu.memory_space<semaphore_mem>>)
      } else {
      }
      %ge3A_173 = arith.constant 2 : i32
      %ge3A_174 = arith.cmpi sge, %add3A_139, %ge3A_173 : i32
      %convert_element_type3A_175 = arith.extui %ge3A_174 : i1 to i32
      %cond3A_176 = arith.constant 0 : i32
      %cond3A_177 = arith.cmpi ne, %convert_element_type3A_175, %cond3A_176 : i32
      scf.if %cond3A_177 {
        %dma_wait3A_366 = arith.constant 1 : i32
        %dma_wait3A_367 = arith.constant 1 : i32
        %dma_wait3A_368 = arith.constant 0 : i32
        %dma_wait3A_369 = arith.constant 0 : i32
        %dma_wait3A_370 = tpu.memref_slice %arg9[%dma_wait3A_366, %dma_wait3A_368, %dma_wait3A_369] : memref<2x128x128xf32, #tpu.memory_space<vmem>> -> memref<1x128x128xf32, #tpu.memory_space<vmem>>
        %dma_wait3A_371 = tpu.memref_squeeze %dma_wait3A_370 : memref<1x128x128xf32, #tpu.memory_space<vmem>> -> memref<128x128xf32, #tpu.memory_space<vmem>>
        %dma_wait3A_372 = arith.constant 0 : i32
        %dma_wait3A_373 = tpu.memref_slice %arg8[%dma_wait3A_367, %dma_wait3A_372] : memref<4x128xi32, #tpu.memory_space<vmem>> -> memref<1x128xi32, #tpu.memory_space<vmem>>
        %dma_wait3A_374 = tpu.memref_squeeze %dma_wait3A_373 : memref<1x128xi32, #tpu.memory_space<vmem>> -> memref<128xi32, #tpu.memory_space<vmem>>
        %dma_wait3A_375 = arith.constant 0 : i32
        %dma_wait3A_376 = arith.constant 0 : i32
        %dma_wait3A_377 = tpu.memref_slice %arg10[%dma_wait3A_375, %dma_wait3A_376] : memref<10240x128xf32, #tpu.memory_space<vmem_shared>> -> memref<10240x128xf32, #tpu.memory_space<vmem_shared>>
        tpu.wait_indirect_dma semaphore(%arg18 : memref<!tpu.dma_semaphore, #tpu.memory_space<semaphore_mem>>) src(%dma_wait3A_371 : memref<128x128xf32, #tpu.memory_space<vmem>>) dst(%dma_wait3A_377 : memref<10240x128xf32, #tpu.memory_space<vmem_shared>>)
      } else {
      }
      %dma_start3A_178 = arith.constant 1 : i32
      %dma_start3A_179 = arith.constant 1 : i32
      %dma_start3A_180 = arith.constant 0 : i32
      %dma_start3A_181 = arith.constant 0 : i32
      %dma_start3A_182 = tpu.memref_slice %arg9[%dma_start3A_179, %dma_start3A_180, %dma_start3A_181] : memref<2x128x128xf32, #tpu.memory_space<vmem>> -> memref<1x128x128xf32, #tpu.memory_space<vmem>>
      %dma_start3A_183 = tpu.memref_squeeze %dma_start3A_182 : memref<1x128x128xf32, #tpu.memory_space<vmem>> -> memref<128x128xf32, #tpu.memory_space<vmem>>
      %dma_start3A_184 = arith.constant 0 : i32
      %dma_start3A_185 = tpu.memref_slice %arg7[%dma_start3A_178, %dma_start3A_184] : memref<4x128xi32, #tpu.memory_space<vmem>> -> memref<1x128xi32, #tpu.memory_space<vmem>>
      %dma_start3A_186 = tpu.memref_squeeze %dma_start3A_185 : memref<1x128xi32, #tpu.memory_space<vmem>> -> memref<128xi32, #tpu.memory_space<vmem>>
      %dma_start3A_187 = arith.constant 0 : i32
      %dma_start3A_188 = arith.constant 0 : i32
      %dma_start3A_189 = tpu.memref_slice %arg2[%dma_start3A_187, %dma_start3A_188] : memref<10240x128xf32, #tpu.memory_space<hbm>> -> memref<10240x128xf32, #tpu.memory_space<hbm>>
      tpu.enqueue_indirect_dma source(%dma_start3A_189 : memref<10240x128xf32, #tpu.memory_space<hbm>>) target(%dma_start3A_183 : memref<128x128xf32, #tpu.memory_space<vmem>>) offsets(%dma_start3A_186 : memref<128xi32, #tpu.memory_space<vmem>>) semaphore(%arg16 : memref<!tpu.dma_semaphore, #tpu.memory_space<semaphore_mem>>)
      %dma_wait3A_190 = arith.constant 1 : i32
      %dma_wait3A_191 = arith.constant 1 : i32
      %dma_wait3A_192 = arith.constant 0 : i32
      %dma_wait3A_193 = arith.constant 0 : i32
      %dma_wait3A_194 = tpu.memref_slice %arg9[%dma_wait3A_191, %dma_wait3A_192, %dma_wait3A_193] : memref<2x128x128xf32, #tpu.memory_space<vmem>> -> memref<1x128x128xf32, #tpu.memory_space<vmem>>
      %dma_wait3A_195 = tpu.memref_squeeze %dma_wait3A_194 : memref<1x128x128xf32, #tpu.memory_space<vmem>> -> memref<128x128xf32, #tpu.memory_space<vmem>>
      %dma_wait3A_196 = arith.constant 0 : i32
      %dma_wait3A_197 = tpu.memref_slice %arg7[%dma_wait3A_190, %dma_wait3A_196] : memref<4x128xi32, #tpu.memory_space<vmem>> -> memref<1x128xi32, #tpu.memory_space<vmem>>
      %dma_wait3A_198 = tpu.memref_squeeze %dma_wait3A_197 : memref<1x128xi32, #tpu.memory_space<vmem>> -> memref<128xi32, #tpu.memory_space<vmem>>
      %dma_wait3A_199 = arith.constant 0 : i32
      %dma_wait3A_200 = arith.constant 0 : i32
      %dma_wait3A_201 = tpu.memref_slice %arg2[%dma_wait3A_199, %dma_wait3A_200] : memref<10240x128xf32, #tpu.memory_space<hbm>> -> memref<10240x128xf32, #tpu.memory_space<hbm>>
      tpu.wait_indirect_dma semaphore(%arg16 : memref<!tpu.dma_semaphore, #tpu.memory_space<semaphore_mem>>) src(%dma_wait3A_201 : memref<10240x128xf32, #tpu.memory_space<hbm>>) dst(%dma_wait3A_195 : memref<128x128xf32, #tpu.memory_space<vmem>>)
      %dma_start3A_202 = arith.constant 1 : i32
      %dma_start3A_203 = arith.constant 1 : i32
      %dma_start3A_204 = arith.constant 0 : i32
      %dma_start3A_205 = arith.constant 0 : i32
      %dma_start3A_206 = tpu.memref_slice %arg9[%dma_start3A_202, %dma_start3A_204, %dma_start3A_205] : memref<2x128x128xf32, #tpu.memory_space<vmem>> -> memref<1x128x128xf32, #tpu.memory_space<vmem>>
      %dma_start3A_207 = tpu.memref_squeeze %dma_start3A_206 : memref<1x128x128xf32, #tpu.memory_space<vmem>> -> memref<128x128xf32, #tpu.memory_space<vmem>>
      %dma_start3A_208 = arith.constant 0 : i32
      %dma_start3A_209 = tpu.memref_slice %arg8[%dma_start3A_203, %dma_start3A_208] : memref<4x128xi32, #tpu.memory_space<vmem>> -> memref<1x128xi32, #tpu.memory_space<vmem>>
      %dma_start3A_210 = tpu.memref_squeeze %dma_start3A_209 : memref<1x128xi32, #tpu.memory_space<vmem>> -> memref<128xi32, #tpu.memory_space<vmem>>
      %dma_start3A_211 = arith.constant 0 : i32
      %dma_start3A_212 = arith.constant 0 : i32
      %dma_start3A_213 = tpu.memref_slice %arg10[%dma_start3A_211, %dma_start3A_212] : memref<10240x128xf32, #tpu.memory_space<vmem_shared>> -> memref<10240x128xf32, #tpu.memory_space<vmem_shared>>
      tpu.enqueue_indirect_dma source(%dma_start3A_207 : memref<128x128xf32, #tpu.memory_space<vmem>>) target(%dma_start3A_213 : memref<10240x128xf32, #tpu.memory_space<vmem_shared>>) offsets(%dma_start3A_210 : memref<128xi32, #tpu.memory_space<vmem>>) semaphore(%arg18 : memref<!tpu.dma_semaphore, #tpu.memory_space<semaphore_mem>>) {add = true}
      %add3A_214 = arith.constant 2 : i32
      %add3A_215 = arith.addi %mul3A_67, %add3A_214 : i32
      %dma_wait3A_216 = arith.constant 0 : i32
      %dma_wait3A_217 = arith.constant 2 : i32
      %dma_wait3A_218 = arith.constant 0 : i32
      %dma_wait3A_219 = tpu.memref_slice %arg7[%dma_wait3A_217, %dma_wait3A_218] : memref<4x128xi32, #tpu.memory_space<vmem>> -> memref<1x128xi32, #tpu.memory_space<vmem>>
      %dma_wait3A_220 = tpu.memref_squeeze %dma_wait3A_219 : memref<1x128xi32, #tpu.memory_space<vmem>> -> memref<128xi32, #tpu.memory_space<vmem>>
      %dma_wait3A_221 = arith.constant 0 : i32
      %dma_wait3A_222 = tpu.memref_slice %arg3[%add3A, %dma_wait3A_216, %dma_wait3A_221] : memref<32x80x128xi32, #tpu.memory_space<hbm>> -> memref<1x1x128xi32, #tpu.memory_space<hbm>>
      %dma_wait3A_223 = tpu.memref_squeeze %dma_wait3A_222 : memref<1x1x128xi32, #tpu.memory_space<hbm>> -> memref<128xi32, #tpu.memory_space<hbm>>
      %dma_wait3A_224 = arith.constant 0 : i32
      %dma_wait3A_225 = tpu.memref_slice %arg7[%dma_wait3A_217, %dma_wait3A_224] : memref<4x128xi32, #tpu.memory_space<vmem>> -> memref<1x128xi32, #tpu.memory_space<vmem>>
      %dma_wait3A_226 = tpu.memref_squeeze %dma_wait3A_225 : memref<1x128xi32, #tpu.memory_space<vmem>> -> memref<128xi32, #tpu.memory_space<vmem>>
      %dma_wait3A_227 = arith.constant 0 : i32
      %dma_wait3A_228 = tpu.memref_slice %arg3[%add3A, %dma_wait3A_216, %dma_wait3A_227] : memref<32x80x128xi32, #tpu.memory_space<hbm>> -> memref<1x1x128xi32, #tpu.memory_space<hbm>>
      %dma_wait3A_229 = tpu.memref_squeeze %dma_wait3A_228 : memref<1x1x128xi32, #tpu.memory_space<hbm>> -> memref<128xi32, #tpu.memory_space<hbm>>
      tpu.wait_dma2 semaphore(%arg13 : memref<!tpu.dma_semaphore, #tpu.memory_space<semaphore_mem>>) src(%dma_wait3A_229 : memref<128xi32, #tpu.memory_space<hbm>>) dst(%dma_wait3A_226 : memref<128xi32, #tpu.memory_space<vmem>>)
      %dma_wait3A_230 = arith.constant 0 : i32
      %dma_wait3A_231 = arith.constant 2 : i32
      %dma_wait3A_232 = arith.constant 0 : i32
      %dma_wait3A_233 = tpu.memref_slice %arg8[%dma_wait3A_231, %dma_wait3A_232] : memref<4x128xi32, #tpu.memory_space<vmem>> -> memref<1x128xi32, #tpu.memory_space<vmem>>
      %dma_wait3A_234 = tpu.memref_squeeze %dma_wait3A_233 : memref<1x128xi32, #tpu.memory_space<vmem>> -> memref<128xi32, #tpu.memory_space<vmem>>
      %dma_wait3A_235 = arith.constant 0 : i32
      %dma_wait3A_236 = tpu.memref_slice %arg4[%add3A, %dma_wait3A_230, %dma_wait3A_235] : memref<32x80x128xi32, #tpu.memory_space<hbm>> -> memref<1x1x128xi32, #tpu.memory_space<hbm>>
      %dma_wait3A_237 = tpu.memref_squeeze %dma_wait3A_236 : memref<1x1x128xi32, #tpu.memory_space<hbm>> -> memref<128xi32, #tpu.memory_space<hbm>>
      %dma_wait3A_238 = arith.constant 0 : i32
      %dma_wait3A_239 = tpu.memref_slice %arg8[%dma_wait3A_231, %dma_wait3A_238] : memref<4x128xi32, #tpu.memory_space<vmem>> -> memref<1x128xi32, #tpu.memory_space<vmem>>
      %dma_wait3A_240 = tpu.memref_squeeze %dma_wait3A_239 : memref<1x128xi32, #tpu.memory_space<vmem>> -> memref<128xi32, #tpu.memory_space<vmem>>
      %dma_wait3A_241 = arith.constant 0 : i32
      %dma_wait3A_242 = tpu.memref_slice %arg4[%add3A, %dma_wait3A_230, %dma_wait3A_241] : memref<32x80x128xi32, #tpu.memory_space<hbm>> -> memref<1x1x128xi32, #tpu.memory_space<hbm>>
      %dma_wait3A_243 = tpu.memref_squeeze %dma_wait3A_242 : memref<1x1x128xi32, #tpu.memory_space<hbm>> -> memref<128xi32, #tpu.memory_space<hbm>>
      tpu.wait_dma2 semaphore(%arg13 : memref<!tpu.dma_semaphore, #tpu.memory_space<semaphore_mem>>) src(%dma_wait3A_243 : memref<128xi32, #tpu.memory_space<hbm>>) dst(%dma_wait3A_240 : memref<128xi32, #tpu.memory_space<vmem>>)
      %lt3A_244 = arith.constant 79 : i32
      %lt3A_245 = arith.cmpi slt, %add3A_215, %lt3A_244 : i32
      %convert_element_type3A_246 = arith.extui %lt3A_245 : i1 to i32
      %cond3A_247 = arith.constant 0 : i32
      %cond3A_248 = arith.cmpi ne, %convert_element_type3A_246, %cond3A_247 : i32
      scf.if %cond3A_248 {
        %add3A_366 = arith.constant 1 : i32
        %add3A_367 = arith.addi %add3A_215, %add3A_366 : i32
        %dma_start3A_368 = arith.constant 3 : i32
        %dma_start3A_369 = arith.constant 0 : i32
        %dma_start3A_370 = tpu.memref_slice %arg7[%dma_start3A_368, %dma_start3A_369] : memref<4x128xi32, #tpu.memory_space<vmem>> -> memref<1x128xi32, #tpu.memory_space<vmem>>
        %dma_start3A_371 = tpu.memref_squeeze %dma_start3A_370 : memref<1x128xi32, #tpu.memory_space<vmem>> -> memref<128xi32, #tpu.memory_space<vmem>>
        %dma_start3A_372 = arith.constant 0 : i32
        %dma_start3A_373 = tpu.memref_slice %arg3[%add3A, %add3A_367, %dma_start3A_372] : memref<32x80x128xi32, #tpu.memory_space<hbm>> -> memref<1x1x128xi32, #tpu.memory_space<hbm>>
        %dma_start3A_374 = tpu.memref_squeeze %dma_start3A_373 : memref<1x1x128xi32, #tpu.memory_space<hbm>> -> memref<128xi32, #tpu.memory_space<hbm>>
        %dma_start3A_375 = arith.constant 0 : i32
        %dma_start3A_376 = tpu.memref_slice %arg7[%dma_start3A_368, %dma_start3A_375] : memref<4x128xi32, #tpu.memory_space<vmem>> -> memref<1x128xi32, #tpu.memory_space<vmem>>
        %dma_start3A_377 = tpu.memref_squeeze %dma_start3A_376 : memref<1x128xi32, #tpu.memory_space<vmem>> -> memref<128xi32, #tpu.memory_space<vmem>>
        %dma_start3A_378 = arith.constant 0 : i32
        %dma_start3A_379 = tpu.memref_slice %arg3[%add3A, %add3A_367, %dma_start3A_378] : memref<32x80x128xi32, #tpu.memory_space<hbm>> -> memref<1x1x128xi32, #tpu.memory_space<hbm>>
        %dma_start3A_380 = tpu.memref_squeeze %dma_start3A_379 : memref<1x1x128xi32, #tpu.memory_space<hbm>> -> memref<128xi32, #tpu.memory_space<hbm>>
        tpu.enqueue_dma source(%dma_start3A_380 : memref<128xi32, #tpu.memory_space<hbm>>) target(%dma_start3A_377 : memref<128xi32, #tpu.memory_space<vmem>>) target_semaphore(%arg14 : memref<!tpu.dma_semaphore, #tpu.memory_space<semaphore_mem>>)
        %dma_start3A_381 = arith.constant 3 : i32
        %dma_start3A_382 = arith.constant 0 : i32
        %dma_start3A_383 = tpu.memref_slice %arg8[%dma_start3A_381, %dma_start3A_382] : memref<4x128xi32, #tpu.memory_space<vmem>> -> memref<1x128xi32, #tpu.memory_space<vmem>>
        %dma_start3A_384 = tpu.memref_squeeze %dma_start3A_383 : memref<1x128xi32, #tpu.memory_space<vmem>> -> memref<128xi32, #tpu.memory_space<vmem>>
        %dma_start3A_385 = arith.constant 0 : i32
        %dma_start3A_386 = tpu.memref_slice %arg4[%add3A, %add3A_367, %dma_start3A_385] : memref<32x80x128xi32, #tpu.memory_space<hbm>> -> memref<1x1x128xi32, #tpu.memory_space<hbm>>
        %dma_start3A_387 = tpu.memref_squeeze %dma_start3A_386 : memref<1x1x128xi32, #tpu.memory_space<hbm>> -> memref<128xi32, #tpu.memory_space<hbm>>
        %dma_start3A_388 = arith.constant 0 : i32
        %dma_start3A_389 = tpu.memref_slice %arg8[%dma_start3A_381, %dma_start3A_388] : memref<4x128xi32, #tpu.memory_space<vmem>> -> memref<1x128xi32, #tpu.memory_space<vmem>>
        %dma_start3A_390 = tpu.memref_squeeze %dma_start3A_389 : memref<1x128xi32, #tpu.memory_space<vmem>> -> memref<128xi32, #tpu.memory_space<vmem>>
        %dma_start3A_391 = arith.constant 0 : i32
        %dma_start3A_392 = tpu.memref_slice %arg4[%add3A, %add3A_367, %dma_start3A_391] : memref<32x80x128xi32, #tpu.memory_space<hbm>> -> memref<1x1x128xi32, #tpu.memory_space<hbm>>
        %dma_start3A_393 = tpu.memref_squeeze %dma_start3A_392 : memref<1x1x128xi32, #tpu.memory_space<hbm>> -> memref<128xi32, #tpu.memory_space<hbm>>
        tpu.enqueue_dma source(%dma_start3A_393 : memref<128xi32, #tpu.memory_space<hbm>>) target(%dma_start3A_390 : memref<128xi32, #tpu.memory_space<vmem>>) target_semaphore(%arg14 : memref<!tpu.dma_semaphore, #tpu.memory_space<semaphore_mem>>)
      } else {
      }
      %ge3A_249 = arith.constant 2 : i32
      %ge3A_250 = arith.cmpi sge, %add3A_215, %ge3A_249 : i32
      %convert_element_type3A_251 = arith.extui %ge3A_250 : i1 to i32
      %cond3A_252 = arith.constant 0 : i32
      %cond3A_253 = arith.cmpi ne, %convert_element_type3A_251, %cond3A_252 : i32
      scf.if %cond3A_253 {
        %dma_wait3A_366 = arith.constant 0 : i32
        %dma_wait3A_367 = arith.constant 2 : i32
        %dma_wait3A_368 = arith.constant 0 : i32
        %dma_wait3A_369 = arith.constant 0 : i32
        %dma_wait3A_370 = tpu.memref_slice %arg9[%dma_wait3A_366, %dma_wait3A_368, %dma_wait3A_369] : memref<2x128x128xf32, #tpu.memory_space<vmem>> -> memref<1x128x128xf32, #tpu.memory_space<vmem>>
        %dma_wait3A_371 = tpu.memref_squeeze %dma_wait3A_370 : memref<1x128x128xf32, #tpu.memory_space<vmem>> -> memref<128x128xf32, #tpu.memory_space<vmem>>
        %dma_wait3A_372 = arith.constant 0 : i32
        %dma_wait3A_373 = tpu.memref_slice %arg8[%dma_wait3A_367, %dma_wait3A_372] : memref<4x128xi32, #tpu.memory_space<vmem>> -> memref<1x128xi32, #tpu.memory_space<vmem>>
        %dma_wait3A_374 = tpu.memref_squeeze %dma_wait3A_373 : memref<1x128xi32, #tpu.memory_space<vmem>> -> memref<128xi32, #tpu.memory_space<vmem>>
        %dma_wait3A_375 = arith.constant 0 : i32
        %dma_wait3A_376 = arith.constant 0 : i32
        %dma_wait3A_377 = tpu.memref_slice %arg10[%dma_wait3A_375, %dma_wait3A_376] : memref<10240x128xf32, #tpu.memory_space<vmem_shared>> -> memref<10240x128xf32, #tpu.memory_space<vmem_shared>>
        tpu.wait_indirect_dma semaphore(%arg17 : memref<!tpu.dma_semaphore, #tpu.memory_space<semaphore_mem>>) src(%dma_wait3A_371 : memref<128x128xf32, #tpu.memory_space<vmem>>) dst(%dma_wait3A_377 : memref<10240x128xf32, #tpu.memory_space<vmem_shared>>)
      } else {
      }
      %dma_start3A_254 = arith.constant 2 : i32
      %dma_start3A_255 = arith.constant 0 : i32
      %dma_start3A_256 = arith.constant 0 : i32
      %dma_start3A_257 = arith.constant 0 : i32
      %dma_start3A_258 = tpu.memref_slice %arg9[%dma_start3A_255, %dma_start3A_256, %dma_start3A_257] : memref<2x128x128xf32, #tpu.memory_space<vmem>> -> memref<1x128x128xf32, #tpu.memory_space<vmem>>
      %dma_start3A_259 = tpu.memref_squeeze %dma_start3A_258 : memref<1x128x128xf32, #tpu.memory_space<vmem>> -> memref<128x128xf32, #tpu.memory_space<vmem>>
      %dma_start3A_260 = arith.constant 0 : i32
      %dma_start3A_261 = tpu.memref_slice %arg7[%dma_start3A_254, %dma_start3A_260] : memref<4x128xi32, #tpu.memory_space<vmem>> -> memref<1x128xi32, #tpu.memory_space<vmem>>
      %dma_start3A_262 = tpu.memref_squeeze %dma_start3A_261 : memref<1x128xi32, #tpu.memory_space<vmem>> -> memref<128xi32, #tpu.memory_space<vmem>>
      %dma_start3A_263 = arith.constant 0 : i32
      %dma_start3A_264 = arith.constant 0 : i32
      %dma_start3A_265 = tpu.memref_slice %arg2[%dma_start3A_263, %dma_start3A_264] : memref<10240x128xf32, #tpu.memory_space<hbm>> -> memref<10240x128xf32, #tpu.memory_space<hbm>>
      tpu.enqueue_indirect_dma source(%dma_start3A_265 : memref<10240x128xf32, #tpu.memory_space<hbm>>) target(%dma_start3A_259 : memref<128x128xf32, #tpu.memory_space<vmem>>) offsets(%dma_start3A_262 : memref<128xi32, #tpu.memory_space<vmem>>) semaphore(%arg15 : memref<!tpu.dma_semaphore, #tpu.memory_space<semaphore_mem>>)
      %dma_wait3A_266 = arith.constant 2 : i32
      %dma_wait3A_267 = arith.constant 0 : i32
      %dma_wait3A_268 = arith.constant 0 : i32
      %dma_wait3A_269 = arith.constant 0 : i32
      %dma_wait3A_270 = tpu.memref_slice %arg9[%dma_wait3A_267, %dma_wait3A_268, %dma_wait3A_269] : memref<2x128x128xf32, #tpu.memory_space<vmem>> -> memref<1x128x128xf32, #tpu.memory_space<vmem>>
      %dma_wait3A_271 = tpu.memref_squeeze %dma_wait3A_270 : memref<1x128x128xf32, #tpu.memory_space<vmem>> -> memref<128x128xf32, #tpu.memory_space<vmem>>
      %dma_wait3A_272 = arith.constant 0 : i32
      %dma_wait3A_273 = tpu.memref_slice %arg7[%dma_wait3A_266, %dma_wait3A_272] : memref<4x128xi32, #tpu.memory_space<vmem>> -> memref<1x128xi32, #tpu.memory_space<vmem>>
      %dma_wait3A_274 = tpu.memref_squeeze %dma_wait3A_273 : memref<1x128xi32, #tpu.memory_space<vmem>> -> memref<128xi32, #tpu.memory_space<vmem>>
      %dma_wait3A_275 = arith.constant 0 : i32
      %dma_wait3A_276 = arith.constant 0 : i32
      %dma_wait3A_277 = tpu.memref_slice %arg2[%dma_wait3A_275, %dma_wait3A_276] : memref<10240x128xf32, #tpu.memory_space<hbm>> -> memref<10240x128xf32, #tpu.memory_space<hbm>>
      tpu.wait_indirect_dma semaphore(%arg15 : memref<!tpu.dma_semaphore, #tpu.memory_space<semaphore_mem>>) src(%dma_wait3A_277 : memref<10240x128xf32, #tpu.memory_space<hbm>>) dst(%dma_wait3A_271 : memref<128x128xf32, #tpu.memory_space<vmem>>)
      %dma_start3A_278 = arith.constant 0 : i32
      %dma_start3A_279 = arith.constant 2 : i32
      %dma_start3A_280 = arith.constant 0 : i32
      %dma_start3A_281 = arith.constant 0 : i32
      %dma_start3A_282 = tpu.memref_slice %arg9[%dma_start3A_278, %dma_start3A_280, %dma_start3A_281] : memref<2x128x128xf32, #tpu.memory_space<vmem>> -> memref<1x128x128xf32, #tpu.memory_space<vmem>>
      %dma_start3A_283 = tpu.memref_squeeze %dma_start3A_282 : memref<1x128x128xf32, #tpu.memory_space<vmem>> -> memref<128x128xf32, #tpu.memory_space<vmem>>
      %dma_start3A_284 = arith.constant 0 : i32
      %dma_start3A_285 = tpu.memref_slice %arg8[%dma_start3A_279, %dma_start3A_284] : memref<4x128xi32, #tpu.memory_space<vmem>> -> memref<1x128xi32, #tpu.memory_space<vmem>>
      %dma_start3A_286 = tpu.memref_squeeze %dma_start3A_285 : memref<1x128xi32, #tpu.memory_space<vmem>> -> memref<128xi32, #tpu.memory_space<vmem>>
      %dma_start3A_287 = arith.constant 0 : i32
      %dma_start3A_288 = arith.constant 0 : i32
      %dma_start3A_289 = tpu.memref_slice %arg10[%dma_start3A_287, %dma_start3A_288] : memref<10240x128xf32, #tpu.memory_space<vmem_shared>> -> memref<10240x128xf32, #tpu.memory_space<vmem_shared>>
      tpu.enqueue_indirect_dma source(%dma_start3A_283 : memref<128x128xf32, #tpu.memory_space<vmem>>) target(%dma_start3A_289 : memref<10240x128xf32, #tpu.memory_space<vmem_shared>>) offsets(%dma_start3A_286 : memref<128xi32, #tpu.memory_space<vmem>>) semaphore(%arg17 : memref<!tpu.dma_semaphore, #tpu.memory_space<semaphore_mem>>) {add = true}
      %add3A_290 = arith.constant 3 : i32
      %add3A_291 = arith.addi %mul3A_67, %add3A_290 : i32
      %dma_wait3A_292 = arith.constant 0 : i32
      %dma_wait3A_293 = arith.constant 3 : i32
      %dma_wait3A_294 = arith.constant 0 : i32
      %dma_wait3A_295 = tpu.memref_slice %arg7[%dma_wait3A_293, %dma_wait3A_294] : memref<4x128xi32, #tpu.memory_space<vmem>> -> memref<1x128xi32, #tpu.memory_space<vmem>>
      %dma_wait3A_296 = tpu.memref_squeeze %dma_wait3A_295 : memref<1x128xi32, #tpu.memory_space<vmem>> -> memref<128xi32, #tpu.memory_space<vmem>>
      %dma_wait3A_297 = arith.constant 0 : i32
      %dma_wait3A_298 = tpu.memref_slice %arg3[%add3A, %dma_wait3A_292, %dma_wait3A_297] : memref<32x80x128xi32, #tpu.memory_space<hbm>> -> memref<1x1x128xi32, #tpu.memory_space<hbm>>
      %dma_wait3A_299 = tpu.memref_squeeze %dma_wait3A_298 : memref<1x1x128xi32, #tpu.memory_space<hbm>> -> memref<128xi32, #tpu.memory_space<hbm>>
      %dma_wait3A_300 = arith.constant 0 : i32
      %dma_wait3A_301 = tpu.memref_slice %arg7[%dma_wait3A_293, %dma_wait3A_300] : memref<4x128xi32, #tpu.memory_space<vmem>> -> memref<1x128xi32, #tpu.memory_space<vmem>>
      %dma_wait3A_302 = tpu.memref_squeeze %dma_wait3A_301 : memref<1x128xi32, #tpu.memory_space<vmem>> -> memref<128xi32, #tpu.memory_space<vmem>>
      %dma_wait3A_303 = arith.constant 0 : i32
      %dma_wait3A_304 = tpu.memref_slice %arg3[%add3A, %dma_wait3A_292, %dma_wait3A_303] : memref<32x80x128xi32, #tpu.memory_space<hbm>> -> memref<1x1x128xi32, #tpu.memory_space<hbm>>
      %dma_wait3A_305 = tpu.memref_squeeze %dma_wait3A_304 : memref<1x1x128xi32, #tpu.memory_space<hbm>> -> memref<128xi32, #tpu.memory_space<hbm>>
      tpu.wait_dma2 semaphore(%arg14 : memref<!tpu.dma_semaphore, #tpu.memory_space<semaphore_mem>>) src(%dma_wait3A_305 : memref<128xi32, #tpu.memory_space<hbm>>) dst(%dma_wait3A_302 : memref<128xi32, #tpu.memory_space<vmem>>)
      %dma_wait3A_306 = arith.constant 0 : i32
      %dma_wait3A_307 = arith.constant 3 : i32
      %dma_wait3A_308 = arith.constant 0 : i32
      %dma_wait3A_309 = tpu.memref_slice %arg8[%dma_wait3A_307, %dma_wait3A_308] : memref<4x128xi32, #tpu.memory_space<vmem>> -> memref<1x128xi32, #tpu.memory_space<vmem>>
      %dma_wait3A_310 = tpu.memref_squeeze %dma_wait3A_309 : memref<1x128xi32, #tpu.memory_space<vmem>> -> memref<128xi32, #tpu.memory_space<vmem>>
      %dma_wait3A_311 = arith.constant 0 : i32
      %dma_wait3A_312 = tpu.memref_slice %arg4[%add3A, %dma_wait3A_306, %dma_wait3A_311] : memref<32x80x128xi32, #tpu.memory_space<hbm>> -> memref<1x1x128xi32, #tpu.memory_space<hbm>>
      %dma_wait3A_313 = tpu.memref_squeeze %dma_wait3A_312 : memref<1x1x128xi32, #tpu.memory_space<hbm>> -> memref<128xi32, #tpu.memory_space<hbm>>
      %dma_wait3A_314 = arith.constant 0 : i32
      %dma_wait3A_315 = tpu.memref_slice %arg8[%dma_wait3A_307, %dma_wait3A_314] : memref<4x128xi32, #tpu.memory_space<vmem>> -> memref<1x128xi32, #tpu.memory_space<vmem>>
      %dma_wait3A_316 = tpu.memref_squeeze %dma_wait3A_315 : memref<1x128xi32, #tpu.memory_space<vmem>> -> memref<128xi32, #tpu.memory_space<vmem>>
      %dma_wait3A_317 = arith.constant 0 : i32
      %dma_wait3A_318 = tpu.memref_slice %arg4[%add3A, %dma_wait3A_306, %dma_wait3A_317] : memref<32x80x128xi32, #tpu.memory_space<hbm>> -> memref<1x1x128xi32, #tpu.memory_space<hbm>>
      %dma_wait3A_319 = tpu.memref_squeeze %dma_wait3A_318 : memref<1x1x128xi32, #tpu.memory_space<hbm>> -> memref<128xi32, #tpu.memory_space<hbm>>
      tpu.wait_dma2 semaphore(%arg14 : memref<!tpu.dma_semaphore, #tpu.memory_space<semaphore_mem>>) src(%dma_wait3A_319 : memref<128xi32, #tpu.memory_space<hbm>>) dst(%dma_wait3A_316 : memref<128xi32, #tpu.memory_space<vmem>>)
      %lt3A_320 = arith.constant 79 : i32
      %lt3A_321 = arith.cmpi slt, %add3A_291, %lt3A_320 : i32
      %convert_element_type3A_322 = arith.extui %lt3A_321 : i1 to i32
      %cond3A_323 = arith.constant 0 : i32
      %cond3A_324 = arith.cmpi ne, %convert_element_type3A_322, %cond3A_323 : i32
      scf.if %cond3A_324 {
        %add3A_366 = arith.constant 1 : i32
        %add3A_367 = arith.addi %add3A_291, %add3A_366 : i32
        %dma_start3A_368 = arith.constant 0 : i32
        %dma_start3A_369 = arith.constant 0 : i32
        %dma_start3A_370 = tpu.memref_slice %arg7[%dma_start3A_368, %dma_start3A_369] : memref<4x128xi32, #tpu.memory_space<vmem>> -> memref<1x128xi32, #tpu.memory_space<vmem>>
        %dma_start3A_371 = tpu.memref_squeeze %dma_start3A_370 : memref<1x128xi32, #tpu.memory_space<vmem>> -> memref<128xi32, #tpu.memory_space<vmem>>
        %dma_start3A_372 = arith.constant 0 : i32
        %dma_start3A_373 = tpu.memref_slice %arg3[%add3A, %add3A_367, %dma_start3A_372] : memref<32x80x128xi32, #tpu.memory_space<hbm>> -> memref<1x1x128xi32, #tpu.memory_space<hbm>>
        %dma_start3A_374 = tpu.memref_squeeze %dma_start3A_373 : memref<1x1x128xi32, #tpu.memory_space<hbm>> -> memref<128xi32, #tpu.memory_space<hbm>>
        %dma_start3A_375 = arith.constant 0 : i32
        %dma_start3A_376 = tpu.memref_slice %arg7[%dma_start3A_368, %dma_start3A_375] : memref<4x128xi32, #tpu.memory_space<vmem>> -> memref<1x128xi32, #tpu.memory_space<vmem>>
        %dma_start3A_377 = tpu.memref_squeeze %dma_start3A_376 : memref<1x128xi32, #tpu.memory_space<vmem>> -> memref<128xi32, #tpu.memory_space<vmem>>
        %dma_start3A_378 = arith.constant 0 : i32
        %dma_start3A_379 = tpu.memref_slice %arg3[%add3A, %add3A_367, %dma_start3A_378] : memref<32x80x128xi32, #tpu.memory_space<hbm>> -> memref<1x1x128xi32, #tpu.memory_space<hbm>>
        %dma_start3A_380 = tpu.memref_squeeze %dma_start3A_379 : memref<1x1x128xi32, #tpu.memory_space<hbm>> -> memref<128xi32, #tpu.memory_space<hbm>>
        tpu.enqueue_dma source(%dma_start3A_380 : memref<128xi32, #tpu.memory_space<hbm>>) target(%dma_start3A_377 : memref<128xi32, #tpu.memory_space<vmem>>) target_semaphore(%arg11 : memref<!tpu.dma_semaphore, #tpu.memory_space<semaphore_mem>>)
        %dma_start3A_381 = arith.constant 0 : i32
        %dma_start3A_382 = arith.constant 0 : i32
        %dma_start3A_383 = tpu.memref_slice %arg8[%dma_start3A_381, %dma_start3A_382] : memref<4x128xi32, #tpu.memory_space<vmem>> -> memref<1x128xi32, #tpu.memory_space<vmem>>
        %dma_start3A_384 = tpu.memref_squeeze %dma_start3A_383 : memref<1x128xi32, #tpu.memory_space<vmem>> -> memref<128xi32, #tpu.memory_space<vmem>>
        %dma_start3A_385 = arith.constant 0 : i32
        %dma_start3A_386 = tpu.memref_slice %arg4[%add3A, %add3A_367, %dma_start3A_385] : memref<32x80x128xi32, #tpu.memory_space<hbm>> -> memref<1x1x128xi32, #tpu.memory_space<hbm>>
        %dma_start3A_387 = tpu.memref_squeeze %dma_start3A_386 : memref<1x1x128xi32, #tpu.memory_space<hbm>> -> memref<128xi32, #tpu.memory_space<hbm>>
        %dma_start3A_388 = arith.constant 0 : i32
        %dma_start3A_389 = tpu.memref_slice %arg8[%dma_start3A_381, %dma_start3A_388] : memref<4x128xi32, #tpu.memory_space<vmem>> -> memref<1x128xi32, #tpu.memory_space<vmem>>
        %dma_start3A_390 = tpu.memref_squeeze %dma_start3A_389 : memref<1x128xi32, #tpu.memory_space<vmem>> -> memref<128xi32, #tpu.memory_space<vmem>>
        %dma_start3A_391 = arith.constant 0 : i32
        %dma_start3A_392 = tpu.memref_slice %arg4[%add3A, %add3A_367, %dma_start3A_391] : memref<32x80x128xi32, #tpu.memory_space<hbm>> -> memref<1x1x128xi32, #tpu.memory_space<hbm>>
        %dma_start3A_393 = tpu.memref_squeeze %dma_start3A_392 : memref<1x1x128xi32, #tpu.memory_space<hbm>> -> memref<128xi32, #tpu.memory_space<hbm>>
        tpu.enqueue_dma source(%dma_start3A_393 : memref<128xi32, #tpu.memory_space<hbm>>) target(%dma_start3A_390 : memref<128xi32, #tpu.memory_space<vmem>>) target_semaphore(%arg11 : memref<!tpu.dma_semaphore, #tpu.memory_space<semaphore_mem>>)
      } else {
      }
      %ge3A_325 = arith.constant 2 : i32
      %ge3A_326 = arith.cmpi sge, %add3A_291, %ge3A_325 : i32
      %convert_element_type3A_327 = arith.extui %ge3A_326 : i1 to i32
      %cond3A_328 = arith.constant 0 : i32
      %cond3A_329 = arith.cmpi ne, %convert_element_type3A_327, %cond3A_328 : i32
      scf.if %cond3A_329 {
        %dma_wait3A_366 = arith.constant 1 : i32
        %dma_wait3A_367 = arith.constant 3 : i32
        %dma_wait3A_368 = arith.constant 0 : i32
        %dma_wait3A_369 = arith.constant 0 : i32
        %dma_wait3A_370 = tpu.memref_slice %arg9[%dma_wait3A_366, %dma_wait3A_368, %dma_wait3A_369] : memref<2x128x128xf32, #tpu.memory_space<vmem>> -> memref<1x128x128xf32, #tpu.memory_space<vmem>>
        %dma_wait3A_371 = tpu.memref_squeeze %dma_wait3A_370 : memref<1x128x128xf32, #tpu.memory_space<vmem>> -> memref<128x128xf32, #tpu.memory_space<vmem>>
        %dma_wait3A_372 = arith.constant 0 : i32
        %dma_wait3A_373 = tpu.memref_slice %arg8[%dma_wait3A_367, %dma_wait3A_372] : memref<4x128xi32, #tpu.memory_space<vmem>> -> memref<1x128xi32, #tpu.memory_space<vmem>>
        %dma_wait3A_374 = tpu.memref_squeeze %dma_wait3A_373 : memref<1x128xi32, #tpu.memory_space<vmem>> -> memref<128xi32, #tpu.memory_space<vmem>>
        %dma_wait3A_375 = arith.constant 0 : i32
        %dma_wait3A_376 = arith.constant 0 : i32
        %dma_wait3A_377 = tpu.memref_slice %arg10[%dma_wait3A_375, %dma_wait3A_376] : memref<10240x128xf32, #tpu.memory_space<vmem_shared>> -> memref<10240x128xf32, #tpu.memory_space<vmem_shared>>
        tpu.wait_indirect_dma semaphore(%arg18 : memref<!tpu.dma_semaphore, #tpu.memory_space<semaphore_mem>>) src(%dma_wait3A_371 : memref<128x128xf32, #tpu.memory_space<vmem>>) dst(%dma_wait3A_377 : memref<10240x128xf32, #tpu.memory_space<vmem_shared>>)
      } else {
      }
      %dma_start3A_330 = arith.constant 3 : i32
      %dma_start3A_331 = arith.constant 1 : i32
      %dma_start3A_332 = arith.constant 0 : i32
      %dma_start3A_333 = arith.constant 0 : i32
      %dma_start3A_334 = tpu.memref_slice %arg9[%dma_start3A_331, %dma_start3A_332, %dma_start3A_333] : memref<2x128x128xf32, #tpu.memory_space<vmem>> -> memref<1x128x128xf32, #tpu.memory_space<vmem>>
      %dma_start3A_335 = tpu.memref_squeeze %dma_start3A_334 : memref<1x128x128xf32, #tpu.memory_space<vmem>> -> memref<128x128xf32, #tpu.memory_space<vmem>>
      %dma_start3A_336 = arith.constant 0 : i32
      %dma_start3A_337 = tpu.memref_slice %arg7[%dma_start3A_330, %dma_start3A_336] : memref<4x128xi32, #tpu.memory_space<vmem>> -> memref<1x128xi32, #tpu.memory_space<vmem>>
      %dma_start3A_338 = tpu.memref_squeeze %dma_start3A_337 : memref<1x128xi32, #tpu.memory_space<vmem>> -> memref<128xi32, #tpu.memory_space<vmem>>
      %dma_start3A_339 = arith.constant 0 : i32
      %dma_start3A_340 = arith.constant 0 : i32
      %dma_start3A_341 = tpu.memref_slice %arg2[%dma_start3A_339, %dma_start3A_340] : memref<10240x128xf32, #tpu.memory_space<hbm>> -> memref<10240x128xf32, #tpu.memory_space<hbm>>
      tpu.enqueue_indirect_dma source(%dma_start3A_341 : memref<10240x128xf32, #tpu.memory_space<hbm>>) target(%dma_start3A_335 : memref<128x128xf32, #tpu.memory_space<vmem>>) offsets(%dma_start3A_338 : memref<128xi32, #tpu.memory_space<vmem>>) semaphore(%arg16 : memref<!tpu.dma_semaphore, #tpu.memory_space<semaphore_mem>>)
      %dma_wait3A_342 = arith.constant 3 : i32
      %dma_wait3A_343 = arith.constant 1 : i32
      %dma_wait3A_344 = arith.constant 0 : i32
      %dma_wait3A_345 = arith.constant 0 : i32
      %dma_wait3A_346 = tpu.memref_slice %arg9[%dma_wait3A_343, %dma_wait3A_344, %dma_wait3A_345] : memref<2x128x128xf32, #tpu.memory_space<vmem>> -> memref<1x128x128xf32, #tpu.memory_space<vmem>>
      %dma_wait3A_347 = tpu.memref_squeeze %dma_wait3A_346 : memref<1x128x128xf32, #tpu.memory_space<vmem>> -> memref<128x128xf32, #tpu.memory_space<vmem>>
      %dma_wait3A_348 = arith.constant 0 : i32
      %dma_wait3A_349 = tpu.memref_slice %arg7[%dma_wait3A_342, %dma_wait3A_348] : memref<4x128xi32, #tpu.memory_space<vmem>> -> memref<1x128xi32, #tpu.memory_space<vmem>>
      %dma_wait3A_350 = tpu.memref_squeeze %dma_wait3A_349 : memref<1x128xi32, #tpu.memory_space<vmem>> -> memref<128xi32, #tpu.memory_space<vmem>>
      %dma_wait3A_351 = arith.constant 0 : i32
      %dma_wait3A_352 = arith.constant 0 : i32
      %dma_wait3A_353 = tpu.memref_slice %arg2[%dma_wait3A_351, %dma_wait3A_352] : memref<10240x128xf32, #tpu.memory_space<hbm>> -> memref<10240x128xf32, #tpu.memory_space<hbm>>
      tpu.wait_indirect_dma semaphore(%arg16 : memref<!tpu.dma_semaphore, #tpu.memory_space<semaphore_mem>>) src(%dma_wait3A_353 : memref<10240x128xf32, #tpu.memory_space<hbm>>) dst(%dma_wait3A_347 : memref<128x128xf32, #tpu.memory_space<vmem>>)
      %dma_start3A_354 = arith.constant 1 : i32
      %dma_start3A_355 = arith.constant 3 : i32
      %dma_start3A_356 = arith.constant 0 : i32
      %dma_start3A_357 = arith.constant 0 : i32
      %dma_start3A_358 = tpu.memref_slice %arg9[%dma_start3A_354, %dma_start3A_356, %dma_start3A_357] : memref<2x128x128xf32, #tpu.memory_space<vmem>> -> memref<1x128x128xf32, #tpu.memory_space<vmem>>
      %dma_start3A_359 = tpu.memref_squeeze %dma_start3A_358 : memref<1x128x128xf32, #tpu.memory_space<vmem>> -> memref<128x128xf32, #tpu.memory_space<vmem>>
      %dma_start3A_360 = arith.constant 0 : i32
      %dma_start3A_361 = tpu.memref_slice %arg8[%dma_start3A_355, %dma_start3A_360] : memref<4x128xi32, #tpu.memory_space<vmem>> -> memref<1x128xi32, #tpu.memory_space<vmem>>
      %dma_start3A_362 = tpu.memref_squeeze %dma_start3A_361 : memref<1x128xi32, #tpu.memory_space<vmem>> -> memref<128xi32, #tpu.memory_space<vmem>>
      %dma_start3A_363 = arith.constant 0 : i32
      %dma_start3A_364 = arith.constant 0 : i32
      %dma_start3A_365 = tpu.memref_slice %arg10[%dma_start3A_363, %dma_start3A_364] : memref<10240x128xf32, #tpu.memory_space<vmem_shared>> -> memref<10240x128xf32, #tpu.memory_space<vmem_shared>>
      tpu.enqueue_indirect_dma source(%dma_start3A_359 : memref<128x128xf32, #tpu.memory_space<vmem>>) target(%dma_start3A_365 : memref<10240x128xf32, #tpu.memory_space<vmem_shared>>) offsets(%dma_start3A_362 : memref<128xi32, #tpu.memory_space<vmem>>) semaphore(%arg18 : memref<!tpu.dma_semaphore, #tpu.memory_space<semaphore_mem>>) {add = true}
    }
    %scan3A_36 = arith.constant 20 : i32
    %dma_wait3A = arith.constant 0 : i32
    %dma_wait3A_37 = arith.constant 2 : i32
    %dma_wait3A_38 = arith.constant 0 : i32
    %dma_wait3A_39 = arith.constant 0 : i32
    %dma_wait3A_40 = tpu.memref_slice %arg9[%dma_wait3A, %dma_wait3A_38, %dma_wait3A_39] : memref<2x128x128xf32, #tpu.memory_space<vmem>> -> memref<1x128x128xf32, #tpu.memory_space<vmem>>
    %dma_wait3A_41 = tpu.memref_squeeze %dma_wait3A_40 : memref<1x128x128xf32, #tpu.memory_space<vmem>> -> memref<128x128xf32, #tpu.memory_space<vmem>>
    %dma_wait3A_42 = arith.constant 0 : i32
    %dma_wait3A_43 = tpu.memref_slice %arg8[%dma_wait3A_37, %dma_wait3A_42] : memref<4x128xi32, #tpu.memory_space<vmem>> -> memref<1x128xi32, #tpu.memory_space<vmem>>
    %dma_wait3A_44 = tpu.memref_squeeze %dma_wait3A_43 : memref<1x128xi32, #tpu.memory_space<vmem>> -> memref<128xi32, #tpu.memory_space<vmem>>
    %dma_wait3A_45 = arith.constant 0 : i32
    %dma_wait3A_46 = arith.constant 0 : i32
    %dma_wait3A_47 = tpu.memref_slice %arg10[%dma_wait3A_45, %dma_wait3A_46] : memref<10240x128xf32, #tpu.memory_space<vmem_shared>> -> memref<10240x128xf32, #tpu.memory_space<vmem_shared>>
    tpu.wait_indirect_dma semaphore(%arg17 : memref<!tpu.dma_semaphore, #tpu.memory_space<semaphore_mem>>) src(%dma_wait3A_41 : memref<128x128xf32, #tpu.memory_space<vmem>>) dst(%dma_wait3A_47 : memref<10240x128xf32, #tpu.memory_space<vmem_shared>>)
    %dma_wait3A_48 = arith.constant 1 : i32
    %dma_wait3A_49 = arith.constant 3 : i32
    %dma_wait3A_50 = arith.constant 0 : i32
    %dma_wait3A_51 = arith.constant 0 : i32
    %dma_wait3A_52 = tpu.memref_slice %arg9[%dma_wait3A_48, %dma_wait3A_50, %dma_wait3A_51] : memref<2x128x128xf32, #tpu.memory_space<vmem>> -> memref<1x128x128xf32, #tpu.memory_space<vmem>>
    %dma_wait3A_53 = tpu.memref_squeeze %dma_wait3A_52 : memref<1x128x128xf32, #tpu.memory_space<vmem>> -> memref<128x128xf32, #tpu.memory_space<vmem>>
    %dma_wait3A_54 = arith.constant 0 : i32
    %dma_wait3A_55 = tpu.memref_slice %arg8[%dma_wait3A_49, %dma_wait3A_54] : memref<4x128xi32, #tpu.memory_space<vmem>> -> memref<1x128xi32, #tpu.memory_space<vmem>>
    %dma_wait3A_56 = tpu.memref_squeeze %dma_wait3A_55 : memref<1x128xi32, #tpu.memory_space<vmem>> -> memref<128xi32, #tpu.memory_space<vmem>>
    %dma_wait3A_57 = arith.constant 0 : i32
    %dma_wait3A_58 = arith.constant 0 : i32
    %dma_wait3A_59 = tpu.memref_slice %arg10[%dma_wait3A_57, %dma_wait3A_58] : memref<10240x128xf32, #tpu.memory_space<vmem_shared>> -> memref<10240x128xf32, #tpu.memory_space<vmem_shared>>
    tpu.wait_indirect_dma semaphore(%arg18 : memref<!tpu.dma_semaphore, #tpu.memory_space<semaphore_mem>>) src(%dma_wait3A_53 : memref<128x128xf32, #tpu.memory_space<vmem>>) dst(%dma_wait3A_59 : memref<10240x128xf32, #tpu.memory_space<vmem_shared>>)
    %barrier3A_60 = arith.constant 0 : index
    tpu.barrier barrier_id(%barrier3A_60)
    %mul3A_61 = arith.constant 320 : i32
    %mul3A_62 = arith.muli %arg1, %mul3A_61 : i32
    %mul3A_63 = arith.constant 320 : i32
    %mul3A_64 = arith.muli %arg1, %mul3A_63 : i32
    "tpu.region"() ({
      %run_scoped3A = tpu.sem_alloc : memref<!tpu.dma_semaphore, #tpu.memory_space<semaphore_mem>>
      %dma_start3A_65 = arith.constant 0 : i32
      %dma_start3A_66 = tpu.memref_slice %arg6[%arg0, %mul3A_64, %dma_start3A_65] : memref<2x10240x128xf32, #tpu.memory_space<hbm>> -> memref<1x320x128xf32, #tpu.memory_space<hbm>>
      %dma_start3A_67 = tpu.memref_squeeze %dma_start3A_66 : memref<1x320x128xf32, #tpu.memory_space<hbm>> -> memref<320x128xf32, #tpu.memory_space<hbm>>
      %dma_start3A_68 = arith.constant 0 : i32
      %dma_start3A_69 = tpu.memref_slice %arg10[%mul3A_62, %dma_start3A_68] : memref<10240x128xf32, #tpu.memory_space<vmem_shared>> -> memref<320x128xf32, #tpu.memory_space<vmem_shared>>
      tpu.enqueue_dma source(%dma_start3A_69 : memref<320x128xf32, #tpu.memory_space<vmem_shared>>) target(%dma_start3A_67 : memref<320x128xf32, #tpu.memory_space<hbm>>) target_semaphore(%run_scoped3A : memref<!tpu.dma_semaphore, #tpu.memory_space<semaphore_mem>>)
      %dma_wait3A_70 = arith.constant 0 : i32
      %dma_wait3A_71 = tpu.memref_slice %arg6[%arg0, %mul3A_64, %dma_wait3A_70] : memref<2x10240x128xf32, #tpu.memory_space<hbm>> -> memref<1x320x128xf32, #tpu.memory_space<hbm>>
      %dma_wait3A_72 = tpu.memref_squeeze %dma_wait3A_71 : memref<1x320x128xf32, #tpu.memory_space<hbm>> -> memref<320x128xf32, #tpu.memory_space<hbm>>
      %dma_wait3A_73 = arith.constant 0 : i32
      %dma_wait3A_74 = tpu.memref_slice %arg10[%mul3A_62, %dma_wait3A_73] : memref<10240x128xf32, #tpu.memory_space<vmem_shared>> -> memref<320x128xf32, #tpu.memory_space<vmem_shared>>
      tpu.wait_dma2 semaphore(%run_scoped3A : memref<!tpu.dma_semaphore, #tpu.memory_space<semaphore_mem>>) src(%dma_wait3A_74 : memref<320x128xf32, #tpu.memory_space<vmem_shared>>) dst(%dma_wait3A_72 : memref<320x128xf32, #tpu.memory_space<hbm>>)
      tpu.yield
    }) : () -> ()
    return
  }
}

#map = affine_map<(d0, d1) -> (0, 0)>
#map1 = affine_map<(d0, d1) -> (0, 0, 0)>
module attributes {stable_mosaic.version = 14 : i64} {
  func.func @_sc_agg_body(%arg0: i32, %arg1: i32, %arg2: memref<10240x128xf32, #tpu.memory_space<hbm>>, %arg3: memref<32x80x128xi32, #tpu.memory_space<hbm>>, %arg4: memref<32x80x128xi32, #tpu.memory_space<hbm>>, %arg5: memref<10240x128xf32, #tpu.memory_space<hbm>>, %arg6: memref<2x10240x128xf32, #tpu.memory_space<hbm>>, %arg7: memref<4x128xi32, #tpu.memory_space<vmem>>, %arg8: memref<4x128xi32, #tpu.memory_space<vmem>>, %arg9: memref<2x128x128xf32, #tpu.memory_space<vmem>>, %arg10: memref<10240x128xf32, #tpu.memory_space<vmem_shared>>, %arg11: memref<!tpu.dma_semaphore, #tpu.memory_space<semaphore_mem>>, %arg12: memref<!tpu.dma_semaphore, #tpu.memory_space<semaphore_mem>>, %arg13: memref<!tpu.dma_semaphore, #tpu.memory_space<semaphore_mem>>, %arg14: memref<!tpu.dma_semaphore, #tpu.memory_space<semaphore_mem>>, %arg15: memref<!tpu.dma_semaphore, #tpu.memory_space<semaphore_mem>>, %arg16: memref<!tpu.dma_semaphore, #tpu.memory_space<semaphore_mem>>, %arg17: memref<!tpu.dma_semaphore, #tpu.memory_space<semaphore_mem>>, %arg18: memref<!tpu.dma_semaphore, #tpu.memory_space<semaphore_mem>>) attributes {dimension_semantics = [#tpu.dimension_semantics<core_parallel>, #tpu.dimension_semantics<subcore_parallel>], iteration_bounds = array<i64: 2, 16>, scalar_prefetch = 0 : i64, scratch_operands = 12 : i64, tpu.core_type = #tpu.core_type<sc_vector_subcore>, window_params = [{transform_indices = #map}, {transform_indices = #map1}, {transform_indices = #map1}, {transform_indices = #map}, {transform_indices = #map1}]} {
    %mul3A = arith.constant 16 : i32
    %mul3A_0 = arith.muli %arg0, %mul3A : i32
    %add3A = arith.addi %mul3A_0, %arg1 : i32
    %dma_start3A = arith.constant 0 : i32
    %dma_start3A_1 = arith.constant 0 : i32
    %dma_start3A_2 = arith.constant 0 : i32
    %dma_start3A_3 = tpu.memref_slice %arg7[%dma_start3A_1, %dma_start3A_2] : memref<4x128xi32, #tpu.memory_space<vmem>> -> memref<1x128xi32, #tpu.memory_space<vmem>>
    %dma_start3A_4 = tpu.memref_squeeze %dma_start3A_3 : memref<1x128xi32, #tpu.memory_space<vmem>> -> memref<128xi32, #tpu.memory_space<vmem>>
    %dma_start3A_5 = arith.constant 0 : i32
    %dma_start3A_6 = tpu.memref_slice %arg3[%add3A, %dma_start3A, %dma_start3A_5] : memref<32x80x128xi32, #tpu.memory_space<hbm>> -> memref<1x1x128xi32, #tpu.memory_space<hbm>>
    %dma_start3A_7 = tpu.memref_squeeze %dma_start3A_6 : memref<1x1x128xi32, #tpu.memory_space<hbm>> -> memref<128xi32, #tpu.memory_space<hbm>>
    %dma_start3A_8 = arith.constant 0 : i32
    %dma_start3A_9 = tpu.memref_slice %arg7[%dma_start3A_1, %dma_start3A_8] : memref<4x128xi32, #tpu.memory_space<vmem>> -> memref<1x128xi32, #tpu.memory_space<vmem>>
    %dma_start3A_10 = tpu.memref_squeeze %dma_start3A_9 : memref<1x128xi32, #tpu.memory_space<vmem>> -> memref<128xi32, #tpu.memory_space<vmem>>
    %dma_start3A_11 = arith.constant 0 : i32
    %dma_start3A_12 = tpu.memref_slice %arg3[%add3A, %dma_start3A, %dma_start3A_11] : memref<32x80x128xi32, #tpu.memory_space<hbm>> -> memref<1x1x128xi32, #tpu.memory_space<hbm>>
    %dma_start3A_13 = tpu.memref_squeeze %dma_start3A_12 : memref<1x1x128xi32, #tpu.memory_space<hbm>> -> memref<128xi32, #tpu.memory_space<hbm>>
    tpu.enqueue_dma source(%dma_start3A_13 : memref<128xi32, #tpu.memory_space<hbm>>) target(%dma_start3A_10 : memref<128xi32, #tpu.memory_space<vmem>>) target_semaphore(%arg11 : memref<!tpu.dma_semaphore, #tpu.memory_space<semaphore_mem>>)
    %dma_start3A_14 = arith.constant 0 : i32
    %dma_start3A_15 = arith.constant 0 : i32
    %dma_start3A_16 = arith.constant 0 : i32
    %dma_start3A_17 = tpu.memref_slice %arg8[%dma_start3A_15, %dma_start3A_16] : memref<4x128xi32, #tpu.memory_space<vmem>> -> memref<1x128xi32, #tpu.memory_space<vmem>>
    %dma_start3A_18 = tpu.memref_squeeze %dma_start3A_17 : memref<1x128xi32, #tpu.memory_space<vmem>> -> memref<128xi32, #tpu.memory_space<vmem>>
    %dma_start3A_19 = arith.constant 0 : i32
    %dma_start3A_20 = tpu.memref_slice %arg4[%add3A, %dma_start3A_14, %dma_start3A_19] : memref<32x80x128xi32, #tpu.memory_space<hbm>> -> memref<1x1x128xi32, #tpu.memory_space<hbm>>
    %dma_start3A_21 = tpu.memref_squeeze %dma_start3A_20 : memref<1x1x128xi32, #tpu.memory_space<hbm>> -> memref<128xi32, #tpu.memory_space<hbm>>
    %dma_start3A_22 = arith.constant 0 : i32
    %dma_start3A_23 = tpu.memref_slice %arg8[%dma_start3A_15, %dma_start3A_22] : memref<4x128xi32, #tpu.memory_space<vmem>> -> memref<1x128xi32, #tpu.memory_space<vmem>>
    %dma_start3A_24 = tpu.memref_squeeze %dma_start3A_23 : memref<1x128xi32, #tpu.memory_space<vmem>> -> memref<128xi32, #tpu.memory_space<vmem>>
    %dma_start3A_25 = arith.constant 0 : i32
    %dma_start3A_26 = tpu.memref_slice %arg4[%add3A, %dma_start3A_14, %dma_start3A_25] : memref<32x80x128xi32, #tpu.memory_space<hbm>> -> memref<1x1x128xi32, #tpu.memory_space<hbm>>
    %dma_start3A_27 = tpu.memref_squeeze %dma_start3A_26 : memref<1x1x128xi32, #tpu.memory_space<hbm>> -> memref<128xi32, #tpu.memory_space<hbm>>
    tpu.enqueue_dma source(%dma_start3A_27 : memref<128xi32, #tpu.memory_space<hbm>>) target(%dma_start3A_24 : memref<128xi32, #tpu.memory_space<vmem>>) target_semaphore(%arg11 : memref<!tpu.dma_semaphore, #tpu.memory_space<semaphore_mem>>)
    %mul3A_28 = arith.constant 320 : i32
    %mul3A_29 = arith.muli %arg1, %mul3A_28 : i32
    %mul3A_30 = arith.constant 320 : i32
    %mul3A_31 = arith.muli %arg1, %mul3A_30 : i32
    "tpu.region"() ({
      %run_scoped3A = tpu.sem_alloc : memref<!tpu.dma_semaphore, #tpu.memory_space<semaphore_mem>>
      %dma_start3A_65 = arith.constant 0 : i32
      %dma_start3A_66 = tpu.memref_slice %arg10[%mul3A_31, %dma_start3A_65] : memref<10240x128xf32, #tpu.memory_space<vmem_shared>> -> memref<320x128xf32, #tpu.memory_space<vmem_shared>>
      %dma_start3A_67 = arith.constant 0 : i32
      %dma_start3A_68 = tpu.memref_slice %arg5[%mul3A_29, %dma_start3A_67] : memref<10240x128xf32, #tpu.memory_space<hbm>> -> memref<320x128xf32, #tpu.memory_space<hbm>>
      tpu.enqueue_dma source(%dma_start3A_68 : memref<320x128xf32, #tpu.memory_space<hbm>>) target(%dma_start3A_66 : memref<320x128xf32, #tpu.memory_space<vmem_shared>>) target_semaphore(%run_scoped3A : memref<!tpu.dma_semaphore, #tpu.memory_space<semaphore_mem>>)
      %dma_wait3A_69 = arith.constant 0 : i32
      %dma_wait3A_70 = tpu.memref_slice %arg10[%mul3A_31, %dma_wait3A_69] : memref<10240x128xf32, #tpu.memory_space<vmem_shared>> -> memref<320x128xf32, #tpu.memory_space<vmem_shared>>
      %dma_wait3A_71 = arith.constant 0 : i32
      %dma_wait3A_72 = tpu.memref_slice %arg5[%mul3A_29, %dma_wait3A_71] : memref<10240x128xf32, #tpu.memory_space<hbm>> -> memref<320x128xf32, #tpu.memory_space<hbm>>
      tpu.wait_dma2 semaphore(%run_scoped3A : memref<!tpu.dma_semaphore, #tpu.memory_space<semaphore_mem>>) src(%dma_wait3A_72 : memref<320x128xf32, #tpu.memory_space<hbm>>) dst(%dma_wait3A_70 : memref<320x128xf32, #tpu.memory_space<vmem_shared>>)
      tpu.yield
    }) : () -> ()
    %barrier3A = arith.constant 0 : index
    tpu.barrier barrier_id(%barrier3A)
    %scan3A = arith.constant 0 : i32
    %scan3A_32 = arith.constant 0 : i32
    %scan3A_33 = arith.constant 20 : i32
    %scan3A_34 = arith.addi %scan3A_32, %scan3A_33 : i32
    %scan3A_35 = arith.constant 1 : i32
    scf.for %scan3A_65 = %scan3A_32 to %scan3A_34 step %scan3A_35  : i32 {
      %mul3A_66 = arith.constant 4 : i32
      %mul3A_67 = arith.muli %mul3A_66, %scan3A_65 : i32
      %dma_wait3A_68 = arith.constant 0 : i32
      %dma_wait3A_69 = arith.constant 0 : i32
      %dma_wait3A_70 = arith.constant 0 : i32
      %dma_wait3A_71 = tpu.memref_slice %arg7[%dma_wait3A_69, %dma_wait3A_70] : memref<4x128xi32, #tpu.memory_space<vmem>> -> memref<1x128xi32, #tpu.memory_space<vmem>>
      %dma_wait3A_72 = tpu.memref_squeeze %dma_wait3A_71 : memref<1x128xi32, #tpu.memory_space<vmem>> -> memref<128xi32, #tpu.memory_space<vmem>>
      %dma_wait3A_73 = arith.constant 0 : i32
      %dma_wait3A_74 = tpu.memref_slice %arg3[%add3A, %dma_wait3A_68, %dma_wait3A_73] : memref<32x80x128xi32, #tpu.memory_space<hbm>> -> memref<1x1x128xi32, #tpu.memory_space<hbm>>
      %dma_wait3A_75 = tpu.memref_squeeze %dma_wait3A_74 : memref<1x1x128xi32, #tpu.memory_space<hbm>> -> memref<128xi32, #tpu.memory_space<hbm>>
      %dma_wait3A_76 = arith.constant 0 : i32
      %dma_wait3A_77 = tpu.memref_slice %arg7[%dma_wait3A_69, %dma_wait3A_76] : memref<4x128xi32, #tpu.memory_space<vmem>> -> memref<1x128xi32, #tpu.memory_space<vmem>>
      %dma_wait3A_78 = tpu.memref_squeeze %dma_wait3A_77 : memref<1x128xi32, #tpu.memory_space<vmem>> -> memref<128xi32, #tpu.memory_space<vmem>>
      %dma_wait3A_79 = arith.constant 0 : i32
      %dma_wait3A_80 = tpu.memref_slice %arg3[%add3A, %dma_wait3A_68, %dma_wait3A_79] : memref<32x80x128xi32, #tpu.memory_space<hbm>> -> memref<1x1x128xi32, #tpu.memory_space<hbm>>
      %dma_wait3A_81 = tpu.memref_squeeze %dma_wait3A_80 : memref<1x1x128xi32, #tpu.memory_space<hbm>> -> memref<128xi32, #tpu.memory_space<hbm>>
      tpu.wait_dma2 semaphore(%arg11 : memref<!tpu.dma_semaphore, #tpu.memory_space<semaphore_mem>>) src(%dma_wait3A_81 : memref<128xi32, #tpu.memory_space<hbm>>) dst(%dma_wait3A_78 : memref<128xi32, #tpu.memory_space<vmem>>)
      %dma_wait3A_82 = arith.constant 0 : i32
      %dma_wait3A_83 = arith.constant 0 : i32
      %dma_wait3A_84 = arith.constant 0 : i32
      %dma_wait3A_85 = tpu.memref_slice %arg8[%dma_wait3A_83, %dma_wait3A_84] : memref<4x128xi32, #tpu.memory_space<vmem>> -> memref<1x128xi32, #tpu.memory_space<vmem>>
      %dma_wait3A_86 = tpu.memref_squeeze %dma_wait3A_85 : memref<1x128xi32, #tpu.memory_space<vmem>> -> memref<128xi32, #tpu.memory_space<vmem>>
      %dma_wait3A_87 = arith.constant 0 : i32
      %dma_wait3A_88 = tpu.memref_slice %arg4[%add3A, %dma_wait3A_82, %dma_wait3A_87] : memref<32x80x128xi32, #tpu.memory_space<hbm>> -> memref<1x1x128xi32, #tpu.memory_space<hbm>>
      %dma_wait3A_89 = tpu.memref_squeeze %dma_wait3A_88 : memref<1x1x128xi32, #tpu.memory_space<hbm>> -> memref<128xi32, #tpu.memory_space<hbm>>
      %dma_wait3A_90 = arith.constant 0 : i32
      %dma_wait3A_91 = tpu.memref_slice %arg8[%dma_wait3A_83, %dma_wait3A_90] : memref<4x128xi32, #tpu.memory_space<vmem>> -> memref<1x128xi32, #tpu.memory_space<vmem>>
      %dma_wait3A_92 = tpu.memref_squeeze %dma_wait3A_91 : memref<1x128xi32, #tpu.memory_space<vmem>> -> memref<128xi32, #tpu.memory_space<vmem>>
      %dma_wait3A_93 = arith.constant 0 : i32
      %dma_wait3A_94 = tpu.memref_slice %arg4[%add3A, %dma_wait3A_82, %dma_wait3A_93] : memref<32x80x128xi32, #tpu.memory_space<hbm>> -> memref<1x1x128xi32, #tpu.memory_space<hbm>>
      %dma_wait3A_95 = tpu.memref_squeeze %dma_wait3A_94 : memref<1x1x128xi32, #tpu.memory_space<hbm>> -> memref<128xi32, #tpu.memory_space<hbm>>
      tpu.wait_dma2 semaphore(%arg11 : memref<!tpu.dma_semaphore, #tpu.memory_space<semaphore_mem>>) src(%dma_wait3A_95 : memref<128xi32, #tpu.memory_space<hbm>>) dst(%dma_wait3A_92 : memref<128xi32, #tpu.memory_space<vmem>>)
      %lt3A = arith.constant 79 : i32
      %lt3A_96 = arith.cmpi slt, %mul3A_67, %lt3A : i32
      %convert_element_type3A = arith.extui %lt3A_96 : i1 to i32
      %cond3A = arith.constant 0 : i32
      %cond3A_97 = arith.cmpi ne, %convert_element_type3A, %cond3A : i32
      scf.if %cond3A_97 {
        %add3A_366 = arith.constant 1 : i32
        %add3A_367 = arith.addi %mul3A_67, %add3A_366 : i32
        %dma_start3A_368 = arith.constant 1 : i32
        %dma_start3A_369 = arith.constant 0 : i32
        %dma_start3A_370 = tpu.memref_slice %arg7[%dma_start3A_368, %dma_start3A_369] : memref<4x128xi32, #tpu.memory_space<vmem>> -> memref<1x128xi32, #tpu.memory_space<vmem>>
        %dma_start3A_371 = tpu.memref_squeeze %dma_start3A_370 : memref<1x128xi32, #tpu.memory_space<vmem>> -> memref<128xi32, #tpu.memory_space<vmem>>
        %dma_start3A_372 = arith.constant 0 : i32
        %dma_start3A_373 = tpu.memref_slice %arg3[%add3A, %add3A_367, %dma_start3A_372] : memref<32x80x128xi32, #tpu.memory_space<hbm>> -> memref<1x1x128xi32, #tpu.memory_space<hbm>>
        %dma_start3A_374 = tpu.memref_squeeze %dma_start3A_373 : memref<1x1x128xi32, #tpu.memory_space<hbm>> -> memref<128xi32, #tpu.memory_space<hbm>>
        %dma_start3A_375 = arith.constant 0 : i32
        %dma_start3A_376 = tpu.memref_slice %arg7[%dma_start3A_368, %dma_start3A_375] : memref<4x128xi32, #tpu.memory_space<vmem>> -> memref<1x128xi32, #tpu.memory_space<vmem>>
        %dma_start3A_377 = tpu.memref_squeeze %dma_start3A_376 : memref<1x128xi32, #tpu.memory_space<vmem>> -> memref<128xi32, #tpu.memory_space<vmem>>
        %dma_start3A_378 = arith.constant 0 : i32
        %dma_start3A_379 = tpu.memref_slice %arg3[%add3A, %add3A_367, %dma_start3A_378] : memref<32x80x128xi32, #tpu.memory_space<hbm>> -> memref<1x1x128xi32, #tpu.memory_space<hbm>>
        %dma_start3A_380 = tpu.memref_squeeze %dma_start3A_379 : memref<1x1x128xi32, #tpu.memory_space<hbm>> -> memref<128xi32, #tpu.memory_space<hbm>>
        tpu.enqueue_dma source(%dma_start3A_380 : memref<128xi32, #tpu.memory_space<hbm>>) target(%dma_start3A_377 : memref<128xi32, #tpu.memory_space<vmem>>) target_semaphore(%arg12 : memref<!tpu.dma_semaphore, #tpu.memory_space<semaphore_mem>>)
        %dma_start3A_381 = arith.constant 1 : i32
        %dma_start3A_382 = arith.constant 0 : i32
        %dma_start3A_383 = tpu.memref_slice %arg8[%dma_start3A_381, %dma_start3A_382] : memref<4x128xi32, #tpu.memory_space<vmem>> -> memref<1x128xi32, #tpu.memory_space<vmem>>
        %dma_start3A_384 = tpu.memref_squeeze %dma_start3A_383 : memref<1x128xi32, #tpu.memory_space<vmem>> -> memref<128xi32, #tpu.memory_space<vmem>>
        %dma_start3A_385 = arith.constant 0 : i32
        %dma_start3A_386 = tpu.memref_slice %arg4[%add3A, %add3A_367, %dma_start3A_385] : memref<32x80x128xi32, #tpu.memory_space<hbm>> -> memref<1x1x128xi32, #tpu.memory_space<hbm>>
        %dma_start3A_387 = tpu.memref_squeeze %dma_start3A_386 : memref<1x1x128xi32, #tpu.memory_space<hbm>> -> memref<128xi32, #tpu.memory_space<hbm>>
        %dma_start3A_388 = arith.constant 0 : i32
        %dma_start3A_389 = tpu.memref_slice %arg8[%dma_start3A_381, %dma_start3A_388] : memref<4x128xi32, #tpu.memory_space<vmem>> -> memref<1x128xi32, #tpu.memory_space<vmem>>
        %dma_start3A_390 = tpu.memref_squeeze %dma_start3A_389 : memref<1x128xi32, #tpu.memory_space<vmem>> -> memref<128xi32, #tpu.memory_space<vmem>>
        %dma_start3A_391 = arith.constant 0 : i32
        %dma_start3A_392 = tpu.memref_slice %arg4[%add3A, %add3A_367, %dma_start3A_391] : memref<32x80x128xi32, #tpu.memory_space<hbm>> -> memref<1x1x128xi32, #tpu.memory_space<hbm>>
        %dma_start3A_393 = tpu.memref_squeeze %dma_start3A_392 : memref<1x1x128xi32, #tpu.memory_space<hbm>> -> memref<128xi32, #tpu.memory_space<hbm>>
        tpu.enqueue_dma source(%dma_start3A_393 : memref<128xi32, #tpu.memory_space<hbm>>) target(%dma_start3A_390 : memref<128xi32, #tpu.memory_space<vmem>>) target_semaphore(%arg12 : memref<!tpu.dma_semaphore, #tpu.memory_space<semaphore_mem>>)
      } else {
      }
      %ge3A = arith.constant 2 : i32
      %ge3A_98 = arith.cmpi sge, %mul3A_67, %ge3A : i32
      %convert_element_type3A_99 = arith.extui %ge3A_98 : i1 to i32
      %cond3A_100 = arith.constant 0 : i32
      %cond3A_101 = arith.cmpi ne, %convert_element_type3A_99, %cond3A_100 : i32
      scf.if %cond3A_101 {
        %dma_wait3A_366 = arith.constant 0 : i32
        %dma_wait3A_367 = arith.constant 0 : i32
        %dma_wait3A_368 = arith.constant 0 : i32
        %dma_wait3A_369 = arith.constant 0 : i32
        %dma_wait3A_370 = tpu.memref_slice %arg9[%dma_wait3A_366, %dma_wait3A_368, %dma_wait3A_369] : memref<2x128x128xf32, #tpu.memory_space<vmem>> -> memref<1x128x128xf32, #tpu.memory_space<vmem>>
        %dma_wait3A_371 = tpu.memref_squeeze %dma_wait3A_370 : memref<1x128x128xf32, #tpu.memory_space<vmem>> -> memref<128x128xf32, #tpu.memory_space<vmem>>
        %dma_wait3A_372 = arith.constant 0 : i32
        %dma_wait3A_373 = tpu.memref_slice %arg8[%dma_wait3A_367, %dma_wait3A_372] : memref<4x128xi32, #tpu.memory_space<vmem>> -> memref<1x128xi32, #tpu.memory_space<vmem>>
        %dma_wait3A_374 = tpu.memref_squeeze %dma_wait3A_373 : memref<1x128xi32, #tpu.memory_space<vmem>> -> memref<128xi32, #tpu.memory_space<vmem>>
        %dma_wait3A_375 = arith.constant 0 : i32
        %dma_wait3A_376 = arith.constant 0 : i32
        %dma_wait3A_377 = tpu.memref_slice %arg10[%dma_wait3A_375, %dma_wait3A_376] : memref<10240x128xf32, #tpu.memory_space<vmem_shared>> -> memref<10240x128xf32, #tpu.memory_space<vmem_shared>>
        tpu.wait_indirect_dma semaphore(%arg17 : memref<!tpu.dma_semaphore, #tpu.memory_space<semaphore_mem>>) src(%dma_wait3A_371 : memref<128x128xf32, #tpu.memory_space<vmem>>) dst(%dma_wait3A_377 : memref<10240x128xf32, #tpu.memory_space<vmem_shared>>)
      } else {
      }
      %dma_start3A_102 = arith.constant 0 : i32
      %dma_start3A_103 = arith.constant 0 : i32
      %dma_start3A_104 = arith.constant 0 : i32
      %dma_start3A_105 = arith.constant 0 : i32
      %dma_start3A_106 = tpu.memref_slice %arg9[%dma_start3A_103, %dma_start3A_104, %dma_start3A_105] : memref<2x128x128xf32, #tpu.memory_space<vmem>> -> memref<1x128x128xf32, #tpu.memory_space<vmem>>
      %dma_start3A_107 = tpu.memref_squeeze %dma_start3A_106 : memref<1x128x128xf32, #tpu.memory_space<vmem>> -> memref<128x128xf32, #tpu.memory_space<vmem>>
      %dma_start3A_108 = arith.constant 0 : i32
      %dma_start3A_109 = tpu.memref_slice %arg7[%dma_start3A_102, %dma_start3A_108] : memref<4x128xi32, #tpu.memory_space<vmem>> -> memref<1x128xi32, #tpu.memory_space<vmem>>
      %dma_start3A_110 = tpu.memref_squeeze %dma_start3A_109 : memref<1x128xi32, #tpu.memory_space<vmem>> -> memref<128xi32, #tpu.memory_space<vmem>>
      %dma_start3A_111 = arith.constant 0 : i32
      %dma_start3A_112 = arith.constant 0 : i32
      %dma_start3A_113 = tpu.memref_slice %arg2[%dma_start3A_111, %dma_start3A_112] : memref<10240x128xf32, #tpu.memory_space<hbm>> -> memref<10240x128xf32, #tpu.memory_space<hbm>>
      tpu.enqueue_indirect_dma source(%dma_start3A_113 : memref<10240x128xf32, #tpu.memory_space<hbm>>) target(%dma_start3A_107 : memref<128x128xf32, #tpu.memory_space<vmem>>) offsets(%dma_start3A_110 : memref<128xi32, #tpu.memory_space<vmem>>) semaphore(%arg15 : memref<!tpu.dma_semaphore, #tpu.memory_space<semaphore_mem>>)
      %dma_wait3A_114 = arith.constant 0 : i32
      %dma_wait3A_115 = arith.constant 0 : i32
      %dma_wait3A_116 = arith.constant 0 : i32
      %dma_wait3A_117 = arith.constant 0 : i32
      %dma_wait3A_118 = tpu.memref_slice %arg9[%dma_wait3A_115, %dma_wait3A_116, %dma_wait3A_117] : memref<2x128x128xf32, #tpu.memory_space<vmem>> -> memref<1x128x128xf32, #tpu.memory_space<vmem>>
      %dma_wait3A_119 = tpu.memref_squeeze %dma_wait3A_118 : memref<1x128x128xf32, #tpu.memory_space<vmem>> -> memref<128x128xf32, #tpu.memory_space<vmem>>
      %dma_wait3A_120 = arith.constant 0 : i32
      %dma_wait3A_121 = tpu.memref_slice %arg7[%dma_wait3A_114, %dma_wait3A_120] : memref<4x128xi32, #tpu.memory_space<vmem>> -> memref<1x128xi32, #tpu.memory_space<vmem>>
      %dma_wait3A_122 = tpu.memref_squeeze %dma_wait3A_121 : memref<1x128xi32, #tpu.memory_space<vmem>> -> memref<128xi32, #tpu.memory_space<vmem>>
      %dma_wait3A_123 = arith.constant 0 : i32
      %dma_wait3A_124 = arith.constant 0 : i32
      %dma_wait3A_125 = tpu.memref_slice %arg2[%dma_wait3A_123, %dma_wait3A_124] : memref<10240x128xf32, #tpu.memory_space<hbm>> -> memref<10240x128xf32, #tpu.memory_space<hbm>>
      tpu.wait_indirect_dma semaphore(%arg15 : memref<!tpu.dma_semaphore, #tpu.memory_space<semaphore_mem>>) src(%dma_wait3A_125 : memref<10240x128xf32, #tpu.memory_space<hbm>>) dst(%dma_wait3A_119 : memref<128x128xf32, #tpu.memory_space<vmem>>)
      %dma_start3A_126 = arith.constant 0 : i32
      %dma_start3A_127 = arith.constant 0 : i32
      %dma_start3A_128 = arith.constant 0 : i32
      %dma_start3A_129 = arith.constant 0 : i32
      %dma_start3A_130 = tpu.memref_slice %arg9[%dma_start3A_126, %dma_start3A_128, %dma_start3A_129] : memref<2x128x128xf32, #tpu.memory_space<vmem>> -> memref<1x128x128xf32, #tpu.memory_space<vmem>>
      %dma_start3A_131 = tpu.memref_squeeze %dma_start3A_130 : memref<1x128x128xf32, #tpu.memory_space<vmem>> -> memref<128x128xf32, #tpu.memory_space<vmem>>
      %dma_start3A_132 = arith.constant 0 : i32
      %dma_start3A_133 = tpu.memref_slice %arg8[%dma_start3A_127, %dma_start3A_132] : memref<4x128xi32, #tpu.memory_space<vmem>> -> memref<1x128xi32, #tpu.memory_space<vmem>>
      %dma_start3A_134 = tpu.memref_squeeze %dma_start3A_133 : memref<1x128xi32, #tpu.memory_space<vmem>> -> memref<128xi32, #tpu.memory_space<vmem>>
      %dma_start3A_135 = arith.constant 0 : i32
      %dma_start3A_136 = arith.constant 0 : i32
      %dma_start3A_137 = tpu.memref_slice %arg10[%dma_start3A_135, %dma_start3A_136] : memref<10240x128xf32, #tpu.memory_space<vmem_shared>> -> memref<10240x128xf32, #tpu.memory_space<vmem_shared>>
      tpu.enqueue_indirect_dma source(%dma_start3A_131 : memref<128x128xf32, #tpu.memory_space<vmem>>) target(%dma_start3A_137 : memref<10240x128xf32, #tpu.memory_space<vmem_shared>>) offsets(%dma_start3A_134 : memref<128xi32, #tpu.memory_space<vmem>>) semaphore(%arg17 : memref<!tpu.dma_semaphore, #tpu.memory_space<semaphore_mem>>) {add = true}
      %add3A_138 = arith.constant 1 : i32
      %add3A_139 = arith.addi %mul3A_67, %add3A_138 : i32
      %dma_wait3A_140 = arith.constant 0 : i32
      %dma_wait3A_141 = arith.constant 1 : i32
      %dma_wait3A_142 = arith.constant 0 : i32
      %dma_wait3A_143 = tpu.memref_slice %arg7[%dma_wait3A_141, %dma_wait3A_142] : memref<4x128xi32, #tpu.memory_space<vmem>> -> memref<1x128xi32, #tpu.memory_space<vmem>>
      %dma_wait3A_144 = tpu.memref_squeeze %dma_wait3A_143 : memref<1x128xi32, #tpu.memory_space<vmem>> -> memref<128xi32, #tpu.memory_space<vmem>>
      %dma_wait3A_145 = arith.constant 0 : i32
      %dma_wait3A_146 = tpu.memref_slice %arg3[%add3A, %dma_wait3A_140, %dma_wait3A_145] : memref<32x80x128xi32, #tpu.memory_space<hbm>> -> memref<1x1x128xi32, #tpu.memory_space<hbm>>
      %dma_wait3A_147 = tpu.memref_squeeze %dma_wait3A_146 : memref<1x1x128xi32, #tpu.memory_space<hbm>> -> memref<128xi32, #tpu.memory_space<hbm>>
      %dma_wait3A_148 = arith.constant 0 : i32
      %dma_wait3A_149 = tpu.memref_slice %arg7[%dma_wait3A_141, %dma_wait3A_148] : memref<4x128xi32, #tpu.memory_space<vmem>> -> memref<1x128xi32, #tpu.memory_space<vmem>>
      %dma_wait3A_150 = tpu.memref_squeeze %dma_wait3A_149 : memref<1x128xi32, #tpu.memory_space<vmem>> -> memref<128xi32, #tpu.memory_space<vmem>>
      %dma_wait3A_151 = arith.constant 0 : i32
      %dma_wait3A_152 = tpu.memref_slice %arg3[%add3A, %dma_wait3A_140, %dma_wait3A_151] : memref<32x80x128xi32, #tpu.memory_space<hbm>> -> memref<1x1x128xi32, #tpu.memory_space<hbm>>
      %dma_wait3A_153 = tpu.memref_squeeze %dma_wait3A_152 : memref<1x1x128xi32, #tpu.memory_space<hbm>> -> memref<128xi32, #tpu.memory_space<hbm>>
      tpu.wait_dma2 semaphore(%arg12 : memref<!tpu.dma_semaphore, #tpu.memory_space<semaphore_mem>>) src(%dma_wait3A_153 : memref<128xi32, #tpu.memory_space<hbm>>) dst(%dma_wait3A_150 : memref<128xi32, #tpu.memory_space<vmem>>)
      %dma_wait3A_154 = arith.constant 0 : i32
      %dma_wait3A_155 = arith.constant 1 : i32
      %dma_wait3A_156 = arith.constant 0 : i32
      %dma_wait3A_157 = tpu.memref_slice %arg8[%dma_wait3A_155, %dma_wait3A_156] : memref<4x128xi32, #tpu.memory_space<vmem>> -> memref<1x128xi32, #tpu.memory_space<vmem>>
      %dma_wait3A_158 = tpu.memref_squeeze %dma_wait3A_157 : memref<1x128xi32, #tpu.memory_space<vmem>> -> memref<128xi32, #tpu.memory_space<vmem>>
      %dma_wait3A_159 = arith.constant 0 : i32
      %dma_wait3A_160 = tpu.memref_slice %arg4[%add3A, %dma_wait3A_154, %dma_wait3A_159] : memref<32x80x128xi32, #tpu.memory_space<hbm>> -> memref<1x1x128xi32, #tpu.memory_space<hbm>>
      %dma_wait3A_161 = tpu.memref_squeeze %dma_wait3A_160 : memref<1x1x128xi32, #tpu.memory_space<hbm>> -> memref<128xi32, #tpu.memory_space<hbm>>
      %dma_wait3A_162 = arith.constant 0 : i32
      %dma_wait3A_163 = tpu.memref_slice %arg8[%dma_wait3A_155, %dma_wait3A_162] : memref<4x128xi32, #tpu.memory_space<vmem>> -> memref<1x128xi32, #tpu.memory_space<vmem>>
      %dma_wait3A_164 = tpu.memref_squeeze %dma_wait3A_163 : memref<1x128xi32, #tpu.memory_space<vmem>> -> memref<128xi32, #tpu.memory_space<vmem>>
      %dma_wait3A_165 = arith.constant 0 : i32
      %dma_wait3A_166 = tpu.memref_slice %arg4[%add3A, %dma_wait3A_154, %dma_wait3A_165] : memref<32x80x128xi32, #tpu.memory_space<hbm>> -> memref<1x1x128xi32, #tpu.memory_space<hbm>>
      %dma_wait3A_167 = tpu.memref_squeeze %dma_wait3A_166 : memref<1x1x128xi32, #tpu.memory_space<hbm>> -> memref<128xi32, #tpu.memory_space<hbm>>
      tpu.wait_dma2 semaphore(%arg12 : memref<!tpu.dma_semaphore, #tpu.memory_space<semaphore_mem>>) src(%dma_wait3A_167 : memref<128xi32, #tpu.memory_space<hbm>>) dst(%dma_wait3A_164 : memref<128xi32, #tpu.memory_space<vmem>>)
      %lt3A_168 = arith.constant 79 : i32
      %lt3A_169 = arith.cmpi slt, %add3A_139, %lt3A_168 : i32
      %convert_element_type3A_170 = arith.extui %lt3A_169 : i1 to i32
      %cond3A_171 = arith.constant 0 : i32
      %cond3A_172 = arith.cmpi ne, %convert_element_type3A_170, %cond3A_171 : i32
      scf.if %cond3A_172 {
        %add3A_366 = arith.constant 1 : i32
        %add3A_367 = arith.addi %add3A_139, %add3A_366 : i32
        %dma_start3A_368 = arith.constant 2 : i32
        %dma_start3A_369 = arith.constant 0 : i32
        %dma_start3A_370 = tpu.memref_slice %arg7[%dma_start3A_368, %dma_start3A_369] : memref<4x128xi32, #tpu.memory_space<vmem>> -> memref<1x128xi32, #tpu.memory_space<vmem>>
        %dma_start3A_371 = tpu.memref_squeeze %dma_start3A_370 : memref<1x128xi32, #tpu.memory_space<vmem>> -> memref<128xi32, #tpu.memory_space<vmem>>
        %dma_start3A_372 = arith.constant 0 : i32
        %dma_start3A_373 = tpu.memref_slice %arg3[%add3A, %add3A_367, %dma_start3A_372] : memref<32x80x128xi32, #tpu.memory_space<hbm>> -> memref<1x1x128xi32, #tpu.memory_space<hbm>>
        %dma_start3A_374 = tpu.memref_squeeze %dma_start3A_373 : memref<1x1x128xi32, #tpu.memory_space<hbm>> -> memref<128xi32, #tpu.memory_space<hbm>>
        %dma_start3A_375 = arith.constant 0 : i32
        %dma_start3A_376 = tpu.memref_slice %arg7[%dma_start3A_368, %dma_start3A_375] : memref<4x128xi32, #tpu.memory_space<vmem>> -> memref<1x128xi32, #tpu.memory_space<vmem>>
        %dma_start3A_377 = tpu.memref_squeeze %dma_start3A_376 : memref<1x128xi32, #tpu.memory_space<vmem>> -> memref<128xi32, #tpu.memory_space<vmem>>
        %dma_start3A_378 = arith.constant 0 : i32
        %dma_start3A_379 = tpu.memref_slice %arg3[%add3A, %add3A_367, %dma_start3A_378] : memref<32x80x128xi32, #tpu.memory_space<hbm>> -> memref<1x1x128xi32, #tpu.memory_space<hbm>>
        %dma_start3A_380 = tpu.memref_squeeze %dma_start3A_379 : memref<1x1x128xi32, #tpu.memory_space<hbm>> -> memref<128xi32, #tpu.memory_space<hbm>>
        tpu.enqueue_dma source(%dma_start3A_380 : memref<128xi32, #tpu.memory_space<hbm>>) target(%dma_start3A_377 : memref<128xi32, #tpu.memory_space<vmem>>) target_semaphore(%arg13 : memref<!tpu.dma_semaphore, #tpu.memory_space<semaphore_mem>>)
        %dma_start3A_381 = arith.constant 2 : i32
        %dma_start3A_382 = arith.constant 0 : i32
        %dma_start3A_383 = tpu.memref_slice %arg8[%dma_start3A_381, %dma_start3A_382] : memref<4x128xi32, #tpu.memory_space<vmem>> -> memref<1x128xi32, #tpu.memory_space<vmem>>
        %dma_start3A_384 = tpu.memref_squeeze %dma_start3A_383 : memref<1x128xi32, #tpu.memory_space<vmem>> -> memref<128xi32, #tpu.memory_space<vmem>>
        %dma_start3A_385 = arith.constant 0 : i32
        %dma_start3A_386 = tpu.memref_slice %arg4[%add3A, %add3A_367, %dma_start3A_385] : memref<32x80x128xi32, #tpu.memory_space<hbm>> -> memref<1x1x128xi32, #tpu.memory_space<hbm>>
        %dma_start3A_387 = tpu.memref_squeeze %dma_start3A_386 : memref<1x1x128xi32, #tpu.memory_space<hbm>> -> memref<128xi32, #tpu.memory_space<hbm>>
        %dma_start3A_388 = arith.constant 0 : i32
        %dma_start3A_389 = tpu.memref_slice %arg8[%dma_start3A_381, %dma_start3A_388] : memref<4x128xi32, #tpu.memory_space<vmem>> -> memref<1x128xi32, #tpu.memory_space<vmem>>
        %dma_start3A_390 = tpu.memref_squeeze %dma_start3A_389 : memref<1x128xi32, #tpu.memory_space<vmem>> -> memref<128xi32, #tpu.memory_space<vmem>>
        %dma_start3A_391 = arith.constant 0 : i32
        %dma_start3A_392 = tpu.memref_slice %arg4[%add3A, %add3A_367, %dma_start3A_391] : memref<32x80x128xi32, #tpu.memory_space<hbm>> -> memref<1x1x128xi32, #tpu.memory_space<hbm>>
        %dma_start3A_393 = tpu.memref_squeeze %dma_start3A_392 : memref<1x1x128xi32, #tpu.memory_space<hbm>> -> memref<128xi32, #tpu.memory_space<hbm>>
        tpu.enqueue_dma source(%dma_start3A_393 : memref<128xi32, #tpu.memory_space<hbm>>) target(%dma_start3A_390 : memref<128xi32, #tpu.memory_space<vmem>>) target_semaphore(%arg13 : memref<!tpu.dma_semaphore, #tpu.memory_space<semaphore_mem>>)
      } else {
      }
      %ge3A_173 = arith.constant 2 : i32
      %ge3A_174 = arith.cmpi sge, %add3A_139, %ge3A_173 : i32
      %convert_element_type3A_175 = arith.extui %ge3A_174 : i1 to i32
      %cond3A_176 = arith.constant 0 : i32
      %cond3A_177 = arith.cmpi ne, %convert_element_type3A_175, %cond3A_176 : i32
      scf.if %cond3A_177 {
        %dma_wait3A_366 = arith.constant 1 : i32
        %dma_wait3A_367 = arith.constant 1 : i32
        %dma_wait3A_368 = arith.constant 0 : i32
        %dma_wait3A_369 = arith.constant 0 : i32
        %dma_wait3A_370 = tpu.memref_slice %arg9[%dma_wait3A_366, %dma_wait3A_368, %dma_wait3A_369] : memref<2x128x128xf32, #tpu.memory_space<vmem>> -> memref<1x128x128xf32, #tpu.memory_space<vmem>>
        %dma_wait3A_371 = tpu.memref_squeeze %dma_wait3A_370 : memref<1x128x128xf32, #tpu.memory_space<vmem>> -> memref<128x128xf32, #tpu.memory_space<vmem>>
        %dma_wait3A_372 = arith.constant 0 : i32
        %dma_wait3A_373 = tpu.memref_slice %arg8[%dma_wait3A_367, %dma_wait3A_372] : memref<4x128xi32, #tpu.memory_space<vmem>> -> memref<1x128xi32, #tpu.memory_space<vmem>>
        %dma_wait3A_374 = tpu.memref_squeeze %dma_wait3A_373 : memref<1x128xi32, #tpu.memory_space<vmem>> -> memref<128xi32, #tpu.memory_space<vmem>>
        %dma_wait3A_375 = arith.constant 0 : i32
        %dma_wait3A_376 = arith.constant 0 : i32
        %dma_wait3A_377 = tpu.memref_slice %arg10[%dma_wait3A_375, %dma_wait3A_376] : memref<10240x128xf32, #tpu.memory_space<vmem_shared>> -> memref<10240x128xf32, #tpu.memory_space<vmem_shared>>
        tpu.wait_indirect_dma semaphore(%arg18 : memref<!tpu.dma_semaphore, #tpu.memory_space<semaphore_mem>>) src(%dma_wait3A_371 : memref<128x128xf32, #tpu.memory_space<vmem>>) dst(%dma_wait3A_377 : memref<10240x128xf32, #tpu.memory_space<vmem_shared>>)
      } else {
      }
      %dma_start3A_178 = arith.constant 1 : i32
      %dma_start3A_179 = arith.constant 1 : i32
      %dma_start3A_180 = arith.constant 0 : i32
      %dma_start3A_181 = arith.constant 0 : i32
      %dma_start3A_182 = tpu.memref_slice %arg9[%dma_start3A_179, %dma_start3A_180, %dma_start3A_181] : memref<2x128x128xf32, #tpu.memory_space<vmem>> -> memref<1x128x128xf32, #tpu.memory_space<vmem>>
      %dma_start3A_183 = tpu.memref_squeeze %dma_start3A_182 : memref<1x128x128xf32, #tpu.memory_space<vmem>> -> memref<128x128xf32, #tpu.memory_space<vmem>>
      %dma_start3A_184 = arith.constant 0 : i32
      %dma_start3A_185 = tpu.memref_slice %arg7[%dma_start3A_178, %dma_start3A_184] : memref<4x128xi32, #tpu.memory_space<vmem>> -> memref<1x128xi32, #tpu.memory_space<vmem>>
      %dma_start3A_186 = tpu.memref_squeeze %dma_start3A_185 : memref<1x128xi32, #tpu.memory_space<vmem>> -> memref<128xi32, #tpu.memory_space<vmem>>
      %dma_start3A_187 = arith.constant 0 : i32
      %dma_start3A_188 = arith.constant 0 : i32
      %dma_start3A_189 = tpu.memref_slice %arg2[%dma_start3A_187, %dma_start3A_188] : memref<10240x128xf32, #tpu.memory_space<hbm>> -> memref<10240x128xf32, #tpu.memory_space<hbm>>
      tpu.enqueue_indirect_dma source(%dma_start3A_189 : memref<10240x128xf32, #tpu.memory_space<hbm>>) target(%dma_start3A_183 : memref<128x128xf32, #tpu.memory_space<vmem>>) offsets(%dma_start3A_186 : memref<128xi32, #tpu.memory_space<vmem>>) semaphore(%arg16 : memref<!tpu.dma_semaphore, #tpu.memory_space<semaphore_mem>>)
      %dma_wait3A_190 = arith.constant 1 : i32
      %dma_wait3A_191 = arith.constant 1 : i32
      %dma_wait3A_192 = arith.constant 0 : i32
      %dma_wait3A_193 = arith.constant 0 : i32
      %dma_wait3A_194 = tpu.memref_slice %arg9[%dma_wait3A_191, %dma_wait3A_192, %dma_wait3A_193] : memref<2x128x128xf32, #tpu.memory_space<vmem>> -> memref<1x128x128xf32, #tpu.memory_space<vmem>>
      %dma_wait3A_195 = tpu.memref_squeeze %dma_wait3A_194 : memref<1x128x128xf32, #tpu.memory_space<vmem>> -> memref<128x128xf32, #tpu.memory_space<vmem>>
      %dma_wait3A_196 = arith.constant 0 : i32
      %dma_wait3A_197 = tpu.memref_slice %arg7[%dma_wait3A_190, %dma_wait3A_196] : memref<4x128xi32, #tpu.memory_space<vmem>> -> memref<1x128xi32, #tpu.memory_space<vmem>>
      %dma_wait3A_198 = tpu.memref_squeeze %dma_wait3A_197 : memref<1x128xi32, #tpu.memory_space<vmem>> -> memref<128xi32, #tpu.memory_space<vmem>>
      %dma_wait3A_199 = arith.constant 0 : i32
      %dma_wait3A_200 = arith.constant 0 : i32
      %dma_wait3A_201 = tpu.memref_slice %arg2[%dma_wait3A_199, %dma_wait3A_200] : memref<10240x128xf32, #tpu.memory_space<hbm>> -> memref<10240x128xf32, #tpu.memory_space<hbm>>
      tpu.wait_indirect_dma semaphore(%arg16 : memref<!tpu.dma_semaphore, #tpu.memory_space<semaphore_mem>>) src(%dma_wait3A_201 : memref<10240x128xf32, #tpu.memory_space<hbm>>) dst(%dma_wait3A_195 : memref<128x128xf32, #tpu.memory_space<vmem>>)
      %dma_start3A_202 = arith.constant 1 : i32
      %dma_start3A_203 = arith.constant 1 : i32
      %dma_start3A_204 = arith.constant 0 : i32
      %dma_start3A_205 = arith.constant 0 : i32
      %dma_start3A_206 = tpu.memref_slice %arg9[%dma_start3A_202, %dma_start3A_204, %dma_start3A_205] : memref<2x128x128xf32, #tpu.memory_space<vmem>> -> memref<1x128x128xf32, #tpu.memory_space<vmem>>
      %dma_start3A_207 = tpu.memref_squeeze %dma_start3A_206 : memref<1x128x128xf32, #tpu.memory_space<vmem>> -> memref<128x128xf32, #tpu.memory_space<vmem>>
      %dma_start3A_208 = arith.constant 0 : i32
      %dma_start3A_209 = tpu.memref_slice %arg8[%dma_start3A_203, %dma_start3A_208] : memref<4x128xi32, #tpu.memory_space<vmem>> -> memref<1x128xi32, #tpu.memory_space<vmem>>
      %dma_start3A_210 = tpu.memref_squeeze %dma_start3A_209 : memref<1x128xi32, #tpu.memory_space<vmem>> -> memref<128xi32, #tpu.memory_space<vmem>>
      %dma_start3A_211 = arith.constant 0 : i32
      %dma_start3A_212 = arith.constant 0 : i32
      %dma_start3A_213 = tpu.memref_slice %arg10[%dma_start3A_211, %dma_start3A_212] : memref<10240x128xf32, #tpu.memory_space<vmem_shared>> -> memref<10240x128xf32, #tpu.memory_space<vmem_shared>>
      tpu.enqueue_indirect_dma source(%dma_start3A_207 : memref<128x128xf32, #tpu.memory_space<vmem>>) target(%dma_start3A_213 : memref<10240x128xf32, #tpu.memory_space<vmem_shared>>) offsets(%dma_start3A_210 : memref<128xi32, #tpu.memory_space<vmem>>) semaphore(%arg18 : memref<!tpu.dma_semaphore, #tpu.memory_space<semaphore_mem>>) {add = true}
      %add3A_214 = arith.constant 2 : i32
      %add3A_215 = arith.addi %mul3A_67, %add3A_214 : i32
      %dma_wait3A_216 = arith.constant 0 : i32
      %dma_wait3A_217 = arith.constant 2 : i32
      %dma_wait3A_218 = arith.constant 0 : i32
      %dma_wait3A_219 = tpu.memref_slice %arg7[%dma_wait3A_217, %dma_wait3A_218] : memref<4x128xi32, #tpu.memory_space<vmem>> -> memref<1x128xi32, #tpu.memory_space<vmem>>
      %dma_wait3A_220 = tpu.memref_squeeze %dma_wait3A_219 : memref<1x128xi32, #tpu.memory_space<vmem>> -> memref<128xi32, #tpu.memory_space<vmem>>
      %dma_wait3A_221 = arith.constant 0 : i32
      %dma_wait3A_222 = tpu.memref_slice %arg3[%add3A, %dma_wait3A_216, %dma_wait3A_221] : memref<32x80x128xi32, #tpu.memory_space<hbm>> -> memref<1x1x128xi32, #tpu.memory_space<hbm>>
      %dma_wait3A_223 = tpu.memref_squeeze %dma_wait3A_222 : memref<1x1x128xi32, #tpu.memory_space<hbm>> -> memref<128xi32, #tpu.memory_space<hbm>>
      %dma_wait3A_224 = arith.constant 0 : i32
      %dma_wait3A_225 = tpu.memref_slice %arg7[%dma_wait3A_217, %dma_wait3A_224] : memref<4x128xi32, #tpu.memory_space<vmem>> -> memref<1x128xi32, #tpu.memory_space<vmem>>
      %dma_wait3A_226 = tpu.memref_squeeze %dma_wait3A_225 : memref<1x128xi32, #tpu.memory_space<vmem>> -> memref<128xi32, #tpu.memory_space<vmem>>
      %dma_wait3A_227 = arith.constant 0 : i32
      %dma_wait3A_228 = tpu.memref_slice %arg3[%add3A, %dma_wait3A_216, %dma_wait3A_227] : memref<32x80x128xi32, #tpu.memory_space<hbm>> -> memref<1x1x128xi32, #tpu.memory_space<hbm>>
      %dma_wait3A_229 = tpu.memref_squeeze %dma_wait3A_228 : memref<1x1x128xi32, #tpu.memory_space<hbm>> -> memref<128xi32, #tpu.memory_space<hbm>>
      tpu.wait_dma2 semaphore(%arg13 : memref<!tpu.dma_semaphore, #tpu.memory_space<semaphore_mem>>) src(%dma_wait3A_229 : memref<128xi32, #tpu.memory_space<hbm>>) dst(%dma_wait3A_226 : memref<128xi32, #tpu.memory_space<vmem>>)
      %dma_wait3A_230 = arith.constant 0 : i32
      %dma_wait3A_231 = arith.constant 2 : i32
      %dma_wait3A_232 = arith.constant 0 : i32
      %dma_wait3A_233 = tpu.memref_slice %arg8[%dma_wait3A_231, %dma_wait3A_232] : memref<4x128xi32, #tpu.memory_space<vmem>> -> memref<1x128xi32, #tpu.memory_space<vmem>>
      %dma_wait3A_234 = tpu.memref_squeeze %dma_wait3A_233 : memref<1x128xi32, #tpu.memory_space<vmem>> -> memref<128xi32, #tpu.memory_space<vmem>>
      %dma_wait3A_235 = arith.constant 0 : i32
      %dma_wait3A_236 = tpu.memref_slice %arg4[%add3A, %dma_wait3A_230, %dma_wait3A_235] : memref<32x80x128xi32, #tpu.memory_space<hbm>> -> memref<1x1x128xi32, #tpu.memory_space<hbm>>
      %dma_wait3A_237 = tpu.memref_squeeze %dma_wait3A_236 : memref<1x1x128xi32, #tpu.memory_space<hbm>> -> memref<128xi32, #tpu.memory_space<hbm>>
      %dma_wait3A_238 = arith.constant 0 : i32
      %dma_wait3A_239 = tpu.memref_slice %arg8[%dma_wait3A_231, %dma_wait3A_238] : memref<4x128xi32, #tpu.memory_space<vmem>> -> memref<1x128xi32, #tpu.memory_space<vmem>>
      %dma_wait3A_240 = tpu.memref_squeeze %dma_wait3A_239 : memref<1x128xi32, #tpu.memory_space<vmem>> -> memref<128xi32, #tpu.memory_space<vmem>>
      %dma_wait3A_241 = arith.constant 0 : i32
      %dma_wait3A_242 = tpu.memref_slice %arg4[%add3A, %dma_wait3A_230, %dma_wait3A_241] : memref<32x80x128xi32, #tpu.memory_space<hbm>> -> memref<1x1x128xi32, #tpu.memory_space<hbm>>
      %dma_wait3A_243 = tpu.memref_squeeze %dma_wait3A_242 : memref<1x1x128xi32, #tpu.memory_space<hbm>> -> memref<128xi32, #tpu.memory_space<hbm>>
      tpu.wait_dma2 semaphore(%arg13 : memref<!tpu.dma_semaphore, #tpu.memory_space<semaphore_mem>>) src(%dma_wait3A_243 : memref<128xi32, #tpu.memory_space<hbm>>) dst(%dma_wait3A_240 : memref<128xi32, #tpu.memory_space<vmem>>)
      %lt3A_244 = arith.constant 79 : i32
      %lt3A_245 = arith.cmpi slt, %add3A_215, %lt3A_244 : i32
      %convert_element_type3A_246 = arith.extui %lt3A_245 : i1 to i32
      %cond3A_247 = arith.constant 0 : i32
      %cond3A_248 = arith.cmpi ne, %convert_element_type3A_246, %cond3A_247 : i32
      scf.if %cond3A_248 {
        %add3A_366 = arith.constant 1 : i32
        %add3A_367 = arith.addi %add3A_215, %add3A_366 : i32
        %dma_start3A_368 = arith.constant 3 : i32
        %dma_start3A_369 = arith.constant 0 : i32
        %dma_start3A_370 = tpu.memref_slice %arg7[%dma_start3A_368, %dma_start3A_369] : memref<4x128xi32, #tpu.memory_space<vmem>> -> memref<1x128xi32, #tpu.memory_space<vmem>>
        %dma_start3A_371 = tpu.memref_squeeze %dma_start3A_370 : memref<1x128xi32, #tpu.memory_space<vmem>> -> memref<128xi32, #tpu.memory_space<vmem>>
        %dma_start3A_372 = arith.constant 0 : i32
        %dma_start3A_373 = tpu.memref_slice %arg3[%add3A, %add3A_367, %dma_start3A_372] : memref<32x80x128xi32, #tpu.memory_space<hbm>> -> memref<1x1x128xi32, #tpu.memory_space<hbm>>
        %dma_start3A_374 = tpu.memref_squeeze %dma_start3A_373 : memref<1x1x128xi32, #tpu.memory_space<hbm>> -> memref<128xi32, #tpu.memory_space<hbm>>
        %dma_start3A_375 = arith.constant 0 : i32
        %dma_start3A_376 = tpu.memref_slice %arg7[%dma_start3A_368, %dma_start3A_375] : memref<4x128xi32, #tpu.memory_space<vmem>> -> memref<1x128xi32, #tpu.memory_space<vmem>>
        %dma_start3A_377 = tpu.memref_squeeze %dma_start3A_376 : memref<1x128xi32, #tpu.memory_space<vmem>> -> memref<128xi32, #tpu.memory_space<vmem>>
        %dma_start3A_378 = arith.constant 0 : i32
        %dma_start3A_379 = tpu.memref_slice %arg3[%add3A, %add3A_367, %dma_start3A_378] : memref<32x80x128xi32, #tpu.memory_space<hbm>> -> memref<1x1x128xi32, #tpu.memory_space<hbm>>
        %dma_start3A_380 = tpu.memref_squeeze %dma_start3A_379 : memref<1x1x128xi32, #tpu.memory_space<hbm>> -> memref<128xi32, #tpu.memory_space<hbm>>
        tpu.enqueue_dma source(%dma_start3A_380 : memref<128xi32, #tpu.memory_space<hbm>>) target(%dma_start3A_377 : memref<128xi32, #tpu.memory_space<vmem>>) target_semaphore(%arg14 : memref<!tpu.dma_semaphore, #tpu.memory_space<semaphore_mem>>)
        %dma_start3A_381 = arith.constant 3 : i32
        %dma_start3A_382 = arith.constant 0 : i32
        %dma_start3A_383 = tpu.memref_slice %arg8[%dma_start3A_381, %dma_start3A_382] : memref<4x128xi32, #tpu.memory_space<vmem>> -> memref<1x128xi32, #tpu.memory_space<vmem>>
        %dma_start3A_384 = tpu.memref_squeeze %dma_start3A_383 : memref<1x128xi32, #tpu.memory_space<vmem>> -> memref<128xi32, #tpu.memory_space<vmem>>
        %dma_start3A_385 = arith.constant 0 : i32
        %dma_start3A_386 = tpu.memref_slice %arg4[%add3A, %add3A_367, %dma_start3A_385] : memref<32x80x128xi32, #tpu.memory_space<hbm>> -> memref<1x1x128xi32, #tpu.memory_space<hbm>>
        %dma_start3A_387 = tpu.memref_squeeze %dma_start3A_386 : memref<1x1x128xi32, #tpu.memory_space<hbm>> -> memref<128xi32, #tpu.memory_space<hbm>>
        %dma_start3A_388 = arith.constant 0 : i32
        %dma_start3A_389 = tpu.memref_slice %arg8[%dma_start3A_381, %dma_start3A_388] : memref<4x128xi32, #tpu.memory_space<vmem>> -> memref<1x128xi32, #tpu.memory_space<vmem>>
        %dma_start3A_390 = tpu.memref_squeeze %dma_start3A_389 : memref<1x128xi32, #tpu.memory_space<vmem>> -> memref<128xi32, #tpu.memory_space<vmem>>
        %dma_start3A_391 = arith.constant 0 : i32
        %dma_start3A_392 = tpu.memref_slice %arg4[%add3A, %add3A_367, %dma_start3A_391] : memref<32x80x128xi32, #tpu.memory_space<hbm>> -> memref<1x1x128xi32, #tpu.memory_space<hbm>>
        %dma_start3A_393 = tpu.memref_squeeze %dma_start3A_392 : memref<1x1x128xi32, #tpu.memory_space<hbm>> -> memref<128xi32, #tpu.memory_space<hbm>>
        tpu.enqueue_dma source(%dma_start3A_393 : memref<128xi32, #tpu.memory_space<hbm>>) target(%dma_start3A_390 : memref<128xi32, #tpu.memory_space<vmem>>) target_semaphore(%arg14 : memref<!tpu.dma_semaphore, #tpu.memory_space<semaphore_mem>>)
      } else {
      }
      %ge3A_249 = arith.constant 2 : i32
      %ge3A_250 = arith.cmpi sge, %add3A_215, %ge3A_249 : i32
      %convert_element_type3A_251 = arith.extui %ge3A_250 : i1 to i32
      %cond3A_252 = arith.constant 0 : i32
      %cond3A_253 = arith.cmpi ne, %convert_element_type3A_251, %cond3A_252 : i32
      scf.if %cond3A_253 {
        %dma_wait3A_366 = arith.constant 0 : i32
        %dma_wait3A_367 = arith.constant 2 : i32
        %dma_wait3A_368 = arith.constant 0 : i32
        %dma_wait3A_369 = arith.constant 0 : i32
        %dma_wait3A_370 = tpu.memref_slice %arg9[%dma_wait3A_366, %dma_wait3A_368, %dma_wait3A_369] : memref<2x128x128xf32, #tpu.memory_space<vmem>> -> memref<1x128x128xf32, #tpu.memory_space<vmem>>
        %dma_wait3A_371 = tpu.memref_squeeze %dma_wait3A_370 : memref<1x128x128xf32, #tpu.memory_space<vmem>> -> memref<128x128xf32, #tpu.memory_space<vmem>>
        %dma_wait3A_372 = arith.constant 0 : i32
        %dma_wait3A_373 = tpu.memref_slice %arg8[%dma_wait3A_367, %dma_wait3A_372] : memref<4x128xi32, #tpu.memory_space<vmem>> -> memref<1x128xi32, #tpu.memory_space<vmem>>
        %dma_wait3A_374 = tpu.memref_squeeze %dma_wait3A_373 : memref<1x128xi32, #tpu.memory_space<vmem>> -> memref<128xi32, #tpu.memory_space<vmem>>
        %dma_wait3A_375 = arith.constant 0 : i32
        %dma_wait3A_376 = arith.constant 0 : i32
        %dma_wait3A_377 = tpu.memref_slice %arg10[%dma_wait3A_375, %dma_wait3A_376] : memref<10240x128xf32, #tpu.memory_space<vmem_shared>> -> memref<10240x128xf32, #tpu.memory_space<vmem_shared>>
        tpu.wait_indirect_dma semaphore(%arg17 : memref<!tpu.dma_semaphore, #tpu.memory_space<semaphore_mem>>) src(%dma_wait3A_371 : memref<128x128xf32, #tpu.memory_space<vmem>>) dst(%dma_wait3A_377 : memref<10240x128xf32, #tpu.memory_space<vmem_shared>>)
      } else {
      }
      %dma_start3A_254 = arith.constant 2 : i32
      %dma_start3A_255 = arith.constant 0 : i32
      %dma_start3A_256 = arith.constant 0 : i32
      %dma_start3A_257 = arith.constant 0 : i32
      %dma_start3A_258 = tpu.memref_slice %arg9[%dma_start3A_255, %dma_start3A_256, %dma_start3A_257] : memref<2x128x128xf32, #tpu.memory_space<vmem>> -> memref<1x128x128xf32, #tpu.memory_space<vmem>>
      %dma_start3A_259 = tpu.memref_squeeze %dma_start3A_258 : memref<1x128x128xf32, #tpu.memory_space<vmem>> -> memref<128x128xf32, #tpu.memory_space<vmem>>
      %dma_start3A_260 = arith.constant 0 : i32
      %dma_start3A_261 = tpu.memref_slice %arg7[%dma_start3A_254, %dma_start3A_260] : memref<4x128xi32, #tpu.memory_space<vmem>> -> memref<1x128xi32, #tpu.memory_space<vmem>>
      %dma_start3A_262 = tpu.memref_squeeze %dma_start3A_261 : memref<1x128xi32, #tpu.memory_space<vmem>> -> memref<128xi32, #tpu.memory_space<vmem>>
      %dma_start3A_263 = arith.constant 0 : i32
      %dma_start3A_264 = arith.constant 0 : i32
      %dma_start3A_265 = tpu.memref_slice %arg2[%dma_start3A_263, %dma_start3A_264] : memref<10240x128xf32, #tpu.memory_space<hbm>> -> memref<10240x128xf32, #tpu.memory_space<hbm>>
      tpu.enqueue_indirect_dma source(%dma_start3A_265 : memref<10240x128xf32, #tpu.memory_space<hbm>>) target(%dma_start3A_259 : memref<128x128xf32, #tpu.memory_space<vmem>>) offsets(%dma_start3A_262 : memref<128xi32, #tpu.memory_space<vmem>>) semaphore(%arg15 : memref<!tpu.dma_semaphore, #tpu.memory_space<semaphore_mem>>)
      %dma_wait3A_266 = arith.constant 2 : i32
      %dma_wait3A_267 = arith.constant 0 : i32
      %dma_wait3A_268 = arith.constant 0 : i32
      %dma_wait3A_269 = arith.constant 0 : i32
      %dma_wait3A_270 = tpu.memref_slice %arg9[%dma_wait3A_267, %dma_wait3A_268, %dma_wait3A_269] : memref<2x128x128xf32, #tpu.memory_space<vmem>> -> memref<1x128x128xf32, #tpu.memory_space<vmem>>
      %dma_wait3A_271 = tpu.memref_squeeze %dma_wait3A_270 : memref<1x128x128xf32, #tpu.memory_space<vmem>> -> memref<128x128xf32, #tpu.memory_space<vmem>>
      %dma_wait3A_272 = arith.constant 0 : i32
      %dma_wait3A_273 = tpu.memref_slice %arg7[%dma_wait3A_266, %dma_wait3A_272] : memref<4x128xi32, #tpu.memory_space<vmem>> -> memref<1x128xi32, #tpu.memory_space<vmem>>
      %dma_wait3A_274 = tpu.memref_squeeze %dma_wait3A_273 : memref<1x128xi32, #tpu.memory_space<vmem>> -> memref<128xi32, #tpu.memory_space<vmem>>
      %dma_wait3A_275 = arith.constant 0 : i32
      %dma_wait3A_276 = arith.constant 0 : i32
      %dma_wait3A_277 = tpu.memref_slice %arg2[%dma_wait3A_275, %dma_wait3A_276] : memref<10240x128xf32, #tpu.memory_space<hbm>> -> memref<10240x128xf32, #tpu.memory_space<hbm>>
      tpu.wait_indirect_dma semaphore(%arg15 : memref<!tpu.dma_semaphore, #tpu.memory_space<semaphore_mem>>) src(%dma_wait3A_277 : memref<10240x128xf32, #tpu.memory_space<hbm>>) dst(%dma_wait3A_271 : memref<128x128xf32, #tpu.memory_space<vmem>>)
      %dma_start3A_278 = arith.constant 0 : i32
      %dma_start3A_279 = arith.constant 2 : i32
      %dma_start3A_280 = arith.constant 0 : i32
      %dma_start3A_281 = arith.constant 0 : i32
      %dma_start3A_282 = tpu.memref_slice %arg9[%dma_start3A_278, %dma_start3A_280, %dma_start3A_281] : memref<2x128x128xf32, #tpu.memory_space<vmem>> -> memref<1x128x128xf32, #tpu.memory_space<vmem>>
      %dma_start3A_283 = tpu.memref_squeeze %dma_start3A_282 : memref<1x128x128xf32, #tpu.memory_space<vmem>> -> memref<128x128xf32, #tpu.memory_space<vmem>>
      %dma_start3A_284 = arith.constant 0 : i32
      %dma_start3A_285 = tpu.memref_slice %arg8[%dma_start3A_279, %dma_start3A_284] : memref<4x128xi32, #tpu.memory_space<vmem>> -> memref<1x128xi32, #tpu.memory_space<vmem>>
      %dma_start3A_286 = tpu.memref_squeeze %dma_start3A_285 : memref<1x128xi32, #tpu.memory_space<vmem>> -> memref<128xi32, #tpu.memory_space<vmem>>
      %dma_start3A_287 = arith.constant 0 : i32
      %dma_start3A_288 = arith.constant 0 : i32
      %dma_start3A_289 = tpu.memref_slice %arg10[%dma_start3A_287, %dma_start3A_288] : memref<10240x128xf32, #tpu.memory_space<vmem_shared>> -> memref<10240x128xf32, #tpu.memory_space<vmem_shared>>
      tpu.enqueue_indirect_dma source(%dma_start3A_283 : memref<128x128xf32, #tpu.memory_space<vmem>>) target(%dma_start3A_289 : memref<10240x128xf32, #tpu.memory_space<vmem_shared>>) offsets(%dma_start3A_286 : memref<128xi32, #tpu.memory_space<vmem>>) semaphore(%arg17 : memref<!tpu.dma_semaphore, #tpu.memory_space<semaphore_mem>>) {add = true}
      %add3A_290 = arith.constant 3 : i32
      %add3A_291 = arith.addi %mul3A_67, %add3A_290 : i32
      %dma_wait3A_292 = arith.constant 0 : i32
      %dma_wait3A_293 = arith.constant 3 : i32
      %dma_wait3A_294 = arith.constant 0 : i32
      %dma_wait3A_295 = tpu.memref_slice %arg7[%dma_wait3A_293, %dma_wait3A_294] : memref<4x128xi32, #tpu.memory_space<vmem>> -> memref<1x128xi32, #tpu.memory_space<vmem>>
      %dma_wait3A_296 = tpu.memref_squeeze %dma_wait3A_295 : memref<1x128xi32, #tpu.memory_space<vmem>> -> memref<128xi32, #tpu.memory_space<vmem>>
      %dma_wait3A_297 = arith.constant 0 : i32
      %dma_wait3A_298 = tpu.memref_slice %arg3[%add3A, %dma_wait3A_292, %dma_wait3A_297] : memref<32x80x128xi32, #tpu.memory_space<hbm>> -> memref<1x1x128xi32, #tpu.memory_space<hbm>>
      %dma_wait3A_299 = tpu.memref_squeeze %dma_wait3A_298 : memref<1x1x128xi32, #tpu.memory_space<hbm>> -> memref<128xi32, #tpu.memory_space<hbm>>
      %dma_wait3A_300 = arith.constant 0 : i32
      %dma_wait3A_301 = tpu.memref_slice %arg7[%dma_wait3A_293, %dma_wait3A_300] : memref<4x128xi32, #tpu.memory_space<vmem>> -> memref<1x128xi32, #tpu.memory_space<vmem>>
      %dma_wait3A_302 = tpu.memref_squeeze %dma_wait3A_301 : memref<1x128xi32, #tpu.memory_space<vmem>> -> memref<128xi32, #tpu.memory_space<vmem>>
      %dma_wait3A_303 = arith.constant 0 : i32
      %dma_wait3A_304 = tpu.memref_slice %arg3[%add3A, %dma_wait3A_292, %dma_wait3A_303] : memref<32x80x128xi32, #tpu.memory_space<hbm>> -> memref<1x1x128xi32, #tpu.memory_space<hbm>>
      %dma_wait3A_305 = tpu.memref_squeeze %dma_wait3A_304 : memref<1x1x128xi32, #tpu.memory_space<hbm>> -> memref<128xi32, #tpu.memory_space<hbm>>
      tpu.wait_dma2 semaphore(%arg14 : memref<!tpu.dma_semaphore, #tpu.memory_space<semaphore_mem>>) src(%dma_wait3A_305 : memref<128xi32, #tpu.memory_space<hbm>>) dst(%dma_wait3A_302 : memref<128xi32, #tpu.memory_space<vmem>>)
      %dma_wait3A_306 = arith.constant 0 : i32
      %dma_wait3A_307 = arith.constant 3 : i32
      %dma_wait3A_308 = arith.constant 0 : i32
      %dma_wait3A_309 = tpu.memref_slice %arg8[%dma_wait3A_307, %dma_wait3A_308] : memref<4x128xi32, #tpu.memory_space<vmem>> -> memref<1x128xi32, #tpu.memory_space<vmem>>
      %dma_wait3A_310 = tpu.memref_squeeze %dma_wait3A_309 : memref<1x128xi32, #tpu.memory_space<vmem>> -> memref<128xi32, #tpu.memory_space<vmem>>
      %dma_wait3A_311 = arith.constant 0 : i32
      %dma_wait3A_312 = tpu.memref_slice %arg4[%add3A, %dma_wait3A_306, %dma_wait3A_311] : memref<32x80x128xi32, #tpu.memory_space<hbm>> -> memref<1x1x128xi32, #tpu.memory_space<hbm>>
      %dma_wait3A_313 = tpu.memref_squeeze %dma_wait3A_312 : memref<1x1x128xi32, #tpu.memory_space<hbm>> -> memref<128xi32, #tpu.memory_space<hbm>>
      %dma_wait3A_314 = arith.constant 0 : i32
      %dma_wait3A_315 = tpu.memref_slice %arg8[%dma_wait3A_307, %dma_wait3A_314] : memref<4x128xi32, #tpu.memory_space<vmem>> -> memref<1x128xi32, #tpu.memory_space<vmem>>
      %dma_wait3A_316 = tpu.memref_squeeze %dma_wait3A_315 : memref<1x128xi32, #tpu.memory_space<vmem>> -> memref<128xi32, #tpu.memory_space<vmem>>
      %dma_wait3A_317 = arith.constant 0 : i32
      %dma_wait3A_318 = tpu.memref_slice %arg4[%add3A, %dma_wait3A_306, %dma_wait3A_317] : memref<32x80x128xi32, #tpu.memory_space<hbm>> -> memref<1x1x128xi32, #tpu.memory_space<hbm>>
      %dma_wait3A_319 = tpu.memref_squeeze %dma_wait3A_318 : memref<1x1x128xi32, #tpu.memory_space<hbm>> -> memref<128xi32, #tpu.memory_space<hbm>>
      tpu.wait_dma2 semaphore(%arg14 : memref<!tpu.dma_semaphore, #tpu.memory_space<semaphore_mem>>) src(%dma_wait3A_319 : memref<128xi32, #tpu.memory_space<hbm>>) dst(%dma_wait3A_316 : memref<128xi32, #tpu.memory_space<vmem>>)
      %lt3A_320 = arith.constant 79 : i32
      %lt3A_321 = arith.cmpi slt, %add3A_291, %lt3A_320 : i32
      %convert_element_type3A_322 = arith.extui %lt3A_321 : i1 to i32
      %cond3A_323 = arith.constant 0 : i32
      %cond3A_324 = arith.cmpi ne, %convert_element_type3A_322, %cond3A_323 : i32
      scf.if %cond3A_324 {
        %add3A_366 = arith.constant 1 : i32
        %add3A_367 = arith.addi %add3A_291, %add3A_366 : i32
        %dma_start3A_368 = arith.constant 0 : i32
        %dma_start3A_369 = arith.constant 0 : i32
        %dma_start3A_370 = tpu.memref_slice %arg7[%dma_start3A_368, %dma_start3A_369] : memref<4x128xi32, #tpu.memory_space<vmem>> -> memref<1x128xi32, #tpu.memory_space<vmem>>
        %dma_start3A_371 = tpu.memref_squeeze %dma_start3A_370 : memref<1x128xi32, #tpu.memory_space<vmem>> -> memref<128xi32, #tpu.memory_space<vmem>>
        %dma_start3A_372 = arith.constant 0 : i32
        %dma_start3A_373 = tpu.memref_slice %arg3[%add3A, %add3A_367, %dma_start3A_372] : memref<32x80x128xi32, #tpu.memory_space<hbm>> -> memref<1x1x128xi32, #tpu.memory_space<hbm>>
        %dma_start3A_374 = tpu.memref_squeeze %dma_start3A_373 : memref<1x1x128xi32, #tpu.memory_space<hbm>> -> memref<128xi32, #tpu.memory_space<hbm>>
        %dma_start3A_375 = arith.constant 0 : i32
        %dma_start3A_376 = tpu.memref_slice %arg7[%dma_start3A_368, %dma_start3A_375] : memref<4x128xi32, #tpu.memory_space<vmem>> -> memref<1x128xi32, #tpu.memory_space<vmem>>
        %dma_start3A_377 = tpu.memref_squeeze %dma_start3A_376 : memref<1x128xi32, #tpu.memory_space<vmem>> -> memref<128xi32, #tpu.memory_space<vmem>>
        %dma_start3A_378 = arith.constant 0 : i32
        %dma_start3A_379 = tpu.memref_slice %arg3[%add3A, %add3A_367, %dma_start3A_378] : memref<32x80x128xi32, #tpu.memory_space<hbm>> -> memref<1x1x128xi32, #tpu.memory_space<hbm>>
        %dma_start3A_380 = tpu.memref_squeeze %dma_start3A_379 : memref<1x1x128xi32, #tpu.memory_space<hbm>> -> memref<128xi32, #tpu.memory_space<hbm>>
        tpu.enqueue_dma source(%dma_start3A_380 : memref<128xi32, #tpu.memory_space<hbm>>) target(%dma_start3A_377 : memref<128xi32, #tpu.memory_space<vmem>>) target_semaphore(%arg11 : memref<!tpu.dma_semaphore, #tpu.memory_space<semaphore_mem>>)
        %dma_start3A_381 = arith.constant 0 : i32
        %dma_start3A_382 = arith.constant 0 : i32
        %dma_start3A_383 = tpu.memref_slice %arg8[%dma_start3A_381, %dma_start3A_382] : memref<4x128xi32, #tpu.memory_space<vmem>> -> memref<1x128xi32, #tpu.memory_space<vmem>>
        %dma_start3A_384 = tpu.memref_squeeze %dma_start3A_383 : memref<1x128xi32, #tpu.memory_space<vmem>> -> memref<128xi32, #tpu.memory_space<vmem>>
        %dma_start3A_385 = arith.constant 0 : i32
        %dma_start3A_386 = tpu.memref_slice %arg4[%add3A, %add3A_367, %dma_start3A_385] : memref<32x80x128xi32, #tpu.memory_space<hbm>> -> memref<1x1x128xi32, #tpu.memory_space<hbm>>
        %dma_start3A_387 = tpu.memref_squeeze %dma_start3A_386 : memref<1x1x128xi32, #tpu.memory_space<hbm>> -> memref<128xi32, #tpu.memory_space<hbm>>
        %dma_start3A_388 = arith.constant 0 : i32
        %dma_start3A_389 = tpu.memref_slice %arg8[%dma_start3A_381, %dma_start3A_388] : memref<4x128xi32, #tpu.memory_space<vmem>> -> memref<1x128xi32, #tpu.memory_space<vmem>>
        %dma_start3A_390 = tpu.memref_squeeze %dma_start3A_389 : memref<1x128xi32, #tpu.memory_space<vmem>> -> memref<128xi32, #tpu.memory_space<vmem>>
        %dma_start3A_391 = arith.constant 0 : i32
        %dma_start3A_392 = tpu.memref_slice %arg4[%add3A, %add3A_367, %dma_start3A_391] : memref<32x80x128xi32, #tpu.memory_space<hbm>> -> memref<1x1x128xi32, #tpu.memory_space<hbm>>
        %dma_start3A_393 = tpu.memref_squeeze %dma_start3A_392 : memref<1x1x128xi32, #tpu.memory_space<hbm>> -> memref<128xi32, #tpu.memory_space<hbm>>
        tpu.enqueue_dma source(%dma_start3A_393 : memref<128xi32, #tpu.memory_space<hbm>>) target(%dma_start3A_390 : memref<128xi32, #tpu.memory_space<vmem>>) target_semaphore(%arg11 : memref<!tpu.dma_semaphore, #tpu.memory_space<semaphore_mem>>)
      } else {
      }
      %ge3A_325 = arith.constant 2 : i32
      %ge3A_326 = arith.cmpi sge, %add3A_291, %ge3A_325 : i32
      %convert_element_type3A_327 = arith.extui %ge3A_326 : i1 to i32
      %cond3A_328 = arith.constant 0 : i32
      %cond3A_329 = arith.cmpi ne, %convert_element_type3A_327, %cond3A_328 : i32
      scf.if %cond3A_329 {
        %dma_wait3A_366 = arith.constant 1 : i32
        %dma_wait3A_367 = arith.constant 3 : i32
        %dma_wait3A_368 = arith.constant 0 : i32
        %dma_wait3A_369 = arith.constant 0 : i32
        %dma_wait3A_370 = tpu.memref_slice %arg9[%dma_wait3A_366, %dma_wait3A_368, %dma_wait3A_369] : memref<2x128x128xf32, #tpu.memory_space<vmem>> -> memref<1x128x128xf32, #tpu.memory_space<vmem>>
        %dma_wait3A_371 = tpu.memref_squeeze %dma_wait3A_370 : memref<1x128x128xf32, #tpu.memory_space<vmem>> -> memref<128x128xf32, #tpu.memory_space<vmem>>
        %dma_wait3A_372 = arith.constant 0 : i32
        %dma_wait3A_373 = tpu.memref_slice %arg8[%dma_wait3A_367, %dma_wait3A_372] : memref<4x128xi32, #tpu.memory_space<vmem>> -> memref<1x128xi32, #tpu.memory_space<vmem>>
        %dma_wait3A_374 = tpu.memref_squeeze %dma_wait3A_373 : memref<1x128xi32, #tpu.memory_space<vmem>> -> memref<128xi32, #tpu.memory_space<vmem>>
        %dma_wait3A_375 = arith.constant 0 : i32
        %dma_wait3A_376 = arith.constant 0 : i32
        %dma_wait3A_377 = tpu.memref_slice %arg10[%dma_wait3A_375, %dma_wait3A_376] : memref<10240x128xf32, #tpu.memory_space<vmem_shared>> -> memref<10240x128xf32, #tpu.memory_space<vmem_shared>>
        tpu.wait_indirect_dma semaphore(%arg18 : memref<!tpu.dma_semaphore, #tpu.memory_space<semaphore_mem>>) src(%dma_wait3A_371 : memref<128x128xf32, #tpu.memory_space<vmem>>) dst(%dma_wait3A_377 : memref<10240x128xf32, #tpu.memory_space<vmem_shared>>)
      } else {
      }
      %dma_start3A_330 = arith.constant 3 : i32
      %dma_start3A_331 = arith.constant 1 : i32
      %dma_start3A_332 = arith.constant 0 : i32
      %dma_start3A_333 = arith.constant 0 : i32
      %dma_start3A_334 = tpu.memref_slice %arg9[%dma_start3A_331, %dma_start3A_332, %dma_start3A_333] : memref<2x128x128xf32, #tpu.memory_space<vmem>> -> memref<1x128x128xf32, #tpu.memory_space<vmem>>
      %dma_start3A_335 = tpu.memref_squeeze %dma_start3A_334 : memref<1x128x128xf32, #tpu.memory_space<vmem>> -> memref<128x128xf32, #tpu.memory_space<vmem>>
      %dma_start3A_336 = arith.constant 0 : i32
      %dma_start3A_337 = tpu.memref_slice %arg7[%dma_start3A_330, %dma_start3A_336] : memref<4x128xi32, #tpu.memory_space<vmem>> -> memref<1x128xi32, #tpu.memory_space<vmem>>
      %dma_start3A_338 = tpu.memref_squeeze %dma_start3A_337 : memref<1x128xi32, #tpu.memory_space<vmem>> -> memref<128xi32, #tpu.memory_space<vmem>>
      %dma_start3A_339 = arith.constant 0 : i32
      %dma_start3A_340 = arith.constant 0 : i32
      %dma_start3A_341 = tpu.memref_slice %arg2[%dma_start3A_339, %dma_start3A_340] : memref<10240x128xf32, #tpu.memory_space<hbm>> -> memref<10240x128xf32, #tpu.memory_space<hbm>>
      tpu.enqueue_indirect_dma source(%dma_start3A_341 : memref<10240x128xf32, #tpu.memory_space<hbm>>) target(%dma_start3A_335 : memref<128x128xf32, #tpu.memory_space<vmem>>) offsets(%dma_start3A_338 : memref<128xi32, #tpu.memory_space<vmem>>) semaphore(%arg16 : memref<!tpu.dma_semaphore, #tpu.memory_space<semaphore_mem>>)
      %dma_wait3A_342 = arith.constant 3 : i32
      %dma_wait3A_343 = arith.constant 1 : i32
      %dma_wait3A_344 = arith.constant 0 : i32
      %dma_wait3A_345 = arith.constant 0 : i32
      %dma_wait3A_346 = tpu.memref_slice %arg9[%dma_wait3A_343, %dma_wait3A_344, %dma_wait3A_345] : memref<2x128x128xf32, #tpu.memory_space<vmem>> -> memref<1x128x128xf32, #tpu.memory_space<vmem>>
      %dma_wait3A_347 = tpu.memref_squeeze %dma_wait3A_346 : memref<1x128x128xf32, #tpu.memory_space<vmem>> -> memref<128x128xf32, #tpu.memory_space<vmem>>
      %dma_wait3A_348 = arith.constant 0 : i32
      %dma_wait3A_349 = tpu.memref_slice %arg7[%dma_wait3A_342, %dma_wait3A_348] : memref<4x128xi32, #tpu.memory_space<vmem>> -> memref<1x128xi32, #tpu.memory_space<vmem>>
      %dma_wait3A_350 = tpu.memref_squeeze %dma_wait3A_349 : memref<1x128xi32, #tpu.memory_space<vmem>> -> memref<128xi32, #tpu.memory_space<vmem>>
      %dma_wait3A_351 = arith.constant 0 : i32
      %dma_wait3A_352 = arith.constant 0 : i32
      %dma_wait3A_353 = tpu.memref_slice %arg2[%dma_wait3A_351, %dma_wait3A_352] : memref<10240x128xf32, #tpu.memory_space<hbm>> -> memref<10240x128xf32, #tpu.memory_space<hbm>>
      tpu.wait_indirect_dma semaphore(%arg16 : memref<!tpu.dma_semaphore, #tpu.memory_space<semaphore_mem>>) src(%dma_wait3A_353 : memref<10240x128xf32, #tpu.memory_space<hbm>>) dst(%dma_wait3A_347 : memref<128x128xf32, #tpu.memory_space<vmem>>)
      %dma_start3A_354 = arith.constant 1 : i32
      %dma_start3A_355 = arith.constant 3 : i32
      %dma_start3A_356 = arith.constant 0 : i32
      %dma_start3A_357 = arith.constant 0 : i32
      %dma_start3A_358 = tpu.memref_slice %arg9[%dma_start3A_354, %dma_start3A_356, %dma_start3A_357] : memref<2x128x128xf32, #tpu.memory_space<vmem>> -> memref<1x128x128xf32, #tpu.memory_space<vmem>>
      %dma_start3A_359 = tpu.memref_squeeze %dma_start3A_358 : memref<1x128x128xf32, #tpu.memory_space<vmem>> -> memref<128x128xf32, #tpu.memory_space<vmem>>
      %dma_start3A_360 = arith.constant 0 : i32
      %dma_start3A_361 = tpu.memref_slice %arg8[%dma_start3A_355, %dma_start3A_360] : memref<4x128xi32, #tpu.memory_space<vmem>> -> memref<1x128xi32, #tpu.memory_space<vmem>>
      %dma_start3A_362 = tpu.memref_squeeze %dma_start3A_361 : memref<1x128xi32, #tpu.memory_space<vmem>> -> memref<128xi32, #tpu.memory_space<vmem>>
      %dma_start3A_363 = arith.constant 0 : i32
      %dma_start3A_364 = arith.constant 0 : i32
      %dma_start3A_365 = tpu.memref_slice %arg10[%dma_start3A_363, %dma_start3A_364] : memref<10240x128xf32, #tpu.memory_space<vmem_shared>> -> memref<10240x128xf32, #tpu.memory_space<vmem_shared>>
      tpu.enqueue_indirect_dma source(%dma_start3A_359 : memref<128x128xf32, #tpu.memory_space<vmem>>) target(%dma_start3A_365 : memref<10240x128xf32, #tpu.memory_space<vmem_shared>>) offsets(%dma_start3A_362 : memref<128xi32, #tpu.memory_space<vmem>>) semaphore(%arg18 : memref<!tpu.dma_semaphore, #tpu.memory_space<semaphore_mem>>) {add = true}
    }
    %scan3A_36 = arith.constant 20 : i32
    %dma_wait3A = arith.constant 0 : i32
    %dma_wait3A_37 = arith.constant 2 : i32
    %dma_wait3A_38 = arith.constant 0 : i32
    %dma_wait3A_39 = arith.constant 0 : i32
    %dma_wait3A_40 = tpu.memref_slice %arg9[%dma_wait3A, %dma_wait3A_38, %dma_wait3A_39] : memref<2x128x128xf32, #tpu.memory_space<vmem>> -> memref<1x128x128xf32, #tpu.memory_space<vmem>>
    %dma_wait3A_41 = tpu.memref_squeeze %dma_wait3A_40 : memref<1x128x128xf32, #tpu.memory_space<vmem>> -> memref<128x128xf32, #tpu.memory_space<vmem>>
    %dma_wait3A_42 = arith.constant 0 : i32
    %dma_wait3A_43 = tpu.memref_slice %arg8[%dma_wait3A_37, %dma_wait3A_42] : memref<4x128xi32, #tpu.memory_space<vmem>> -> memref<1x128xi32, #tpu.memory_space<vmem>>
    %dma_wait3A_44 = tpu.memref_squeeze %dma_wait3A_43 : memref<1x128xi32, #tpu.memory_space<vmem>> -> memref<128xi32, #tpu.memory_space<vmem>>
    %dma_wait3A_45 = arith.constant 0 : i32
    %dma_wait3A_46 = arith.constant 0 : i32
    %dma_wait3A_47 = tpu.memref_slice %arg10[%dma_wait3A_45, %dma_wait3A_46] : memref<10240x128xf32, #tpu.memory_space<vmem_shared>> -> memref<10240x128xf32, #tpu.memory_space<vmem_shared>>
    tpu.wait_indirect_dma semaphore(%arg17 : memref<!tpu.dma_semaphore, #tpu.memory_space<semaphore_mem>>) src(%dma_wait3A_41 : memref<128x128xf32, #tpu.memory_space<vmem>>) dst(%dma_wait3A_47 : memref<10240x128xf32, #tpu.memory_space<vmem_shared>>)
    %dma_wait3A_48 = arith.constant 1 : i32
    %dma_wait3A_49 = arith.constant 3 : i32
    %dma_wait3A_50 = arith.constant 0 : i32
    %dma_wait3A_51 = arith.constant 0 : i32
    %dma_wait3A_52 = tpu.memref_slice %arg9[%dma_wait3A_48, %dma_wait3A_50, %dma_wait3A_51] : memref<2x128x128xf32, #tpu.memory_space<vmem>> -> memref<1x128x128xf32, #tpu.memory_space<vmem>>
    %dma_wait3A_53 = tpu.memref_squeeze %dma_wait3A_52 : memref<1x128x128xf32, #tpu.memory_space<vmem>> -> memref<128x128xf32, #tpu.memory_space<vmem>>
    %dma_wait3A_54 = arith.constant 0 : i32
    %dma_wait3A_55 = tpu.memref_slice %arg8[%dma_wait3A_49, %dma_wait3A_54] : memref<4x128xi32, #tpu.memory_space<vmem>> -> memref<1x128xi32, #tpu.memory_space<vmem>>
    %dma_wait3A_56 = tpu.memref_squeeze %dma_wait3A_55 : memref<1x128xi32, #tpu.memory_space<vmem>> -> memref<128xi32, #tpu.memory_space<vmem>>
    %dma_wait3A_57 = arith.constant 0 : i32
    %dma_wait3A_58 = arith.constant 0 : i32
    %dma_wait3A_59 = tpu.memref_slice %arg10[%dma_wait3A_57, %dma_wait3A_58] : memref<10240x128xf32, #tpu.memory_space<vmem_shared>> -> memref<10240x128xf32, #tpu.memory_space<vmem_shared>>
    tpu.wait_indirect_dma semaphore(%arg18 : memref<!tpu.dma_semaphore, #tpu.memory_space<semaphore_mem>>) src(%dma_wait3A_53 : memref<128x128xf32, #tpu.memory_space<vmem>>) dst(%dma_wait3A_59 : memref<10240x128xf32, #tpu.memory_space<vmem_shared>>)
    %barrier3A_60 = arith.constant 0 : index
    tpu.barrier barrier_id(%barrier3A_60)
    %mul3A_61 = arith.constant 320 : i32
    %mul3A_62 = arith.muli %arg1, %mul3A_61 : i32
    %mul3A_63 = arith.constant 320 : i32
    %mul3A_64 = arith.muli %arg1, %mul3A_63 : i32
    "tpu.region"() ({
      %run_scoped3A = tpu.sem_alloc : memref<!tpu.dma_semaphore, #tpu.memory_space<semaphore_mem>>
      %dma_start3A_65 = arith.constant 0 : i32
      %dma_start3A_66 = tpu.memref_slice %arg6[%arg0, %mul3A_64, %dma_start3A_65] : memref<2x10240x128xf32, #tpu.memory_space<hbm>> -> memref<1x320x128xf32, #tpu.memory_space<hbm>>
      %dma_start3A_67 = tpu.memref_squeeze %dma_start3A_66 : memref<1x320x128xf32, #tpu.memory_space<hbm>> -> memref<320x128xf32, #tpu.memory_space<hbm>>
      %dma_start3A_68 = arith.constant 0 : i32
      %dma_start3A_69 = tpu.memref_slice %arg10[%mul3A_62, %dma_start3A_68] : memref<10240x128xf32, #tpu.memory_space<vmem_shared>> -> memref<320x128xf32, #tpu.memory_space<vmem_shared>>
      tpu.enqueue_dma source(%dma_start3A_69 : memref<320x128xf32, #tpu.memory_space<vmem_shared>>) target(%dma_start3A_67 : memref<320x128xf32, #tpu.memory_space<hbm>>) target_semaphore(%run_scoped3A : memref<!tpu.dma_semaphore, #tpu.memory_space<semaphore_mem>>)
      %dma_wait3A_70 = arith.constant 0 : i32
      %dma_wait3A_71 = tpu.memref_slice %arg6[%arg0, %mul3A_64, %dma_wait3A_70] : memref<2x10240x128xf32, #tpu.memory_space<hbm>> -> memref<1x320x128xf32, #tpu.memory_space<hbm>>
      %dma_wait3A_72 = tpu.memref_squeeze %dma_wait3A_71 : memref<1x320x128xf32, #tpu.memory_space<hbm>> -> memref<320x128xf32, #tpu.memory_space<hbm>>
      %dma_wait3A_73 = arith.constant 0 : i32
      %dma_wait3A_74 = tpu.memref_slice %arg10[%mul3A_62, %dma_wait3A_73] : memref<10240x128xf32, #tpu.memory_space<vmem_shared>> -> memref<320x128xf32, #tpu.memory_space<vmem_shared>>
      tpu.wait_dma2 semaphore(%run_scoped3A : memref<!tpu.dma_semaphore, #tpu.memory_space<semaphore_mem>>) src(%dma_wait3A_74 : memref<320x128xf32, #tpu.memory_space<vmem_shared>>) dst(%dma_wait3A_72 : memref<320x128xf32, #tpu.memory_space<hbm>>)
      tpu.yield
    }) : () -> ()
    return
  }
}

#map = affine_map<(d0, d1) -> (0, 0, 0)>
#map1 = affine_map<(d0, d1) -> (0, 0)>
module attributes {stable_mosaic.version = 14 : i64} {
  func.func @_sc_deg_body(%arg0: i32, %arg1: i32, %arg2: memref<32x80x128xi32, #tpu.memory_space<hbm>>, %arg3: memref<32x10240xf32, #tpu.memory_space<hbm>>, %arg4: memref<80x128xi32, #tpu.memory_space<vmem>>, %arg5: memref<10240xf32, #tpu.memory_space<vmem>>) attributes {dimension_semantics = [#tpu.dimension_semantics<core_parallel>, #tpu.dimension_semantics<subcore_parallel>], iteration_bounds = array<i64: 2, 16>, scalar_prefetch = 0 : i64, scratch_operands = 2 : i64, tpu.core_type = #tpu.core_type<sc_vector_subcore>, window_params = [{transform_indices = #map}, {transform_indices = #map1}]} {
    %mul3A = arith.constant 16 : i32
    %mul3A_0 = arith.muli %arg0, %mul3A : i32
    %add3A = arith.addi %mul3A_0, %arg1 : i32
    %scan3A = arith.constant 0 : i32
    %scan3A_1 = arith.constant 0 : i32
    %scan3A_2 = arith.constant 640 : i32
    %scan3A_3 = arith.addi %scan3A_1, %scan3A_2 : i32
    %scan3A_4 = arith.constant 1 : i32
    scf.for %scan3A_13 = %scan3A_1 to %scan3A_3 step %scan3A_4  : i32 {
      %broadcast_in_dim3A_14 = arith.constant 0.000000e+00 : f32
      %broadcast_in_dim3A_15 = vector.broadcast %broadcast_in_dim3A_14 : f32 to vector<16xf32>
      %mul3A_16 = arith.constant 16 : i32
      %mul3A_17 = arith.muli %scan3A_13, %mul3A_16 : i32
      %swap3A = arith.index_cast %mul3A_17 : i32 to index
      %swap3A_18 = tpu.vector_load %arg5[%swap3A] {strides = array<i32>} : memref<10240xf32, #tpu.memory_space<vmem>>, vector<16xf32>,
      tpu.vector_store %arg5[%swap3A], %broadcast_in_dim3A_15 {strides = array<i32>} : memref<10240xf32, #tpu.memory_space<vmem>>, vector<16xf32>,
    }
    %scan3A_5 = arith.constant 640 : i32
    "tpu.region"() ({
      %run_scoped3A = tpu.sem_alloc : memref<!tpu.dma_semaphore, #tpu.memory_space<semaphore_mem>>
      %dma_start3A = arith.constant 0 : i32
      %dma_start3A_13 = arith.constant 0 : i32
      %dma_start3A_14 = tpu.memref_slice %arg2[%add3A, %dma_start3A, %dma_start3A_13] : memref<32x80x128xi32, #tpu.memory_space<hbm>> -> memref<1x80x128xi32, #tpu.memory_space<hbm>>
      %dma_start3A_15 = tpu.memref_squeeze %dma_start3A_14 : memref<1x80x128xi32, #tpu.memory_space<hbm>> -> memref<80x128xi32, #tpu.memory_space<hbm>>
      %dma_start3A_16 = arith.constant 0 : i32
      %dma_start3A_17 = arith.constant 0 : i32
      %dma_start3A_18 = tpu.memref_slice %arg2[%add3A, %dma_start3A_16, %dma_start3A_17] : memref<32x80x128xi32, #tpu.memory_space<hbm>> -> memref<1x80x128xi32, #tpu.memory_space<hbm>>
      %dma_start3A_19 = tpu.memref_squeeze %dma_start3A_18 : memref<1x80x128xi32, #tpu.memory_space<hbm>> -> memref<80x128xi32, #tpu.memory_space<hbm>>
      tpu.enqueue_dma source(%dma_start3A_19 : memref<80x128xi32, #tpu.memory_space<hbm>>) target(%arg4 : memref<80x128xi32, #tpu.memory_space<vmem>>) target_semaphore(%run_scoped3A : memref<!tpu.dma_semaphore, #tpu.memory_space<semaphore_mem>>)
      %dma_wait3A = arith.constant 0 : i32
      %dma_wait3A_20 = arith.constant 0 : i32
      %dma_wait3A_21 = tpu.memref_slice %arg2[%add3A, %dma_wait3A, %dma_wait3A_20] : memref<32x80x128xi32, #tpu.memory_space<hbm>> -> memref<1x80x128xi32, #tpu.memory_space<hbm>>
      %dma_wait3A_22 = tpu.memref_squeeze %dma_wait3A_21 : memref<1x80x128xi32, #tpu.memory_space<hbm>> -> memref<80x128xi32, #tpu.memory_space<hbm>>
      %dma_wait3A_23 = arith.constant 0 : i32
      %dma_wait3A_24 = arith.constant 0 : i32
      %dma_wait3A_25 = tpu.memref_slice %arg2[%add3A, %dma_wait3A_23, %dma_wait3A_24] : memref<32x80x128xi32, #tpu.memory_space<hbm>> -> memref<1x80x128xi32, #tpu.memory_space<hbm>>
      %dma_wait3A_26 = tpu.memref_squeeze %dma_wait3A_25 : memref<1x80x128xi32, #tpu.memory_space<hbm>> -> memref<80x128xi32, #tpu.memory_space<hbm>>
      tpu.wait_dma2 semaphore(%run_scoped3A : memref<!tpu.dma_semaphore, #tpu.memory_space<semaphore_mem>>) src(%dma_wait3A_26 : memref<80x128xi32, #tpu.memory_space<hbm>>) dst(%arg4 : memref<80x128xi32, #tpu.memory_space<vmem>>)
      tpu.yield
    }) : () -> ()
    %broadcast_in_dim3A = arith.constant 1.000000e+00 : f32
    %broadcast_in_dim3A_6 = vector.broadcast %broadcast_in_dim3A : f32 to vector<16xf32>
    %scan3A_7 = arith.constant 0 : i32
    %scan3A_8 = arith.constant 0 : i32
    %scan3A_9 = arith.constant 640 : i32
    %scan3A_10 = arith.addi %scan3A_8, %scan3A_9 : i32
    %scan3A_11 = arith.constant 1 : i32
    scf.for %scan3A_13 = %scan3A_8 to %scan3A_10 step %scan3A_11  : i32 {
      %jit3A = arith.constant 8 : i32
      %div3A = arith.divsi %scan3A_13, %jit3A : i32
      %sign3A = arith.constant 0 : i32
      %sign3A_14 = arith.cmpi sgt, %scan3A_13, %sign3A : i32
      %sign3A_15 = arith.extui %sign3A_14 : i1 to i32
      %sign3A_16 = arith.constant 0 : i32
      %sign3A_17 = arith.cmpi slt, %scan3A_13, %sign3A_16 : i32
      %sign3A_18 = arith.extui %sign3A_17 : i1 to i32
      %sign3A_19 = arith.subi %sign3A_15, %sign3A_18 : i32
      %sign3A_20 = arith.constant 0 : i32
      %sign3A_21 = arith.cmpi sgt, %jit3A, %sign3A_20 : i32
      %sign3A_22 = arith.extui %sign3A_21 : i1 to i32
      %sign3A_23 = arith.constant 0 : i32
      %sign3A_24 = arith.cmpi slt, %jit3A, %sign3A_23 : i32
      %sign3A_25 = arith.extui %sign3A_24 : i1 to i32
      %sign3A_26 = arith.subi %sign3A_22, %sign3A_25 : i32
      %ne3A = arith.cmpi ne, %sign3A_19, %sign3A_26 : i32
      %rem3A = arith.remsi %scan3A_13, %jit3A : i32
      %ne3A_27 = arith.constant 0 : i32
      %ne3A_28 = arith.cmpi ne, %rem3A, %ne3A_27 : i32
      %and3A = arith.andi %ne3A, %ne3A_28 : i1
      %sub3A = arith.constant 1 : i32
      %sub3A_29 = arith.subi %div3A, %sub3A : i32
      %select_n3A = arith.select %and3A, %sub3A_29, %div3A : i32
      %jit3A_30 = arith.constant 8 : i32
      %eq3A = arith.constant 0 : i32
      %eq3A_31 = arith.cmpi eq, %jit3A_30, %eq3A : i32
      %jit3A_32 = arith.constant 1 : i32
      %select_n3A_33 = arith.select %eq3A_31, %jit3A_32, %jit3A_30 : i32
      %rem3A_34 = arith.remsi %scan3A_13, %select_n3A_33 : i32
      %ne3A_35 = arith.constant 0 : i32
      %ne3A_36 = arith.cmpi ne, %rem3A_34, %ne3A_35 : i32
      %lt3A = arith.constant 0 : i32
      %lt3A_37 = arith.cmpi slt, %rem3A_34, %lt3A : i32
      %lt3A_38 = arith.constant 0 : i32
      %lt3A_39 = arith.cmpi slt, %select_n3A_33, %lt3A_38 : i32
      %ne3A_40 = arith.xori %lt3A_37, %lt3A_39 : i1
      %and3A_41 = arith.andi %ne3A_40, %ne3A_36 : i1
      %add3A_42 = arith.addi %rem3A_34, %select_n3A_33 : i32
      %select_n3A_43 = arith.select %and3A_41, %add3A_42, %rem3A_34 : i32
      %mul3A_44 = arith.constant 16 : i32
      %mul3A_45 = arith.muli %select_n3A_43, %mul3A_44 : i32
      %get3A = arith.constant 0 : i32
      %get3A_46 = tpu.memref_slice %arg4[%select_n3A, %get3A] : memref<80x128xi32, #tpu.memory_space<vmem>> -> memref<1x128xi32, #tpu.memory_space<vmem>>
      %get3A_47 = tpu.memref_squeeze %get3A_46 : memref<1x128xi32, #tpu.memory_space<vmem>> -> memref<128xi32, #tpu.memory_space<vmem>>
      %get3A_48 = arith.index_cast %mul3A_45 : i32 to index
      %get3A_49 = tpu.vector_load %get3A_47[%get3A_48] {strides = array<i32>} : memref<128xi32, #tpu.memory_space<vmem>>, vector<16xi32>,
      tpu.vector_store_idx %arg5[%get3A_49], %broadcast_in_dim3A_6 {add = true} : memref<10240xf32, #tpu.memory_space<vmem>>[vector<16xi32>], vector<16xf32>,
    }
    %scan3A_12 = arith.constant 640 : i32
    "tpu.region"() ({
      %run_scoped3A = tpu.sem_alloc : memref<!tpu.dma_semaphore, #tpu.memory_space<semaphore_mem>>
      %dma_start3A = arith.constant 0 : i32
      %dma_start3A_13 = tpu.memref_slice %arg3[%add3A, %dma_start3A] : memref<32x10240xf32, #tpu.memory_space<hbm>> -> memref<1x10240xf32, #tpu.memory_space<hbm>>
      %dma_start3A_14 = tpu.memref_squeeze %dma_start3A_13 : memref<1x10240xf32, #tpu.memory_space<hbm>> -> memref<10240xf32, #tpu.memory_space<hbm>>
      %dma_start3A_15 = arith.constant 0 : i32
      %dma_start3A_16 = tpu.memref_slice %arg3[%add3A, %dma_start3A_15] : memref<32x10240xf32, #tpu.memory_space<hbm>> -> memref<1x10240xf32, #tpu.memory_space<hbm>>
      %dma_start3A_17 = tpu.memref_squeeze %dma_start3A_16 : memref<1x10240xf32, #tpu.memory_space<hbm>> -> memref<10240xf32, #tpu.memory_space<hbm>>
      tpu.enqueue_dma source(%arg5 : memref<10240xf32, #tpu.memory_space<vmem>>) target(%dma_start3A_17 : memref<10240xf32, #tpu.memory_space<hbm>>) target_semaphore(%run_scoped3A : memref<!tpu.dma_semaphore, #tpu.memory_space<semaphore_mem>>)
      %dma_wait3A = arith.constant 0 : i32
      %dma_wait3A_18 = tpu.memref_slice %arg3[%add3A, %dma_wait3A] : memref<32x10240xf32, #tpu.memory_space<hbm>> -> memref<1x10240xf32, #tpu.memory_space<hbm>>
      %dma_wait3A_19 = tpu.memref_squeeze %dma_wait3A_18 : memref<1x10240xf32, #tpu.memory_space<hbm>> -> memref<10240xf32, #tpu.memory_space<hbm>>
      %dma_wait3A_20 = arith.constant 0 : i32
      %dma_wait3A_21 = tpu.memref_slice %arg3[%add3A, %dma_wait3A_20] : memref<32x10240xf32, #tpu.memory_space<hbm>> -> memref<1x10240xf32, #tpu.memory_space<hbm>>
      %dma_wait3A_22 = tpu.memref_squeeze %dma_wait3A_21 : memref<1x10240xf32, #tpu.memory_space<hbm>> -> memref<10240xf32, #tpu.memory_space<hbm>>
      tpu.wait_dma2 semaphore(%run_scoped3A : memref<!tpu.dma_semaphore, #tpu.memory_space<semaphore_mem>>) src(%arg5 : memref<10240xf32, #tpu.memory_space<vmem>>) dst(%dma_wait3A_22 : memref<10240xf32, #tpu.memory_space<hbm>>)
      tpu.yield
    }) : () -> ()
    return
  }
}

#map = affine_map<(d0, d1) -> (0, 0)>
#map1 = affine_map<(d0, d1) -> (0, 0, 0)>
module attributes {stable_mosaic.version = 14 : i64} {
  func.func @_sc_agg_body(%arg0: i32, %arg1: i32, %arg2: memref<10240x128xf32, #tpu.memory_space<hbm>>, %arg3: memref<32x80x128xi32, #tpu.memory_space<hbm>>, %arg4: memref<32x80x128xi32, #tpu.memory_space<hbm>>, %arg5: memref<10240x128xf32, #tpu.memory_space<hbm>>, %arg6: memref<2x10240x128xf32, #tpu.memory_space<hbm>>, %arg7: memref<4x128xi32, #tpu.memory_space<vmem>>, %arg8: memref<4x128xi32, #tpu.memory_space<vmem>>, %arg9: memref<2x128x128xf32, #tpu.memory_space<vmem>>, %arg10: memref<10240x128xf32, #tpu.memory_space<vmem_shared>>, %arg11: memref<!tpu.dma_semaphore, #tpu.memory_space<semaphore_mem>>, %arg12: memref<!tpu.dma_semaphore, #tpu.memory_space<semaphore_mem>>, %arg13: memref<!tpu.dma_semaphore, #tpu.memory_space<semaphore_mem>>, %arg14: memref<!tpu.dma_semaphore, #tpu.memory_space<semaphore_mem>>, %arg15: memref<!tpu.dma_semaphore, #tpu.memory_space<semaphore_mem>>, %arg16: memref<!tpu.dma_semaphore, #tpu.memory_space<semaphore_mem>>, %arg17: memref<!tpu.dma_semaphore, #tpu.memory_space<semaphore_mem>>, %arg18: memref<!tpu.dma_semaphore, #tpu.memory_space<semaphore_mem>>) attributes {dimension_semantics = [#tpu.dimension_semantics<core_parallel>, #tpu.dimension_semantics<subcore_parallel>], iteration_bounds = array<i64: 2, 16>, scalar_prefetch = 0 : i64, scratch_operands = 12 : i64, tpu.core_type = #tpu.core_type<sc_vector_subcore>, window_params = [{transform_indices = #map}, {transform_indices = #map1}, {transform_indices = #map1}, {transform_indices = #map}, {transform_indices = #map1}]} {
    %mul3A = arith.constant 16 : i32
    %mul3A_0 = arith.muli %arg0, %mul3A : i32
    %add3A = arith.addi %mul3A_0, %arg1 : i32
    %dma_start3A = arith.constant 0 : i32
    %dma_start3A_1 = arith.constant 0 : i32
    %dma_start3A_2 = arith.constant 0 : i32
    %dma_start3A_3 = tpu.memref_slice %arg7[%dma_start3A_1, %dma_start3A_2] : memref<4x128xi32, #tpu.memory_space<vmem>> -> memref<1x128xi32, #tpu.memory_space<vmem>>
    %dma_start3A_4 = tpu.memref_squeeze %dma_start3A_3 : memref<1x128xi32, #tpu.memory_space<vmem>> -> memref<128xi32, #tpu.memory_space<vmem>>
    %dma_start3A_5 = arith.constant 0 : i32
    %dma_start3A_6 = tpu.memref_slice %arg3[%add3A, %dma_start3A, %dma_start3A_5] : memref<32x80x128xi32, #tpu.memory_space<hbm>> -> memref<1x1x128xi32, #tpu.memory_space<hbm>>
    %dma_start3A_7 = tpu.memref_squeeze %dma_start3A_6 : memref<1x1x128xi32, #tpu.memory_space<hbm>> -> memref<128xi32, #tpu.memory_space<hbm>>
    %dma_start3A_8 = arith.constant 0 : i32
    %dma_start3A_9 = tpu.memref_slice %arg7[%dma_start3A_1, %dma_start3A_8] : memref<4x128xi32, #tpu.memory_space<vmem>> -> memref<1x128xi32, #tpu.memory_space<vmem>>
    %dma_start3A_10 = tpu.memref_squeeze %dma_start3A_9 : memref<1x128xi32, #tpu.memory_space<vmem>> -> memref<128xi32, #tpu.memory_space<vmem>>
    %dma_start3A_11 = arith.constant 0 : i32
    %dma_start3A_12 = tpu.memref_slice %arg3[%add3A, %dma_start3A, %dma_start3A_11] : memref<32x80x128xi32, #tpu.memory_space<hbm>> -> memref<1x1x128xi32, #tpu.memory_space<hbm>>
    %dma_start3A_13 = tpu.memref_squeeze %dma_start3A_12 : memref<1x1x128xi32, #tpu.memory_space<hbm>> -> memref<128xi32, #tpu.memory_space<hbm>>
    tpu.enqueue_dma source(%dma_start3A_13 : memref<128xi32, #tpu.memory_space<hbm>>) target(%dma_start3A_10 : memref<128xi32, #tpu.memory_space<vmem>>) target_semaphore(%arg11 : memref<!tpu.dma_semaphore, #tpu.memory_space<semaphore_mem>>)
    %dma_start3A_14 = arith.constant 0 : i32
    %dma_start3A_15 = arith.constant 0 : i32
    %dma_start3A_16 = arith.constant 0 : i32
    %dma_start3A_17 = tpu.memref_slice %arg8[%dma_start3A_15, %dma_start3A_16] : memref<4x128xi32, #tpu.memory_space<vmem>> -> memref<1x128xi32, #tpu.memory_space<vmem>>
    %dma_start3A_18 = tpu.memref_squeeze %dma_start3A_17 : memref<1x128xi32, #tpu.memory_space<vmem>> -> memref<128xi32, #tpu.memory_space<vmem>>
    %dma_start3A_19 = arith.constant 0 : i32
    %dma_start3A_20 = tpu.memref_slice %arg4[%add3A, %dma_start3A_14, %dma_start3A_19] : memref<32x80x128xi32, #tpu.memory_space<hbm>> -> memref<1x1x128xi32, #tpu.memory_space<hbm>>
    %dma_start3A_21 = tpu.memref_squeeze %dma_start3A_20 : memref<1x1x128xi32, #tpu.memory_space<hbm>> -> memref<128xi32, #tpu.memory_space<hbm>>
    %dma_start3A_22 = arith.constant 0 : i32
    %dma_start3A_23 = tpu.memref_slice %arg8[%dma_start3A_15, %dma_start3A_22] : memref<4x128xi32, #tpu.memory_space<vmem>> -> memref<1x128xi32, #tpu.memory_space<vmem>>
    %dma_start3A_24 = tpu.memref_squeeze %dma_start3A_23 : memref<1x128xi32, #tpu.memory_space<vmem>> -> memref<128xi32, #tpu.memory_space<vmem>>
    %dma_start3A_25 = arith.constant 0 : i32
    %dma_start3A_26 = tpu.memref_slice %arg4[%add3A, %dma_start3A_14, %dma_start3A_25] : memref<32x80x128xi32, #tpu.memory_space<hbm>> -> memref<1x1x128xi32, #tpu.memory_space<hbm>>
    %dma_start3A_27 = tpu.memref_squeeze %dma_start3A_26 : memref<1x1x128xi32, #tpu.memory_space<hbm>> -> memref<128xi32, #tpu.memory_space<hbm>>
    tpu.enqueue_dma source(%dma_start3A_27 : memref<128xi32, #tpu.memory_space<hbm>>) target(%dma_start3A_24 : memref<128xi32, #tpu.memory_space<vmem>>) target_semaphore(%arg11 : memref<!tpu.dma_semaphore, #tpu.memory_space<semaphore_mem>>)
    %mul3A_28 = arith.constant 320 : i32
    %mul3A_29 = arith.muli %arg1, %mul3A_28 : i32
    %mul3A_30 = arith.constant 320 : i32
    %mul3A_31 = arith.muli %arg1, %mul3A_30 : i32
    "tpu.region"() ({
      %run_scoped3A = tpu.sem_alloc : memref<!tpu.dma_semaphore, #tpu.memory_space<semaphore_mem>>
      %dma_start3A_65 = arith.constant 0 : i32
      %dma_start3A_66 = tpu.memref_slice %arg10[%mul3A_31, %dma_start3A_65] : memref<10240x128xf32, #tpu.memory_space<vmem_shared>> -> memref<320x128xf32, #tpu.memory_space<vmem_shared>>
      %dma_start3A_67 = arith.constant 0 : i32
      %dma_start3A_68 = tpu.memref_slice %arg5[%mul3A_29, %dma_start3A_67] : memref<10240x128xf32, #tpu.memory_space<hbm>> -> memref<320x128xf32, #tpu.memory_space<hbm>>
      tpu.enqueue_dma source(%dma_start3A_68 : memref<320x128xf32, #tpu.memory_space<hbm>>) target(%dma_start3A_66 : memref<320x128xf32, #tpu.memory_space<vmem_shared>>) target_semaphore(%run_scoped3A : memref<!tpu.dma_semaphore, #tpu.memory_space<semaphore_mem>>)
      %dma_wait3A_69 = arith.constant 0 : i32
      %dma_wait3A_70 = tpu.memref_slice %arg10[%mul3A_31, %dma_wait3A_69] : memref<10240x128xf32, #tpu.memory_space<vmem_shared>> -> memref<320x128xf32, #tpu.memory_space<vmem_shared>>
      %dma_wait3A_71 = arith.constant 0 : i32
      %dma_wait3A_72 = tpu.memref_slice %arg5[%mul3A_29, %dma_wait3A_71] : memref<10240x128xf32, #tpu.memory_space<hbm>> -> memref<320x128xf32, #tpu.memory_space<hbm>>
      tpu.wait_dma2 semaphore(%run_scoped3A : memref<!tpu.dma_semaphore, #tpu.memory_space<semaphore_mem>>) src(%dma_wait3A_72 : memref<320x128xf32, #tpu.memory_space<hbm>>) dst(%dma_wait3A_70 : memref<320x128xf32, #tpu.memory_space<vmem_shared>>)
      tpu.yield
    }) : () -> ()
    %barrier3A = arith.constant 0 : index
    tpu.barrier barrier_id(%barrier3A)
    %scan3A = arith.constant 0 : i32
    %scan3A_32 = arith.constant 0 : i32
    %scan3A_33 = arith.constant 20 : i32
    %scan3A_34 = arith.addi %scan3A_32, %scan3A_33 : i32
    %scan3A_35 = arith.constant 1 : i32
    scf.for %scan3A_65 = %scan3A_32 to %scan3A_34 step %scan3A_35  : i32 {
      %mul3A_66 = arith.constant 4 : i32
      %mul3A_67 = arith.muli %mul3A_66, %scan3A_65 : i32
      %dma_wait3A_68 = arith.constant 0 : i32
      %dma_wait3A_69 = arith.constant 0 : i32
      %dma_wait3A_70 = arith.constant 0 : i32
      %dma_wait3A_71 = tpu.memref_slice %arg7[%dma_wait3A_69, %dma_wait3A_70] : memref<4x128xi32, #tpu.memory_space<vmem>> -> memref<1x128xi32, #tpu.memory_space<vmem>>
      %dma_wait3A_72 = tpu.memref_squeeze %dma_wait3A_71 : memref<1x128xi32, #tpu.memory_space<vmem>> -> memref<128xi32, #tpu.memory_space<vmem>>
      %dma_wait3A_73 = arith.constant 0 : i32
      %dma_wait3A_74 = tpu.memref_slice %arg3[%add3A, %dma_wait3A_68, %dma_wait3A_73] : memref<32x80x128xi32, #tpu.memory_space<hbm>> -> memref<1x1x128xi32, #tpu.memory_space<hbm>>
      %dma_wait3A_75 = tpu.memref_squeeze %dma_wait3A_74 : memref<1x1x128xi32, #tpu.memory_space<hbm>> -> memref<128xi32, #tpu.memory_space<hbm>>
      %dma_wait3A_76 = arith.constant 0 : i32
      %dma_wait3A_77 = tpu.memref_slice %arg7[%dma_wait3A_69, %dma_wait3A_76] : memref<4x128xi32, #tpu.memory_space<vmem>> -> memref<1x128xi32, #tpu.memory_space<vmem>>
      %dma_wait3A_78 = tpu.memref_squeeze %dma_wait3A_77 : memref<1x128xi32, #tpu.memory_space<vmem>> -> memref<128xi32, #tpu.memory_space<vmem>>
      %dma_wait3A_79 = arith.constant 0 : i32
      %dma_wait3A_80 = tpu.memref_slice %arg3[%add3A, %dma_wait3A_68, %dma_wait3A_79] : memref<32x80x128xi32, #tpu.memory_space<hbm>> -> memref<1x1x128xi32, #tpu.memory_space<hbm>>
      %dma_wait3A_81 = tpu.memref_squeeze %dma_wait3A_80 : memref<1x1x128xi32, #tpu.memory_space<hbm>> -> memref<128xi32, #tpu.memory_space<hbm>>
      tpu.wait_dma2 semaphore(%arg11 : memref<!tpu.dma_semaphore, #tpu.memory_space<semaphore_mem>>) src(%dma_wait3A_81 : memref<128xi32, #tpu.memory_space<hbm>>) dst(%dma_wait3A_78 : memref<128xi32, #tpu.memory_space<vmem>>)
      %dma_wait3A_82 = arith.constant 0 : i32
      %dma_wait3A_83 = arith.constant 0 : i32
      %dma_wait3A_84 = arith.constant 0 : i32
      %dma_wait3A_85 = tpu.memref_slice %arg8[%dma_wait3A_83, %dma_wait3A_84] : memref<4x128xi32, #tpu.memory_space<vmem>> -> memref<1x128xi32, #tpu.memory_space<vmem>>
      %dma_wait3A_86 = tpu.memref_squeeze %dma_wait3A_85 : memref<1x128xi32, #tpu.memory_space<vmem>> -> memref<128xi32, #tpu.memory_space<vmem>>
      %dma_wait3A_87 = arith.constant 0 : i32
      %dma_wait3A_88 = tpu.memref_slice %arg4[%add3A, %dma_wait3A_82, %dma_wait3A_87] : memref<32x80x128xi32, #tpu.memory_space<hbm>> -> memref<1x1x128xi32, #tpu.memory_space<hbm>>
      %dma_wait3A_89 = tpu.memref_squeeze %dma_wait3A_88 : memref<1x1x128xi32, #tpu.memory_space<hbm>> -> memref<128xi32, #tpu.memory_space<hbm>>
      %dma_wait3A_90 = arith.constant 0 : i32
      %dma_wait3A_91 = tpu.memref_slice %arg8[%dma_wait3A_83, %dma_wait3A_90] : memref<4x128xi32, #tpu.memory_space<vmem>> -> memref<1x128xi32, #tpu.memory_space<vmem>>
      %dma_wait3A_92 = tpu.memref_squeeze %dma_wait3A_91 : memref<1x128xi32, #tpu.memory_space<vmem>> -> memref<128xi32, #tpu.memory_space<vmem>>
      %dma_wait3A_93 = arith.constant 0 : i32
      %dma_wait3A_94 = tpu.memref_slice %arg4[%add3A, %dma_wait3A_82, %dma_wait3A_93] : memref<32x80x128xi32, #tpu.memory_space<hbm>> -> memref<1x1x128xi32, #tpu.memory_space<hbm>>
      %dma_wait3A_95 = tpu.memref_squeeze %dma_wait3A_94 : memref<1x1x128xi32, #tpu.memory_space<hbm>> -> memref<128xi32, #tpu.memory_space<hbm>>
      tpu.wait_dma2 semaphore(%arg11 : memref<!tpu.dma_semaphore, #tpu.memory_space<semaphore_mem>>) src(%dma_wait3A_95 : memref<128xi32, #tpu.memory_space<hbm>>) dst(%dma_wait3A_92 : memref<128xi32, #tpu.memory_space<vmem>>)
      %lt3A = arith.constant 79 : i32
      %lt3A_96 = arith.cmpi slt, %mul3A_67, %lt3A : i32
      %convert_element_type3A = arith.extui %lt3A_96 : i1 to i32
      %cond3A = arith.constant 0 : i32
      %cond3A_97 = arith.cmpi ne, %convert_element_type3A, %cond3A : i32
      scf.if %cond3A_97 {
        %add3A_366 = arith.constant 1 : i32
        %add3A_367 = arith.addi %mul3A_67, %add3A_366 : i32
        %dma_start3A_368 = arith.constant 1 : i32
        %dma_start3A_369 = arith.constant 0 : i32
        %dma_start3A_370 = tpu.memref_slice %arg7[%dma_start3A_368, %dma_start3A_369] : memref<4x128xi32, #tpu.memory_space<vmem>> -> memref<1x128xi32, #tpu.memory_space<vmem>>
        %dma_start3A_371 = tpu.memref_squeeze %dma_start3A_370 : memref<1x128xi32, #tpu.memory_space<vmem>> -> memref<128xi32, #tpu.memory_space<vmem>>
        %dma_start3A_372 = arith.constant 0 : i32
        %dma_start3A_373 = tpu.memref_slice %arg3[%add3A, %add3A_367, %dma_start3A_372] : memref<32x80x128xi32, #tpu.memory_space<hbm>> -> memref<1x1x128xi32, #tpu.memory_space<hbm>>
        %dma_start3A_374 = tpu.memref_squeeze %dma_start3A_373 : memref<1x1x128xi32, #tpu.memory_space<hbm>> -> memref<128xi32, #tpu.memory_space<hbm>>
        %dma_start3A_375 = arith.constant 0 : i32
        %dma_start3A_376 = tpu.memref_slice %arg7[%dma_start3A_368, %dma_start3A_375] : memref<4x128xi32, #tpu.memory_space<vmem>> -> memref<1x128xi32, #tpu.memory_space<vmem>>
        %dma_start3A_377 = tpu.memref_squeeze %dma_start3A_376 : memref<1x128xi32, #tpu.memory_space<vmem>> -> memref<128xi32, #tpu.memory_space<vmem>>
        %dma_start3A_378 = arith.constant 0 : i32
        %dma_start3A_379 = tpu.memref_slice %arg3[%add3A, %add3A_367, %dma_start3A_378] : memref<32x80x128xi32, #tpu.memory_space<hbm>> -> memref<1x1x128xi32, #tpu.memory_space<hbm>>
        %dma_start3A_380 = tpu.memref_squeeze %dma_start3A_379 : memref<1x1x128xi32, #tpu.memory_space<hbm>> -> memref<128xi32, #tpu.memory_space<hbm>>
        tpu.enqueue_dma source(%dma_start3A_380 : memref<128xi32, #tpu.memory_space<hbm>>) target(%dma_start3A_377 : memref<128xi32, #tpu.memory_space<vmem>>) target_semaphore(%arg12 : memref<!tpu.dma_semaphore, #tpu.memory_space<semaphore_mem>>)
        %dma_start3A_381 = arith.constant 1 : i32
        %dma_start3A_382 = arith.constant 0 : i32
        %dma_start3A_383 = tpu.memref_slice %arg8[%dma_start3A_381, %dma_start3A_382] : memref<4x128xi32, #tpu.memory_space<vmem>> -> memref<1x128xi32, #tpu.memory_space<vmem>>
        %dma_start3A_384 = tpu.memref_squeeze %dma_start3A_383 : memref<1x128xi32, #tpu.memory_space<vmem>> -> memref<128xi32, #tpu.memory_space<vmem>>
        %dma_start3A_385 = arith.constant 0 : i32
        %dma_start3A_386 = tpu.memref_slice %arg4[%add3A, %add3A_367, %dma_start3A_385] : memref<32x80x128xi32, #tpu.memory_space<hbm>> -> memref<1x1x128xi32, #tpu.memory_space<hbm>>
        %dma_start3A_387 = tpu.memref_squeeze %dma_start3A_386 : memref<1x1x128xi32, #tpu.memory_space<hbm>> -> memref<128xi32, #tpu.memory_space<hbm>>
        %dma_start3A_388 = arith.constant 0 : i32
        %dma_start3A_389 = tpu.memref_slice %arg8[%dma_start3A_381, %dma_start3A_388] : memref<4x128xi32, #tpu.memory_space<vmem>> -> memref<1x128xi32, #tpu.memory_space<vmem>>
        %dma_start3A_390 = tpu.memref_squeeze %dma_start3A_389 : memref<1x128xi32, #tpu.memory_space<vmem>> -> memref<128xi32, #tpu.memory_space<vmem>>
        %dma_start3A_391 = arith.constant 0 : i32
        %dma_start3A_392 = tpu.memref_slice %arg4[%add3A, %add3A_367, %dma_start3A_391] : memref<32x80x128xi32, #tpu.memory_space<hbm>> -> memref<1x1x128xi32, #tpu.memory_space<hbm>>
        %dma_start3A_393 = tpu.memref_squeeze %dma_start3A_392 : memref<1x1x128xi32, #tpu.memory_space<hbm>> -> memref<128xi32, #tpu.memory_space<hbm>>
        tpu.enqueue_dma source(%dma_start3A_393 : memref<128xi32, #tpu.memory_space<hbm>>) target(%dma_start3A_390 : memref<128xi32, #tpu.memory_space<vmem>>) target_semaphore(%arg12 : memref<!tpu.dma_semaphore, #tpu.memory_space<semaphore_mem>>)
      } else {
      }
      %ge3A = arith.constant 2 : i32
      %ge3A_98 = arith.cmpi sge, %mul3A_67, %ge3A : i32
      %convert_element_type3A_99 = arith.extui %ge3A_98 : i1 to i32
      %cond3A_100 = arith.constant 0 : i32
      %cond3A_101 = arith.cmpi ne, %convert_element_type3A_99, %cond3A_100 : i32
      scf.if %cond3A_101 {
        %dma_wait3A_366 = arith.constant 0 : i32
        %dma_wait3A_367 = arith.constant 0 : i32
        %dma_wait3A_368 = arith.constant 0 : i32
        %dma_wait3A_369 = arith.constant 0 : i32
        %dma_wait3A_370 = tpu.memref_slice %arg9[%dma_wait3A_366, %dma_wait3A_368, %dma_wait3A_369] : memref<2x128x128xf32, #tpu.memory_space<vmem>> -> memref<1x128x128xf32, #tpu.memory_space<vmem>>
        %dma_wait3A_371 = tpu.memref_squeeze %dma_wait3A_370 : memref<1x128x128xf32, #tpu.memory_space<vmem>> -> memref<128x128xf32, #tpu.memory_space<vmem>>
        %dma_wait3A_372 = arith.constant 0 : i32
        %dma_wait3A_373 = tpu.memref_slice %arg8[%dma_wait3A_367, %dma_wait3A_372] : memref<4x128xi32, #tpu.memory_space<vmem>> -> memref<1x128xi32, #tpu.memory_space<vmem>>
        %dma_wait3A_374 = tpu.memref_squeeze %dma_wait3A_373 : memref<1x128xi32, #tpu.memory_space<vmem>> -> memref<128xi32, #tpu.memory_space<vmem>>
        %dma_wait3A_375 = arith.constant 0 : i32
        %dma_wait3A_376 = arith.constant 0 : i32
        %dma_wait3A_377 = tpu.memref_slice %arg10[%dma_wait3A_375, %dma_wait3A_376] : memref<10240x128xf32, #tpu.memory_space<vmem_shared>> -> memref<10240x128xf32, #tpu.memory_space<vmem_shared>>
        tpu.wait_indirect_dma semaphore(%arg17 : memref<!tpu.dma_semaphore, #tpu.memory_space<semaphore_mem>>) src(%dma_wait3A_371 : memref<128x128xf32, #tpu.memory_space<vmem>>) dst(%dma_wait3A_377 : memref<10240x128xf32, #tpu.memory_space<vmem_shared>>)
      } else {
      }
      %dma_start3A_102 = arith.constant 0 : i32
      %dma_start3A_103 = arith.constant 0 : i32
      %dma_start3A_104 = arith.constant 0 : i32
      %dma_start3A_105 = arith.constant 0 : i32
      %dma_start3A_106 = tpu.memref_slice %arg9[%dma_start3A_103, %dma_start3A_104, %dma_start3A_105] : memref<2x128x128xf32, #tpu.memory_space<vmem>> -> memref<1x128x128xf32, #tpu.memory_space<vmem>>
      %dma_start3A_107 = tpu.memref_squeeze %dma_start3A_106 : memref<1x128x128xf32, #tpu.memory_space<vmem>> -> memref<128x128xf32, #tpu.memory_space<vmem>>
      %dma_start3A_108 = arith.constant 0 : i32
      %dma_start3A_109 = tpu.memref_slice %arg7[%dma_start3A_102, %dma_start3A_108] : memref<4x128xi32, #tpu.memory_space<vmem>> -> memref<1x128xi32, #tpu.memory_space<vmem>>
      %dma_start3A_110 = tpu.memref_squeeze %dma_start3A_109 : memref<1x128xi32, #tpu.memory_space<vmem>> -> memref<128xi32, #tpu.memory_space<vmem>>
      %dma_start3A_111 = arith.constant 0 : i32
      %dma_start3A_112 = arith.constant 0 : i32
      %dma_start3A_113 = tpu.memref_slice %arg2[%dma_start3A_111, %dma_start3A_112] : memref<10240x128xf32, #tpu.memory_space<hbm>> -> memref<10240x128xf32, #tpu.memory_space<hbm>>
      tpu.enqueue_indirect_dma source(%dma_start3A_113 : memref<10240x128xf32, #tpu.memory_space<hbm>>) target(%dma_start3A_107 : memref<128x128xf32, #tpu.memory_space<vmem>>) offsets(%dma_start3A_110 : memref<128xi32, #tpu.memory_space<vmem>>) semaphore(%arg15 : memref<!tpu.dma_semaphore, #tpu.memory_space<semaphore_mem>>)
      %dma_wait3A_114 = arith.constant 0 : i32
      %dma_wait3A_115 = arith.constant 0 : i32
      %dma_wait3A_116 = arith.constant 0 : i32
      %dma_wait3A_117 = arith.constant 0 : i32
      %dma_wait3A_118 = tpu.memref_slice %arg9[%dma_wait3A_115, %dma_wait3A_116, %dma_wait3A_117] : memref<2x128x128xf32, #tpu.memory_space<vmem>> -> memref<1x128x128xf32, #tpu.memory_space<vmem>>
      %dma_wait3A_119 = tpu.memref_squeeze %dma_wait3A_118 : memref<1x128x128xf32, #tpu.memory_space<vmem>> -> memref<128x128xf32, #tpu.memory_space<vmem>>
      %dma_wait3A_120 = arith.constant 0 : i32
      %dma_wait3A_121 = tpu.memref_slice %arg7[%dma_wait3A_114, %dma_wait3A_120] : memref<4x128xi32, #tpu.memory_space<vmem>> -> memref<1x128xi32, #tpu.memory_space<vmem>>
      %dma_wait3A_122 = tpu.memref_squeeze %dma_wait3A_121 : memref<1x128xi32, #tpu.memory_space<vmem>> -> memref<128xi32, #tpu.memory_space<vmem>>
      %dma_wait3A_123 = arith.constant 0 : i32
      %dma_wait3A_124 = arith.constant 0 : i32
      %dma_wait3A_125 = tpu.memref_slice %arg2[%dma_wait3A_123, %dma_wait3A_124] : memref<10240x128xf32, #tpu.memory_space<hbm>> -> memref<10240x128xf32, #tpu.memory_space<hbm>>
      tpu.wait_indirect_dma semaphore(%arg15 : memref<!tpu.dma_semaphore, #tpu.memory_space<semaphore_mem>>) src(%dma_wait3A_125 : memref<10240x128xf32, #tpu.memory_space<hbm>>) dst(%dma_wait3A_119 : memref<128x128xf32, #tpu.memory_space<vmem>>)
      %dma_start3A_126 = arith.constant 0 : i32
      %dma_start3A_127 = arith.constant 0 : i32
      %dma_start3A_128 = arith.constant 0 : i32
      %dma_start3A_129 = arith.constant 0 : i32
      %dma_start3A_130 = tpu.memref_slice %arg9[%dma_start3A_126, %dma_start3A_128, %dma_start3A_129] : memref<2x128x128xf32, #tpu.memory_space<vmem>> -> memref<1x128x128xf32, #tpu.memory_space<vmem>>
      %dma_start3A_131 = tpu.memref_squeeze %dma_start3A_130 : memref<1x128x128xf32, #tpu.memory_space<vmem>> -> memref<128x128xf32, #tpu.memory_space<vmem>>
      %dma_start3A_132 = arith.constant 0 : i32
      %dma_start3A_133 = tpu.memref_slice %arg8[%dma_start3A_127, %dma_start3A_132] : memref<4x128xi32, #tpu.memory_space<vmem>> -> memref<1x128xi32, #tpu.memory_space<vmem>>
      %dma_start3A_134 = tpu.memref_squeeze %dma_start3A_133 : memref<1x128xi32, #tpu.memory_space<vmem>> -> memref<128xi32, #tpu.memory_space<vmem>>
      %dma_start3A_135 = arith.constant 0 : i32
      %dma_start3A_136 = arith.constant 0 : i32
      %dma_start3A_137 = tpu.memref_slice %arg10[%dma_start3A_135, %dma_start3A_136] : memref<10240x128xf32, #tpu.memory_space<vmem_shared>> -> memref<10240x128xf32, #tpu.memory_space<vmem_shared>>
      tpu.enqueue_indirect_dma source(%dma_start3A_131 : memref<128x128xf32, #tpu.memory_space<vmem>>) target(%dma_start3A_137 : memref<10240x128xf32, #tpu.memory_space<vmem_shared>>) offsets(%dma_start3A_134 : memref<128xi32, #tpu.memory_space<vmem>>) semaphore(%arg17 : memref<!tpu.dma_semaphore, #tpu.memory_space<semaphore_mem>>) {add = true}
      %add3A_138 = arith.constant 1 : i32
      %add3A_139 = arith.addi %mul3A_67, %add3A_138 : i32
      %dma_wait3A_140 = arith.constant 0 : i32
      %dma_wait3A_141 = arith.constant 1 : i32
      %dma_wait3A_142 = arith.constant 0 : i32
      %dma_wait3A_143 = tpu.memref_slice %arg7[%dma_wait3A_141, %dma_wait3A_142] : memref<4x128xi32, #tpu.memory_space<vmem>> -> memref<1x128xi32, #tpu.memory_space<vmem>>
      %dma_wait3A_144 = tpu.memref_squeeze %dma_wait3A_143 : memref<1x128xi32, #tpu.memory_space<vmem>> -> memref<128xi32, #tpu.memory_space<vmem>>
      %dma_wait3A_145 = arith.constant 0 : i32
      %dma_wait3A_146 = tpu.memref_slice %arg3[%add3A, %dma_wait3A_140, %dma_wait3A_145] : memref<32x80x128xi32, #tpu.memory_space<hbm>> -> memref<1x1x128xi32, #tpu.memory_space<hbm>>
      %dma_wait3A_147 = tpu.memref_squeeze %dma_wait3A_146 : memref<1x1x128xi32, #tpu.memory_space<hbm>> -> memref<128xi32, #tpu.memory_space<hbm>>
      %dma_wait3A_148 = arith.constant 0 : i32
      %dma_wait3A_149 = tpu.memref_slice %arg7[%dma_wait3A_141, %dma_wait3A_148] : memref<4x128xi32, #tpu.memory_space<vmem>> -> memref<1x128xi32, #tpu.memory_space<vmem>>
      %dma_wait3A_150 = tpu.memref_squeeze %dma_wait3A_149 : memref<1x128xi32, #tpu.memory_space<vmem>> -> memref<128xi32, #tpu.memory_space<vmem>>
      %dma_wait3A_151 = arith.constant 0 : i32
      %dma_wait3A_152 = tpu.memref_slice %arg3[%add3A, %dma_wait3A_140, %dma_wait3A_151] : memref<32x80x128xi32, #tpu.memory_space<hbm>> -> memref<1x1x128xi32, #tpu.memory_space<hbm>>
      %dma_wait3A_153 = tpu.memref_squeeze %dma_wait3A_152 : memref<1x1x128xi32, #tpu.memory_space<hbm>> -> memref<128xi32, #tpu.memory_space<hbm>>
      tpu.wait_dma2 semaphore(%arg12 : memref<!tpu.dma_semaphore, #tpu.memory_space<semaphore_mem>>) src(%dma_wait3A_153 : memref<128xi32, #tpu.memory_space<hbm>>) dst(%dma_wait3A_150 : memref<128xi32, #tpu.memory_space<vmem>>)
      %dma_wait3A_154 = arith.constant 0 : i32
      %dma_wait3A_155 = arith.constant 1 : i32
      %dma_wait3A_156 = arith.constant 0 : i32
      %dma_wait3A_157 = tpu.memref_slice %arg8[%dma_wait3A_155, %dma_wait3A_156] : memref<4x128xi32, #tpu.memory_space<vmem>> -> memref<1x128xi32, #tpu.memory_space<vmem>>
      %dma_wait3A_158 = tpu.memref_squeeze %dma_wait3A_157 : memref<1x128xi32, #tpu.memory_space<vmem>> -> memref<128xi32, #tpu.memory_space<vmem>>
      %dma_wait3A_159 = arith.constant 0 : i32
      %dma_wait3A_160 = tpu.memref_slice %arg4[%add3A, %dma_wait3A_154, %dma_wait3A_159] : memref<32x80x128xi32, #tpu.memory_space<hbm>> -> memref<1x1x128xi32, #tpu.memory_space<hbm>>
      %dma_wait3A_161 = tpu.memref_squeeze %dma_wait3A_160 : memref<1x1x128xi32, #tpu.memory_space<hbm>> -> memref<128xi32, #tpu.memory_space<hbm>>
      %dma_wait3A_162 = arith.constant 0 : i32
      %dma_wait3A_163 = tpu.memref_slice %arg8[%dma_wait3A_155, %dma_wait3A_162] : memref<4x128xi32, #tpu.memory_space<vmem>> -> memref<1x128xi32, #tpu.memory_space<vmem>>
      %dma_wait3A_164 = tpu.memref_squeeze %dma_wait3A_163 : memref<1x128xi32, #tpu.memory_space<vmem>> -> memref<128xi32, #tpu.memory_space<vmem>>
      %dma_wait3A_165 = arith.constant 0 : i32
      %dma_wait3A_166 = tpu.memref_slice %arg4[%add3A, %dma_wait3A_154, %dma_wait3A_165] : memref<32x80x128xi32, #tpu.memory_space<hbm>> -> memref<1x1x128xi32, #tpu.memory_space<hbm>>
      %dma_wait3A_167 = tpu.memref_squeeze %dma_wait3A_166 : memref<1x1x128xi32, #tpu.memory_space<hbm>> -> memref<128xi32, #tpu.memory_space<hbm>>
      tpu.wait_dma2 semaphore(%arg12 : memref<!tpu.dma_semaphore, #tpu.memory_space<semaphore_mem>>) src(%dma_wait3A_167 : memref<128xi32, #tpu.memory_space<hbm>>) dst(%dma_wait3A_164 : memref<128xi32, #tpu.memory_space<vmem>>)
      %lt3A_168 = arith.constant 79 : i32
      %lt3A_169 = arith.cmpi slt, %add3A_139, %lt3A_168 : i32
      %convert_element_type3A_170 = arith.extui %lt3A_169 : i1 to i32
      %cond3A_171 = arith.constant 0 : i32
      %cond3A_172 = arith.cmpi ne, %convert_element_type3A_170, %cond3A_171 : i32
      scf.if %cond3A_172 {
        %add3A_366 = arith.constant 1 : i32
        %add3A_367 = arith.addi %add3A_139, %add3A_366 : i32
        %dma_start3A_368 = arith.constant 2 : i32
        %dma_start3A_369 = arith.constant 0 : i32
        %dma_start3A_370 = tpu.memref_slice %arg7[%dma_start3A_368, %dma_start3A_369] : memref<4x128xi32, #tpu.memory_space<vmem>> -> memref<1x128xi32, #tpu.memory_space<vmem>>
        %dma_start3A_371 = tpu.memref_squeeze %dma_start3A_370 : memref<1x128xi32, #tpu.memory_space<vmem>> -> memref<128xi32, #tpu.memory_space<vmem>>
        %dma_start3A_372 = arith.constant 0 : i32
        %dma_start3A_373 = tpu.memref_slice %arg3[%add3A, %add3A_367, %dma_start3A_372] : memref<32x80x128xi32, #tpu.memory_space<hbm>> -> memref<1x1x128xi32, #tpu.memory_space<hbm>>
        %dma_start3A_374 = tpu.memref_squeeze %dma_start3A_373 : memref<1x1x128xi32, #tpu.memory_space<hbm>> -> memref<128xi32, #tpu.memory_space<hbm>>
        %dma_start3A_375 = arith.constant 0 : i32
        %dma_start3A_376 = tpu.memref_slice %arg7[%dma_start3A_368, %dma_start3A_375] : memref<4x128xi32, #tpu.memory_space<vmem>> -> memref<1x128xi32, #tpu.memory_space<vmem>>
        %dma_start3A_377 = tpu.memref_squeeze %dma_start3A_376 : memref<1x128xi32, #tpu.memory_space<vmem>> -> memref<128xi32, #tpu.memory_space<vmem>>
        %dma_start3A_378 = arith.constant 0 : i32
        %dma_start3A_379 = tpu.memref_slice %arg3[%add3A, %add3A_367, %dma_start3A_378] : memref<32x80x128xi32, #tpu.memory_space<hbm>> -> memref<1x1x128xi32, #tpu.memory_space<hbm>>
        %dma_start3A_380 = tpu.memref_squeeze %dma_start3A_379 : memref<1x1x128xi32, #tpu.memory_space<hbm>> -> memref<128xi32, #tpu.memory_space<hbm>>
        tpu.enqueue_dma source(%dma_start3A_380 : memref<128xi32, #tpu.memory_space<hbm>>) target(%dma_start3A_377 : memref<128xi32, #tpu.memory_space<vmem>>) target_semaphore(%arg13 : memref<!tpu.dma_semaphore, #tpu.memory_space<semaphore_mem>>)
        %dma_start3A_381 = arith.constant 2 : i32
        %dma_start3A_382 = arith.constant 0 : i32
        %dma_start3A_383 = tpu.memref_slice %arg8[%dma_start3A_381, %dma_start3A_382] : memref<4x128xi32, #tpu.memory_space<vmem>> -> memref<1x128xi32, #tpu.memory_space<vmem>>
        %dma_start3A_384 = tpu.memref_squeeze %dma_start3A_383 : memref<1x128xi32, #tpu.memory_space<vmem>> -> memref<128xi32, #tpu.memory_space<vmem>>
        %dma_start3A_385 = arith.constant 0 : i32
        %dma_start3A_386 = tpu.memref_slice %arg4[%add3A, %add3A_367, %dma_start3A_385] : memref<32x80x128xi32, #tpu.memory_space<hbm>> -> memref<1x1x128xi32, #tpu.memory_space<hbm>>
        %dma_start3A_387 = tpu.memref_squeeze %dma_start3A_386 : memref<1x1x128xi32, #tpu.memory_space<hbm>> -> memref<128xi32, #tpu.memory_space<hbm>>
        %dma_start3A_388 = arith.constant 0 : i32
        %dma_start3A_389 = tpu.memref_slice %arg8[%dma_start3A_381, %dma_start3A_388] : memref<4x128xi32, #tpu.memory_space<vmem>> -> memref<1x128xi32, #tpu.memory_space<vmem>>
        %dma_start3A_390 = tpu.memref_squeeze %dma_start3A_389 : memref<1x128xi32, #tpu.memory_space<vmem>> -> memref<128xi32, #tpu.memory_space<vmem>>
        %dma_start3A_391 = arith.constant 0 : i32
        %dma_start3A_392 = tpu.memref_slice %arg4[%add3A, %add3A_367, %dma_start3A_391] : memref<32x80x128xi32, #tpu.memory_space<hbm>> -> memref<1x1x128xi32, #tpu.memory_space<hbm>>
        %dma_start3A_393 = tpu.memref_squeeze %dma_start3A_392 : memref<1x1x128xi32, #tpu.memory_space<hbm>> -> memref<128xi32, #tpu.memory_space<hbm>>
        tpu.enqueue_dma source(%dma_start3A_393 : memref<128xi32, #tpu.memory_space<hbm>>) target(%dma_start3A_390 : memref<128xi32, #tpu.memory_space<vmem>>) target_semaphore(%arg13 : memref<!tpu.dma_semaphore, #tpu.memory_space<semaphore_mem>>)
      } else {
      }
      %ge3A_173 = arith.constant 2 : i32
      %ge3A_174 = arith.cmpi sge, %add3A_139, %ge3A_173 : i32
      %convert_element_type3A_175 = arith.extui %ge3A_174 : i1 to i32
      %cond3A_176 = arith.constant 0 : i32
      %cond3A_177 = arith.cmpi ne, %convert_element_type3A_175, %cond3A_176 : i32
      scf.if %cond3A_177 {
        %dma_wait3A_366 = arith.constant 1 : i32
        %dma_wait3A_367 = arith.constant 1 : i32
        %dma_wait3A_368 = arith.constant 0 : i32
        %dma_wait3A_369 = arith.constant 0 : i32
        %dma_wait3A_370 = tpu.memref_slice %arg9[%dma_wait3A_366, %dma_wait3A_368, %dma_wait3A_369] : memref<2x128x128xf32, #tpu.memory_space<vmem>> -> memref<1x128x128xf32, #tpu.memory_space<vmem>>
        %dma_wait3A_371 = tpu.memref_squeeze %dma_wait3A_370 : memref<1x128x128xf32, #tpu.memory_space<vmem>> -> memref<128x128xf32, #tpu.memory_space<vmem>>
        %dma_wait3A_372 = arith.constant 0 : i32
        %dma_wait3A_373 = tpu.memref_slice %arg8[%dma_wait3A_367, %dma_wait3A_372] : memref<4x128xi32, #tpu.memory_space<vmem>> -> memref<1x128xi32, #tpu.memory_space<vmem>>
        %dma_wait3A_374 = tpu.memref_squeeze %dma_wait3A_373 : memref<1x128xi32, #tpu.memory_space<vmem>> -> memref<128xi32, #tpu.memory_space<vmem>>
        %dma_wait3A_375 = arith.constant 0 : i32
        %dma_wait3A_376 = arith.constant 0 : i32
        %dma_wait3A_377 = tpu.memref_slice %arg10[%dma_wait3A_375, %dma_wait3A_376] : memref<10240x128xf32, #tpu.memory_space<vmem_shared>> -> memref<10240x128xf32, #tpu.memory_space<vmem_shared>>
        tpu.wait_indirect_dma semaphore(%arg18 : memref<!tpu.dma_semaphore, #tpu.memory_space<semaphore_mem>>) src(%dma_wait3A_371 : memref<128x128xf32, #tpu.memory_space<vmem>>) dst(%dma_wait3A_377 : memref<10240x128xf32, #tpu.memory_space<vmem_shared>>)
      } else {
      }
      %dma_start3A_178 = arith.constant 1 : i32
      %dma_start3A_179 = arith.constant 1 : i32
      %dma_start3A_180 = arith.constant 0 : i32
      %dma_start3A_181 = arith.constant 0 : i32
      %dma_start3A_182 = tpu.memref_slice %arg9[%dma_start3A_179, %dma_start3A_180, %dma_start3A_181] : memref<2x128x128xf32, #tpu.memory_space<vmem>> -> memref<1x128x128xf32, #tpu.memory_space<vmem>>
      %dma_start3A_183 = tpu.memref_squeeze %dma_start3A_182 : memref<1x128x128xf32, #tpu.memory_space<vmem>> -> memref<128x128xf32, #tpu.memory_space<vmem>>
      %dma_start3A_184 = arith.constant 0 : i32
      %dma_start3A_185 = tpu.memref_slice %arg7[%dma_start3A_178, %dma_start3A_184] : memref<4x128xi32, #tpu.memory_space<vmem>> -> memref<1x128xi32, #tpu.memory_space<vmem>>
      %dma_start3A_186 = tpu.memref_squeeze %dma_start3A_185 : memref<1x128xi32, #tpu.memory_space<vmem>> -> memref<128xi32, #tpu.memory_space<vmem>>
      %dma_start3A_187 = arith.constant 0 : i32
      %dma_start3A_188 = arith.constant 0 : i32
      %dma_start3A_189 = tpu.memref_slice %arg2[%dma_start3A_187, %dma_start3A_188] : memref<10240x128xf32, #tpu.memory_space<hbm>> -> memref<10240x128xf32, #tpu.memory_space<hbm>>
      tpu.enqueue_indirect_dma source(%dma_start3A_189 : memref<10240x128xf32, #tpu.memory_space<hbm>>) target(%dma_start3A_183 : memref<128x128xf32, #tpu.memory_space<vmem>>) offsets(%dma_start3A_186 : memref<128xi32, #tpu.memory_space<vmem>>) semaphore(%arg16 : memref<!tpu.dma_semaphore, #tpu.memory_space<semaphore_mem>>)
      %dma_wait3A_190 = arith.constant 1 : i32
      %dma_wait3A_191 = arith.constant 1 : i32
      %dma_wait3A_192 = arith.constant 0 : i32
      %dma_wait3A_193 = arith.constant 0 : i32
      %dma_wait3A_194 = tpu.memref_slice %arg9[%dma_wait3A_191, %dma_wait3A_192, %dma_wait3A_193] : memref<2x128x128xf32, #tpu.memory_space<vmem>> -> memref<1x128x128xf32, #tpu.memory_space<vmem>>
      %dma_wait3A_195 = tpu.memref_squeeze %dma_wait3A_194 : memref<1x128x128xf32, #tpu.memory_space<vmem>> -> memref<128x128xf32, #tpu.memory_space<vmem>>
      %dma_wait3A_196 = arith.constant 0 : i32
      %dma_wait3A_197 = tpu.memref_slice %arg7[%dma_wait3A_190, %dma_wait3A_196] : memref<4x128xi32, #tpu.memory_space<vmem>> -> memref<1x128xi32, #tpu.memory_space<vmem>>
      %dma_wait3A_198 = tpu.memref_squeeze %dma_wait3A_197 : memref<1x128xi32, #tpu.memory_space<vmem>> -> memref<128xi32, #tpu.memory_space<vmem>>
      %dma_wait3A_199 = arith.constant 0 : i32
      %dma_wait3A_200 = arith.constant 0 : i32
      %dma_wait3A_201 = tpu.memref_slice %arg2[%dma_wait3A_199, %dma_wait3A_200] : memref<10240x128xf32, #tpu.memory_space<hbm>> -> memref<10240x128xf32, #tpu.memory_space<hbm>>
      tpu.wait_indirect_dma semaphore(%arg16 : memref<!tpu.dma_semaphore, #tpu.memory_space<semaphore_mem>>) src(%dma_wait3A_201 : memref<10240x128xf32, #tpu.memory_space<hbm>>) dst(%dma_wait3A_195 : memref<128x128xf32, #tpu.memory_space<vmem>>)
      %dma_start3A_202 = arith.constant 1 : i32
      %dma_start3A_203 = arith.constant 1 : i32
      %dma_start3A_204 = arith.constant 0 : i32
      %dma_start3A_205 = arith.constant 0 : i32
      %dma_start3A_206 = tpu.memref_slice %arg9[%dma_start3A_202, %dma_start3A_204, %dma_start3A_205] : memref<2x128x128xf32, #tpu.memory_space<vmem>> -> memref<1x128x128xf32, #tpu.memory_space<vmem>>
      %dma_start3A_207 = tpu.memref_squeeze %dma_start3A_206 : memref<1x128x128xf32, #tpu.memory_space<vmem>> -> memref<128x128xf32, #tpu.memory_space<vmem>>
      %dma_start3A_208 = arith.constant 0 : i32
      %dma_start3A_209 = tpu.memref_slice %arg8[%dma_start3A_203, %dma_start3A_208] : memref<4x128xi32, #tpu.memory_space<vmem>> -> memref<1x128xi32, #tpu.memory_space<vmem>>
      %dma_start3A_210 = tpu.memref_squeeze %dma_start3A_209 : memref<1x128xi32, #tpu.memory_space<vmem>> -> memref<128xi32, #tpu.memory_space<vmem>>
      %dma_start3A_211 = arith.constant 0 : i32
      %dma_start3A_212 = arith.constant 0 : i32
      %dma_start3A_213 = tpu.memref_slice %arg10[%dma_start3A_211, %dma_start3A_212] : memref<10240x128xf32, #tpu.memory_space<vmem_shared>> -> memref<10240x128xf32, #tpu.memory_space<vmem_shared>>
      tpu.enqueue_indirect_dma source(%dma_start3A_207 : memref<128x128xf32, #tpu.memory_space<vmem>>) target(%dma_start3A_213 : memref<10240x128xf32, #tpu.memory_space<vmem_shared>>) offsets(%dma_start3A_210 : memref<128xi32, #tpu.memory_space<vmem>>) semaphore(%arg18 : memref<!tpu.dma_semaphore, #tpu.memory_space<semaphore_mem>>) {add = true}
      %add3A_214 = arith.constant 2 : i32
      %add3A_215 = arith.addi %mul3A_67, %add3A_214 : i32
      %dma_wait3A_216 = arith.constant 0 : i32
      %dma_wait3A_217 = arith.constant 2 : i32
      %dma_wait3A_218 = arith.constant 0 : i32
      %dma_wait3A_219 = tpu.memref_slice %arg7[%dma_wait3A_217, %dma_wait3A_218] : memref<4x128xi32, #tpu.memory_space<vmem>> -> memref<1x128xi32, #tpu.memory_space<vmem>>
      %dma_wait3A_220 = tpu.memref_squeeze %dma_wait3A_219 : memref<1x128xi32, #tpu.memory_space<vmem>> -> memref<128xi32, #tpu.memory_space<vmem>>
      %dma_wait3A_221 = arith.constant 0 : i32
      %dma_wait3A_222 = tpu.memref_slice %arg3[%add3A, %dma_wait3A_216, %dma_wait3A_221] : memref<32x80x128xi32, #tpu.memory_space<hbm>> -> memref<1x1x128xi32, #tpu.memory_space<hbm>>
      %dma_wait3A_223 = tpu.memref_squeeze %dma_wait3A_222 : memref<1x1x128xi32, #tpu.memory_space<hbm>> -> memref<128xi32, #tpu.memory_space<hbm>>
      %dma_wait3A_224 = arith.constant 0 : i32
      %dma_wait3A_225 = tpu.memref_slice %arg7[%dma_wait3A_217, %dma_wait3A_224] : memref<4x128xi32, #tpu.memory_space<vmem>> -> memref<1x128xi32, #tpu.memory_space<vmem>>
      %dma_wait3A_226 = tpu.memref_squeeze %dma_wait3A_225 : memref<1x128xi32, #tpu.memory_space<vmem>> -> memref<128xi32, #tpu.memory_space<vmem>>
      %dma_wait3A_227 = arith.constant 0 : i32
      %dma_wait3A_228 = tpu.memref_slice %arg3[%add3A, %dma_wait3A_216, %dma_wait3A_227] : memref<32x80x128xi32, #tpu.memory_space<hbm>> -> memref<1x1x128xi32, #tpu.memory_space<hbm>>
      %dma_wait3A_229 = tpu.memref_squeeze %dma_wait3A_228 : memref<1x1x128xi32, #tpu.memory_space<hbm>> -> memref<128xi32, #tpu.memory_space<hbm>>
      tpu.wait_dma2 semaphore(%arg13 : memref<!tpu.dma_semaphore, #tpu.memory_space<semaphore_mem>>) src(%dma_wait3A_229 : memref<128xi32, #tpu.memory_space<hbm>>) dst(%dma_wait3A_226 : memref<128xi32, #tpu.memory_space<vmem>>)
      %dma_wait3A_230 = arith.constant 0 : i32
      %dma_wait3A_231 = arith.constant 2 : i32
      %dma_wait3A_232 = arith.constant 0 : i32
      %dma_wait3A_233 = tpu.memref_slice %arg8[%dma_wait3A_231, %dma_wait3A_232] : memref<4x128xi32, #tpu.memory_space<vmem>> -> memref<1x128xi32, #tpu.memory_space<vmem>>
      %dma_wait3A_234 = tpu.memref_squeeze %dma_wait3A_233 : memref<1x128xi32, #tpu.memory_space<vmem>> -> memref<128xi32, #tpu.memory_space<vmem>>
      %dma_wait3A_235 = arith.constant 0 : i32
      %dma_wait3A_236 = tpu.memref_slice %arg4[%add3A, %dma_wait3A_230, %dma_wait3A_235] : memref<32x80x128xi32, #tpu.memory_space<hbm>> -> memref<1x1x128xi32, #tpu.memory_space<hbm>>
      %dma_wait3A_237 = tpu.memref_squeeze %dma_wait3A_236 : memref<1x1x128xi32, #tpu.memory_space<hbm>> -> memref<128xi32, #tpu.memory_space<hbm>>
      %dma_wait3A_238 = arith.constant 0 : i32
      %dma_wait3A_239 = tpu.memref_slice %arg8[%dma_wait3A_231, %dma_wait3A_238] : memref<4x128xi32, #tpu.memory_space<vmem>> -> memref<1x128xi32, #tpu.memory_space<vmem>>
      %dma_wait3A_240 = tpu.memref_squeeze %dma_wait3A_239 : memref<1x128xi32, #tpu.memory_space<vmem>> -> memref<128xi32, #tpu.memory_space<vmem>>
      %dma_wait3A_241 = arith.constant 0 : i32
      %dma_wait3A_242 = tpu.memref_slice %arg4[%add3A, %dma_wait3A_230, %dma_wait3A_241] : memref<32x80x128xi32, #tpu.memory_space<hbm>> -> memref<1x1x128xi32, #tpu.memory_space<hbm>>
      %dma_wait3A_243 = tpu.memref_squeeze %dma_wait3A_242 : memref<1x1x128xi32, #tpu.memory_space<hbm>> -> memref<128xi32, #tpu.memory_space<hbm>>
      tpu.wait_dma2 semaphore(%arg13 : memref<!tpu.dma_semaphore, #tpu.memory_space<semaphore_mem>>) src(%dma_wait3A_243 : memref<128xi32, #tpu.memory_space<hbm>>) dst(%dma_wait3A_240 : memref<128xi32, #tpu.memory_space<vmem>>)
      %lt3A_244 = arith.constant 79 : i32
      %lt3A_245 = arith.cmpi slt, %add3A_215, %lt3A_244 : i32
      %convert_element_type3A_246 = arith.extui %lt3A_245 : i1 to i32
      %cond3A_247 = arith.constant 0 : i32
      %cond3A_248 = arith.cmpi ne, %convert_element_type3A_246, %cond3A_247 : i32
      scf.if %cond3A_248 {
        %add3A_366 = arith.constant 1 : i32
        %add3A_367 = arith.addi %add3A_215, %add3A_366 : i32
        %dma_start3A_368 = arith.constant 3 : i32
        %dma_start3A_369 = arith.constant 0 : i32
        %dma_start3A_370 = tpu.memref_slice %arg7[%dma_start3A_368, %dma_start3A_369] : memref<4x128xi32, #tpu.memory_space<vmem>> -> memref<1x128xi32, #tpu.memory_space<vmem>>
        %dma_start3A_371 = tpu.memref_squeeze %dma_start3A_370 : memref<1x128xi32, #tpu.memory_space<vmem>> -> memref<128xi32, #tpu.memory_space<vmem>>
        %dma_start3A_372 = arith.constant 0 : i32
        %dma_start3A_373 = tpu.memref_slice %arg3[%add3A, %add3A_367, %dma_start3A_372] : memref<32x80x128xi32, #tpu.memory_space<hbm>> -> memref<1x1x128xi32, #tpu.memory_space<hbm>>
        %dma_start3A_374 = tpu.memref_squeeze %dma_start3A_373 : memref<1x1x128xi32, #tpu.memory_space<hbm>> -> memref<128xi32, #tpu.memory_space<hbm>>
        %dma_start3A_375 = arith.constant 0 : i32
        %dma_start3A_376 = tpu.memref_slice %arg7[%dma_start3A_368, %dma_start3A_375] : memref<4x128xi32, #tpu.memory_space<vmem>> -> memref<1x128xi32, #tpu.memory_space<vmem>>
        %dma_start3A_377 = tpu.memref_squeeze %dma_start3A_376 : memref<1x128xi32, #tpu.memory_space<vmem>> -> memref<128xi32, #tpu.memory_space<vmem>>
        %dma_start3A_378 = arith.constant 0 : i32
        %dma_start3A_379 = tpu.memref_slice %arg3[%add3A, %add3A_367, %dma_start3A_378] : memref<32x80x128xi32, #tpu.memory_space<hbm>> -> memref<1x1x128xi32, #tpu.memory_space<hbm>>
        %dma_start3A_380 = tpu.memref_squeeze %dma_start3A_379 : memref<1x1x128xi32, #tpu.memory_space<hbm>> -> memref<128xi32, #tpu.memory_space<hbm>>
        tpu.enqueue_dma source(%dma_start3A_380 : memref<128xi32, #tpu.memory_space<hbm>>) target(%dma_start3A_377 : memref<128xi32, #tpu.memory_space<vmem>>) target_semaphore(%arg14 : memref<!tpu.dma_semaphore, #tpu.memory_space<semaphore_mem>>)
        %dma_start3A_381 = arith.constant 3 : i32
        %dma_start3A_382 = arith.constant 0 : i32
        %dma_start3A_383 = tpu.memref_slice %arg8[%dma_start3A_381, %dma_start3A_382] : memref<4x128xi32, #tpu.memory_space<vmem>> -> memref<1x128xi32, #tpu.memory_space<vmem>>
        %dma_start3A_384 = tpu.memref_squeeze %dma_start3A_383 : memref<1x128xi32, #tpu.memory_space<vmem>> -> memref<128xi32, #tpu.memory_space<vmem>>
        %dma_start3A_385 = arith.constant 0 : i32
        %dma_start3A_386 = tpu.memref_slice %arg4[%add3A, %add3A_367, %dma_start3A_385] : memref<32x80x128xi32, #tpu.memory_space<hbm>> -> memref<1x1x128xi32, #tpu.memory_space<hbm>>
        %dma_start3A_387 = tpu.memref_squeeze %dma_start3A_386 : memref<1x1x128xi32, #tpu.memory_space<hbm>> -> memref<128xi32, #tpu.memory_space<hbm>>
        %dma_start3A_388 = arith.constant 0 : i32
        %dma_start3A_389 = tpu.memref_slice %arg8[%dma_start3A_381, %dma_start3A_388] : memref<4x128xi32, #tpu.memory_space<vmem>> -> memref<1x128xi32, #tpu.memory_space<vmem>>
        %dma_start3A_390 = tpu.memref_squeeze %dma_start3A_389 : memref<1x128xi32, #tpu.memory_space<vmem>> -> memref<128xi32, #tpu.memory_space<vmem>>
        %dma_start3A_391 = arith.constant 0 : i32
        %dma_start3A_392 = tpu.memref_slice %arg4[%add3A, %add3A_367, %dma_start3A_391] : memref<32x80x128xi32, #tpu.memory_space<hbm>> -> memref<1x1x128xi32, #tpu.memory_space<hbm>>
        %dma_start3A_393 = tpu.memref_squeeze %dma_start3A_392 : memref<1x1x128xi32, #tpu.memory_space<hbm>> -> memref<128xi32, #tpu.memory_space<hbm>>
        tpu.enqueue_dma source(%dma_start3A_393 : memref<128xi32, #tpu.memory_space<hbm>>) target(%dma_start3A_390 : memref<128xi32, #tpu.memory_space<vmem>>) target_semaphore(%arg14 : memref<!tpu.dma_semaphore, #tpu.memory_space<semaphore_mem>>)
      } else {
      }
      %ge3A_249 = arith.constant 2 : i32
      %ge3A_250 = arith.cmpi sge, %add3A_215, %ge3A_249 : i32
      %convert_element_type3A_251 = arith.extui %ge3A_250 : i1 to i32
      %cond3A_252 = arith.constant 0 : i32
      %cond3A_253 = arith.cmpi ne, %convert_element_type3A_251, %cond3A_252 : i32
      scf.if %cond3A_253 {
        %dma_wait3A_366 = arith.constant 0 : i32
        %dma_wait3A_367 = arith.constant 2 : i32
        %dma_wait3A_368 = arith.constant 0 : i32
        %dma_wait3A_369 = arith.constant 0 : i32
        %dma_wait3A_370 = tpu.memref_slice %arg9[%dma_wait3A_366, %dma_wait3A_368, %dma_wait3A_369] : memref<2x128x128xf32, #tpu.memory_space<vmem>> -> memref<1x128x128xf32, #tpu.memory_space<vmem>>
        %dma_wait3A_371 = tpu.memref_squeeze %dma_wait3A_370 : memref<1x128x128xf32, #tpu.memory_space<vmem>> -> memref<128x128xf32, #tpu.memory_space<vmem>>
        %dma_wait3A_372 = arith.constant 0 : i32
        %dma_wait3A_373 = tpu.memref_slice %arg8[%dma_wait3A_367, %dma_wait3A_372] : memref<4x128xi32, #tpu.memory_space<vmem>> -> memref<1x128xi32, #tpu.memory_space<vmem>>
        %dma_wait3A_374 = tpu.memref_squeeze %dma_wait3A_373 : memref<1x128xi32, #tpu.memory_space<vmem>> -> memref<128xi32, #tpu.memory_space<vmem>>
        %dma_wait3A_375 = arith.constant 0 : i32
        %dma_wait3A_376 = arith.constant 0 : i32
        %dma_wait3A_377 = tpu.memref_slice %arg10[%dma_wait3A_375, %dma_wait3A_376] : memref<10240x128xf32, #tpu.memory_space<vmem_shared>> -> memref<10240x128xf32, #tpu.memory_space<vmem_shared>>
        tpu.wait_indirect_dma semaphore(%arg17 : memref<!tpu.dma_semaphore, #tpu.memory_space<semaphore_mem>>) src(%dma_wait3A_371 : memref<128x128xf32, #tpu.memory_space<vmem>>) dst(%dma_wait3A_377 : memref<10240x128xf32, #tpu.memory_space<vmem_shared>>)
      } else {
      }
      %dma_start3A_254 = arith.constant 2 : i32
      %dma_start3A_255 = arith.constant 0 : i32
      %dma_start3A_256 = arith.constant 0 : i32
      %dma_start3A_257 = arith.constant 0 : i32
      %dma_start3A_258 = tpu.memref_slice %arg9[%dma_start3A_255, %dma_start3A_256, %dma_start3A_257] : memref<2x128x128xf32, #tpu.memory_space<vmem>> -> memref<1x128x128xf32, #tpu.memory_space<vmem>>
      %dma_start3A_259 = tpu.memref_squeeze %dma_start3A_258 : memref<1x128x128xf32, #tpu.memory_space<vmem>> -> memref<128x128xf32, #tpu.memory_space<vmem>>
      %dma_start3A_260 = arith.constant 0 : i32
      %dma_start3A_261 = tpu.memref_slice %arg7[%dma_start3A_254, %dma_start3A_260] : memref<4x128xi32, #tpu.memory_space<vmem>> -> memref<1x128xi32, #tpu.memory_space<vmem>>
      %dma_start3A_262 = tpu.memref_squeeze %dma_start3A_261 : memref<1x128xi32, #tpu.memory_space<vmem>> -> memref<128xi32, #tpu.memory_space<vmem>>
      %dma_start3A_263 = arith.constant 0 : i32
      %dma_start3A_264 = arith.constant 0 : i32
      %dma_start3A_265 = tpu.memref_slice %arg2[%dma_start3A_263, %dma_start3A_264] : memref<10240x128xf32, #tpu.memory_space<hbm>> -> memref<10240x128xf32, #tpu.memory_space<hbm>>
      tpu.enqueue_indirect_dma source(%dma_start3A_265 : memref<10240x128xf32, #tpu.memory_space<hbm>>) target(%dma_start3A_259 : memref<128x128xf32, #tpu.memory_space<vmem>>) offsets(%dma_start3A_262 : memref<128xi32, #tpu.memory_space<vmem>>) semaphore(%arg15 : memref<!tpu.dma_semaphore, #tpu.memory_space<semaphore_mem>>)
      %dma_wait3A_266 = arith.constant 2 : i32
      %dma_wait3A_267 = arith.constant 0 : i32
      %dma_wait3A_268 = arith.constant 0 : i32
      %dma_wait3A_269 = arith.constant 0 : i32
      %dma_wait3A_270 = tpu.memref_slice %arg9[%dma_wait3A_267, %dma_wait3A_268, %dma_wait3A_269] : memref<2x128x128xf32, #tpu.memory_space<vmem>> -> memref<1x128x128xf32, #tpu.memory_space<vmem>>
      %dma_wait3A_271 = tpu.memref_squeeze %dma_wait3A_270 : memref<1x128x128xf32, #tpu.memory_space<vmem>> -> memref<128x128xf32, #tpu.memory_space<vmem>>
      %dma_wait3A_272 = arith.constant 0 : i32
      %dma_wait3A_273 = tpu.memref_slice %arg7[%dma_wait3A_266, %dma_wait3A_272] : memref<4x128xi32, #tpu.memory_space<vmem>> -> memref<1x128xi32, #tpu.memory_space<vmem>>
      %dma_wait3A_274 = tpu.memref_squeeze %dma_wait3A_273 : memref<1x128xi32, #tpu.memory_space<vmem>> -> memref<128xi32, #tpu.memory_space<vmem>>
      %dma_wait3A_275 = arith.constant 0 : i32
      %dma_wait3A_276 = arith.constant 0 : i32
      %dma_wait3A_277 = tpu.memref_slice %arg2[%dma_wait3A_275, %dma_wait3A_276] : memref<10240x128xf32, #tpu.memory_space<hbm>> -> memref<10240x128xf32, #tpu.memory_space<hbm>>
      tpu.wait_indirect_dma semaphore(%arg15 : memref<!tpu.dma_semaphore, #tpu.memory_space<semaphore_mem>>) src(%dma_wait3A_277 : memref<10240x128xf32, #tpu.memory_space<hbm>>) dst(%dma_wait3A_271 : memref<128x128xf32, #tpu.memory_space<vmem>>)
      %dma_start3A_278 = arith.constant 0 : i32
      %dma_start3A_279 = arith.constant 2 : i32
      %dma_start3A_280 = arith.constant 0 : i32
      %dma_start3A_281 = arith.constant 0 : i32
      %dma_start3A_282 = tpu.memref_slice %arg9[%dma_start3A_278, %dma_start3A_280, %dma_start3A_281] : memref<2x128x128xf32, #tpu.memory_space<vmem>> -> memref<1x128x128xf32, #tpu.memory_space<vmem>>
      %dma_start3A_283 = tpu.memref_squeeze %dma_start3A_282 : memref<1x128x128xf32, #tpu.memory_space<vmem>> -> memref<128x128xf32, #tpu.memory_space<vmem>>
      %dma_start3A_284 = arith.constant 0 : i32
      %dma_start3A_285 = tpu.memref_slice %arg8[%dma_start3A_279, %dma_start3A_284] : memref<4x128xi32, #tpu.memory_space<vmem>> -> memref<1x128xi32, #tpu.memory_space<vmem>>
      %dma_start3A_286 = tpu.memref_squeeze %dma_start3A_285 : memref<1x128xi32, #tpu.memory_space<vmem>> -> memref<128xi32, #tpu.memory_space<vmem>>
      %dma_start3A_287 = arith.constant 0 : i32
      %dma_start3A_288 = arith.constant 0 : i32
      %dma_start3A_289 = tpu.memref_slice %arg10[%dma_start3A_287, %dma_start3A_288] : memref<10240x128xf32, #tpu.memory_space<vmem_shared>> -> memref<10240x128xf32, #tpu.memory_space<vmem_shared>>
      tpu.enqueue_indirect_dma source(%dma_start3A_283 : memref<128x128xf32, #tpu.memory_space<vmem>>) target(%dma_start3A_289 : memref<10240x128xf32, #tpu.memory_space<vmem_shared>>) offsets(%dma_start3A_286 : memref<128xi32, #tpu.memory_space<vmem>>) semaphore(%arg17 : memref<!tpu.dma_semaphore, #tpu.memory_space<semaphore_mem>>) {add = true}
      %add3A_290 = arith.constant 3 : i32
      %add3A_291 = arith.addi %mul3A_67, %add3A_290 : i32
      %dma_wait3A_292 = arith.constant 0 : i32
      %dma_wait3A_293 = arith.constant 3 : i32
      %dma_wait3A_294 = arith.constant 0 : i32
      %dma_wait3A_295 = tpu.memref_slice %arg7[%dma_wait3A_293, %dma_wait3A_294] : memref<4x128xi32, #tpu.memory_space<vmem>> -> memref<1x128xi32, #tpu.memory_space<vmem>>
      %dma_wait3A_296 = tpu.memref_squeeze %dma_wait3A_295 : memref<1x128xi32, #tpu.memory_space<vmem>> -> memref<128xi32, #tpu.memory_space<vmem>>
      %dma_wait3A_297 = arith.constant 0 : i32
      %dma_wait3A_298 = tpu.memref_slice %arg3[%add3A, %dma_wait3A_292, %dma_wait3A_297] : memref<32x80x128xi32, #tpu.memory_space<hbm>> -> memref<1x1x128xi32, #tpu.memory_space<hbm>>
      %dma_wait3A_299 = tpu.memref_squeeze %dma_wait3A_298 : memref<1x1x128xi32, #tpu.memory_space<hbm>> -> memref<128xi32, #tpu.memory_space<hbm>>
      %dma_wait3A_300 = arith.constant 0 : i32
      %dma_wait3A_301 = tpu.memref_slice %arg7[%dma_wait3A_293, %dma_wait3A_300] : memref<4x128xi32, #tpu.memory_space<vmem>> -> memref<1x128xi32, #tpu.memory_space<vmem>>
      %dma_wait3A_302 = tpu.memref_squeeze %dma_wait3A_301 : memref<1x128xi32, #tpu.memory_space<vmem>> -> memref<128xi32, #tpu.memory_space<vmem>>
      %dma_wait3A_303 = arith.constant 0 : i32
      %dma_wait3A_304 = tpu.memref_slice %arg3[%add3A, %dma_wait3A_292, %dma_wait3A_303] : memref<32x80x128xi32, #tpu.memory_space<hbm>> -> memref<1x1x128xi32, #tpu.memory_space<hbm>>
      %dma_wait3A_305 = tpu.memref_squeeze %dma_wait3A_304 : memref<1x1x128xi32, #tpu.memory_space<hbm>> -> memref<128xi32, #tpu.memory_space<hbm>>
      tpu.wait_dma2 semaphore(%arg14 : memref<!tpu.dma_semaphore, #tpu.memory_space<semaphore_mem>>) src(%dma_wait3A_305 : memref<128xi32, #tpu.memory_space<hbm>>) dst(%dma_wait3A_302 : memref<128xi32, #tpu.memory_space<vmem>>)
      %dma_wait3A_306 = arith.constant 0 : i32
      %dma_wait3A_307 = arith.constant 3 : i32
      %dma_wait3A_308 = arith.constant 0 : i32
      %dma_wait3A_309 = tpu.memref_slice %arg8[%dma_wait3A_307, %dma_wait3A_308] : memref<4x128xi32, #tpu.memory_space<vmem>> -> memref<1x128xi32, #tpu.memory_space<vmem>>
      %dma_wait3A_310 = tpu.memref_squeeze %dma_wait3A_309 : memref<1x128xi32, #tpu.memory_space<vmem>> -> memref<128xi32, #tpu.memory_space<vmem>>
      %dma_wait3A_311 = arith.constant 0 : i32
      %dma_wait3A_312 = tpu.memref_slice %arg4[%add3A, %dma_wait3A_306, %dma_wait3A_311] : memref<32x80x128xi32, #tpu.memory_space<hbm>> -> memref<1x1x128xi32, #tpu.memory_space<hbm>>
      %dma_wait3A_313 = tpu.memref_squeeze %dma_wait3A_312 : memref<1x1x128xi32, #tpu.memory_space<hbm>> -> memref<128xi32, #tpu.memory_space<hbm>>
      %dma_wait3A_314 = arith.constant 0 : i32
      %dma_wait3A_315 = tpu.memref_slice %arg8[%dma_wait3A_307, %dma_wait3A_314] : memref<4x128xi32, #tpu.memory_space<vmem>> -> memref<1x128xi32, #tpu.memory_space<vmem>>
      %dma_wait3A_316 = tpu.memref_squeeze %dma_wait3A_315 : memref<1x128xi32, #tpu.memory_space<vmem>> -> memref<128xi32, #tpu.memory_space<vmem>>
      %dma_wait3A_317 = arith.constant 0 : i32
      %dma_wait3A_318 = tpu.memref_slice %arg4[%add3A, %dma_wait3A_306, %dma_wait3A_317] : memref<32x80x128xi32, #tpu.memory_space<hbm>> -> memref<1x1x128xi32, #tpu.memory_space<hbm>>
      %dma_wait3A_319 = tpu.memref_squeeze %dma_wait3A_318 : memref<1x1x128xi32, #tpu.memory_space<hbm>> -> memref<128xi32, #tpu.memory_space<hbm>>
      tpu.wait_dma2 semaphore(%arg14 : memref<!tpu.dma_semaphore, #tpu.memory_space<semaphore_mem>>) src(%dma_wait3A_319 : memref<128xi32, #tpu.memory_space<hbm>>) dst(%dma_wait3A_316 : memref<128xi32, #tpu.memory_space<vmem>>)
      %lt3A_320 = arith.constant 79 : i32
      %lt3A_321 = arith.cmpi slt, %add3A_291, %lt3A_320 : i32
      %convert_element_type3A_322 = arith.extui %lt3A_321 : i1 to i32
      %cond3A_323 = arith.constant 0 : i32
      %cond3A_324 = arith.cmpi ne, %convert_element_type3A_322, %cond3A_323 : i32
      scf.if %cond3A_324 {
        %add3A_366 = arith.constant 1 : i32
        %add3A_367 = arith.addi %add3A_291, %add3A_366 : i32
        %dma_start3A_368 = arith.constant 0 : i32
        %dma_start3A_369 = arith.constant 0 : i32
        %dma_start3A_370 = tpu.memref_slice %arg7[%dma_start3A_368, %dma_start3A_369] : memref<4x128xi32, #tpu.memory_space<vmem>> -> memref<1x128xi32, #tpu.memory_space<vmem>>
        %dma_start3A_371 = tpu.memref_squeeze %dma_start3A_370 : memref<1x128xi32, #tpu.memory_space<vmem>> -> memref<128xi32, #tpu.memory_space<vmem>>
        %dma_start3A_372 = arith.constant 0 : i32
        %dma_start3A_373 = tpu.memref_slice %arg3[%add3A, %add3A_367, %dma_start3A_372] : memref<32x80x128xi32, #tpu.memory_space<hbm>> -> memref<1x1x128xi32, #tpu.memory_space<hbm>>
        %dma_start3A_374 = tpu.memref_squeeze %dma_start3A_373 : memref<1x1x128xi32, #tpu.memory_space<hbm>> -> memref<128xi32, #tpu.memory_space<hbm>>
        %dma_start3A_375 = arith.constant 0 : i32
        %dma_start3A_376 = tpu.memref_slice %arg7[%dma_start3A_368, %dma_start3A_375] : memref<4x128xi32, #tpu.memory_space<vmem>> -> memref<1x128xi32, #tpu.memory_space<vmem>>
        %dma_start3A_377 = tpu.memref_squeeze %dma_start3A_376 : memref<1x128xi32, #tpu.memory_space<vmem>> -> memref<128xi32, #tpu.memory_space<vmem>>
        %dma_start3A_378 = arith.constant 0 : i32
        %dma_start3A_379 = tpu.memref_slice %arg3[%add3A, %add3A_367, %dma_start3A_378] : memref<32x80x128xi32, #tpu.memory_space<hbm>> -> memref<1x1x128xi32, #tpu.memory_space<hbm>>
        %dma_start3A_380 = tpu.memref_squeeze %dma_start3A_379 : memref<1x1x128xi32, #tpu.memory_space<hbm>> -> memref<128xi32, #tpu.memory_space<hbm>>
        tpu.enqueue_dma source(%dma_start3A_380 : memref<128xi32, #tpu.memory_space<hbm>>) target(%dma_start3A_377 : memref<128xi32, #tpu.memory_space<vmem>>) target_semaphore(%arg11 : memref<!tpu.dma_semaphore, #tpu.memory_space<semaphore_mem>>)
        %dma_start3A_381 = arith.constant 0 : i32
        %dma_start3A_382 = arith.constant 0 : i32
        %dma_start3A_383 = tpu.memref_slice %arg8[%dma_start3A_381, %dma_start3A_382] : memref<4x128xi32, #tpu.memory_space<vmem>> -> memref<1x128xi32, #tpu.memory_space<vmem>>
        %dma_start3A_384 = tpu.memref_squeeze %dma_start3A_383 : memref<1x128xi32, #tpu.memory_space<vmem>> -> memref<128xi32, #tpu.memory_space<vmem>>
        %dma_start3A_385 = arith.constant 0 : i32
        %dma_start3A_386 = tpu.memref_slice %arg4[%add3A, %add3A_367, %dma_start3A_385] : memref<32x80x128xi32, #tpu.memory_space<hbm>> -> memref<1x1x128xi32, #tpu.memory_space<hbm>>
        %dma_start3A_387 = tpu.memref_squeeze %dma_start3A_386 : memref<1x1x128xi32, #tpu.memory_space<hbm>> -> memref<128xi32, #tpu.memory_space<hbm>>
        %dma_start3A_388 = arith.constant 0 : i32
        %dma_start3A_389 = tpu.memref_slice %arg8[%dma_start3A_381, %dma_start3A_388] : memref<4x128xi32, #tpu.memory_space<vmem>> -> memref<1x128xi32, #tpu.memory_space<vmem>>
        %dma_start3A_390 = tpu.memref_squeeze %dma_start3A_389 : memref<1x128xi32, #tpu.memory_space<vmem>> -> memref<128xi32, #tpu.memory_space<vmem>>
        %dma_start3A_391 = arith.constant 0 : i32
        %dma_start3A_392 = tpu.memref_slice %arg4[%add3A, %add3A_367, %dma_start3A_391] : memref<32x80x128xi32, #tpu.memory_space<hbm>> -> memref<1x1x128xi32, #tpu.memory_space<hbm>>
        %dma_start3A_393 = tpu.memref_squeeze %dma_start3A_392 : memref<1x1x128xi32, #tpu.memory_space<hbm>> -> memref<128xi32, #tpu.memory_space<hbm>>
        tpu.enqueue_dma source(%dma_start3A_393 : memref<128xi32, #tpu.memory_space<hbm>>) target(%dma_start3A_390 : memref<128xi32, #tpu.memory_space<vmem>>) target_semaphore(%arg11 : memref<!tpu.dma_semaphore, #tpu.memory_space<semaphore_mem>>)
      } else {
      }
      %ge3A_325 = arith.constant 2 : i32
      %ge3A_326 = arith.cmpi sge, %add3A_291, %ge3A_325 : i32
      %convert_element_type3A_327 = arith.extui %ge3A_326 : i1 to i32
      %cond3A_328 = arith.constant 0 : i32
      %cond3A_329 = arith.cmpi ne, %convert_element_type3A_327, %cond3A_328 : i32
      scf.if %cond3A_329 {
        %dma_wait3A_366 = arith.constant 1 : i32
        %dma_wait3A_367 = arith.constant 3 : i32
        %dma_wait3A_368 = arith.constant 0 : i32
        %dma_wait3A_369 = arith.constant 0 : i32
        %dma_wait3A_370 = tpu.memref_slice %arg9[%dma_wait3A_366, %dma_wait3A_368, %dma_wait3A_369] : memref<2x128x128xf32, #tpu.memory_space<vmem>> -> memref<1x128x128xf32, #tpu.memory_space<vmem>>
        %dma_wait3A_371 = tpu.memref_squeeze %dma_wait3A_370 : memref<1x128x128xf32, #tpu.memory_space<vmem>> -> memref<128x128xf32, #tpu.memory_space<vmem>>
        %dma_wait3A_372 = arith.constant 0 : i32
        %dma_wait3A_373 = tpu.memref_slice %arg8[%dma_wait3A_367, %dma_wait3A_372] : memref<4x128xi32, #tpu.memory_space<vmem>> -> memref<1x128xi32, #tpu.memory_space<vmem>>
        %dma_wait3A_374 = tpu.memref_squeeze %dma_wait3A_373 : memref<1x128xi32, #tpu.memory_space<vmem>> -> memref<128xi32, #tpu.memory_space<vmem>>
        %dma_wait3A_375 = arith.constant 0 : i32
        %dma_wait3A_376 = arith.constant 0 : i32
        %dma_wait3A_377 = tpu.memref_slice %arg10[%dma_wait3A_375, %dma_wait3A_376] : memref<10240x128xf32, #tpu.memory_space<vmem_shared>> -> memref<10240x128xf32, #tpu.memory_space<vmem_shared>>
        tpu.wait_indirect_dma semaphore(%arg18 : memref<!tpu.dma_semaphore, #tpu.memory_space<semaphore_mem>>) src(%dma_wait3A_371 : memref<128x128xf32, #tpu.memory_space<vmem>>) dst(%dma_wait3A_377 : memref<10240x128xf32, #tpu.memory_space<vmem_shared>>)
      } else {
      }
      %dma_start3A_330 = arith.constant 3 : i32
      %dma_start3A_331 = arith.constant 1 : i32
      %dma_start3A_332 = arith.constant 0 : i32
      %dma_start3A_333 = arith.constant 0 : i32
      %dma_start3A_334 = tpu.memref_slice %arg9[%dma_start3A_331, %dma_start3A_332, %dma_start3A_333] : memref<2x128x128xf32, #tpu.memory_space<vmem>> -> memref<1x128x128xf32, #tpu.memory_space<vmem>>
      %dma_start3A_335 = tpu.memref_squeeze %dma_start3A_334 : memref<1x128x128xf32, #tpu.memory_space<vmem>> -> memref<128x128xf32, #tpu.memory_space<vmem>>
      %dma_start3A_336 = arith.constant 0 : i32
      %dma_start3A_337 = tpu.memref_slice %arg7[%dma_start3A_330, %dma_start3A_336] : memref<4x128xi32, #tpu.memory_space<vmem>> -> memref<1x128xi32, #tpu.memory_space<vmem>>
      %dma_start3A_338 = tpu.memref_squeeze %dma_start3A_337 : memref<1x128xi32, #tpu.memory_space<vmem>> -> memref<128xi32, #tpu.memory_space<vmem>>
      %dma_start3A_339 = arith.constant 0 : i32
      %dma_start3A_340 = arith.constant 0 : i32
      %dma_start3A_341 = tpu.memref_slice %arg2[%dma_start3A_339, %dma_start3A_340] : memref<10240x128xf32, #tpu.memory_space<hbm>> -> memref<10240x128xf32, #tpu.memory_space<hbm>>
      tpu.enqueue_indirect_dma source(%dma_start3A_341 : memref<10240x128xf32, #tpu.memory_space<hbm>>) target(%dma_start3A_335 : memref<128x128xf32, #tpu.memory_space<vmem>>) offsets(%dma_start3A_338 : memref<128xi32, #tpu.memory_space<vmem>>) semaphore(%arg16 : memref<!tpu.dma_semaphore, #tpu.memory_space<semaphore_mem>>)
      %dma_wait3A_342 = arith.constant 3 : i32
      %dma_wait3A_343 = arith.constant 1 : i32
      %dma_wait3A_344 = arith.constant 0 : i32
      %dma_wait3A_345 = arith.constant 0 : i32
      %dma_wait3A_346 = tpu.memref_slice %arg9[%dma_wait3A_343, %dma_wait3A_344, %dma_wait3A_345] : memref<2x128x128xf32, #tpu.memory_space<vmem>> -> memref<1x128x128xf32, #tpu.memory_space<vmem>>
      %dma_wait3A_347 = tpu.memref_squeeze %dma_wait3A_346 : memref<1x128x128xf32, #tpu.memory_space<vmem>> -> memref<128x128xf32, #tpu.memory_space<vmem>>
      %dma_wait3A_348 = arith.constant 0 : i32
      %dma_wait3A_349 = tpu.memref_slice %arg7[%dma_wait3A_342, %dma_wait3A_348] : memref<4x128xi32, #tpu.memory_space<vmem>> -> memref<1x128xi32, #tpu.memory_space<vmem>>
      %dma_wait3A_350 = tpu.memref_squeeze %dma_wait3A_349 : memref<1x128xi32, #tpu.memory_space<vmem>> -> memref<128xi32, #tpu.memory_space<vmem>>
      %dma_wait3A_351 = arith.constant 0 : i32
      %dma_wait3A_352 = arith.constant 0 : i32
      %dma_wait3A_353 = tpu.memref_slice %arg2[%dma_wait3A_351, %dma_wait3A_352] : memref<10240x128xf32, #tpu.memory_space<hbm>> -> memref<10240x128xf32, #tpu.memory_space<hbm>>
      tpu.wait_indirect_dma semaphore(%arg16 : memref<!tpu.dma_semaphore, #tpu.memory_space<semaphore_mem>>) src(%dma_wait3A_353 : memref<10240x128xf32, #tpu.memory_space<hbm>>) dst(%dma_wait3A_347 : memref<128x128xf32, #tpu.memory_space<vmem>>)
      %dma_start3A_354 = arith.constant 1 : i32
      %dma_start3A_355 = arith.constant 3 : i32
      %dma_start3A_356 = arith.constant 0 : i32
      %dma_start3A_357 = arith.constant 0 : i32
      %dma_start3A_358 = tpu.memref_slice %arg9[%dma_start3A_354, %dma_start3A_356, %dma_start3A_357] : memref<2x128x128xf32, #tpu.memory_space<vmem>> -> memref<1x128x128xf32, #tpu.memory_space<vmem>>
      %dma_start3A_359 = tpu.memref_squeeze %dma_start3A_358 : memref<1x128x128xf32, #tpu.memory_space<vmem>> -> memref<128x128xf32, #tpu.memory_space<vmem>>
      %dma_start3A_360 = arith.constant 0 : i32
      %dma_start3A_361 = tpu.memref_slice %arg8[%dma_start3A_355, %dma_start3A_360] : memref<4x128xi32, #tpu.memory_space<vmem>> -> memref<1x128xi32, #tpu.memory_space<vmem>>
      %dma_start3A_362 = tpu.memref_squeeze %dma_start3A_361 : memref<1x128xi32, #tpu.memory_space<vmem>> -> memref<128xi32, #tpu.memory_space<vmem>>
      %dma_start3A_363 = arith.constant 0 : i32
      %dma_start3A_364 = arith.constant 0 : i32
      %dma_start3A_365 = tpu.memref_slice %arg10[%dma_start3A_363, %dma_start3A_364] : memref<10240x128xf32, #tpu.memory_space<vmem_shared>> -> memref<10240x128xf32, #tpu.memory_space<vmem_shared>>
      tpu.enqueue_indirect_dma source(%dma_start3A_359 : memref<128x128xf32, #tpu.memory_space<vmem>>) target(%dma_start3A_365 : memref<10240x128xf32, #tpu.memory_space<vmem_shared>>) offsets(%dma_start3A_362 : memref<128xi32, #tpu.memory_space<vmem>>) semaphore(%arg18 : memref<!tpu.dma_semaphore, #tpu.memory_space<semaphore_mem>>) {add = true}
    }
    %scan3A_36 = arith.constant 20 : i32
    %dma_wait3A = arith.constant 0 : i32
    %dma_wait3A_37 = arith.constant 2 : i32
    %dma_wait3A_38 = arith.constant 0 : i32
    %dma_wait3A_39 = arith.constant 0 : i32
    %dma_wait3A_40 = tpu.memref_slice %arg9[%dma_wait3A, %dma_wait3A_38, %dma_wait3A_39] : memref<2x128x128xf32, #tpu.memory_space<vmem>> -> memref<1x128x128xf32, #tpu.memory_space<vmem>>
    %dma_wait3A_41 = tpu.memref_squeeze %dma_wait3A_40 : memref<1x128x128xf32, #tpu.memory_space<vmem>> -> memref<128x128xf32, #tpu.memory_space<vmem>>
    %dma_wait3A_42 = arith.constant 0 : i32
    %dma_wait3A_43 = tpu.memref_slice %arg8[%dma_wait3A_37, %dma_wait3A_42] : memref<4x128xi32, #tpu.memory_space<vmem>> -> memref<1x128xi32, #tpu.memory_space<vmem>>
    %dma_wait3A_44 = tpu.memref_squeeze %dma_wait3A_43 : memref<1x128xi32, #tpu.memory_space<vmem>> -> memref<128xi32, #tpu.memory_space<vmem>>
    %dma_wait3A_45 = arith.constant 0 : i32
    %dma_wait3A_46 = arith.constant 0 : i32
    %dma_wait3A_47 = tpu.memref_slice %arg10[%dma_wait3A_45, %dma_wait3A_46] : memref<10240x128xf32, #tpu.memory_space<vmem_shared>> -> memref<10240x128xf32, #tpu.memory_space<vmem_shared>>
    tpu.wait_indirect_dma semaphore(%arg17 : memref<!tpu.dma_semaphore, #tpu.memory_space<semaphore_mem>>) src(%dma_wait3A_41 : memref<128x128xf32, #tpu.memory_space<vmem>>) dst(%dma_wait3A_47 : memref<10240x128xf32, #tpu.memory_space<vmem_shared>>)
    %dma_wait3A_48 = arith.constant 1 : i32
    %dma_wait3A_49 = arith.constant 3 : i32
    %dma_wait3A_50 = arith.constant 0 : i32
    %dma_wait3A_51 = arith.constant 0 : i32
    %dma_wait3A_52 = tpu.memref_slice %arg9[%dma_wait3A_48, %dma_wait3A_50, %dma_wait3A_51] : memref<2x128x128xf32, #tpu.memory_space<vmem>> -> memref<1x128x128xf32, #tpu.memory_space<vmem>>
    %dma_wait3A_53 = tpu.memref_squeeze %dma_wait3A_52 : memref<1x128x128xf32, #tpu.memory_space<vmem>> -> memref<128x128xf32, #tpu.memory_space<vmem>>
    %dma_wait3A_54 = arith.constant 0 : i32
    %dma_wait3A_55 = tpu.memref_slice %arg8[%dma_wait3A_49, %dma_wait3A_54] : memref<4x128xi32, #tpu.memory_space<vmem>> -> memref<1x128xi32, #tpu.memory_space<vmem>>
    %dma_wait3A_56 = tpu.memref_squeeze %dma_wait3A_55 : memref<1x128xi32, #tpu.memory_space<vmem>> -> memref<128xi32, #tpu.memory_space<vmem>>
    %dma_wait3A_57 = arith.constant 0 : i32
    %dma_wait3A_58 = arith.constant 0 : i32
    %dma_wait3A_59 = tpu.memref_slice %arg10[%dma_wait3A_57, %dma_wait3A_58] : memref<10240x128xf32, #tpu.memory_space<vmem_shared>> -> memref<10240x128xf32, #tpu.memory_space<vmem_shared>>
    tpu.wait_indirect_dma semaphore(%arg18 : memref<!tpu.dma_semaphore, #tpu.memory_space<semaphore_mem>>) src(%dma_wait3A_53 : memref<128x128xf32, #tpu.memory_space<vmem>>) dst(%dma_wait3A_59 : memref<10240x128xf32, #tpu.memory_space<vmem_shared>>)
    %barrier3A_60 = arith.constant 0 : index
    tpu.barrier barrier_id(%barrier3A_60)
    %mul3A_61 = arith.constant 320 : i32
    %mul3A_62 = arith.muli %arg1, %mul3A_61 : i32
    %mul3A_63 = arith.constant 320 : i32
    %mul3A_64 = arith.muli %arg1, %mul3A_63 : i32
    "tpu.region"() ({
      %run_scoped3A = tpu.sem_alloc : memref<!tpu.dma_semaphore, #tpu.memory_space<semaphore_mem>>
      %dma_start3A_65 = arith.constant 0 : i32
      %dma_start3A_66 = tpu.memref_slice %arg6[%arg0, %mul3A_64, %dma_start3A_65] : memref<2x10240x128xf32, #tpu.memory_space<hbm>> -> memref<1x320x128xf32, #tpu.memory_space<hbm>>
      %dma_start3A_67 = tpu.memref_squeeze %dma_start3A_66 : memref<1x320x128xf32, #tpu.memory_space<hbm>> -> memref<320x128xf32, #tpu.memory_space<hbm>>
      %dma_start3A_68 = arith.constant 0 : i32
      %dma_start3A_69 = tpu.memref_slice %arg10[%mul3A_62, %dma_start3A_68] : memref<10240x128xf32, #tpu.memory_space<vmem_shared>> -> memref<320x128xf32, #tpu.memory_space<vmem_shared>>
      tpu.enqueue_dma source(%dma_start3A_69 : memref<320x128xf32, #tpu.memory_space<vmem_shared>>) target(%dma_start3A_67 : memref<320x128xf32, #tpu.memory_space<hbm>>) target_semaphore(%run_scoped3A : memref<!tpu.dma_semaphore, #tpu.memory_space<semaphore_mem>>)
      %dma_wait3A_70 = arith.constant 0 : i32
      %dma_wait3A_71 = tpu.memref_slice %arg6[%arg0, %mul3A_64, %dma_wait3A_70] : memref<2x10240x128xf32, #tpu.memory_space<hbm>> -> memref<1x320x128xf32, #tpu.memory_space<hbm>>
      %dma_wait3A_72 = tpu.memref_squeeze %dma_wait3A_71 : memref<1x320x128xf32, #tpu.memory_space<hbm>> -> memref<320x128xf32, #tpu.memory_space<hbm>>
      %dma_wait3A_73 = arith.constant 0 : i32
      %dma_wait3A_74 = tpu.memref_slice %arg10[%mul3A_62, %dma_wait3A_73] : memref<10240x128xf32, #tpu.memory_space<vmem_shared>> -> memref<320x128xf32, #tpu.memory_space<vmem_shared>>
      tpu.wait_dma2 semaphore(%run_scoped3A : memref<!tpu.dma_semaphore, #tpu.memory_space<semaphore_mem>>) src(%dma_wait3A_74 : memref<320x128xf32, #tpu.memory_space<vmem_shared>>) dst(%dma_wait3A_72 : memref<320x128xf32, #tpu.memory_space<hbm>>)
      tpu.yield
    }) : () -> ()
    return
  }
}

module attributes {stable_mosaic.version = 14 : i64} {
  func.func @_embed_body(%arg0: i32, %arg1: memref<512x128xf32, #tpu.memory_space<vmem>>, %arg2: memref<128x128xf32, #tpu.memory_space<vmem>>, %arg3: memref<1x128xf32, #tpu.memory_space<vmem>>, %arg4: memref<512x128xf32, #tpu.memory_space<vmem>>) attributes {dimension_semantics = [#tpu.dimension_semantics<arbitrary>], iteration_bounds = array<i64: 20>, scalar_prefetch = 0 : i64, scratch_operands = 0 : i64, tpu.core_type = #tpu.core_type<tc>, window_params = [{transform_indices = @transform_0, window_bounds = array<i64: 512, 128>}, {pipeline_mode = #tpu.pipeline_mode<synchronous>, transform_indices = @transform_1, window_bounds = array<i64: 128, 128>}, {pipeline_mode = #tpu.pipeline_mode<synchronous>, transform_indices = @transform_2, window_bounds = array<i64: 1, 128>}, {transform_indices = @transform_3, window_bounds = array<i64: 512, 128>}]} {
    %get3A = arith.constant 0 : index
    %get3A_0 = arith.constant 0 : index
    %get3A_1 = vector.load %arg1[%get3A, %get3A_0] : memref<512x128xf32, #tpu.memory_space<vmem>>, vector<512x128xf32>
    %get3A_2 = arith.constant 0 : index
    %get3A_3 = arith.constant 0 : index
    %get3A_4 = vector.load %arg2[%get3A_2, %get3A_3] : memref<128x128xf32, #tpu.memory_space<vmem>>, vector<128x128xf32>
    %dot_general3A = arith.constant dense<0.000000e+00> : vector<512x128xf32>
    %dot_general3A_5 = tpu.matmul %get3A_1, %get3A_4, %dot_general3A {dimension_numbers = #tpu.dot_dimension_numbers<[1], [0], [0], [1], [0, 0, 1, 1], [], []>, precision = #tpu.contract_precision<fp32>, transpose_lhs_hint = false} : vector<512x128xf32>, vector<128x128xf32>, vector<512x128xf32> -> vector<512x128xf32>
    %get3A_6 = arith.constant 0 : index
    %get3A_7 = arith.constant 0 : index
    %get3A_8 = vector.load %arg3[%get3A_6, %get3A_7] : memref<1x128xf32, #tpu.memory_space<vmem>>, vector<1x128xf32>
    %add3A = vector.broadcast %get3A_8 : vector<1x128xf32> to vector<512x128xf32>
    %add3A_9 = arith.addf %dot_general3A_5, %add3A : vector<512x128xf32>
    %max3A = arith.constant 0.000000e+00 : f32
    %max3A_10 = vector.broadcast %max3A : f32 to vector<512x128xf32>
    %max3A_11 = arith.maximumf %add3A_9, %max3A_10 : vector<512x128xf32>
    %swap3A = arith.constant 0 : index
    %swap3A_12 = arith.constant 0 : index
    %swap3A_13 = vector.load %arg4[%swap3A, %swap3A_12] : memref<512x128xf32, #tpu.memory_space<vmem>>, vector<512x128xf32>
    tpu.vector_store %arg4[%swap3A, %swap3A_12], %max3A_11 {strides = array<i32>} : memref<512x128xf32, #tpu.memory_space<vmem>>, vector<512x128xf32>,
    return
  }
  func.func @transform_0(%arg0: i32) -> (i32, i32) {
    %c0_i32 = arith.constant 0 : i32
    %c0_i32_0 = arith.constant 0 : i32
    return %arg0, %c0_i32 : i32, i32
  }
  func.func @transform_1(%arg0: i32) -> (i32, i32) {
    %c0_i32 = arith.constant 0 : i32
    %c0_i32_0 = arith.constant 0 : i32
    %c0_i32_1 = arith.constant 0 : i32
    return %c0_i32, %c0_i32_0 : i32, i32
  }
  func.func @transform_2(%arg0: i32) -> (i32, i32) {
    %c0_i32 = arith.constant 0 : i32
    %c0_i32_0 = arith.constant 0 : i32
    %c0_i32_1 = arith.constant 0 : i32
    return %c0_i32, %c0_i32_0 : i32, i32
  }
  func.func @transform_3(%arg0: i32) -> (i32, i32) {
    %c0_i32 = arith.constant 0 : i32
    %c0_i32_0 = arith.constant 0 : i32
    return %arg0, %c0_i32 : i32, i32
  }
}

module attributes {stable_mosaic.version = 14 : i64} {
  func.func @_recip_body(%arg0: memref<32x10240xf32, #tpu.memory_space<vmem>>, %arg1: memref<10240x1xf32, #tpu.memory_space<vmem>>) attributes {dimension_semantics = [], scalar_prefetch = 0 : i64, scratch_operands = 0 : i64, tpu.core_type = #tpu.core_type<tc>} {
    %get3A = arith.constant 0 : index
    %get3A_0 = arith.constant 0 : index
    %get3A_1 = vector.load %arg0[%get3A, %get3A_0] : memref<32x10240xf32, #tpu.memory_space<vmem>>, vector<32x10240xf32>
    %reduce_sum3A = arith.constant dense<0.000000e+00> : vector<10240xf32>
    %reduce_sum3A_2 = vector.multi_reduction <add>, %get3A_1, %reduce_sum3A [0] : vector<32x10240xf32> to vector<10240xf32>
    %max3A = arith.constant 1.000000e+00 : f32
    %max3A_3 = vector.broadcast %max3A : f32 to vector<10240xf32>
    %max3A_4 = arith.maximumf %reduce_sum3A_2, %max3A_3 : vector<10240xf32>
    %div3A = arith.constant 1.000000e+00 : f32
    %div3A_5 = vector.broadcast %div3A : f32 to vector<10240xf32>
    %div3A_6 = arith.divf %div3A_5, %max3A_4 : vector<10240xf32>
    %broadcast_in_dim3A = vector.shape_cast %div3A_6 : vector<10240xf32> to vector<10240x1xf32>
    %swap3A = arith.constant 0 : index
    %swap3A_7 = arith.constant 0 : index
    %swap3A_8 = vector.load %arg1[%swap3A, %swap3A_7] : memref<10240x1xf32, #tpu.memory_space<vmem>>, vector<10240x1xf32>
    tpu.vector_store %arg1[%swap3A, %swap3A_7], %broadcast_in_dim3A {strides = array<i32>} : memref<10240x1xf32, #tpu.memory_space<vmem>>, vector<10240x1xf32>,
    return
  }
}

module attributes {stable_mosaic.version = 14 : i64} {
  func.func @_layer_body(%arg0: i32, %arg1: memref<512x128xf32, #tpu.memory_space<vmem>>, %arg2: memref<512x128xf32, #tpu.memory_space<vmem>>, %arg3: memref<512x128xf32, #tpu.memory_space<vmem>>, %arg4: memref<512x1xf32, #tpu.memory_space<vmem>>, %arg5: memref<128x128xf32, #tpu.memory_space<vmem>>, %arg6: memref<128x128xf32, #tpu.memory_space<vmem>>, %arg7: memref<1x128xf32, #tpu.memory_space<vmem>>, %arg8: memref<512x128xf32, #tpu.memory_space<vmem>>) attributes {dimension_semantics = [#tpu.dimension_semantics<arbitrary>], iteration_bounds = array<i64: 20>, scalar_prefetch = 0 : i64, scratch_operands = 0 : i64, tpu.core_type = #tpu.core_type<tc>, window_params = [{transform_indices = @transform_0, window_bounds = array<i64: 512, 128>}, {transform_indices = @transform_1, window_bounds = array<i64: 512, 128>}, {transform_indices = @transform_2, window_bounds = array<i64: 512, 128>}, {transform_indices = @transform_3, window_bounds = array<i64: 512, 1>}, {pipeline_mode = #tpu.pipeline_mode<synchronous>, transform_indices = @transform_4, window_bounds = array<i64: 128, 128>}, {pipeline_mode = #tpu.pipeline_mode<synchronous>, transform_indices = @transform_5, window_bounds = array<i64: 128, 128>}, {pipeline_mode = #tpu.pipeline_mode<synchronous>, transform_indices = @transform_6, window_bounds = array<i64: 1, 128>}, {transform_indices = @transform_7, window_bounds = array<i64: 512, 128>}]} {
    %get3A = arith.constant 0 : index
    %get3A_0 = arith.constant 0 : index
    %get3A_1 = vector.load %arg2[%get3A, %get3A_0] : memref<512x128xf32, #tpu.memory_space<vmem>>, vector<512x128xf32>
    %get3A_2 = arith.constant 0 : index
    %get3A_3 = arith.constant 0 : index
    %get3A_4 = vector.load %arg3[%get3A_2, %get3A_3] : memref<512x128xf32, #tpu.memory_space<vmem>>, vector<512x128xf32>
    %add3A = arith.addf %get3A_1, %get3A_4 : vector<512x128xf32>
    %get3A_5 = arith.constant 0 : index
    %get3A_6 = arith.constant 0 : index
    %get3A_7 = vector.load %arg4[%get3A_5, %get3A_6] : memref<512x1xf32, #tpu.memory_space<vmem>>, vector<512x1xf32>
    %mul3A = vector.broadcast %get3A_7 : vector<512x1xf32> to vector<512x128xf32>
    %mul3A_8 = arith.mulf %add3A, %mul3A : vector<512x128xf32>
    %get3A_9 = arith.constant 0 : index
    %get3A_10 = arith.constant 0 : index
    %get3A_11 = vector.load %arg1[%get3A_9, %get3A_10] : memref<512x128xf32, #tpu.memory_space<vmem>>, vector<512x128xf32>
    %get3A_12 = arith.constant 0 : index
    %get3A_13 = arith.constant 0 : index
    %get3A_14 = vector.load %arg5[%get3A_12, %get3A_13] : memref<128x128xf32, #tpu.memory_space<vmem>>, vector<128x128xf32>
    %dot_general3A = arith.constant dense<0.000000e+00> : vector<512x128xf32>
    %dot_general3A_15 = tpu.matmul %get3A_11, %get3A_14, %dot_general3A {dimension_numbers = #tpu.dot_dimension_numbers<[1], [0], [0], [1], [0, 0, 1, 1], [], []>, precision = #tpu.contract_precision<fp32>, transpose_lhs_hint = false} : vector<512x128xf32>, vector<128x128xf32>, vector<512x128xf32> -> vector<512x128xf32>
    %get3A_16 = arith.constant 0 : index
    %get3A_17 = arith.constant 0 : index
    %get3A_18 = vector.load %arg6[%get3A_16, %get3A_17] : memref<128x128xf32, #tpu.memory_space<vmem>>, vector<128x128xf32>
    %dot_general3A_19 = arith.constant dense<0.000000e+00> : vector<512x128xf32>
    %dot_general3A_20 = tpu.matmul %mul3A_8, %get3A_18, %dot_general3A_19 {dimension_numbers = #tpu.dot_dimension_numbers<[1], [0], [0], [1], [0, 0, 1, 1], [], []>, precision = #tpu.contract_precision<fp32>, transpose_lhs_hint = false} : vector<512x128xf32>, vector<128x128xf32>, vector<512x128xf32> -> vector<512x128xf32>
    %add3A_21 = arith.addf %dot_general3A_15, %dot_general3A_20 : vector<512x128xf32>
    %get3A_22 = arith.constant 0 : index
    %get3A_23 = arith.constant 0 : index
    %get3A_24 = vector.load %arg7[%get3A_22, %get3A_23] : memref<1x128xf32, #tpu.memory_space<vmem>>, vector<1x128xf32>
    %add3A_25 = vector.broadcast %get3A_24 : vector<1x128xf32> to vector<512x128xf32>
    %add3A_26 = arith.addf %add3A_21, %add3A_25 : vector<512x128xf32>
    %max3A = arith.constant 0.000000e+00 : f32
    %max3A_27 = vector.broadcast %max3A : f32 to vector<512x128xf32>
    %max3A_28 = arith.maximumf %add3A_26, %max3A_27 : vector<512x128xf32>
    %swap3A = arith.constant 0 : index
    %swap3A_29 = arith.constant 0 : index
    %swap3A_30 = vector.load %arg8[%swap3A, %swap3A_29] : memref<512x128xf32, #tpu.memory_space<vmem>>, vector<512x128xf32>
    tpu.vector_store %arg8[%swap3A, %swap3A_29], %max3A_28 {strides = array<i32>} : memref<512x128xf32, #tpu.memory_space<vmem>>, vector<512x128xf32>,
    return
  }
  func.func @transform_0(%arg0: i32) -> (i32, i32) {
    %c0_i32 = arith.constant 0 : i32
    %c0_i32_0 = arith.constant 0 : i32
    return %arg0, %c0_i32 : i32, i32
  }
  func.func @transform_1(%arg0: i32) -> (i32, i32) {
    %c0_i32 = arith.constant 0 : i32
    %c0_i32_0 = arith.constant 0 : i32
    return %arg0, %c0_i32 : i32, i32
  }
  func.func @transform_2(%arg0: i32) -> (i32, i32) {
    %c0_i32 = arith.constant 0 : i32
    %c0_i32_0 = arith.constant 0 : i32
    return %arg0, %c0_i32 : i32, i32
  }
  func.func @transform_3(%arg0: i32) -> (i32, i32) {
    %c0_i32 = arith.constant 0 : i32
    %c0_i32_0 = arith.constant 0 : i32
    return %arg0, %c0_i32 : i32, i32
  }
  func.func @transform_4(%arg0: i32) -> (i32, i32) {
    %c0_i32 = arith.constant 0 : i32
    %c0_i32_0 = arith.constant 0 : i32
    %c0_i32_1 = arith.constant 0 : i32
    return %c0_i32, %c0_i32_0 : i32, i32
  }
  func.func @transform_5(%arg0: i32) -> (i32, i32) {
    %c0_i32 = arith.constant 0 : i32
    %c0_i32_0 = arith.constant 0 : i32
    %c0_i32_1 = arith.constant 0 : i32
    return %c0_i32, %c0_i32_0 : i32, i32
  }
  func.func @transform_6(%arg0: i32) -> (i32, i32) {
    %c0_i32 = arith.constant 0 : i32
    %c0_i32_0 = arith.constant 0 : i32
    %c0_i32_1 = arith.constant 0 : i32
    return %c0_i32, %c0_i32_0 : i32, i32
  }
  func.func @transform_7(%arg0: i32) -> (i32, i32) {
    %c0_i32 = arith.constant 0 : i32
    %c0_i32_0 = arith.constant 0 : i32
    return %arg0, %c0_i32 : i32, i32
  }
}

module attributes {stable_mosaic.version = 14 : i64} {
  func.func @_pool_body(%arg0: i32, %arg1: memref<512x128xf32, #tpu.memory_space<vmem>>, %arg2: memref<1x1x512xi32, #tpu.memory_space<vmem>>, %arg3: memref<128x128xf32, #tpu.memory_space<vmem>>, %arg4: memref<1x128xf32, #tpu.memory_space<vmem>>, %arg5: memref<128x1xf32, #tpu.memory_space<vmem>>, %arg6: memref<1x1xf32, #tpu.memory_space<vmem>>, %arg7: memref<16x1xf32, #tpu.memory_space<vmem>>, %arg8: memref<16x128xf32, #tpu.memory_space<vmem>>, %arg9: memref<16x1xf32, #tpu.memory_space<vmem>>) attributes {dimension_semantics = [#tpu.dimension_semantics<arbitrary>], iteration_bounds = array<i64: 20>, scalar_prefetch = 0 : i64, scratch_operands = 2 : i64, tpu.core_type = #tpu.core_type<tc>, window_params = [{transform_indices = @transform_0, window_bounds = array<i64: 512, 128>}, {transform_indices = @transform_1, window_bounds = array<i64: 1, 1, 512>}, {pipeline_mode = #tpu.pipeline_mode<synchronous>, transform_indices = @transform_2, window_bounds = array<i64: 128, 128>}, {pipeline_mode = #tpu.pipeline_mode<synchronous>, transform_indices = @transform_3, window_bounds = array<i64: 1, 128>}, {pipeline_mode = #tpu.pipeline_mode<synchronous>, transform_indices = @transform_4, window_bounds = array<i64: 128, 1>}, {pipeline_mode = #tpu.pipeline_mode<synchronous>, transform_indices = @transform_5, window_bounds = array<i64: 1, 1>}, {pipeline_mode = #tpu.pipeline_mode<synchronous>, transform_indices = @transform_6, window_bounds = array<i64: 16, 1>}]} {
    %eq3A = arith.constant 0 : i32
    %eq3A_0 = arith.cmpi eq, %arg0, %eq3A : i32
    %convert_element_type3A = arith.extui %eq3A_0 : i1 to i32
    %cond3A = arith.constant 0 : i32
    %cond3A_1 = arith.cmpi ne, %convert_element_type3A, %cond3A : i32
    scf.if %cond3A_1 {
      %broadcast_in_dim3A_35 = arith.constant 0.000000e+00 : f32
      %broadcast_in_dim3A_36 = vector.broadcast %broadcast_in_dim3A_35 : f32 to vector<16x128xf32>
      %swap3A_37 = arith.constant 0 : index
      %swap3A_38 = arith.constant 0 : index
      %swap3A_39 = vector.load %arg8[%swap3A_37, %swap3A_38] : memref<16x128xf32, #tpu.memory_space<vmem>>, vector<16x128xf32>
      tpu.vector_store %arg8[%swap3A_37, %swap3A_38], %broadcast_in_dim3A_36 {strides = array<i32>} : memref<16x128xf32, #tpu.memory_space<vmem>>, vector<16x128xf32>,
      %broadcast_in_dim3A_40 = arith.constant 0.000000e+00 : f32
      %broadcast_in_dim3A_41 = vector.broadcast %broadcast_in_dim3A_40 : f32 to vector<16x1xf32>
      %swap3A_42 = arith.constant 0 : index
      %swap3A_43 = arith.constant 0 : index
      %swap3A_44 = vector.load %arg9[%swap3A_42, %swap3A_43] : memref<16x1xf32, #tpu.memory_space<vmem>>, vector<16x1xf32>
      tpu.vector_store %arg9[%swap3A_42, %swap3A_43], %broadcast_in_dim3A_41 {strides = array<i32>} : memref<16x1xf32, #tpu.memory_space<vmem>>, vector<16x1xf32>,
    } else {
    }
    %get3A = arith.constant 0 : index
    %get3A_2 = arith.constant 0 : index
    %get3A_3 = arith.constant 0 : index
    %get3A_4 = vector.load %arg2[%get3A, %get3A_2, %get3A_3] : memref<1x1x512xi32, #tpu.memory_space<vmem>>, vector<1x1x512xi32>
    %get3A_5 = vector.shape_cast %get3A_4 : vector<1x1x512xi32> to vector<512xi32>
    %broadcast_in_dim3A = vector.shape_cast %get3A_5 : vector<512xi32> to vector<512x1xi32>
    %iota3A = tpu.iota {dimensions = array<i32: 1>} : vector<512x16xi32>
    %eq3A_6 = vector.broadcast %broadcast_in_dim3A : vector<512x1xi32> to vector<512x16xi32>
    %eq3A_7 = arith.cmpi eq, %eq3A_6, %iota3A : vector<512x16xi32>
    %convert_element_type3A_8 = arith.extui %eq3A_7 : vector<512x16xi1> to vector<512x16xi32>
    %convert_element_type3A_9 = arith.sitofp %convert_element_type3A_8 : vector<512x16xi32> to vector<512x16xf32>
    %get3A_10 = arith.constant 0 : index
    %get3A_11 = arith.constant 0 : index
    %get3A_12 = vector.load %arg8[%get3A_10, %get3A_11] : memref<16x128xf32, #tpu.memory_space<vmem>>, vector<16x128xf32>
    %get3A_13 = arith.constant 0 : index
    %get3A_14 = arith.constant 0 : index
    %get3A_15 = vector.load %arg1[%get3A_13, %get3A_14] : memref<512x128xf32, #tpu.memory_space<vmem>>, vector<512x128xf32>
    %dot_general3A = arith.constant dense<0.000000e+00> : vector<16x128xf32>
    %dot_general3A_16 = tpu.matmul %convert_element_type3A_9, %get3A_15, %dot_general3A {dimension_numbers = #tpu.dot_dimension_numbers<[0], [0], [1], [1], [0, 1, 1, 1], [], []>, precision = #tpu.contract_precision<fp32>, transpose_lhs_hint = false} : vector<512x16xf32>, vector<512x128xf32>, vector<16x128xf32> -> vector<16x128xf32>
    %add3A = arith.addf %get3A_12, %dot_general3A_16 : vector<16x128xf32>
    %swap3A = arith.constant 0 : index
    %swap3A_17 = arith.constant 0 : index
    %swap3A_18 = vector.load %arg8[%swap3A, %swap3A_17] : memref<16x128xf32, #tpu.memory_space<vmem>>, vector<16x128xf32>
    tpu.vector_store %arg8[%swap3A, %swap3A_17], %add3A {strides = array<i32>} : memref<16x128xf32, #tpu.memory_space<vmem>>, vector<16x128xf32>,
    %get3A_19 = arith.constant 0 : index
    %get3A_20 = arith.constant 0 : index
    %get3A_21 = vector.load %arg9[%get3A_19, %get3A_20] : memref<16x1xf32, #tpu.memory_space<vmem>>, vector<16x1xf32>
    %broadcast_in_dim3A_22 = arith.constant 1.000000e+00 : f32
    %broadcast_in_dim3A_23 = vector.broadcast %broadcast_in_dim3A_22 : f32 to vector<512x1xf32>
    %dot_general3A_24 = arith.constant dense<0.000000e+00> : vector<16x1xf32>
    %dot_general3A_25 = tpu.matmul %convert_element_type3A_9, %broadcast_in_dim3A_23, %dot_general3A_24 {dimension_numbers = #tpu.dot_dimension_numbers<[0], [0], [1], [1], [0, 1, 1, 1], [], []>, precision = #tpu.contract_precision<fp32>, transpose_lhs_hint = false} : vector<512x16xf32>, vector<512x1xf32>, vector<16x1xf32> -> vector<16x1xf32>
    %add3A_26 = arith.addf %get3A_21, %dot_general3A_25 : vector<16x1xf32>
    %swap3A_27 = arith.constant 0 : index
    %swap3A_28 = arith.constant 0 : index
    %swap3A_29 = vector.load %arg9[%swap3A_27, %swap3A_28] : memref<16x1xf32, #tpu.memory_space<vmem>>, vector<16x1xf32>
    tpu.vector_store %arg9[%swap3A_27, %swap3A_28], %add3A_26 {strides = array<i32>} : memref<16x1xf32, #tpu.memory_space<vmem>>, vector<16x1xf32>,
    %eq3A_30 = arith.constant 19 : i32
    %eq3A_31 = arith.cmpi eq, %arg0, %eq3A_30 : i32
    %convert_element_type3A_32 = arith.extui %eq3A_31 : i1 to i32
    %cond3A_33 = arith.constant 0 : i32
    %cond3A_34 = arith.cmpi ne, %convert_element_type3A_32, %cond3A_33 : i32
    scf.if %cond3A_34 {
      %get3A_35 = arith.constant 0 : index
      %get3A_36 = arith.constant 0 : index
      %get3A_37 = vector.load %arg8[%get3A_35, %get3A_36] : memref<16x128xf32, #tpu.memory_space<vmem>>, vector<16x128xf32>
      %get3A_38 = arith.constant 0 : index
      %get3A_39 = arith.constant 0 : index
      %get3A_40 = vector.load %arg9[%get3A_38, %get3A_39] : memref<16x1xf32, #tpu.memory_space<vmem>>, vector<16x1xf32>
      %max3A = arith.constant 1.000000e+00 : f32
      %max3A_41 = vector.broadcast %max3A : f32 to vector<16x1xf32>
      %max3A_42 = arith.maximumf %get3A_40, %max3A_41 : vector<16x1xf32>
      %div3A = vector.broadcast %max3A_42 : vector<16x1xf32> to vector<16x128xf32>
      %div3A_43 = arith.divf %get3A_37, %div3A : vector<16x128xf32>
      %get3A_44 = arith.constant 0 : index
      %get3A_45 = arith.constant 0 : index
      %get3A_46 = vector.load %arg3[%get3A_44, %get3A_45] : memref<128x128xf32, #tpu.memory_space<vmem>>, vector<128x128xf32>
      %dot_general3A_47 = arith.constant dense<0.000000e+00> : vector<16x128xf32>
      %dot_general3A_48 = tpu.matmul %div3A_43, %get3A_46, %dot_general3A_47 {dimension_numbers = #tpu.dot_dimension_numbers<[1], [0], [0], [1], [0, 0, 1, 1], [], []>, precision = #tpu.contract_precision<fp32>, transpose_lhs_hint = false} : vector<16x128xf32>, vector<128x128xf32>, vector<16x128xf32> -> vector<16x128xf32>
      %get3A_49 = arith.constant 0 : index
      %get3A_50 = arith.constant 0 : index
      %get3A_51 = vector.load %arg4[%get3A_49, %get3A_50] : memref<1x128xf32, #tpu.memory_space<vmem>>, vector<1x128xf32>
      %add3A_52 = vector.broadcast %get3A_51 : vector<1x128xf32> to vector<16x128xf32>
      %add3A_53 = arith.addf %dot_general3A_48, %add3A_52 : vector<16x128xf32>
      %max3A_54 = arith.constant 0.000000e+00 : f32
      %max3A_55 = vector.broadcast %max3A_54 : f32 to vector<16x128xf32>
      %max3A_56 = arith.maximumf %add3A_53, %max3A_55 : vector<16x128xf32>
      %get3A_57 = arith.constant 0 : index
      %get3A_58 = arith.constant 0 : index
      %get3A_59 = vector.load %arg5[%get3A_57, %get3A_58] : memref<128x1xf32, #tpu.memory_space<vmem>>, vector<128x1xf32>
      %dot_general3A_60 = arith.constant dense<0.000000e+00> : vector<16x1xf32>
      %dot_general3A_61 = tpu.matmul %max3A_56, %get3A_59, %dot_general3A_60 {dimension_numbers = #tpu.dot_dimension_numbers<[1], [0], [0], [1], [0, 0, 1, 1], [], []>, precision = #tpu.contract_precision<fp32>, transpose_lhs_hint = false} : vector<16x128xf32>, vector<128x1xf32>, vector<16x1xf32> -> vector<16x1xf32>
      %get3A_62 = arith.constant 0 : index
      %get3A_63 = arith.constant 0 : index
      %get3A_64 = vector.load %arg6[%get3A_62, %get3A_63] : memref<1x1xf32, #tpu.memory_space<vmem>>, vector<1x1xf32>
      %add3A_65 = vector.broadcast %get3A_64 : vector<1x1xf32> to vector<16x1xf32>
      %add3A_66 = arith.addf %dot_general3A_61, %add3A_65 : vector<16x1xf32>
      %swap3A_67 = arith.constant 0 : index
      %swap3A_68 = arith.constant 0 : index
      %swap3A_69 = vector.load %arg7[%swap3A_67, %swap3A_68] : memref<16x1xf32, #tpu.memory_space<vmem>>, vector<16x1xf32>
      tpu.vector_store %arg7[%swap3A_67, %swap3A_68], %add3A_66 {strides = array<i32>} : memref<16x1xf32, #tpu.memory_space<vmem>>, vector<16x1xf32>,
    } else {
    }
    return
  }
  func.func @transform_0(%arg0: i32) -> (i32, i32) {
    %c0_i32 = arith.constant 0 : i32
    %c0_i32_0 = arith.constant 0 : i32
    return %arg0, %c0_i32 : i32, i32
  }
  func.func @transform_1(%arg0: i32) -> (i32, i32, i32) {
    %c0_i32 = arith.constant 0 : i32
    %c0_i32_0 = arith.constant 0 : i32
    %c0_i32_1 = arith.constant 0 : i32
    return %arg0, %c0_i32, %c0_i32_0 : i32, i32, i32
  }
  func.func @transform_2(%arg0: i32) -> (i32, i32) {
    %c0_i32 = arith.constant 0 : i32
    %c0_i32_0 = arith.constant 0 : i32
    %c0_i32_1 = arith.constant 0 : i32
    return %c0_i32, %c0_i32_0 : i32, i32
  }
  func.func @transform_3(%arg0: i32) -> (i32, i32) {
    %c0_i32 = arith.constant 0 : i32
    %c0_i32_0 = arith.constant 0 : i32
    %c0_i32_1 = arith.constant 0 : i32
    return %c0_i32, %c0_i32_0 : i32, i32
  }
  func.func @transform_4(%arg0: i32) -> (i32, i32) {
    %c0_i32 = arith.constant 0 : i32
    %c0_i32_0 = arith.constant 0 : i32
    %c0_i32_1 = arith.constant 0 : i32
    return %c0_i32, %c0_i32_0 : i32, i32
  }
  func.func @transform_5(%arg0: i32) -> (i32, i32) {
    %c0_i32 = arith.constant 0 : i32
    %c0_i32_0 = arith.constant 0 : i32
    %c0_i32_1 = arith.constant 0 : i32
    return %c0_i32, %c0_i32_0 : i32, i32
  }
  func.func @transform_6(%arg0: i32) -> (i32, i32) {
    %c0_i32 = arith.constant 0 : i32
    %c0_i32_0 = arith.constant 0 : i32
    %c0_i32_1 = arith.constant 0 : i32
    return %c0_i32, %c0_i32_0 : i32, i32
  }
}

</mosaic_0001>

<sc_bundles>
// kernel: kernel.14.cloned.1.call-start
scs
__scs_entry_jumppad:
0x0: {  	(pc) =	sbr.rel $0x88, $3  }
0x1: {  	(tag) =	ssettag $0x0;
	lr =	simm.s32 $0x1  }
0x2: {  	[smem:$0x3F95] =	sst lr;
	_ =	strace $0xD0000000  }
0x3: {  	_ = 	snop  }
0x4: {  	_ = 	snop  }
0x5: {  	_ = 	snop  }
0x6: {  	_ = 	snop  }
0x7: {  	_ = 	snop  }
__scs_overlays_trampoline_lowered:
0x8: {  	[smem:$0x3FA4] =	sst s0  }
0x9: {  	[smem:$0x3FA5] =	sst s1  }
0xa: {  	[smem:$0x3FA6] =	sst s2  }
0xb: {  	[smem:$0x3FA7] =	sst s3  }
0xc: {  	[smem:$0x3FA8] =	sst s4  }
0xd: {  	[smem:$0x3FA9] =	sst s5  }
0xe: {  	[smem:$0x3FAA] =	sst s6  }
0xf: {  	[smem:$0x3FAB] =	sst s7  }
0x10: {  	[smem:$0x3FAC] =	sst s8  }
0x11: {  	[smem:$0x3FAD] =	sst s9;
	s0 =	simm.s32 @!p0 $0x0  }
0x12: {  	s1 =	sld [smem:$0x3F93];
	s0 =	simm.s32 @p0 $0x1  }
0x13: {  	[smem:$0x3FAE] =	sst s0;
	s0 =	simm.s32 @!p1 $0x0  }
0x14: {  	s2 =	sld [smem:$0x3F92];
	s0 =	simm.s32 @p1 $0x1  }
0x15: {  	[smem:$0x3FAF] =	sst s0;
	s0 =	simm.s32 @!p2 $0x0  }
0x16: {  	s3 =	sld [smem:$0x3FDB];
	s0 =	simm.s32 @p2 $0x1  }
0x17: {  	s4 =	simm.s32 $0x1BF5;
	[smem:$0x3FB1] =	sst s0  }
0x18: {  	s0 =	sld [smem:$0x3F94];
	_ =	swait.ge [sflag:s4], $0x0  }
0x19: {  	s7 =	sld [smem:$0x3F95]  }
0x1a: {  	s8 =	sadd.s32 $0xFFFFE003, lr  }
0x1b: {  	s9 =	sadd.s32 $0xFFFFFEF7, lr;
	s5 =	simm.s32 $0xFFFFFFFF;
	p2 =	slt.u32 s8, $0xFFFFF086  }
0x1c: {  	p1 =	slt.u32 s9, $0xF7A;
	s5 =	simm.s32 @!p2 $0x0  }
0x1d: {  	s5 =	simm.s32 @p1 $0x1;
	p0 =	seq.s32 s7, s2  }
0x1e: {  	s7 =	smul.u32 @!p0 $0xF7A, s2;
	p2 =	seq.s32 @!p0 s5, $0x0  }
0x1f: {  	s9 =	smul.u32 $0xF7A, s1;
	s8 =	simm.s32 @!p0 $0x1BF5;
	p2 =	por !p2, p0  }
0x20: {  	[sflag:s8] =	ssyncset.s32 @!p0 $0xFFFFF086;
	s6 =	sadd.s32 @!p0 s3, s7;
	s7 =	simm.s32 @!p0 $0x108  }
0x21: {  	s3 =	sadd.s32 s3, s9;
	s6 =	sadd.s32 @!p0 $0x88, s6;
	s7 =	simm.s32 @p2 $0x1082  }
0x22: {  	[simem:s7], [sflag:s8] =	dma.local @!p0 [hbm:s6], $0xF7A  }
0x23: {  	s9 =	sor.u32 $0xD0000000, s2;
	s6 =	simm.s32 $0x108;
	_ =	swait.ge @!p0 [sflag:s8], $0x0  }
0x24: {  	s3 =	sadd.s32 $0x88, s3;
	s6 =	simm.s32 @!p1 $0x1082;
	[sflag:s4] =	ssyncset.s32 $0xFFFFF086  }
0x25: {  	[simem:s6], [sflag:s4] =	dma.local [hbm:s3], $0xF7A  }
0x26: {  	[smem:$0x3F95] =	sst s1;
	(tag) =	ssettag s2;
	_ =	strace s9  }
0x27: {  	s1 =	sld [smem:$0x3FA5]  }
0x28: {  	s2 =	sld [smem:$0x3FA6]  }
0x29: {  	s4 =	sld [smem:$0x3FA8]  }
0x2a: {  	p0 =	seq.s32 s5, $0x0;
	s5 =	sld [smem:$0x3FA9]  }
0x2b: {  	s6 =	sld [smem:$0x3FAA]  }
0x2c: {  	s7 =	sld [smem:$0x3FAB]  }
0x2d: {  	s3 =	simm.s32 $0x108;
	s8 =	sld [smem:$0x3FAC]  }
0x2e: {  	s3 =	simm.s32 @!p0 $0x1082;
	s9 =	sld [smem:$0x3FAD]  }
0x2f: {  	lr =	sadd.s32 s0, s3;
	s0 =	sld [smem:$0x3FA4]  }
0x30: {  	s3 =	sld [smem:$0x3FA7]  }
0x31: {  	[smem:$0x3FB0] =	sst s10  }
0x32: {  	s10 =	sld [smem:$0x3FAE];
	_ =	sdelay $0x3  }
0x33: {  	p0 =	seq.s32 s10, $0x1;
	s10 =	sld [smem:$0x3FB0];
	_ =	sdelay $0x3  }
0x34: {  	[smem:$0x3FB0] =	sst s10  }
0x35: {  	s10 =	sld [smem:$0x3FAF];
	_ =	sdelay $0x3  }
0x36: {  	p1 =	seq.s32 s10, $0x1;
	s10 =	sld [smem:$0x3FB0];
	_ =	sdelay $0x3  }
0x37: {  	[smem:$0x3FB0] =	sst s10  }
0x38: {  	s10 =	sld [smem:$0x3FB1]  }
0x39: {  	_ = 	snop;
	(pc) =	sbr.ind lr, $3  }
0x3a: {  	_ = 	snop  }
0x3b: {  	_ = 	snop  }
0x3c: {  	p2 =	seq.s32 s10, $0x1;
	s10 =	sld [smem:$0x3FB0]  }
0x3d: {  	_ =	shalt  }
0x3e: {  	_ =	shalt  }
0x3f: {  	_ =	shalt  }
0x40: {  	_ =	shalt  }
0x41: {  	_ =	shalt  }
0x42: {  	_ =	shalt  }
0x43: {  	_ =	shalt  }
0x44: {  	_ =	shalt  }
0x45: {  	_ =	shalt  }
0x46: {  	_ =	shalt  }
0x47: {  	_ =	shalt  }
0x48: {  	_ =	shalt  }
0x49: {  	_ =	shalt  }
0x4a: {  	_ =	shalt  }
0x4b: {  	_ =	shalt  }
0x4c: {  	_ =	shalt  }
0x4d: {  	_ =	shalt  }
0x4e: {  	_ =	shalt  }
0x4f: {  	_ =	shalt  }
0x50: {  	_ =	shalt  }
0x51: {  	_ =	shalt  }
0x52: {  	_ =	shalt  }
0x53: {  	_ =	shalt  }
0x54: {  	_ =	shalt  }
0x55: {  	_ =	shalt  }
0x56: {  	_ =	shalt  }
0x57: {  	_ =	shalt  }
0x58: {  	_ =	shalt  }
0x59: {  	_ =	shalt  }
0x5a: {  	_ =	shalt  }
0x5b: {  	_ =	shalt  }
0x5c: {  	_ =	shalt  }
0x5d: {  	_ =	shalt  }
0x5e: {  	_ =	shalt  }
0x5f: {  	_ =	shalt  }
0x60: {  	_ =	shalt  }
0x61: {  	_ =	shalt  }
0x62: {  	_ =	shalt  }
0x63: {  	_ =	shalt  }
0x64: {  	_ =	shalt  }
0x65: {  	_ =	shalt  }
0x66: {  	_ =	shalt  }
0x67: {  	_ =	shalt  }
0x68: {  	_ =	shalt  }
0x69: {  	_ =	shalt  }
0x6a: {  	_ =	shalt  }
0x6b: {  	_ =	shalt  }
0x6c: {  	_ =	shalt  }
0x6d: {  	_ =	shalt  }
0x6e: {  	_ =	shalt  }
0x6f: {  	_ =	shalt  }
0x70: {  	_ =	shalt  }
0x71: {  	_ =	shalt  }
0x72: {  	_ =	shalt  }
0x73: {  	_ =	shalt  }
0x74: {  	_ =	shalt  }
0x75: {  	_ =	shalt  }
0x76: {  	_ =	shalt  }
0x77: {  	_ =	shalt  }
0x78: {  	_ =	shalt  }
0x79: {  	_ =	shalt  }
0x7a: {  	_ =	shalt  }
0x7b: {  	_ =	shalt  }
0x7c: {  	_ =	shalt  }
0x7d: {  	_ =	shalt  }
0x7e: {  	_ =	shalt  }
0x7f: {  	_ =	shalt  }
0x80: {  	_ =	shalt  }
0x81: {  	_ =	shalt  }
0x82: {  	_ =	shalt  }
0x83: {  	_ =	shalt  }
0x84: {  	_ =	shalt  }
0x85: {  	_ =	shalt  }
0x86: {  	_ =	shalt  }
0x87: {  	_ =	shalt  }
.Lfunc_end0:
.L_simem_size_0:
called_computation_lowered:
.L_overlay_start_0:
0x88: {  	s2 =	sld [smem:$0x3FD9]  }
0x89: {  	s3 =	sld [smem:$0x3FFE];
	_ =	sdelay $0x1  }
0x8a: {  	s1 =	srdreg.scid  }
0x8b: {  	s0 =	sand.u32 $0x1, s1  }
0x8c: {  	s17 =	sshll.u32 s0, $0xA;
	s2 =	sadd.s32 s3, s2  }
0x8d: {  	s2 =	sadd.s32 s2, s17  }
0x8e: {  	[smem:$0x3FBC] =	sst s2  }
0x8f: {  	_ = 	snop  }
0x90: {  	(tm) =	ssettm $0x1  }
0x91: {  	s18 =	sld [smem:$0x3FFB];
	_ =	sdelay $0x3  }
0x92: {  	_ =	strace s18  }
0x93: {  	s2 =	sld [smem:$0x3FFC];
	_ =	sdelay $0x3  }
0x94: {  	_ =	strace s2  }
0x95: {  	s2 =	sld [smem:$0x3FFD];
	_ =	sdelay $0x3  }
0x96: {  	_ =	strace s2  }
0x97: {  	_ =	strace $0x8FFFFFFF  }
0x98: {  	s19 =	sld [smem:$0x3FDB];
	_ =	sdelay $0x1  }
0x99: {  	s20 =	simm.s32 $_scs_section_size  }
0x9a: {  	s4 =	simm.s32 $_size__tile_overlayer_lowered;
	s5 =	simm.s32 $_tile_overlayer_lowered  }
0x9b: {  	s6 =	simm.s32 $0x1BFF;
	s21 =	sshll.u32 s5, $0x1;
	s3 =	sadd.s32 s20, s19  }
0x9c: {  	s22 =	simm.s32 $0x0;
	s4 =	sshll.u32 s4, $0x1;
	s5 =	sadd.s32 s21, s3  }
0x9d: {  	[timem:s22], [sflag:s6] =	dma.local [hbm:s5], s4  }
0x9e: {  	_ =	swait.ge [sflag:s6], s4  }
0x9f: {  	s4 =	ssub.s32 $0x0, s4;
	[sflag:s6] =	ssyncset.done $0x0  }
0xa0: {  	[sflag:s6] =	ssyncadd.s32 s4;
	_ =	sdelay $0x1  }
0xa1: {  	s23 =	simm.s32 $0x1B8B  }
0xa2: {  	_ =	swait.ge [sflag:s23], $0x1  }
0xa3: {  	[sflag:s23] =	ssyncset.done $0x0  }
0xa4: {  	[sflag:s23] =	ssyncadd.s32 $0xFFFFFFFF  }
0xa5: {  	s4 =	sld [smem:$0x0]  }
0xa6: {  	s5 =	sand.u32 $0xFFFFFFFE, s1  }
0xa7: {  	p0 =	sne.s32 s1, s5  }
0xa8: {  	s5 =	sshll.u32 @p0 s5, $0xE  }
0xa9: {  	s5 =	sadd.s32 @p0 $0x11B8D, s5;
	s6 =	sshll.u32 @p0 s4, $0x11  }
0xaa: {  	s5 =	sor.u32 @p0 s6, s5  }
0xab: {  	[sflag:s5] =	ssyncadd.remote.s32 @p0 $0x1;
	_ =	sdelay $0x1  }
0xac: {  	s5 =	simm.s32 @p0 $0x1B8D  }
0xad: {  	_ =	swait.eq @p0 [sflag:s5], $0x1  }
0xae: {  	[sflag:s5] =	ssyncadd.s32 @p0 $0xFFFFFFFF  }
0xaf: {  	s6 =	sshll.u32 @!p0 s1, $0xE  }
0xb0: {  	s6 =	sor.u32 @!p0 $0x4000, s6;
	s5 =	simm.s32 @!p0 $0x1B8D  }
0xb1: {  	s4 =	sshll.u32 @!p0 s4, $0x11;
	s6 =	sadd.s32 @!p0 $0x11B8D, s6;
	_ =	swait.eq @!p0 [sflag:s5], $0x1  }
0xb2: {  	s4 =	sor.u32 @!p0 s4, s6;
	[sflag:s5] =	ssyncadd.s32 @!p0 $0xFFFFFFFF  }
0xb3: {  	s25 =	simm.s32 $0x1B8E;
	s24 =	sld [smem:$0x3FFE];
	[sflag:s4] =	ssyncadd.remote.s32 @!p0 $0x1  }
0xb4: {  	s26 =	simm.s32 $execute0_lowered;
	[smem:$0x3FD2] =	sst s25  }
0xb5: {  	s5 =	sshll.u32 s26, $0x1;
	_ =	strace $0x80000049;
	[dreg:$0x1] =	wrdreg $0xFFFFFFFF  }
0xb6: {  	s28 =	simm.s32 $_size_execute0_lowered;
	s3 =	sadd.s32 s3, s5;
	[dreg:$0x0] =	wrdreg $0x0  }
0xb7: {  	s5 =	sshll.u32 s28, $0x1;
	[dreg:$0x2] =	wrdreg s3  }
0xb8: {  	[dreg:$0x3] =	wrdreg s5  }
0xb9: {  	[dreg:$0x4] =	wrdreg $0xC0  }
0xba: {  	_ =	task [dreg:s22], $0x5FFFF  }
0xbb: {  	[dreg:$0x1] =	wrdreg $0xFFFFFFFF  }
0xbc: {  	[dreg:$0x0] =	wrdreg $0x60  }
0xbd: {  	[dreg:$0x2] =	wrdreg s24  }
0xbe: {  	[dreg:$0x3] =	wrdreg $0x9  }
0xbf: {  	_ =	task.clear_ibuf [dreg:s22], $0x4FFFF;
	_ =	strace $0x90000049  }
0xc0: {  	s29 =	simm.s32 $0x9;
	_ =	strace $0x8000004B  }
0xc1: {  	_ =	swait.ge [sflag:s29], $0x1  }
0xc2: {  	[sflag:s29] =	ssyncadd.s32 $0xFFFFFFFF  }
0xc3: {  	_ =	strace $0x9000004B  }
0xc4: {  	_ =	sfence  }
0xc5: {  	s30 =	sld [smem:$0x0];
	_ =	sdelay $0x2  }
0xc6: {  	s31 =	sshll.u32 s1, $0xD;
	s1 =	sshrl.u32 s1, $0x2  }
0xc7: {  	s4 =	sand.u32 $0x4000, s31;
	s1 =	sadd.s32 s1, s30  }
0xc8: {  	s0 =	sor.u32 s4, s0;
	s1 =	sshll.u32 s1, $0x11  }
0xc9: {  	s0 =	sor.u32 s1, s0  }
0xca: {  	s0 =	sadd.s32 $0x8F2B, s0  }
0xcb: {  	[sflag:s0] =	ssyncadd.remote.s32 $0x1  }
0xcc: {  	_ =	sfence.sel $0xFFFF  }
0xcd: {  	[dreg:$0x0] =	wrdreg $0xFFFFFFFF;
	(pc) =	sbr.abs _section_cstart, $3  }
0xce: {  	[dreg:$0x1] =	wrdreg $0xFFFFFFFF  }
0xcf: {  	_ =	task.clear_ibuf [dreg:s22], $0x2FFFF;
	_ =	strace $0x9FFFFFFF  }
0xd0: {  	(tm) =	ssettm $0x7FFFFFFF  }
0xd1: {  	_ =	shalt  }
tec
execute0_lowered:
.L_overlay_start_1:
0x0: {  	(tag) =	ssettag $0x1  }
0x1: {  	s0 =	srdreg.scid  }
0x2: {  	s3 =	sand.u32 $0x1, s0  }
0x3: {  	s4 =	rddreg [dreg:$0x0];
	s0 =	stileid.u32;
	s1 =	sshll.u32 s3, $0x4  }
0x4: {  	s2 =	simm.s32 $0x0;
	s8 =	simm.s32 $0x80;
	s5 =	sor.u32 s0, s1  }
0x5: {  	s9 =	simm.s32 $0x400;
	[smem:$0x7FF] =	sst s2;
	s6 =	sshrl.u32 s5, $0x3  }
0x6: {  	s7 =	sshll.u32 s0, $0x7;
	s3 =	ssub.s32 $0x2, s3;
	s6 =	smul.u32 $0x14000, s6  }
0x7: {  	s1 =	rddreg [dreg:$0x1];
	s7 =	sand.u32 $0x380, s7;
	s5 =	smul.u32 $0x500, s5  }
0x8: {  	_ =	strace $0x8000004A;
	s30 =	sshrl.u32 s3, $0x1;
	s6 =	sor.u32 s7, s6  }
0x9: {  	s31 =	ssub.s32 s3, s30;
	s5 =	sadd.s32 s5, s4;
	s6 =	sshrl.u32 s6, $0x3  }
0xa: {  	s3 =	sadd.s32 $0x5800, s5;
	s5 =	smax.u32 s31, $0x1;
	s4 =	sadd.s32 s6, s4  }
0xb: {  	v0 =	vimm.f32 $0.0e+00;
	v1 =	vimm.f32 $1.000000000e+00;
	s7 =	simm.s32 $0x2800;
	s6 =	simm.s32 $0x1;
	s4 =	sadd.s32 $0xB9800, s4  }
.LBB2_1:
0xc: {  	s10 =	simm.s32 $0x40;
	s11 =	simm.s32 $0x0  }
.LBB2_2:
0xd: {  	p0 =	sne.s32 s10, $0x9FC0;
	[tilespmem:s11+$0x2800] =	vst v0;
	s11 =	smov.u32 s10;
	s10 =	sadd.s32 $0x40, s10  }
.Ltmp0:
0xe: {  	(pc) =	sbr.rel @p0 .LBB2_2-.Ltmp0, $2  }
0xf: {  	_ =	sdelay $0x2  }
0x10: {  	s11 =	sshra.s32 s11, $0x2  }
0x11: {  	[tilespmem:s11+$0x2800] =	vst v0;
	s10 =	simm.s32 $0x0  }
0x12: {  	[tilespmem:s10], [sflag:$0x1] =	stream.linear.gather [hbm4b:s3+s10], $0x2800, $0x38;
	[tilespmem:$0x5000] =	vst v63  }
0x13: {  	s31 =	sand.u32 $0xFE00, s10;
	_ =	swait.ge [sflag:s6], $0x2800  }
0x14: {  	s10 =	sand.u32 $0x70, s10;
	s11 =	sshrl.u32 s31, $0x2;
	[sflag:s6] =	ssyncset.done $0x0  }
0x15: {  	s10 =	sor.u32 s10, s11;
	[sflag:s6] =	ssyncadd.s32 $0xFFFFD800  }
0x16: {  	v2 =	vld [tilespmem:s10+$0x0];
	_ =	sdelay $0x4  }
0x17: {  	s12 =	simm.s32 $0x40  }
0x18: {  	s12 =	sand.u32 $0xFE00, s12;
	s11 =	simm.s32 $0x80;
	s10 =	simm.s32 $0x10  }
.LBB2_4:
0x19: {  	p0 =	sne.s32 s11, $0x9FC0;
	s13 =	sand.u32 $0x70, s10;
	s12 =	sshrl.u32 s12, $0x2  }
0x1a: {  	s12 =	sor.u32 s13, s12;
	[tilespmem:v2+s7+$0x0] =	vst.idx.add.f32.msk $0xffff, v1  }
0x1b: {  	v2 =	vld [tilespmem:s12+$0x0];
	_ =	sdelay $0x1  }
.Ltmp1:
0x1c: {  	(pc) =	sbr.rel @p0 .LBB2_4-.Ltmp1, $2  }
0x1d: {  	_ =	sdelay $0x2  }
0x1e: {  	s10 =	sadd.s32 $0x10, s10;
	s12 =	sand.u32 $0xFE00, s11;
	s11 =	sadd.s32 $0x40, s11  }
0x1f: {  	_ =	sdelay $0x2  }
0x20: {  	s10 =	sand.u32 $0x70, s10;
	s11 =	sshrl.u32 s12, $0x2  }
0x21: {  	[tilespmem:v2+s7+$0x0] =	vst.idx.add.f32.msk $0xffff, v1;
	s10 =	sor.u32 s10, s11  }
0x22: {  	v2 =	vld [tilespmem:s10+$0x0];
	_ =	sdelay $0x5  }
0x23: {  	s2 =	sadd.s32 $0x1, s2  }
0x24: {  	p0 =	sne.s32 s2, s5  }
.Ltmp2:
0x25: {  	[tilespmem:v2+s7+$0x0] =	vst.idx.add.f32.msk $0xffff, v1;
	(pc) =	sbr.rel @p0 .LBB2_1-.Ltmp2, $4  }
0x26: {  	[hbm4b:s4+s8] =	stream.strided.scatter [tilespmem:s7], [sflag:$0x1], $0x2800, s9, s8, $0x38;
	[tilespmem:$0x5000] =	vst v63  }
0x27: {  	_ =	swait.ge [sflag:s6], $0x2800  }
0x28: {  	[sflag:s6] =	ssyncset.done $0x0  }
0x29: {  	[sflag:s6] =	ssyncadd.s32 $0xFFFFD800  }
0x2a: {  	_ =	sfence.sel $0x180000  }
0x2b: {  	[bflag:$0x0] =	sbarrier.arrive $0xFFFF  }
0x2c: {  	p0 =	sne.s32 s0, $0x0;
	_ =	strace $0x9000004A  }
0x2d: {  	s0 =	sadd.s32 @!p0 $0x100000, s1;
	[bflag:$0x2] =	sbarrier.arrive $0xFFFF  }
0x2e: {  	[sflag:s0] =	ssyncadd.tile.s32 @!p0 $0x1;
	_ =	shalt  }
.Lfunc_end2:
_tile_overlayer_lowered:
.L_overlay_start_2:
0x2f: {  	(tag) =	ssettag $0x2  }
0x30: {  	s0 =	rddreg [dreg:$0x0];
	s2 =	stileid.u32  }
0x31: {  	s1 =	rddreg [dreg:$0x1];
	p0 =	sne.s32 s2, $0x0  }
0x32: {  	s3 =	rddreg [dreg:$0x2];
	[bflag:$0x3] =	sbarrier.arrive $0xFFFF;
	s2 =	simm.s32 @!p0 $0x1C01  }
0x33: {  	[timem:s3], [sflag:s2] =	dma.local @!p0 [hbm:s0], s1  }
0x34: {  	s0 =	simm.s32 @!p0 $0x1  }
0x35: {  	_ =	swait.ge @!p0 [sflag:s0], s1  }
0x36: {  	s1 =	ssub.s32 @!p0 $0x0, s1;
	[sflag:s0] =	ssyncset.done @!p0 $0x0  }
0x37: {  	[sflag:s0] =	ssyncadd.s32 @!p0 s1  }
0x38: {  	[bflag:$0x3] =	sbarrier.arrive $0xFFFF  }
0x39: {  	_ =	shalt  }

// kernel: kernel.17.cloned.1.call-start
scs
__scs_entry_jumppad:
0x0: {  	(pc) =	sbr.rel $0x88, $3  }
0x1: {  	(tag) =	ssettag $0x0;
	lr =	simm.s32 $0x1  }
0x2: {  	[smem:$0x3F95] =	sst lr;
	_ =	strace $0xD0000000  }
0x3: {  	_ = 	snop  }
0x4: {  	_ = 	snop  }
0x5: {  	_ = 	snop  }
0x6: {  	_ = 	snop  }
0x7: {  	_ = 	snop  }
__scs_overlays_trampoline_lowered:
0x8: {  	[smem:$0x3FA4] =	sst s0  }
0x9: {  	[smem:$0x3FA5] =	sst s1  }
0xa: {  	[smem:$0x3FA6] =	sst s2  }
0xb: {  	[smem:$0x3FA7] =	sst s3  }
0xc: {  	[smem:$0x3FA8] =	sst s4  }
0xd: {  	[smem:$0x3FA9] =	sst s5  }
0xe: {  	[smem:$0x3FAA] =	sst s6  }
0xf: {  	[smem:$0x3FAB] =	sst s7  }
0x10: {  	[smem:$0x3FAC] =	sst s8  }
0x11: {  	[smem:$0x3FAD] =	sst s9;
	s0 =	simm.s32 @!p0 $0x0  }
0x12: {  	s1 =	sld [smem:$0x3F93];
	s0 =	simm.s32 @p0 $0x1  }
0x13: {  	[smem:$0x3FAE] =	sst s0;
	s0 =	simm.s32 @!p1 $0x0  }
0x14: {  	s2 =	sld [smem:$0x3F92];
	s0 =	simm.s32 @p1 $0x1  }
0x15: {  	[smem:$0x3FAF] =	sst s0;
	s0 =	simm.s32 @!p2 $0x0  }
0x16: {  	s3 =	sld [smem:$0x3FDB];
	s0 =	simm.s32 @p2 $0x1  }
0x17: {  	s4 =	simm.s32 $0x1BF5;
	[smem:$0x3FB1] =	sst s0  }
0x18: {  	s0 =	sld [smem:$0x3F94];
	_ =	swait.ge [sflag:s4], $0x0  }
0x19: {  	s7 =	sld [smem:$0x3F95]  }
0x1a: {  	s8 =	sadd.s32 $0xFFFFE003, lr  }
0x1b: {  	s9 =	sadd.s32 $0xFFFFFEF7, lr;
	s5 =	simm.s32 $0xFFFFFFFF;
	p2 =	slt.u32 s8, $0xFFFFF086  }
0x1c: {  	p1 =	slt.u32 s9, $0xF7A;
	s5 =	simm.s32 @!p2 $0x0  }
0x1d: {  	s5 =	simm.s32 @p1 $0x1;
	p0 =	seq.s32 s7, s2  }
0x1e: {  	s7 =	smul.u32 @!p0 $0xF7A, s2;
	p2 =	seq.s32 @!p0 s5, $0x0  }
0x1f: {  	s9 =	smul.u32 $0xF7A, s1;
	s8 =	simm.s32 @!p0 $0x1BF5;
	p2 =	por !p2, p0  }
0x20: {  	[sflag:s8] =	ssyncset.s32 @!p0 $0xFFFFF086;
	s6 =	sadd.s32 @!p0 s3, s7;
	s7 =	simm.s32 @!p0 $0x108  }
0x21: {  	s3 =	sadd.s32 s3, s9;
	s6 =	sadd.s32 @!p0 $0x88, s6;
	s7 =	simm.s32 @p2 $0x1082  }
0x22: {  	[simem:s7], [sflag:s8] =	dma.local @!p0 [hbm:s6], $0xF7A  }
0x23: {  	s9 =	sor.u32 $0xD0000000, s2;
	s6 =	simm.s32 $0x108;
	_ =	swait.ge @!p0 [sflag:s8], $0x0  }
0x24: {  	s3 =	sadd.s32 $0x88, s3;
	s6 =	simm.s32 @!p1 $0x1082;
	[sflag:s4] =	ssyncset.s32 $0xFFFFF086  }
0x25: {  	[simem:s6], [sflag:s4] =	dma.local [hbm:s3], $0xF7A  }
0x26: {  	[smem:$0x3F95] =	sst s1;
	(tag) =	ssettag s2;
	_ =	strace s9  }
0x27: {  	s1 =	sld [smem:$0x3FA5]  }
0x28: {  	s2 =	sld [smem:$0x3FA6]  }
0x29: {  	s4 =	sld [smem:$0x3FA8]  }
0x2a: {  	p0 =	seq.s32 s5, $0x0;
	s5 =	sld [smem:$0x3FA9]  }
0x2b: {  	s6 =	sld [smem:$0x3FAA]  }
0x2c: {  	s7 =	sld [smem:$0x3FAB]  }
0x2d: {  	s3 =	simm.s32 $0x108;
	s8 =	sld [smem:$0x3FAC]  }
0x2e: {  	s3 =	simm.s32 @!p0 $0x1082;
	s9 =	sld [smem:$0x3FAD]  }
0x2f: {  	lr =	sadd.s32 s0, s3;
	s0 =	sld [smem:$0x3FA4]  }
0x30: {  	s3 =	sld [smem:$0x3FA7]  }
0x31: {  	[smem:$0x3FB0] =	sst s10  }
0x32: {  	s10 =	sld [smem:$0x3FAE];
	_ =	sdelay $0x3  }
0x33: {  	p0 =	seq.s32 s10, $0x1;
	s10 =	sld [smem:$0x3FB0];
	_ =	sdelay $0x3  }
0x34: {  	[smem:$0x3FB0] =	sst s10  }
0x35: {  	s10 =	sld [smem:$0x3FAF];
	_ =	sdelay $0x3  }
0x36: {  	p1 =	seq.s32 s10, $0x1;
	s10 =	sld [smem:$0x3FB0];
	_ =	sdelay $0x3  }
0x37: {  	[smem:$0x3FB0] =	sst s10  }
0x38: {  	s10 =	sld [smem:$0x3FB1]  }
0x39: {  	_ = 	snop;
	(pc) =	sbr.ind lr, $3  }
0x3a: {  	_ = 	snop  }
0x3b: {  	_ = 	snop  }
0x3c: {  	p2 =	seq.s32 s10, $0x1;
	s10 =	sld [smem:$0x3FB0]  }
0x3d: {  	_ =	shalt  }
0x3e: {  	_ =	shalt  }
0x3f: {  	_ =	shalt  }
0x40: {  	_ =	shalt  }
0x41: {  	_ =	shalt  }
0x42: {  	_ =	shalt  }
0x43: {  	_ =	shalt  }
0x44: {  	_ =	shalt  }
0x45: {  	_ =	shalt  }
0x46: {  	_ =	shalt  }
0x47: {  	_ =	shalt  }
0x48: {  	_ =	shalt  }
0x49: {  	_ =	shalt  }
0x4a: {  	_ =	shalt  }
0x4b: {  	_ =	shalt  }
0x4c: {  	_ =	shalt  }
0x4d: {  	_ =	shalt  }
0x4e: {  	_ =	shalt  }
0x4f: {  	_ =	shalt  }
0x50: {  	_ =	shalt  }
0x51: {  	_ =	shalt  }
0x52: {  	_ =	shalt  }
0x53: {  	_ =	shalt  }
0x54: {  	_ =	shalt  }
0x55: {  	_ =	shalt  }
0x56: {  	_ =	shalt  }
0x57: {  	_ =	shalt  }
0x58: {  	_ =	shalt  }
0x59: {  	_ =	shalt  }
0x5a: {  	_ =	shalt  }
0x5b: {  	_ =	shalt  }
0x5c: {  	_ =	shalt  }
0x5d: {  	_ =	shalt  }
0x5e: {  	_ =	shalt  }
0x5f: {  	_ =	shalt  }
0x60: {  	_ =	shalt  }
0x61: {  	_ =	shalt  }
0x62: {  	_ =	shalt  }
0x63: {  	_ =	shalt  }
0x64: {  	_ =	shalt  }
0x65: {  	_ =	shalt  }
0x66: {  	_ =	shalt  }
0x67: {  	_ =	shalt  }
0x68: {  	_ =	shalt  }
0x69: {  	_ =	shalt  }
0x6a: {  	_ =	shalt  }
0x6b: {  	_ =	shalt  }
0x6c: {  	_ =	shalt  }
0x6d: {  	_ =	shalt  }
0x6e: {  	_ =	shalt  }
0x6f: {  	_ =	shalt  }
0x70: {  	_ =	shalt  }
0x71: {  	_ =	shalt  }
0x72: {  	_ =	shalt  }
0x73: {  	_ =	shalt  }
0x74: {  	_ =	shalt  }
0x75: {  	_ =	shalt  }
0x76: {  	_ =	shalt  }
0x77: {  	_ =	shalt  }
0x78: {  	_ =	shalt  }
0x79: {  	_ =	shalt  }
0x7a: {  	_ =	shalt  }
0x7b: {  	_ =	shalt  }
0x7c: {  	_ =	shalt  }
0x7d: {  	_ =	shalt  }
0x7e: {  	_ =	shalt  }
0x7f: {  	_ =	shalt  }
0x80: {  	_ =	shalt  }
0x81: {  	_ =	shalt  }
0x82: {  	_ =	shalt  }
0x83: {  	_ =	shalt  }
0x84: {  	_ =	shalt  }
0x85: {  	_ =	shalt  }
0x86: {  	_ =	shalt  }
0x87: {  	_ =	shalt  }
.Lfunc_end0:
.L_simem_size_0:
called_computation.1_lowered:
.L_overlay_start_0:
0x88: {  	s2 =	sld [smem:$0x3FD9]  }
0x89: {  	s3 =	sld [smem:$0x3FFE];
	_ =	sdelay $0x1  }
0x8a: {  	s1 =	srdreg.scid  }
0x8b: {  	s0 =	sand.u32 $0x1, s1  }
0x8c: {  	s16 =	sshll.u32 s0, $0xA;
	s2 =	sadd.s32 s3, s2  }
0x8d: {  	s2 =	sadd.s32 s2, s16  }
0x8e: {  	[smem:$0x3FBC] =	sst s2  }
0x8f: {  	_ = 	snop  }
0x90: {  	(tm) =	ssettm $0x1  }
0x91: {  	s17 =	sld [smem:$0x3FFB];
	_ =	sdelay $0x3  }
0x92: {  	_ =	strace s17  }
0x93: {  	s2 =	sld [smem:$0x3FFC];
	_ =	sdelay $0x3  }
0x94: {  	_ =	strace s2  }
0x95: {  	s2 =	sld [smem:$0x3FFD];
	_ =	sdelay $0x3  }
0x96: {  	_ =	strace s2  }
0x97: {  	_ =	strace $0x8FFFFFFF  }
0x98: {  	s18 =	sld [smem:$0x3FDB];
	_ =	sdelay $0x1  }
0x99: {  	s19 =	simm.s32 $_scs_section_size  }
0x9a: {  	s4 =	simm.s32 $_size__tile_overlayer_lowered;
	s5 =	simm.s32 $_tile_overlayer_lowered  }
0x9b: {  	s22 =	simm.s32 $0x1BFF;
	s21 =	sshll.u32 s5, $0x1;
	s2 =	sadd.s32 s19, s18  }
0x9c: {  	s6 =	simm.s32 $0x0;
	s20 =	sshll.u32 s4, $0x1;
	s4 =	sadd.s32 s21, s2  }
0x9d: {  	[timem:s6], [sflag:s22] =	dma.local [hbm:s4], s20  }
0x9e: {  	_ =	swait.ge [sflag:s22], s20  }
0x9f: {  	s3 =	ssub.s32 $0x0, s20;
	[sflag:s22] =	ssyncset.done $0x0  }
0xa0: {  	[sflag:s22] =	ssyncadd.s32 s3;
	_ =	sdelay $0x1  }
0xa1: {  	s23 =	simm.s32 $0x1B8B  }
0xa2: {  	_ =	swait.ge [sflag:s23], $0x1  }
0xa3: {  	[sflag:s23] =	ssyncset.done $0x0  }
0xa4: {  	s25 =	simm.s32 $0x1B8E;
	s24 =	sld [smem:$0x3FFE];
	[sflag:s23] =	ssyncadd.s32 $0xFFFFFFFF  }
0xa5: {  	s26 =	simm.s32 $execute0_lowered;
	[smem:$0x3FD2] =	sst s25  }
0xa6: {  	s4 =	sshll.u32 s26, $0x1;
	_ =	strace $0x80000046;
	[dreg:$0x1] =	wrdreg $0xFFFFFFFF  }
0xa7: {  	s28 =	simm.s32 $_size_execute0_lowered;
	s2 =	sadd.s32 s2, s4;
	[dreg:$0x0] =	wrdreg $0x0  }
0xa8: {  	s4 =	sshll.u32 s28, $0x1;
	[dreg:$0x2] =	wrdreg s2  }
0xa9: {  	[dreg:$0x3] =	wrdreg s4  }
0xaa: {  	[dreg:$0x4] =	wrdreg $0xC0  }
0xab: {  	_ =	task [dreg:s6], $0x5FFFF  }
0xac: {  	[dreg:$0x1] =	wrdreg $0xFFFFFFFF  }
0xad: {  	[dreg:$0x0] =	wrdreg $0x60  }
0xae: {  	[dreg:$0x2] =	wrdreg s24  }
0xaf: {  	[dreg:$0x3] =	wrdreg $0x84000  }
0xb0: {  	[dreg:$0x4] =	wrdreg $0xA  }
0xb1: {  	_ =	task.clear_ibuf [dreg:s6], $0x5FFFF;
	_ =	strace $0x90000046  }
0xb2: {  	s29 =	simm.s32 $0xA;
	_ =	strace $0x80000048  }
0xb3: {  	_ =	swait.ge [sflag:s29], $0x1  }
0xb4: {  	[sflag:s29] =	ssyncadd.s32 $0xFFFFFFFF  }
0xb5: {  	_ =	strace $0x90000048  }
0xb6: {  	_ =	sfence  }
0xb7: {  	s30 =	sld [smem:$0x0];
	_ =	sdelay $0x2  }
0xb8: {  	s31 =	sshll.u32 s1, $0xD;
	s1 =	sshrl.u32 s1, $0x2  }
0xb9: {  	s3 =	sand.u32 $0x4000, s31;
	s1 =	sadd.s32 s1, s30  }
0xba: {  	s0 =	sor.u32 s3, s0;
	s1 =	sshll.u32 s1, $0x11  }
0xbb: {  	s0 =	sor.u32 s1, s0  }
0xbc: {  	s0 =	sadd.s32 $0x8F2B, s0  }
0xbd: {  	[sflag:s0] =	ssyncadd.remote.s32 $0x1  }
0xbe: {  	_ =	sfence.sel $0xFFFF  }
0xbf: {  	[dreg:$0x0] =	wrdreg $0xFFFFFFFF;
	(pc) =	sbr.abs _section_cstart, $3  }
0xc0: {  	[dreg:$0x1] =	wrdreg $0xFFFFFFFF  }
0xc1: {  	_ =	task.clear_ibuf [dreg:s6], $0x2FFFF;
	_ =	strace $0x9FFFFFFF  }
0xc2: {  	(tm) =	ssettm $0x7FFFFFFF  }
0xc3: {  	_ =	shalt  }
tec
execute0_lowered:
.L_overlay_start_1:
0x0: {  	(tag) =	ssettag $0x1  }
0x1: {  	s0 =	rddreg [dreg:$0x0]  }
0x2: {  	s1 =	rddreg [dreg:$0x1]  }
0x3: {  	s3 =	simm.s32 $0x0;
	s12 =	stileid.u32;
	s2 =	srdreg.scid  }
0x4: {  	s16 =	simm.s32 $0x1;
	s17 =	simm.s32 $0x80;
	s18 =	simm.s32 $0x280  }
0x5: {  	s19 =	simm.s32 $0x400;
	s28 =	simm.s32 $0x3;
	s29 =	simm.s32 $0x180  }
0x6: {  	s30 =	simm.s32 $0x380;
	s31 =	simm.s32 $0x7;
	[smem:$0x7FF] =	sst s3  }
0x7: {  	s4 =	sadd.s32 $0x19800, s0;
	s7 =	smul.u32 $0xA000, s12;
	s2 =	sand.u32 $0x1, s2  }
0x8: {  	s5 =	sadd.s32 $0xF800, s0;
	s6 =	sadd.s32 $0x5800, s0;
	s20 =	smul.u32 $0x28000, s12  }
0x9: {  	s25 =	sshll.u32 s12, $0x6;
	_ =	strace $0x80000047;
	s8 =	smul.u32 $0x140000, s2  }
0xa: {  	s9 =	sshll.u32 s2, $0x4;
	s2 =	ssub.s32 $0x2, s2;
	s10 =	sshrl.u32 s7, $0x3  }
0xb: {  	s9 =	sor.u32 s12, s9;
	s21 =	sshrl.u32 s2, $0x1;
	s23 =	sshrl.u32 s20, $0x2  }
0xc: {  	s20 =	simm.s32 $0x5;
	s12 =	simm.s32 $0x0;
	s10 =	sadd.s32 s10, s0  }
0xd: {  	s8 =	sadd.s32 s7, s8;
	s7 =	smul.u32 $0x2800, s9;
	s2 =	ssub.s32 s2, s21  }
0xe: {  	s9 =	sor.u32 $0x1C09, s25;
	s21 =	simm.s32 $0x200;
	s25 =	simm.s32 $0x4400  }
0xf: {  	s8 =	sshrl.u32 s8, $0x3;
	s10 =	sadd.s32 $0x41800, s10;
	s26 =	smax.u32 s2, $0x1  }
0x10: {  	s2 =	simm.s32 $0x8;
	[dreg:$0x6] =	wrdreg s9;
	s0 =	sadd.s32 s8, s0  }
0x11: {  	s11 =	sshrl.u32 s7, $0x3;
	s8 =	sadd.s32 s23, s1;
	[dreg:$0x5] =	wrdreg s10  }
0x12: {  	[dreg:$0x8] =	wrdreg s26;
	s23 =	simm.s32 $0x100;
	s22 =	sadd.s32 s5, s11  }
0x13: {  	s26 =	simm.s32 $0x6;
	s24 =	sadd.s32 s6, s11;
	[dreg:$0x3] =	wrdreg s22  }
0x14: {  	s0 =	sadd.s32 $0x69800, s0;
	s10 =	sshrl.u32 s8, $0x3;
	[dreg:$0x4] =	wrdreg s24  }
0x15: {  	s11 =	simm.s32 $0x9;
	[dreg:$0x7] =	wrdreg s0;
	s22 =	simm.s32 $0x2  }
0x16: {  	s24 =	simm.s32 $0x300;
	s0 =	simm.s32 $0x4;
	[dreg:$0x9] =	wrdreg s10  }
.LBB2_1:
0x17: {  	[dreg:$0xa] =	wrdreg s12  }
0x18: {  	s8 =	rddreg [dreg:$0x3]  }
0x19: {  	s12 =	rddreg [dreg:$0x4]  }
0x1a: {  	[tilespmem:s3], [sflag:$0x1] =	stream.linear.gather [hbm4b:s8+s3], $0x80, $0x38;
	[tilespmem:$0x1C400] =	vst v63  }
0x1b: {  	s13 =	rddreg [dreg:$0x5]  }
0x1c: {  	[tilespmem:s21], [sflag:$0x1] =	stream.linear.gather [hbm4b:s12+s3], $0x80, $0x38;
	[tilespmem:$0x1C400] =	vst v63  }
0x1d: {  	[spmem:s10], [sflag:s9] =	dma.local [hbm:s13], $0x1400  }
0x1e: {  	_ =	swait.ge [sflag:s11], $0x1400  }
0x1f: {  	[sflag:s11] =	ssyncset.done $0x0  }
0x20: {  	[sflag:s11] =	ssyncadd.s32 $0xFFFFEC00  }
0x21: {  	s14 =	simm.s32 $0x0;
	[bflag:$0x0] =	sbarrier.arrive $0xFFFF  }
0x22: {  	s15 =	sand.u32 $0x3C00, s14;
	_ =	swait.ge [sflag:s16], $0x80  }
0x23: {  	s10 =	sadd.s32 s7, s15;
	s9 =	sand.u32 $0x200, s14;
	[sflag:s16] =	ssyncset.done $0x0  }
0x24: {  	s9 =	sor.u32 s9, s10;
	[sflag:s16] =	ssyncadd.s32 $0xFFFFFF80  }
0x25: {  	s9 =	sshrl.u32 s9, $0x3;
	_ =	swait.ge [sflag:s16], $0x80  }
0x26: {  	s8 =	sor.u32 $0x10, s9;
	[sflag:s16] =	ssyncset.done $0x0  }
0x27: {  	s11 =	sadd.s32 s5, s8;
	[sflag:s16] =	ssyncadd.s32 $0xFFFFFF80  }
0x28: {  	[tilespmem:s17], [sflag:$0x2] =	stream.linear.gather [hbm4b:s11+s3], $0x80, $0x38;
	[tilespmem:$0x1C400] =	vst v63  }
0x29: {  	p0 =	por $0x1, $0x1;
	s10 =	sadd.s32 s6, s8  }
0x2a: {  	[tilespmem:s18], [sflag:$0x2] =	stream.linear.gather [hbm4b:s10+s3], $0x80, $0x38;
	[tilespmem:$0x1C400] =	vst v63  }
0x2b: {  	s10 =	simm.s32 @!p0 $0x7  }
0x2c: {  	_ =	swait.ge @!p0 [sflag:s10], $0x4000  }
0x2d: {  	[sflag:s10] =	ssyncset.done @!p0 $0x0  }
0x2e: {  	[sflag:s10] =	ssyncadd.s32 @!p0 $0xFFFFC000  }
0x2f: {  	[tilespmem:s19], [sflag:$0x5] =	stream.indirect.gather [hbm4b:s4+s17], $0x80, s3, s17, $0xb8;
	[tilespmem:$0x1C400] =	vst v63  }
0x30: {  	_ =	swait.ge [sflag:s20], $0x4000  }
0x31: {  	[sflag:s20] =	ssyncset.done $0x0  }
0x32: {  	[sflag:s20] =	ssyncadd.s32 $0xFFFFC000  }
0x33: {  	[spmem:s1] =	stream.indirect.scatter.add.f32 [tilespmem:s19], [sflag:$0x7], $0x80, s21, s17, $0xb8;
	[tilespmem:$0x1C400] =	vst v63  }
0x34: {  	_ =	swait.ge [sflag:s22], $0x80  }
0x35: {  	[sflag:s22] =	ssyncset.done $0x0  }
0x36: {  	[sflag:s22] =	ssyncadd.s32 $0xFFFFFF80  }
0x37: {  	_ =	swait.ge [sflag:s22], $0x80  }
0x38: {  	s13 =	sor.u32 $0x20, s9;
	[sflag:s22] =	ssyncset.done $0x0  }
0x39: {  	s14 =	sadd.s32 s5, s13;
	[sflag:s22] =	ssyncadd.s32 $0xFFFFFF80  }
0x3a: {  	[tilespmem:s23], [sflag:$0x3] =	stream.linear.gather [hbm4b:s14+s3], $0x80, $0x38;
	[tilespmem:$0x1C400] =	vst v63  }
0x3b: {  	s12 =	simm.s32 @!p0 $0x8;
	s10 =	sadd.s32 s6, s13  }
0x3c: {  	[tilespmem:s24], [sflag:$0x3] =	stream.linear.gather [hbm4b:s10+s3], $0x80, $0x38;
	[tilespmem:$0x1C400] =	vst v63  }
0x3d: {  	_ =	swait.ge @!p0 [sflag:s12], $0x4000  }
0x3e: {  	[sflag:s12] =	ssyncset.done @!p0 $0x0  }
0x3f: {  	[sflag:s12] =	ssyncadd.s32 @!p0 $0xFFFFC000  }
0x40: {  	[tilespmem:s25], [sflag:$0x6] =	stream.indirect.gather [hbm4b:s4+s17], $0x80, s17, s17, $0xb8;
	[tilespmem:$0x1C400] =	vst v63  }
0x41: {  	_ =	swait.ge [sflag:s26], $0x4000  }
0x42: {  	[sflag:s26] =	ssyncset.done $0x0  }
0x43: {  	[sflag:s26] =	ssyncadd.s32 $0xFFFFC000  }
0x44: {  	[spmem:s1] =	stream.indirect.scatter.add.f32 [tilespmem:s25], [sflag:$0x8], $0x80, s18, s17, $0xb8;
	[tilespmem:$0x1C400] =	vst v63  }
0x45: {  	_ =	swait.ge [sflag:s28], $0x80  }
0x46: {  	[sflag:s28] =	ssyncset.done $0x0  }
0x47: {  	[sflag:s28] =	ssyncadd.s32 $0xFFFFFF80  }
0x48: {  	_ =	swait.ge [sflag:s28], $0x80  }
0x49: {  	s9 =	sor.u32 $0x30, s9;
	[sflag:s28] =	ssyncset.done $0x0  }
0x4a: {  	s15 =	sadd.s32 s5, s9;
	[sflag:s28] =	ssyncadd.s32 $0xFFFFFF80  }
0x4b: {  	[tilespmem:s29], [sflag:$0x4] =	stream.linear.gather [hbm4b:s15+s3], $0x80, $0x38;
	[tilespmem:$0x1C400] =	vst v63  }
0x4c: {  	s9 =	sadd.s32 s6, s9  }
0x4d: {  	[tilespmem:s30], [sflag:$0x4] =	stream.linear.gather [hbm4b:s9+s3], $0x80, $0x38;
	[tilespmem:$0x1C400] =	vst v63  }
0x4e: {  	_ =	swait.ge [sflag:s31], $0x4000  }
0x4f: {  	[sflag:s31] =	ssyncset.done $0x0  }
0x50: {  	[sflag:s31] =	ssyncadd.s32 $0xFFFFC000  }
0x51: {  	[tilespmem:s19], [sflag:$0x5] =	stream.indirect.gather [hbm4b:s4+s17], $0x80, s23, s17, $0xb8;
	[tilespmem:$0x1C400] =	vst v63  }
0x52: {  	_ =	swait.ge [sflag:s20], $0x4000  }
0x53: {  	[sflag:s20] =	ssyncset.done $0x0  }
0x54: {  	[sflag:s20] =	ssyncadd.s32 $0xFFFFC000  }
0x55: {  	[spmem:s1] =	stream.indirect.scatter.add.f32 [tilespmem:s19], [sflag:$0x7], $0x80, s24, s17, $0xb8;
	[tilespmem:$0x1C400] =	vst v63  }
0x56: {  	p0 =	por $0x0, $0x0;
	_ =	swait.ge [sflag:s0], $0x80  }
0x57: {  	s9 =	sand.u32 @!p0 $0x7C00, s21;
	[sflag:s0] =	ssyncset.done $0x0  }
0x58: {  	s10 =	sand.u32 @!p0 $0x200, s21;
	s9 =	sadd.s32 @!p0 s7, s9;
	[sflag:s0] =	ssyncadd.s32 $0xFFFFFF80  }
0x59: {  	s9 =	sor.u32 @!p0 s10, s9;
	_ =	swait.ge [sflag:s0], $0x80  }
0x5a: {  	s9 =	sshrl.u32 @!p0 s9, $0x3;
	[sflag:s0] =	ssyncset.done $0x0  }
0x5b: {  	s10 =	simm.s32 @!p0 $0x0;
	s12 =	sadd.s32 @!p0 s5, s9;
	[sflag:s0] =	ssyncadd.s32 $0xFFFFFF80  }
0x5c: {  	[tilespmem:s10], [sflag:$0x1] =	stream.linear.gather @!p0 [hbm4b:s12+s10], $0x80, $0x38;
	[tilespmem:$0x1C400] =	vst v63  }
0x5d: {  	s9 =	sadd.s32 @!p0 s6, s9;
	s12 =	simm.s32 @!p0 $0x200  }
0x5e: {  	[tilespmem:s12], [sflag:$0x1] =	stream.linear.gather @!p0 [hbm4b:s9+s10], $0x80, $0x38;
	[tilespmem:$0x1C400] =	vst v63  }
0x5f: {  	_ =	swait.ge [sflag:s2], $0x4000  }
0x60: {  	[sflag:s2] =	ssyncset.done $0x0  }
0x61: {  	[sflag:s2] =	ssyncadd.s32 $0xFFFFC000  }
0x62: {  	[tilespmem:s25], [sflag:$0x6] =	stream.indirect.gather [hbm4b:s4+s17], $0x80, s29, s17, $0xb8;
	[tilespmem:$0x1C400] =	vst v63  }
0x63: {  	_ =	swait.ge [sflag:s26], $0x4000  }
0x64: {  	s9 =	simm.s32 $0x1;
	s10 =	simm.s32 $0x400;
	[sflag:s26] =	ssyncset.done $0x0  }
.LBB2_2:
0x65: {  	s13 =	sadd.s32 $0xFFFFFE00, s10  }
0x66: {  	[sflag:s26] =	ssyncadd.s32 $0xFFFFC000;
	s12 =	smov.u32 s9;
	s9 =	sadd.s32 $0x1, s9  }
0x67: {  	[spmem:s1] =	stream.indirect.scatter.add.f32 [tilespmem:s25], [sflag:$0x8], $0x80, s30, s17, $0xb8;
	[tilespmem:$0x1C400] =	vst v63  }
0x68: {  	s11 =	sand.u32 $0x3C00, s13;
	p0 =	sne.s32 s9, $0x14;
	_ =	swait.ge [sflag:s16], $0x80  }
0x69: {  	s13 =	sand.u32 $0x200, s13;
	s11 =	sadd.s32 s7, s11;
	[sflag:s16] =	ssyncset.done $0x0  }
0x6a: {  	s11 =	sor.u32 s13, s11;
	[sflag:s16] =	ssyncadd.s32 $0xFFFFFF80  }
0x6b: {  	s11 =	sshrl.u32 s11, $0x3;
	_ =	swait.ge [sflag:s16], $0x80  }
0x6c: {  	s14 =	sor.u32 $0x10, s11;
	s15 =	sor.u32 $0x20, s11;
	[sflag:s16] =	ssyncset.done $0x0  }
0x6d: {  	s13 =	sor.u32 $0x30, s11;
	s8 =	sadd.s32 s5, s14;
	[sflag:s16] =	ssyncadd.s32 $0xFFFFFF80  }
0x6e: {  	[tilespmem:s17], [sflag:$0x2] =	stream.linear.gather [hbm4b:s8+s3], $0x80, $0x38;
	[tilespmem:$0x1C400] =	vst v63  }
0x6f: {  	p1 =	seq.s32 s12, $0x0;
	s8 =	sadd.s32 s6, s14  }
0x70: {  	[tilespmem:s18], [sflag:$0x2] =	stream.linear.gather [hbm4b:s8+s3], $0x80, $0x38;
	[tilespmem:$0x1C400] =	vst v63  }
0x71: {  	s8 =	simm.s32 @!p1 $0x7  }
0x72: {  	_ =	swait.ge @!p1 [sflag:s8], $0x4000  }
0x73: {  	[sflag:s8] =	ssyncset.done @!p1 $0x0  }
0x74: {  	[sflag:s8] =	ssyncadd.s32 @!p1 $0xFFFFC000  }
0x75: {  	[tilespmem:s19], [sflag:$0x5] =	stream.indirect.gather [hbm4b:s4+s17], $0x80, s3, s17, $0xb8;
	[tilespmem:$0x1C400] =	vst v63  }
0x76: {  	_ =	swait.ge [sflag:s20], $0x4000  }
0x77: {  	[sflag:s20] =	ssyncset.done $0x0  }
0x78: {  	[sflag:s20] =	ssyncadd.s32 $0xFFFFC000  }
0x79: {  	[spmem:s1] =	stream.indirect.scatter.add.f32 [tilespmem:s19], [sflag:$0x7], $0x80, s21, s17, $0xb8;
	[tilespmem:$0x1C400] =	vst v63  }
0x7a: {  	_ =	swait.ge [sflag:s22], $0x80  }
0x7b: {  	[sflag:s22] =	ssyncset.done $0x0  }
0x7c: {  	[sflag:s22] =	ssyncadd.s32 $0xFFFFFF80  }
0x7d: {  	_ =	swait.ge [sflag:s22], $0x80  }
0x7e: {  	s8 =	sadd.s32 s5, s15;
	[sflag:s22] =	ssyncset.done $0x0  }
0x7f: {  	s11 =	sadd.s32 s6, s15;
	[sflag:s22] =	ssyncadd.s32 $0xFFFFFF80  }
0x80: {  	[tilespmem:s23], [sflag:$0x3] =	stream.linear.gather [hbm4b:s8+s3], $0x80, $0x38;
	[tilespmem:$0x1C400] =	vst v63  }
0x81: {  	s8 =	simm.s32 @!p1 $0x8  }
0x82: {  	[tilespmem:s24], [sflag:$0x3] =	stream.linear.gather [hbm4b:s11+s3], $0x80, $0x38;
	[tilespmem:$0x1C400] =	vst v63  }
0x83: {  	_ =	swait.ge @!p1 [sflag:s8], $0x4000  }
0x84: {  	[sflag:s8] =	ssyncset.done @!p1 $0x0  }
0x85: {  	[sflag:s8] =	ssyncadd.s32 @!p1 $0xFFFFC000  }
0x86: {  	[tilespmem:s25], [sflag:$0x6] =	stream.indirect.gather [hbm4b:s4+s17], $0x80, s17, s17, $0xb8;
	[tilespmem:$0x1C400] =	vst v63  }
0x87: {  	_ =	swait.ge [sflag:s26], $0x4000  }
0x88: {  	[sflag:s26] =	ssyncset.done $0x0  }
0x89: {  	[sflag:s26] =	ssyncadd.s32 $0xFFFFC000  }
0x8a: {  	[spmem:s1] =	stream.indirect.scatter.add.f32 [tilespmem:s25], [sflag:$0x8], $0x80, s18, s17, $0xb8;
	[tilespmem:$0x1C400] =	vst v63  }
0x8b: {  	_ =	swait.ge [sflag:s28], $0x80  }
0x8c: {  	[sflag:s28] =	ssyncset.done $0x0  }
0x8d: {  	[sflag:s28] =	ssyncadd.s32 $0xFFFFFF80  }
0x8e: {  	_ =	swait.ge [sflag:s28], $0x80  }
0x8f: {  	s8 =	sadd.s32 s5, s13;
	[sflag:s28] =	ssyncset.done $0x0  }
0x90: {  	s11 =	sadd.s32 s6, s13;
	[sflag:s28] =	ssyncadd.s32 $0xFFFFFF80  }
0x91: {  	[tilespmem:s29], [sflag:$0x4] =	stream.linear.gather [hbm4b:s8+s3], $0x80, $0x38;
	[tilespmem:$0x1C400] =	vst v63  }
0x92: {  	_ = 	snop  }
0x93: {  	[tilespmem:s30], [sflag:$0x4] =	stream.linear.gather [hbm4b:s11+s3], $0x80, $0x38;
	[tilespmem:$0x1C400] =	vst v63  }
0x94: {  	_ =	swait.ge [sflag:s31], $0x4000  }
0x95: {  	[sflag:s31] =	ssyncset.done $0x0  }
0x96: {  	[sflag:s31] =	ssyncadd.s32 $0xFFFFC000  }
0x97: {  	[tilespmem:s19], [sflag:$0x5] =	stream.indirect.gather [hbm4b:s4+s17], $0x80, s23, s17, $0xb8;
	[tilespmem:$0x1C400] =	vst v63  }
0x98: {  	_ =	swait.ge [sflag:s20], $0x4000  }
0x99: {  	[sflag:s20] =	ssyncset.done $0x0  }
0x9a: {  	p1 =	sgt.u32 s12, $0x12;
	[sflag:s20] =	ssyncadd.s32 $0xFFFFC000  }
0x9b: {  	[spmem:s1] =	stream.indirect.scatter.add.f32 [tilespmem:s19], [sflag:$0x7], $0x80, s24, s17, $0xb8;
	[tilespmem:$0x1C400] =	vst v63  }
0x9c: {  	s8 =	sand.u32 @!p1 $0x7C00, s10;
	_ =	swait.ge [sflag:s0], $0x80  }
0x9d: {  	s8 =	sadd.s32 @!p1 s7, s8;
	s11 =	sand.u32 @!p1 $0x200, s10;
	[sflag:s0] =	ssyncset.done $0x0  }
0x9e: {  	s8 =	sor.u32 @!p1 s11, s8;
	[sflag:s0] =	ssyncadd.s32 $0xFFFFFF80  }
0x9f: {  	s11 =	simm.s32 @!p1 $0x0;
	s8 =	sshrl.u32 @!p1 s8, $0x3;
	_ =	swait.ge [sflag:s0], $0x80  }
0xa0: {  	s12 =	sadd.s32 @!p1 s5, s8;
	s8 =	sadd.s32 @!p1 s6, s8;
	[sflag:s0] =	ssyncset.done $0x0  }
0xa1: {  	s13 =	simm.s32 @!p1 $0x200;
	[sflag:s0] =	ssyncadd.s32 $0xFFFFFF80  }
0xa2: {  	[tilespmem:s11], [sflag:$0x1] =	stream.linear.gather @!p1 [hbm4b:s12+s11], $0x80, $0x38;
	[tilespmem:$0x1C400] =	vst v63  }
0xa3: {  	_ = 	snop  }
0xa4: {  	[tilespmem:s13], [sflag:$0x1] =	stream.linear.gather @!p1 [hbm4b:s8+s11], $0x80, $0x38;
	[tilespmem:$0x1C400] =	vst v63  }
0xa5: {  	_ =	swait.ge [sflag:s2], $0x4000  }
.Ltmp0:
0xa6: {  	[sflag:s2] =	ssyncset.done $0x0;
	(pc) =	sbr.rel @p0 .LBB2_2-.Ltmp0, $4  }
0xa7: {  	[sflag:s2] =	ssyncadd.s32 $0xFFFFC000  }
0xa8: {  	[tilespmem:s25], [sflag:$0x6] =	stream.indirect.gather [hbm4b:s4+s17], $0x80, s29, s17, $0xb8;
	[tilespmem:$0x1C400] =	vst v63  }
0xa9: {  	_ =	swait.ge [sflag:s26], $0x4000  }
0xaa: {  	s10 =	sadd.s32 $0x200, s10;
	[sflag:s26] =	ssyncset.done $0x0  }
0xab: {  	[sflag:s26] =	ssyncadd.s32 $0xFFFFC000  }
0xac: {  	[spmem:s1] =	stream.indirect.scatter.add.f32 [tilespmem:s25], [sflag:$0x8], $0x80, s30, s17, $0xb8;
	[tilespmem:$0x1C400] =	vst v63  }
0xad: {  	_ =	swait.ge [sflag:s31], $0x4000  }
0xae: {  	[sflag:s31] =	ssyncset.done $0x0  }
0xaf: {  	[sflag:s31] =	ssyncadd.s32 $0xFFFFC000  }
0xb0: {  	_ =	swait.ge [sflag:s2], $0x4000  }
0xb1: {  	[sflag:s2] =	ssyncset.done $0x0  }
0xb2: {  	[sflag:s2] =	ssyncadd.s32 $0xFFFFC000  }
0xb3: {  	[bflag:$0x0] =	sbarrier.arrive $0xFFFF  }
0xb4: {  	s9 =	rddreg [dreg:$0x6]  }
0xb5: {  	s8 =	rddreg [dreg:$0x7]  }
0xb6: {  	s11 =	simm.s32 $0x9;
	s10 =	rddreg [dreg:$0x9]  }
0xb7: {  	[hbm:s8], [sflag:s9] =	dma.local [spmem:s10], $0x1400  }
0xb8: {  	_ =	swait.ge [sflag:s11], $0x1400  }
0xb9: {  	s12 =	rddreg [dreg:$0xa]  }
0xba: {  	s15 =	rddreg [dreg:$0x8];
	s12 =	sadd.s32 $0x1, s12  }
0xbb: {  	p0 =	sne.s32 s12, s15  }
.Ltmp1:
0xbc: {  	_ = 	snop;
	(pc) =	sbr.rel @p0 .LBB2_1-.Ltmp1, $3  }
0xbd: {  	_ =	sdelay $0x1  }
0xbe: {  	[sflag:s11] =	ssyncset.done $0x0  }
0xbf: {  	[sflag:s11] =	ssyncadd.s32 $0xFFFFEC00  }
0xc0: {  	_ =	sfence.sel $0x180000  }
0xc1: {  	[bflag:$0x0] =	sbarrier.arrive $0xFFFF  }
0xc2: {  	_ =	strace $0x90000047  }
0xc3: {  	s0 =	stileid.u32;
	[bflag:$0x2] =	sbarrier.arrive $0xFFFF  }
0xc4: {  	p0 =	sne.s32 s0, $0x0;
	s0 =	rddreg [dreg:$0x2]  }
0xc5: {  	s0 =	sadd.s32 @!p0 $0x100000, s0  }
0xc6: {  	[sflag:s0] =	ssyncadd.tile.s32 @!p0 $0x1;
	_ =	shalt  }
.Lfunc_end2:
_tile_overlayer_lowered:
.L_overlay_start_2:
0xc7: {  	(tag) =	ssettag $0x2  }
0xc8: {  	s0 =	rddreg [dreg:$0x0];
	s2 =	stileid.u32  }
0xc9: {  	s1 =	rddreg [dreg:$0x1];
	p0 =	sne.s32 s2, $0x0  }
0xca: {  	s3 =	rddreg [dreg:$0x2];
	[bflag:$0x3] =	sbarrier.arrive $0xFFFF;
	s2 =	simm.s32 @!p0 $0x1C09  }
0xcb: {  	[timem:s3], [sflag:s2] =	dma.local @!p0 [hbm:s0], s1  }
0xcc: {  	s0 =	simm.s32 @!p0 $0x9  }
0xcd: {  	_ =	swait.ge @!p0 [sflag:s0], s1  }
0xce: {  	s1 =	ssub.s32 @!p0 $0x0, s1;
	[sflag:s0] =	ssyncset.done @!p0 $0x0  }
0xcf: {  	[sflag:s0] =	ssyncadd.s32 @!p0 s1  }
0xd0: {  	[bflag:$0x3] =	sbarrier.arrive $0xFFFF  }
0xd1: {  	_ =	shalt  }

// kernel: kernel.20.cloned.1.call-start
scs
__scs_entry_jumppad:
0x0: {  	(pc) =	sbr.rel $0x88, $3  }
0x1: {  	(tag) =	ssettag $0x0;
	lr =	simm.s32 $0x1  }
0x2: {  	[smem:$0x3F95] =	sst lr;
	_ =	strace $0xD0000000  }
0x3: {  	_ = 	snop  }
0x4: {  	_ = 	snop  }
0x5: {  	_ = 	snop  }
0x6: {  	_ = 	snop  }
0x7: {  	_ = 	snop  }
__scs_overlays_trampoline_lowered:
0x8: {  	[smem:$0x3FA4] =	sst s0  }
0x9: {  	[smem:$0x3FA5] =	sst s1  }
0xa: {  	[smem:$0x3FA6] =	sst s2  }
0xb: {  	[smem:$0x3FA7] =	sst s3  }
0xc: {  	[smem:$0x3FA8] =	sst s4  }
0xd: {  	[smem:$0x3FA9] =	sst s5  }
0xe: {  	[smem:$0x3FAA] =	sst s6  }
0xf: {  	[smem:$0x3FAB] =	sst s7  }
0x10: {  	[smem:$0x3FAC] =	sst s8  }
0x11: {  	[smem:$0x3FAD] =	sst s9;
	s0 =	simm.s32 @!p0 $0x0  }
0x12: {  	s1 =	sld [smem:$0x3F93];
	s0 =	simm.s32 @p0 $0x1  }
0x13: {  	[smem:$0x3FAE] =	sst s0;
	s0 =	simm.s32 @!p1 $0x0  }
0x14: {  	s2 =	sld [smem:$0x3F92];
	s0 =	simm.s32 @p1 $0x1  }
0x15: {  	[smem:$0x3FAF] =	sst s0;
	s0 =	simm.s32 @!p2 $0x0  }
0x16: {  	s3 =	sld [smem:$0x3FDB];
	s0 =	simm.s32 @p2 $0x1  }
0x17: {  	s4 =	simm.s32 $0x1BF5;
	[smem:$0x3FB1] =	sst s0  }
0x18: {  	s0 =	sld [smem:$0x3F94];
	_ =	swait.ge [sflag:s4], $0x0  }
0x19: {  	s7 =	sld [smem:$0x3F95]  }
0x1a: {  	s8 =	sadd.s32 $0xFFFFE003, lr  }
0x1b: {  	s9 =	sadd.s32 $0xFFFFFEF7, lr;
	s5 =	simm.s32 $0xFFFFFFFF;
	p2 =	slt.u32 s8, $0xFFFFF086  }
0x1c: {  	p1 =	slt.u32 s9, $0xF7A;
	s5 =	simm.s32 @!p2 $0x0  }
0x1d: {  	s5 =	simm.s32 @p1 $0x1;
	p0 =	seq.s32 s7, s2  }
0x1e: {  	s7 =	smul.u32 @!p0 $0xF7A, s2;
	p2 =	seq.s32 @!p0 s5, $0x0  }
0x1f: {  	s9 =	smul.u32 $0xF7A, s1;
	s8 =	simm.s32 @!p0 $0x1BF5;
	p2 =	por !p2, p0  }
0x20: {  	[sflag:s8] =	ssyncset.s32 @!p0 $0xFFFFF086;
	s6 =	sadd.s32 @!p0 s3, s7;
	s7 =	simm.s32 @!p0 $0x108  }
0x21: {  	s3 =	sadd.s32 s3, s9;
	s6 =	sadd.s32 @!p0 $0x88, s6;
	s7 =	simm.s32 @p2 $0x1082  }
0x22: {  	[simem:s7], [sflag:s8] =	dma.local @!p0 [hbm:s6], $0xF7A  }
0x23: {  	s9 =	sor.u32 $0xD0000000, s2;
	s6 =	simm.s32 $0x108;
	_ =	swait.ge @!p0 [sflag:s8], $0x0  }
0x24: {  	s3 =	sadd.s32 $0x88, s3;
	s6 =	simm.s32 @!p1 $0x1082;
	[sflag:s4] =	ssyncset.s32 $0xFFFFF086  }
0x25: {  	[simem:s6], [sflag:s4] =	dma.local [hbm:s3], $0xF7A  }
0x26: {  	[smem:$0x3F95] =	sst s1;
	(tag) =	ssettag s2;
	_ =	strace s9  }
0x27: {  	s1 =	sld [smem:$0x3FA5]  }
0x28: {  	s2 =	sld [smem:$0x3FA6]  }
0x29: {  	s4 =	sld [smem:$0x3FA8]  }
0x2a: {  	p0 =	seq.s32 s5, $0x0;
	s5 =	sld [smem:$0x3FA9]  }
0x2b: {  	s6 =	sld [smem:$0x3FAA]  }
0x2c: {  	s7 =	sld [smem:$0x3FAB]  }
0x2d: {  	s3 =	simm.s32 $0x108;
	s8 =	sld [smem:$0x3FAC]  }
0x2e: {  	s3 =	simm.s32 @!p0 $0x1082;
	s9 =	sld [smem:$0x3FAD]  }
0x2f: {  	lr =	sadd.s32 s0, s3;
	s0 =	sld [smem:$0x3FA4]  }
0x30: {  	s3 =	sld [smem:$0x3FA7]  }
0x31: {  	[smem:$0x3FB0] =	sst s10  }
0x32: {  	s10 =	sld [smem:$0x3FAE];
	_ =	sdelay $0x3  }
0x33: {  	p0 =	seq.s32 s10, $0x1;
	s10 =	sld [smem:$0x3FB0];
	_ =	sdelay $0x3  }
0x34: {  	[smem:$0x3FB0] =	sst s10  }
0x35: {  	s10 =	sld [smem:$0x3FAF];
	_ =	sdelay $0x3  }
0x36: {  	p1 =	seq.s32 s10, $0x1;
	s10 =	sld [smem:$0x3FB0];
	_ =	sdelay $0x3  }
0x37: {  	[smem:$0x3FB0] =	sst s10  }
0x38: {  	s10 =	sld [smem:$0x3FB1]  }
0x39: {  	_ = 	snop;
	(pc) =	sbr.ind lr, $3  }
0x3a: {  	_ = 	snop  }
0x3b: {  	_ = 	snop  }
0x3c: {  	p2 =	seq.s32 s10, $0x1;
	s10 =	sld [smem:$0x3FB0]  }
0x3d: {  	_ =	shalt  }
0x3e: {  	_ =	shalt  }
0x3f: {  	_ =	shalt  }
0x40: {  	_ =	shalt  }
0x41: {  	_ =	shalt  }
0x42: {  	_ =	shalt  }
0x43: {  	_ =	shalt  }
0x44: {  	_ =	shalt  }
0x45: {  	_ =	shalt  }
0x46: {  	_ =	shalt  }
0x47: {  	_ =	shalt  }
0x48: {  	_ =	shalt  }
0x49: {  	_ =	shalt  }
0x4a: {  	_ =	shalt  }
0x4b: {  	_ =	shalt  }
0x4c: {  	_ =	shalt  }
0x4d: {  	_ =	shalt  }
0x4e: {  	_ =	shalt  }
0x4f: {  	_ =	shalt  }
0x50: {  	_ =	shalt  }
0x51: {  	_ =	shalt  }
0x52: {  	_ =	shalt  }
0x53: {  	_ =	shalt  }
0x54: {  	_ =	shalt  }
0x55: {  	_ =	shalt  }
0x56: {  	_ =	shalt  }
0x57: {  	_ =	shalt  }
0x58: {  	_ =	shalt  }
0x59: {  	_ =	shalt  }
0x5a: {  	_ =	shalt  }
0x5b: {  	_ =	shalt  }
0x5c: {  	_ =	shalt  }
0x5d: {  	_ =	shalt  }
0x5e: {  	_ =	shalt  }
0x5f: {  	_ =	shalt  }
0x60: {  	_ =	shalt  }
0x61: {  	_ =	shalt  }
0x62: {  	_ =	shalt  }
0x63: {  	_ =	shalt  }
0x64: {  	_ =	shalt  }
0x65: {  	_ =	shalt  }
0x66: {  	_ =	shalt  }
0x67: {  	_ =	shalt  }
0x68: {  	_ =	shalt  }
0x69: {  	_ =	shalt  }
0x6a: {  	_ =	shalt  }
0x6b: {  	_ =	shalt  }
0x6c: {  	_ =	shalt  }
0x6d: {  	_ =	shalt  }
0x6e: {  	_ =	shalt  }
0x6f: {  	_ =	shalt  }
0x70: {  	_ =	shalt  }
0x71: {  	_ =	shalt  }
0x72: {  	_ =	shalt  }
0x73: {  	_ =	shalt  }
0x74: {  	_ =	shalt  }
0x75: {  	_ =	shalt  }
0x76: {  	_ =	shalt  }
0x77: {  	_ =	shalt  }
0x78: {  	_ =	shalt  }
0x79: {  	_ =	shalt  }
0x7a: {  	_ =	shalt  }
0x7b: {  	_ =	shalt  }
0x7c: {  	_ =	shalt  }
0x7d: {  	_ =	shalt  }
0x7e: {  	_ =	shalt  }
0x7f: {  	_ =	shalt  }
0x80: {  	_ =	shalt  }
0x81: {  	_ =	shalt  }
0x82: {  	_ =	shalt  }
0x83: {  	_ =	shalt  }
0x84: {  	_ =	shalt  }
0x85: {  	_ =	shalt  }
0x86: {  	_ =	shalt  }
0x87: {  	_ =	shalt  }
.Lfunc_end0:
.L_simem_size_0:
called_computation.2_lowered:
.L_overlay_start_0:
0x88: {  	s2 =	sld [smem:$0x3FD9]  }
0x89: {  	s3 =	sld [smem:$0x3FFE];
	_ =	sdelay $0x1  }
0x8a: {  	s1 =	srdreg.scid  }
0x8b: {  	s0 =	sand.u32 $0x1, s1  }
0x8c: {  	s16 =	sshll.u32 s0, $0xA;
	s2 =	sadd.s32 s3, s2  }
0x8d: {  	s2 =	sadd.s32 s2, s16  }
0x8e: {  	[smem:$0x3FBC] =	sst s2  }
0x8f: {  	_ = 	snop  }
0x90: {  	(tm) =	ssettm $0x1  }
0x91: {  	s17 =	sld [smem:$0x3FFB];
	_ =	sdelay $0x3  }
0x92: {  	_ =	strace s17  }
0x93: {  	s2 =	sld [smem:$0x3FFC];
	_ =	sdelay $0x3  }
0x94: {  	_ =	strace s2  }
0x95: {  	s2 =	sld [smem:$0x3FFD];
	_ =	sdelay $0x3  }
0x96: {  	_ =	strace s2  }
0x97: {  	_ =	strace $0x8FFFFFFF  }
0x98: {  	s18 =	sld [smem:$0x3FDB];
	_ =	sdelay $0x1  }
0x99: {  	s19 =	simm.s32 $_scs_section_size  }
0x9a: {  	s4 =	simm.s32 $_size__tile_overlayer_lowered;
	s5 =	simm.s32 $_tile_overlayer_lowered  }
0x9b: {  	s22 =	simm.s32 $0x1BFF;
	s21 =	sshll.u32 s5, $0x1;
	s2 =	sadd.s32 s19, s18  }
0x9c: {  	s6 =	simm.s32 $0x0;
	s20 =	sshll.u32 s4, $0x1;
	s4 =	sadd.s32 s21, s2  }
0x9d: {  	[timem:s6], [sflag:s22] =	dma.local [hbm:s4], s20  }
0x9e: {  	_ =	swait.ge [sflag:s22], s20  }
0x9f: {  	s3 =	ssub.s32 $0x0, s20;
	[sflag:s22] =	ssyncset.done $0x0  }
0xa0: {  	[sflag:s22] =	ssyncadd.s32 s3;
	_ =	sdelay $0x1  }
0xa1: {  	s23 =	simm.s32 $0x1B8B  }
0xa2: {  	_ =	swait.ge [sflag:s23], $0x1  }
0xa3: {  	[sflag:s23] =	ssyncset.done $0x0  }
0xa4: {  	s25 =	simm.s32 $0x1B8E;
	s24 =	sld [smem:$0x3FFE];
	[sflag:s23] =	ssyncadd.s32 $0xFFFFFFFF  }
0xa5: {  	s26 =	simm.s32 $execute0_lowered;
	[smem:$0x3FD2] =	sst s25  }
0xa6: {  	s4 =	sshll.u32 s26, $0x1;
	_ =	strace $0x8000004C;
	[dreg:$0x1] =	wrdreg $0xFFFFFFFF  }
0xa7: {  	s28 =	simm.s32 $_size_execute0_lowered;
	s2 =	sadd.s32 s2, s4;
	[dreg:$0x0] =	wrdreg $0x0  }
0xa8: {  	s4 =	sshll.u32 s28, $0x1;
	[dreg:$0x2] =	wrdreg s2  }
0xa9: {  	[dreg:$0x3] =	wrdreg s4  }
0xaa: {  	[dreg:$0x4] =	wrdreg $0xC0  }
0xab: {  	_ =	task [dreg:s6], $0x5FFFF  }
0xac: {  	[dreg:$0x1] =	wrdreg $0xFFFFFFFF  }
0xad: {  	[dreg:$0x0] =	wrdreg $0x60  }
0xae: {  	[dreg:$0x2] =	wrdreg s24  }
0xaf: {  	[dreg:$0x3] =	wrdreg $0x84000  }
0xb0: {  	[dreg:$0x4] =	wrdreg $0x9  }
0xb1: {  	_ =	task.clear_ibuf [dreg:s6], $0x5FFFF;
	_ =	strace $0x9000004C  }
0xb2: {  	s29 =	simm.s32 $0x9;
	_ =	strace $0x8000004E  }
0xb3: {  	_ =	swait.ge [sflag:s29], $0x1  }
0xb4: {  	[sflag:s29] =	ssyncadd.s32 $0xFFFFFFFF  }
0xb5: {  	_ =	strace $0x9000004E  }
0xb6: {  	_ =	sfence  }
0xb7: {  	s30 =	sld [smem:$0x0];
	_ =	sdelay $0x2  }
0xb8: {  	s31 =	sshll.u32 s1, $0xD;
	s1 =	sshrl.u32 s1, $0x2  }
0xb9: {  	s3 =	sand.u32 $0x4000, s31;
	s1 =	sadd.s32 s1, s30  }
0xba: {  	s0 =	sor.u32 s3, s0;
	s1 =	sshll.u32 s1, $0x11  }
0xbb: {  	s0 =	sor.u32 s1, s0  }
0xbc: {  	s0 =	sadd.s32 $0x8F2B, s0  }
0xbd: {  	[sflag:s0] =	ssyncadd.remote.s32 $0x1  }
0xbe: {  	_ =	sfence.sel $0xFFFF  }
0xbf: {  	[dreg:$0x0] =	wrdreg $0xFFFFFFFF;
	(pc) =	sbr.abs _section_cstart, $3  }
0xc0: {  	[dreg:$0x1] =	wrdreg $0xFFFFFFFF  }
0xc1: {  	_ =	task.clear_ibuf [dreg:s6], $0x2FFFF;
	_ =	strace $0x9FFFFFFF  }
0xc2: {  	(tm) =	ssettm $0x7FFFFFFF  }
0xc3: {  	_ =	shalt  }
tec
execute0_lowered:
.L_overlay_start_1:
0x0: {  	(tag) =	ssettag $0x1  }
0x1: {  	s0 =	rddreg [dreg:$0x0]  }
0x2: {  	s1 =	rddreg [dreg:$0x1]  }
0x3: {  	s3 =	simm.s32 $0x0;
	s12 =	stileid.u32;
	s2 =	srdreg.scid  }
0x4: {  	s16 =	simm.s32 $0x1;
	s17 =	simm.s32 $0x80;
	s18 =	simm.s32 $0x280  }
0x5: {  	s19 =	simm.s32 $0x400;
	s28 =	simm.s32 $0x3;
	s29 =	simm.s32 $0x180  }
0x6: {  	s30 =	simm.s32 $0x380;
	s31 =	simm.s32 $0x7;
	[smem:$0x7FF] =	sst s3  }
0x7: {  	s4 =	sadd.s32 $0x19800, s0;
	s7 =	smul.u32 $0xA000, s12;
	s2 =	sand.u32 $0x1, s2  }
0x8: {  	s5 =	sadd.s32 $0xF800, s0;
	s6 =	sadd.s32 $0x5800, s0;
	s20 =	smul.u32 $0x28000, s12  }
0x9: {  	s25 =	sshll.u32 s12, $0x6;
	_ =	strace $0x8000004D;
	s8 =	smul.u32 $0x140000, s2  }
0xa: {  	s9 =	sshll.u32 s2, $0x4;
	s2 =	ssub.s32 $0x2, s2;
	s10 =	sshrl.u32 s7, $0x3  }
0xb: {  	s9 =	sor.u32 s12, s9;
	s21 =	sshrl.u32 s2, $0x1;
	s23 =	sshrl.u32 s20, $0x2  }
0xc: {  	s20 =	simm.s32 $0x5;
	s12 =	simm.s32 $0x0;
	s10 =	sadd.s32 s10, s0  }
0xd: {  	s8 =	sadd.s32 s7, s8;
	s7 =	smul.u32 $0x2800, s9;
	s2 =	ssub.s32 s2, s21  }
0xe: {  	s9 =	sor.u32 $0x1C09, s25;
	s21 =	simm.s32 $0x200;
	s25 =	simm.s32 $0x4400  }
0xf: {  	s8 =	sshrl.u32 s8, $0x3;
	s10 =	sadd.s32 $0x41800, s10;
	s26 =	smax.u32 s2, $0x1  }
0x10: {  	s2 =	simm.s32 $0x8;
	[dreg:$0x6] =	wrdreg s9;
	s0 =	sadd.s32 s8, s0  }
0x11: {  	s11 =	sshrl.u32 s7, $0x3;
	s8 =	sadd.s32 s23, s1;
	[dreg:$0x5] =	wrdreg s10  }
0x12: {  	[dreg:$0x8] =	wrdreg s26;
	s23 =	simm.s32 $0x100;
	s22 =	sadd.s32 s5, s11  }
0x13: {  	s26 =	simm.s32 $0x6;
	s24 =	sadd.s32 s6, s11;
	[dreg:$0x3] =	wrdreg s22  }
0x14: {  	s0 =	sadd.s32 $0x91800, s0;
	s10 =	sshrl.u32 s8, $0x3;
	[dreg:$0x4] =	wrdreg s24  }
0x15: {  	s11 =	simm.s32 $0x9;
	[dreg:$0x7] =	wrdreg s0;
	s22 =	simm.s32 $0x2  }
0x16: {  	s24 =	simm.s32 $0x300;
	s0 =	simm.s32 $0x4;
	[dreg:$0x9] =	wrdreg s10  }
.LBB2_1:
0x17: {  	[dreg:$0xa] =	wrdreg s12  }
0x18: {  	s8 =	rddreg [dreg:$0x3]  }
0x19: {  	s12 =	rddreg [dreg:$0x4]  }
0x1a: {  	[tilespmem:s3], [sflag:$0x1] =	stream.linear.gather [hbm4b:s8+s3], $0x80, $0x38;
	[tilespmem:$0x1C400] =	vst v63  }
0x1b: {  	s13 =	rddreg [dreg:$0x5]  }
0x1c: {  	[tilespmem:s21], [sflag:$0x1] =	stream.linear.gather [hbm4b:s12+s3], $0x80, $0x38;
	[tilespmem:$0x1C400] =	vst v63  }
0x1d: {  	[spmem:s10], [sflag:s9] =	dma.local [hbm:s13], $0x1400  }
0x1e: {  	_ =	swait.ge [sflag:s11], $0x1400  }
0x1f: {  	[sflag:s11] =	ssyncset.done $0x0  }
0x20: {  	[sflag:s11] =	ssyncadd.s32 $0xFFFFEC00  }
0x21: {  	s14 =	simm.s32 $0x0;
	[bflag:$0x0] =	sbarrier.arrive $0xFFFF  }
0x22: {  	s15 =	sand.u32 $0x3C00, s14;
	_ =	swait.ge [sflag:s16], $0x80  }
0x23: {  	s10 =	sadd.s32 s7, s15;
	s9 =	sand.u32 $0x200, s14;
	[sflag:s16] =	ssyncset.done $0x0  }
0x24: {  	s9 =	sor.u32 s9, s10;
	[sflag:s16] =	ssyncadd.s32 $0xFFFFFF80  }
0x25: {  	s9 =	sshrl.u32 s9, $0x3;
	_ =	swait.ge [sflag:s16], $0x80  }
0x26: {  	s8 =	sor.u32 $0x10, s9;
	[sflag:s16] =	ssyncset.done $0x0  }
0x27: {  	s11 =	sadd.s32 s5, s8;
	[sflag:s16] =	ssyncadd.s32 $0xFFFFFF80  }
0x28: {  	[tilespmem:s17], [sflag:$0x2] =	stream.linear.gather [hbm4b:s11+s3], $0x80, $0x38;
	[tilespmem:$0x1C400] =	vst v63  }
0x29: {  	p0 =	por $0x1, $0x1;
	s10 =	sadd.s32 s6, s8  }
0x2a: {  	[tilespmem:s18], [sflag:$0x2] =	stream.linear.gather [hbm4b:s10+s3], $0x80, $0x38;
	[tilespmem:$0x1C400] =	vst v63  }
0x2b: {  	s10 =	simm.s32 @!p0 $0x7  }
0x2c: {  	_ =	swait.ge @!p0 [sflag:s10], $0x4000  }
0x2d: {  	[sflag:s10] =	ssyncset.done @!p0 $0x0  }
0x2e: {  	[sflag:s10] =	ssyncadd.s32 @!p0 $0xFFFFC000  }
0x2f: {  	[tilespmem:s19], [sflag:$0x5] =	stream.indirect.gather [hbm4b:s4+s17], $0x80, s3, s17, $0xb8;
	[tilespmem:$0x1C400] =	vst v63  }
0x30: {  	_ =	swait.ge [sflag:s20], $0x4000  }
0x31: {  	[sflag:s20] =	ssyncset.done $0x0  }
0x32: {  	[sflag:s20] =	ssyncadd.s32 $0xFFFFC000  }
0x33: {  	[spmem:s1] =	stream.indirect.scatter.add.f32 [tilespmem:s19], [sflag:$0x7], $0x80, s21, s17, $0xb8;
	[tilespmem:$0x1C400] =	vst v63  }
0x34: {  	_ =	swait.ge [sflag:s22], $0x80  }
0x35: {  	[sflag:s22] =	ssyncset.done $0x0  }
0x36: {  	[sflag:s22] =	ssyncadd.s32 $0xFFFFFF80  }
0x37: {  	_ =	swait.ge [sflag:s22], $0x80  }
0x38: {  	s13 =	sor.u32 $0x20, s9;
	[sflag:s22] =	ssyncset.done $0x0  }
0x39: {  	s14 =	sadd.s32 s5, s13;
	[sflag:s22] =	ssyncadd.s32 $0xFFFFFF80  }
0x3a: {  	[tilespmem:s23], [sflag:$0x3] =	stream.linear.gather [hbm4b:s14+s3], $0x80, $0x38;
	[tilespmem:$0x1C400] =	vst v63  }
0x3b: {  	s12 =	simm.s32 @!p0 $0x8;
	s10 =	sadd.s32 s6, s13  }
0x3c: {  	[tilespmem:s24], [sflag:$0x3] =	stream.linear.gather [hbm4b:s10+s3], $0x80, $0x38;
	[tilespmem:$0x1C400] =	vst v63  }
0x3d: {  	_ =	swait.ge @!p0 [sflag:s12], $0x4000  }
0x3e: {  	[sflag:s12] =	ssyncset.done @!p0 $0x0  }
0x3f: {  	[sflag:s12] =	ssyncadd.s32 @!p0 $0xFFFFC000  }
0x40: {  	[tilespmem:s25], [sflag:$0x6] =	stream.indirect.gather [hbm4b:s4+s17], $0x80, s17, s17, $0xb8;
	[tilespmem:$0x1C400] =	vst v63  }
0x41: {  	_ =	swait.ge [sflag:s26], $0x4000  }
0x42: {  	[sflag:s26] =	ssyncset.done $0x0  }
0x43: {  	[sflag:s26] =	ssyncadd.s32 $0xFFFFC000  }
0x44: {  	[spmem:s1] =	stream.indirect.scatter.add.f32 [tilespmem:s25], [sflag:$0x8], $0x80, s18, s17, $0xb8;
	[tilespmem:$0x1C400] =	vst v63  }
0x45: {  	_ =	swait.ge [sflag:s28], $0x80  }
0x46: {  	[sflag:s28] =	ssyncset.done $0x0  }
0x47: {  	[sflag:s28] =	ssyncadd.s32 $0xFFFFFF80  }
0x48: {  	_ =	swait.ge [sflag:s28], $0x80  }
0x49: {  	s9 =	sor.u32 $0x30, s9;
	[sflag:s28] =	ssyncset.done $0x0  }
0x4a: {  	s15 =	sadd.s32 s5, s9;
	[sflag:s28] =	ssyncadd.s32 $0xFFFFFF80  }
0x4b: {  	[tilespmem:s29], [sflag:$0x4] =	stream.linear.gather [hbm4b:s15+s3], $0x80, $0x38;
	[tilespmem:$0x1C400] =	vst v63  }
0x4c: {  	s9 =	sadd.s32 s6, s9  }
0x4d: {  	[tilespmem:s30], [sflag:$0x4] =	stream.linear.gather [hbm4b:s9+s3], $0x80, $0x38;
	[tilespmem:$0x1C400] =	vst v63  }
0x4e: {  	_ =	swait.ge [sflag:s31], $0x4000  }
0x4f: {  	[sflag:s31] =	ssyncset.done $0x0  }
0x50: {  	[sflag:s31] =	ssyncadd.s32 $0xFFFFC000  }
0x51: {  	[tilespmem:s19], [sflag:$0x5] =	stream.indirect.gather [hbm4b:s4+s17], $0x80, s23, s17, $0xb8;
	[tilespmem:$0x1C400] =	vst v63  }
0x52: {  	_ =	swait.ge [sflag:s20], $0x4000  }
0x53: {  	[sflag:s20] =	ssyncset.done $0x0  }
0x54: {  	[sflag:s20] =	ssyncadd.s32 $0xFFFFC000  }
0x55: {  	[spmem:s1] =	stream.indirect.scatter.add.f32 [tilespmem:s19], [sflag:$0x7], $0x80, s24, s17, $0xb8;
	[tilespmem:$0x1C400] =	vst v63  }
0x56: {  	p0 =	por $0x0, $0x0;
	_ =	swait.ge [sflag:s0], $0x80  }
0x57: {  	s9 =	sand.u32 @!p0 $0x7C00, s21;
	[sflag:s0] =	ssyncset.done $0x0  }
0x58: {  	s10 =	sand.u32 @!p0 $0x200, s21;
	s9 =	sadd.s32 @!p0 s7, s9;
	[sflag:s0] =	ssyncadd.s32 $0xFFFFFF80  }
0x59: {  	s9 =	sor.u32 @!p0 s10, s9;
	_ =	swait.ge [sflag:s0], $0x80  }
0x5a: {  	s9 =	sshrl.u32 @!p0 s9, $0x3;
	[sflag:s0] =	ssyncset.done $0x0  }
0x5b: {  	s10 =	simm.s32 @!p0 $0x0;
	s12 =	sadd.s32 @!p0 s5, s9;
	[sflag:s0] =	ssyncadd.s32 $0xFFFFFF80  }
0x5c: {  	[tilespmem:s10], [sflag:$0x1] =	stream.linear.gather @!p0 [hbm4b:s12+s10], $0x80, $0x38;
	[tilespmem:$0x1C400] =	vst v63  }
0x5d: {  	s9 =	sadd.s32 @!p0 s6, s9;
	s12 =	simm.s32 @!p0 $0x200  }
0x5e: {  	[tilespmem:s12], [sflag:$0x1] =	stream.linear.gather @!p0 [hbm4b:s9+s10], $0x80, $0x38;
	[tilespmem:$0x1C400] =	vst v63  }
0x5f: {  	_ =	swait.ge [sflag:s2], $0x4000  }
0x60: {  	[sflag:s2] =	ssyncset.done $0x0  }
0x61: {  	[sflag:s2] =	ssyncadd.s32 $0xFFFFC000  }
0x62: {  	[tilespmem:s25], [sflag:$0x6] =	stream.indirect.gather [hbm4b:s4+s17], $0x80, s29, s17, $0xb8;
	[tilespmem:$0x1C400] =	vst v63  }
0x63: {  	_ =	swait.ge [sflag:s26], $0x4000  }
0x64: {  	s9 =	simm.s32 $0x1;
	s10 =	simm.s32 $0x400;
	[sflag:s26] =	ssyncset.done $0x0  }
.LBB2_2:
0x65: {  	s13 =	sadd.s32 $0xFFFFFE00, s10  }
0x66: {  	[sflag:s26] =	ssyncadd.s32 $0xFFFFC000;
	s12 =	smov.u32 s9;
	s9 =	sadd.s32 $0x1, s9  }
0x67: {  	[spmem:s1] =	stream.indirect.scatter.add.f32 [tilespmem:s25], [sflag:$0x8], $0x80, s30, s17, $0xb8;
	[tilespmem:$0x1C400] =	vst v63  }
0x68: {  	s11 =	sand.u32 $0x3C00, s13;
	p0 =	sne.s32 s9, $0x14;
	_ =	swait.ge [sflag:s16], $0x80  }
0x69: {  	s13 =	sand.u32 $0x200, s13;
	s11 =	sadd.s32 s7, s11;
	[sflag:s16] =	ssyncset.done $0x0  }
0x6a: {  	s11 =	sor.u32 s13, s11;
	[sflag:s16] =	ssyncadd.s32 $0xFFFFFF80  }
0x6b: {  	s11 =	sshrl.u32 s11, $0x3;
	_ =	swait.ge [sflag:s16], $0x80  }
0x6c: {  	s14 =	sor.u32 $0x10, s11;
	s15 =	sor.u32 $0x20, s11;
	[sflag:s16] =	ssyncset.done $0x0  }
0x6d: {  	s13 =	sor.u32 $0x30, s11;
	s8 =	sadd.s32 s5, s14;
	[sflag:s16] =	ssyncadd.s32 $0xFFFFFF80  }
0x6e: {  	[tilespmem:s17], [sflag:$0x2] =	stream.linear.gather [hbm4b:s8+s3], $0x80, $0x38;
	[tilespmem:$0x1C400] =	vst v63  }
0x6f: {  	p1 =	seq.s32 s12, $0x0;
	s8 =	sadd.s32 s6, s14  }
0x70: {  	[tilespmem:s18], [sflag:$0x2] =	stream.linear.gather [hbm4b:s8+s3], $0x80, $0x38;
	[tilespmem:$0x1C400] =	vst v63  }
0x71: {  	s8 =	simm.s32 @!p1 $0x7  }
0x72: {  	_ =	swait.ge @!p1 [sflag:s8], $0x4000  }
0x73: {  	[sflag:s8] =	ssyncset.done @!p1 $0x0  }
0x74: {  	[sflag:s8] =	ssyncadd.s32 @!p1 $0xFFFFC000  }
0x75: {  	[tilespmem:s19], [sflag:$0x5] =	stream.indirect.gather [hbm4b:s4+s17], $0x80, s3, s17, $0xb8;
	[tilespmem:$0x1C400] =	vst v63  }
0x76: {  	_ =	swait.ge [sflag:s20], $0x4000  }
0x77: {  	[sflag:s20] =	ssyncset.done $0x0  }
0x78: {  	[sflag:s20] =	ssyncadd.s32 $0xFFFFC000  }
0x79: {  	[spmem:s1] =	stream.indirect.scatter.add.f32 [tilespmem:s19], [sflag:$0x7], $0x80, s21, s17, $0xb8;
	[tilespmem:$0x1C400] =	vst v63  }
0x7a: {  	_ =	swait.ge [sflag:s22], $0x80  }
0x7b: {  	[sflag:s22] =	ssyncset.done $0x0  }
0x7c: {  	[sflag:s22] =	ssyncadd.s32 $0xFFFFFF80  }
0x7d: {  	_ =	swait.ge [sflag:s22], $0x80  }
0x7e: {  	s8 =	sadd.s32 s5, s15;
	[sflag:s22] =	ssyncset.done $0x0  }
0x7f: {  	s11 =	sadd.s32 s6, s15;
	[sflag:s22] =	ssyncadd.s32 $0xFFFFFF80  }
0x80: {  	[tilespmem:s23], [sflag:$0x3] =	stream.linear.gather [hbm4b:s8+s3], $0x80, $0x38;
	[tilespmem:$0x1C400] =	vst v63  }
0x81: {  	s8 =	simm.s32 @!p1 $0x8  }
0x82: {  	[tilespmem:s24], [sflag:$0x3] =	stream.linear.gather [hbm4b:s11+s3], $0x80, $0x38;
	[tilespmem:$0x1C400] =	vst v63  }
0x83: {  	_ =	swait.ge @!p1 [sflag:s8], $0x4000  }
0x84: {  	[sflag:s8] =	ssyncset.done @!p1 $0x0  }
0x85: {  	[sflag:s8] =	ssyncadd.s32 @!p1 $0xFFFFC000  }
0x86: {  	[tilespmem:s25], [sflag:$0x6] =	stream.indirect.gather [hbm4b:s4+s17], $0x80, s17, s17, $0xb8;
	[tilespmem:$0x1C400] =	vst v63  }
0x87: {  	_ =	swait.ge [sflag:s26], $0x4000  }
0x88: {  	[sflag:s26] =	ssyncset.done $0x0  }
0x89: {  	[sflag:s26] =	ssyncadd.s32 $0xFFFFC000  }
0x8a: {  	[spmem:s1] =	stream.indirect.scatter.add.f32 [tilespmem:s25], [sflag:$0x8], $0x80, s18, s17, $0xb8;
	[tilespmem:$0x1C400] =	vst v63  }
0x8b: {  	_ =	swait.ge [sflag:s28], $0x80  }
0x8c: {  	[sflag:s28] =	ssyncset.done $0x0  }
0x8d: {  	[sflag:s28] =	ssyncadd.s32 $0xFFFFFF80  }
0x8e: {  	_ =	swait.ge [sflag:s28], $0x80  }
0x8f: {  	s8 =	sadd.s32 s5, s13;
	[sflag:s28] =	ssyncset.done $0x0  }
0x90: {  	s11 =	sadd.s32 s6, s13;
	[sflag:s28] =	ssyncadd.s32 $0xFFFFFF80  }
0x91: {  	[tilespmem:s29], [sflag:$0x4] =	stream.linear.gather [hbm4b:s8+s3], $0x80, $0x38;
	[tilespmem:$0x1C400] =	vst v63  }
0x92: {  	_ = 	snop  }
0x93: {  	[tilespmem:s30], [sflag:$0x4] =	stream.linear.gather [hbm4b:s11+s3], $0x80, $0x38;
	[tilespmem:$0x1C400] =	vst v63  }
0x94: {  	_ =	swait.ge [sflag:s31], $0x4000  }
0x95: {  	[sflag:s31] =	ssyncset.done $0x0  }
0x96: {  	[sflag:s31] =	ssyncadd.s32 $0xFFFFC000  }
0x97: {  	[tilespmem:s19], [sflag:$0x5] =	stream.indirect.gather [hbm4b:s4+s17], $0x80, s23, s17, $0xb8;
	[tilespmem:$0x1C400] =	vst v63  }
0x98: {  	_ =	swait.ge [sflag:s20], $0x4000  }
0x99: {  	[sflag:s20] =	ssyncset.done $0x0  }
0x9a: {  	p1 =	sgt.u32 s12, $0x12;
	[sflag:s20] =	ssyncadd.s32 $0xFFFFC000  }
0x9b: {  	[spmem:s1] =	stream.indirect.scatter.add.f32 [tilespmem:s19], [sflag:$0x7], $0x80, s24, s17, $0xb8;
	[tilespmem:$0x1C400] =	vst v63  }
0x9c: {  	s8 =	sand.u32 @!p1 $0x7C00, s10;
	_ =	swait.ge [sflag:s0], $0x80  }
0x9d: {  	s8 =	sadd.s32 @!p1 s7, s8;
	s11 =	sand.u32 @!p1 $0x200, s10;
	[sflag:s0] =	ssyncset.done $0x0  }
0x9e: {  	s8 =	sor.u32 @!p1 s11, s8;
	[sflag:s0] =	ssyncadd.s32 $0xFFFFFF80  }
0x9f: {  	s11 =	simm.s32 @!p1 $0x0;
	s8 =	sshrl.u32 @!p1 s8, $0x3;
	_ =	swait.ge [sflag:s0], $0x80  }
0xa0: {  	s12 =	sadd.s32 @!p1 s5, s8;
	s8 =	sadd.s32 @!p1 s6, s8;
	[sflag:s0] =	ssyncset.done $0x0  }
0xa1: {  	s13 =	simm.s32 @!p1 $0x200;
	[sflag:s0] =	ssyncadd.s32 $0xFFFFFF80  }
0xa2: {  	[tilespmem:s11], [sflag:$0x1] =	stream.linear.gather @!p1 [hbm4b:s12+s11], $0x80, $0x38;
	[tilespmem:$0x1C400] =	vst v63  }
0xa3: {  	_ = 	snop  }
0xa4: {  	[tilespmem:s13], [sflag:$0x1] =	stream.linear.gather @!p1 [hbm4b:s8+s11], $0x80, $0x38;
	[tilespmem:$0x1C400] =	vst v63  }
0xa5: {  	_ =	swait.ge [sflag:s2], $0x4000  }
.Ltmp0:
0xa6: {  	[sflag:s2] =	ssyncset.done $0x0;
	(pc) =	sbr.rel @p0 .LBB2_2-.Ltmp0, $4  }
0xa7: {  	[sflag:s2] =	ssyncadd.s32 $0xFFFFC000  }
0xa8: {  	[tilespmem:s25], [sflag:$0x6] =	stream.indirect.gather [hbm4b:s4+s17], $0x80, s29, s17, $0xb8;
	[tilespmem:$0x1C400] =	vst v63  }
0xa9: {  	_ =	swait.ge [sflag:s26], $0x4000  }
0xaa: {  	s10 =	sadd.s32 $0x200, s10;
	[sflag:s26] =	ssyncset.done $0x0  }
0xab: {  	[sflag:s26] =	ssyncadd.s32 $0xFFFFC000  }
0xac: {  	[spmem:s1] =	stream.indirect.scatter.add.f32 [tilespmem:s25], [sflag:$0x8], $0x80, s30, s17, $0xb8;
	[tilespmem:$0x1C400] =	vst v63  }
0xad: {  	_ =	swait.ge [sflag:s31], $0x4000  }
0xae: {  	[sflag:s31] =	ssyncset.done $0x0  }
0xaf: {  	[sflag:s31] =	ssyncadd.s32 $0xFFFFC000  }
0xb0: {  	_ =	swait.ge [sflag:s2], $0x4000  }
0xb1: {  	[sflag:s2] =	ssyncset.done $0x0  }
0xb2: {  	[sflag:s2] =	ssyncadd.s32 $0xFFFFC000  }
0xb3: {  	[bflag:$0x0] =	sbarrier.arrive $0xFFFF  }
0xb4: {  	s9 =	rddreg [dreg:$0x6]  }
0xb5: {  	s8 =	rddreg [dreg:$0x7]  }
0xb6: {  	s11 =	simm.s32 $0x9;
	s10 =	rddreg [dreg:$0x9]  }
0xb7: {  	[hbm:s8], [sflag:s9] =	dma.local [spmem:s10], $0x1400  }
0xb8: {  	_ =	swait.ge [sflag:s11], $0x1400  }
0xb9: {  	s12 =	rddreg [dreg:$0xa]  }
0xba: {  	s15 =	rddreg [dreg:$0x8];
	s12 =	sadd.s32 $0x1, s12  }
0xbb: {  	p0 =	sne.s32 s12, s15  }
.Ltmp1:
0xbc: {  	_ = 	snop;
	(pc) =	sbr.rel @p0 .LBB2_1-.Ltmp1, $3  }
0xbd: {  	_ =	sdelay $0x1  }
0xbe: {  	[sflag:s11] =	ssyncset.done $0x0  }
0xbf: {  	[sflag:s11] =	ssyncadd.s32 $0xFFFFEC00  }
0xc0: {  	_ =	sfence.sel $0x180000  }
0xc1: {  	[bflag:$0x0] =	sbarrier.arrive $0xFFFF  }
0xc2: {  	_ =	strace $0x9000004D  }
0xc3: {  	s0 =	stileid.u32;
	[bflag:$0x2] =	sbarrier.arrive $0xFFFF  }
0xc4: {  	p0 =	sne.s32 s0, $0x0;
	s0 =	rddreg [dreg:$0x2]  }
0xc5: {  	s0 =	sadd.s32 @!p0 $0x100000, s0  }
0xc6: {  	[sflag:s0] =	ssyncadd.tile.s32 @!p0 $0x1;
	_ =	shalt  }
.Lfunc_end2:
_tile_overlayer_lowered:
.L_overlay_start_2:
0xc7: {  	(tag) =	ssettag $0x2  }
0xc8: {  	s0 =	rddreg [dreg:$0x0];
	s2 =	stileid.u32  }
0xc9: {  	s1 =	rddreg [dreg:$0x1];
	p0 =	sne.s32 s2, $0x0  }
0xca: {  	s3 =	rddreg [dreg:$0x2];
	[bflag:$0x3] =	sbarrier.arrive $0xFFFF;
	s2 =	simm.s32 @!p0 $0x1C09  }
0xcb: {  	[timem:s3], [sflag:s2] =	dma.local @!p0 [hbm:s0], s1  }
0xcc: {  	s0 =	simm.s32 @!p0 $0x9  }
0xcd: {  	_ =	swait.ge @!p0 [sflag:s0], s1  }
0xce: {  	s1 =	ssub.s32 @!p0 $0x0, s1;
	[sflag:s0] =	ssyncset.done @!p0 $0x0  }
0xcf: {  	[sflag:s0] =	ssyncadd.s32 @!p0 s1  }
0xd0: {  	[bflag:$0x3] =	sbarrier.arrive $0xFFFF  }
0xd1: {  	_ =	shalt  }

// kernel: kernel.23.cloned.1.call-start
scs
__scs_entry_jumppad:
0x0: {  	(pc) =	sbr.rel $0x88, $3  }
0x1: {  	(tag) =	ssettag $0x0;
	lr =	simm.s32 $0x1  }
0x2: {  	[smem:$0x3F95] =	sst lr;
	_ =	strace $0xD0000000  }
0x3: {  	_ = 	snop  }
0x4: {  	_ = 	snop  }
0x5: {  	_ = 	snop  }
0x6: {  	_ = 	snop  }
0x7: {  	_ = 	snop  }
__scs_overlays_trampoline_lowered:
0x8: {  	[smem:$0x3FA4] =	sst s0  }
0x9: {  	[smem:$0x3FA5] =	sst s1  }
0xa: {  	[smem:$0x3FA6] =	sst s2  }
0xb: {  	[smem:$0x3FA7] =	sst s3  }
0xc: {  	[smem:$0x3FA8] =	sst s4  }
0xd: {  	[smem:$0x3FA9] =	sst s5  }
0xe: {  	[smem:$0x3FAA] =	sst s6  }
0xf: {  	[smem:$0x3FAB] =	sst s7  }
0x10: {  	[smem:$0x3FAC] =	sst s8  }
0x11: {  	[smem:$0x3FAD] =	sst s9;
	s0 =	simm.s32 @!p0 $0x0  }
0x12: {  	s1 =	sld [smem:$0x3F93];
	s0 =	simm.s32 @p0 $0x1  }
0x13: {  	[smem:$0x3FAE] =	sst s0;
	s0 =	simm.s32 @!p1 $0x0  }
0x14: {  	s2 =	sld [smem:$0x3F92];
	s0 =	simm.s32 @p1 $0x1  }
0x15: {  	[smem:$0x3FAF] =	sst s0;
	s0 =	simm.s32 @!p2 $0x0  }
0x16: {  	s3 =	sld [smem:$0x3FDB];
	s0 =	simm.s32 @p2 $0x1  }
0x17: {  	s4 =	simm.s32 $0x1BF5;
	[smem:$0x3FB1] =	sst s0  }
0x18: {  	s0 =	sld [smem:$0x3F94];
	_ =	swait.ge [sflag:s4], $0x0  }
0x19: {  	s7 =	sld [smem:$0x3F95]  }
0x1a: {  	s8 =	sadd.s32 $0xFFFFE003, lr  }
0x1b: {  	s9 =	sadd.s32 $0xFFFFFEF7, lr;
	s5 =	simm.s32 $0xFFFFFFFF;
	p2 =	slt.u32 s8, $0xFFFFF086  }
0x1c: {  	p1 =	slt.u32 s9, $0xF7A;
	s5 =	simm.s32 @!p2 $0x0  }
0x1d: {  	s5 =	simm.s32 @p1 $0x1;
	p0 =	seq.s32 s7, s2  }
0x1e: {  	s7 =	smul.u32 @!p0 $0xF7A, s2;
	p2 =	seq.s32 @!p0 s5, $0x0  }
0x1f: {  	s9 =	smul.u32 $0xF7A, s1;
	s8 =	simm.s32 @!p0 $0x1BF5;
	p2 =	por !p2, p0  }
0x20: {  	[sflag:s8] =	ssyncset.s32 @!p0 $0xFFFFF086;
	s6 =	sadd.s32 @!p0 s3, s7;
	s7 =	simm.s32 @!p0 $0x108  }
0x21: {  	s3 =	sadd.s32 s3, s9;
	s6 =	sadd.s32 @!p0 $0x88, s6;
	s7 =	simm.s32 @p2 $0x1082  }
0x22: {  	[simem:s7], [sflag:s8] =	dma.local @!p0 [hbm:s6], $0xF7A  }
0x23: {  	s9 =	sor.u32 $0xD0000000, s2;
	s6 =	simm.s32 $0x108;
	_ =	swait.ge @!p0 [sflag:s8], $0x0  }
0x24: {  	s3 =	sadd.s32 $0x88, s3;
	s6 =	simm.s32 @!p1 $0x1082;
	[sflag:s4] =	ssyncset.s32 $0xFFFFF086  }
0x25: {  	[simem:s6], [sflag:s4] =	dma.local [hbm:s3], $0xF7A  }
0x26: {  	[smem:$0x3F95] =	sst s1;
	(tag) =	ssettag s2;
	_ =	strace s9  }
0x27: {  	s1 =	sld [smem:$0x3FA5]  }
0x28: {  	s2 =	sld [smem:$0x3FA6]  }
0x29: {  	s4 =	sld [smem:$0x3FA8]  }
0x2a: {  	p0 =	seq.s32 s5, $0x0;
	s5 =	sld [smem:$0x3FA9]  }
0x2b: {  	s6 =	sld [smem:$0x3FAA]  }
0x2c: {  	s7 =	sld [smem:$0x3FAB]  }
0x2d: {  	s3 =	simm.s32 $0x108;
	s8 =	sld [smem:$0x3FAC]  }
0x2e: {  	s3 =	simm.s32 @!p0 $0x1082;
	s9 =	sld [smem:$0x3FAD]  }
0x2f: {  	lr =	sadd.s32 s0, s3;
	s0 =	sld [smem:$0x3FA4]  }
0x30: {  	s3 =	sld [smem:$0x3FA7]  }
0x31: {  	[smem:$0x3FB0] =	sst s10  }
0x32: {  	s10 =	sld [smem:$0x3FAE];
	_ =	sdelay $0x3  }
0x33: {  	p0 =	seq.s32 s10, $0x1;
	s10 =	sld [smem:$0x3FB0];
	_ =	sdelay $0x3  }
0x34: {  	[smem:$0x3FB0] =	sst s10  }
0x35: {  	s10 =	sld [smem:$0x3FAF];
	_ =	sdelay $0x3  }
0x36: {  	p1 =	seq.s32 s10, $0x1;
	s10 =	sld [smem:$0x3FB0];
	_ =	sdelay $0x3  }
0x37: {  	[smem:$0x3FB0] =	sst s10  }
0x38: {  	s10 =	sld [smem:$0x3FB1]  }
0x39: {  	_ = 	snop;
	(pc) =	sbr.ind lr, $3  }
0x3a: {  	_ = 	snop  }
0x3b: {  	_ = 	snop  }
0x3c: {  	p2 =	seq.s32 s10, $0x1;
	s10 =	sld [smem:$0x3FB0]  }
0x3d: {  	_ =	shalt  }
0x3e: {  	_ =	shalt  }
0x3f: {  	_ =	shalt  }
0x40: {  	_ =	shalt  }
0x41: {  	_ =	shalt  }
0x42: {  	_ =	shalt  }
0x43: {  	_ =	shalt  }
0x44: {  	_ =	shalt  }
0x45: {  	_ =	shalt  }
0x46: {  	_ =	shalt  }
0x47: {  	_ =	shalt  }
0x48: {  	_ =	shalt  }
0x49: {  	_ =	shalt  }
0x4a: {  	_ =	shalt  }
0x4b: {  	_ =	shalt  }
0x4c: {  	_ =	shalt  }
0x4d: {  	_ =	shalt  }
0x4e: {  	_ =	shalt  }
0x4f: {  	_ =	shalt  }
0x50: {  	_ =	shalt  }
0x51: {  	_ =	shalt  }
0x52: {  	_ =	shalt  }
0x53: {  	_ =	shalt  }
0x54: {  	_ =	shalt  }
0x55: {  	_ =	shalt  }
0x56: {  	_ =	shalt  }
0x57: {  	_ =	shalt  }
0x58: {  	_ =	shalt  }
0x59: {  	_ =	shalt  }
0x5a: {  	_ =	shalt  }
0x5b: {  	_ =	shalt  }
0x5c: {  	_ =	shalt  }
0x5d: {  	_ =	shalt  }
0x5e: {  	_ =	shalt  }
0x5f: {  	_ =	shalt  }
0x60: {  	_ =	shalt  }
0x61: {  	_ =	shalt  }
0x62: {  	_ =	shalt  }
0x63: {  	_ =	shalt  }
0x64: {  	_ =	shalt  }
0x65: {  	_ =	shalt  }
0x66: {  	_ =	shalt  }
0x67: {  	_ =	shalt  }
0x68: {  	_ =	shalt  }
0x69: {  	_ =	shalt  }
0x6a: {  	_ =	shalt  }
0x6b: {  	_ =	shalt  }
0x6c: {  	_ =	shalt  }
0x6d: {  	_ =	shalt  }
0x6e: {  	_ =	shalt  }
0x6f: {  	_ =	shalt  }
0x70: {  	_ =	shalt  }
0x71: {  	_ =	shalt  }
0x72: {  	_ =	shalt  }
0x73: {  	_ =	shalt  }
0x74: {  	_ =	shalt  }
0x75: {  	_ =	shalt  }
0x76: {  	_ =	shalt  }
0x77: {  	_ =	shalt  }
0x78: {  	_ =	shalt  }
0x79: {  	_ =	shalt  }
0x7a: {  	_ =	shalt  }
0x7b: {  	_ =	shalt  }
0x7c: {  	_ =	shalt  }
0x7d: {  	_ =	shalt  }
0x7e: {  	_ =	shalt  }
0x7f: {  	_ =	shalt  }
0x80: {  	_ =	shalt  }
0x81: {  	_ =	shalt  }
0x82: {  	_ =	shalt  }
0x83: {  	_ =	shalt  }
0x84: {  	_ =	shalt  }
0x85: {  	_ =	shalt  }
0x86: {  	_ =	shalt  }
0x87: {  	_ =	shalt  }
.Lfunc_end0:
.L_simem_size_0:
called_computation.3_lowered:
.L_overlay_start_0:
0x88: {  	s2 =	sld [smem:$0x3FD9]  }
0x89: {  	s3 =	sld [smem:$0x3FFE];
	_ =	sdelay $0x1  }
0x8a: {  	s1 =	srdreg.scid  }
0x8b: {  	s0 =	sand.u32 $0x1, s1  }
0x8c: {  	s16 =	sshll.u32 s0, $0xA;
	s2 =	sadd.s32 s3, s2  }
0x8d: {  	s2 =	sadd.s32 s2, s16  }
0x8e: {  	[smem:$0x3FBC] =	sst s2  }
0x8f: {  	_ = 	snop  }
0x90: {  	(tm) =	ssettm $0x1  }
0x91: {  	s17 =	sld [smem:$0x3FFB];
	_ =	sdelay $0x3  }
0x92: {  	_ =	strace s17  }
0x93: {  	s2 =	sld [smem:$0x3FFC];
	_ =	sdelay $0x3  }
0x94: {  	_ =	strace s2  }
0x95: {  	s2 =	sld [smem:$0x3FFD];
	_ =	sdelay $0x3  }
0x96: {  	_ =	strace s2  }
0x97: {  	_ =	strace $0x8FFFFFFF  }
0x98: {  	s18 =	sld [smem:$0x3FDB];
	_ =	sdelay $0x1  }
0x99: {  	s19 =	simm.s32 $_scs_section_size  }
0x9a: {  	s4 =	simm.s32 $_size__tile_overlayer_lowered;
	s5 =	simm.s32 $_tile_overlayer_lowered  }
0x9b: {  	s22 =	simm.s32 $0x1BFF;
	s21 =	sshll.u32 s5, $0x1;
	s2 =	sadd.s32 s19, s18  }
0x9c: {  	s6 =	simm.s32 $0x0;
	s20 =	sshll.u32 s4, $0x1;
	s4 =	sadd.s32 s21, s2  }
0x9d: {  	[timem:s6], [sflag:s22] =	dma.local [hbm:s4], s20  }
0x9e: {  	_ =	swait.ge [sflag:s22], s20  }
0x9f: {  	s3 =	ssub.s32 $0x0, s20;
	[sflag:s22] =	ssyncset.done $0x0  }
0xa0: {  	[sflag:s22] =	ssyncadd.s32 s3;
	_ =	sdelay $0x1  }
0xa1: {  	s23 =	simm.s32 $0x1B8B  }
0xa2: {  	_ =	swait.ge [sflag:s23], $0x1  }
0xa3: {  	[sflag:s23] =	ssyncset.done $0x0  }
0xa4: {  	s25 =	simm.s32 $0x1B8E;
	s24 =	sld [smem:$0x3FFE];
	[sflag:s23] =	ssyncadd.s32 $0xFFFFFFFF  }
0xa5: {  	s26 =	simm.s32 $execute0_lowered;
	[smem:$0x3FD2] =	sst s25  }
0xa6: {  	s4 =	sshll.u32 s26, $0x1;
	_ =	strace $0x8000004F;
	[dreg:$0x1] =	wrdreg $0xFFFFFFFF  }
0xa7: {  	s28 =	simm.s32 $_size_execute0_lowered;
	s2 =	sadd.s32 s2, s4;
	[dreg:$0x0] =	wrdreg $0x0  }
0xa8: {  	s4 =	sshll.u32 s28, $0x1;
	[dreg:$0x2] =	wrdreg s2  }
0xa9: {  	[dreg:$0x3] =	wrdreg s4  }
0xaa: {  	[dreg:$0x4] =	wrdreg $0xC0  }
0xab: {  	_ =	task [dreg:s6], $0x5FFFF  }
0xac: {  	[dreg:$0x1] =	wrdreg $0xFFFFFFFF  }
0xad: {  	[dreg:$0x0] =	wrdreg $0x60  }
0xae: {  	[dreg:$0x2] =	wrdreg s24  }
0xaf: {  	[dreg:$0x3] =	wrdreg $0x84000  }
0xb0: {  	[dreg:$0x4] =	wrdreg $0x9  }
0xb1: {  	_ =	task.clear_ibuf [dreg:s6], $0x5FFFF;
	_ =	strace $0x9000004F  }
0xb2: {  	s29 =	simm.s32 $0x9;
	_ =	strace $0x80000051  }
0xb3: {  	_ =	swait.ge [sflag:s29], $0x1  }
0xb4: {  	[sflag:s29] =	ssyncadd.s32 $0xFFFFFFFF  }
0xb5: {  	_ =	strace $0x90000051  }
0xb6: {  	_ =	sfence  }
0xb7: {  	s30 =	sld [smem:$0x0];
	_ =	sdelay $0x2  }
0xb8: {  	s31 =	sshll.u32 s1, $0xD;
	s1 =	sshrl.u32 s1, $0x2  }
0xb9: {  	s3 =	sand.u32 $0x4000, s31;
	s1 =	sadd.s32 s1, s30  }
0xba: {  	s0 =	sor.u32 s3, s0;
	s1 =	sshll.u32 s1, $0x11  }
0xbb: {  	s0 =	sor.u32 s1, s0  }
0xbc: {  	s0 =	sadd.s32 $0x8F2B, s0  }
0xbd: {  	[sflag:s0] =	ssyncadd.remote.s32 $0x1  }
0xbe: {  	_ =	sfence.sel $0xFFFF  }
0xbf: {  	[dreg:$0x0] =	wrdreg $0xFFFFFFFF;
	(pc) =	sbr.abs _section_cstart, $3  }
0xc0: {  	[dreg:$0x1] =	wrdreg $0xFFFFFFFF  }
0xc1: {  	_ =	task.clear_ibuf [dreg:s6], $0x2FFFF;
	_ =	strace $0x9FFFFFFF  }
0xc2: {  	(tm) =	ssettm $0x7FFFFFFF  }
0xc3: {  	_ =	shalt  }
tec
execute0_lowered:
.L_overlay_start_1:
0x0: {  	(tag) =	ssettag $0x1  }
0x1: {  	s0 =	rddreg [dreg:$0x0]  }
0x2: {  	s1 =	rddreg [dreg:$0x1]  }
0x3: {  	s3 =	simm.s32 $0x0;
	s12 =	stileid.u32;
	s2 =	srdreg.scid  }
0x4: {  	s16 =	simm.s32 $0x1;
	s17 =	simm.s32 $0x80;
	s18 =	simm.s32 $0x280  }
0x5: {  	s19 =	simm.s32 $0x400;
	s28 =	simm.s32 $0x3;
	s29 =	simm.s32 $0x180  }
0x6: {  	s30 =	simm.s32 $0x380;
	s31 =	simm.s32 $0x7;
	[smem:$0x7FF] =	sst s3  }
0x7: {  	s4 =	sadd.s32 $0x19800, s0;
	s7 =	smul.u32 $0xA000, s12;
	s2 =	sand.u32 $0x1, s2  }
0x8: {  	s5 =	sadd.s32 $0xF800, s0;
	s6 =	sadd.s32 $0x5800, s0;
	s20 =	smul.u32 $0x28000, s12  }
0x9: {  	s25 =	sshll.u32 s12, $0x6;
	_ =	strace $0x80000050;
	s8 =	smul.u32 $0x140000, s2  }
0xa: {  	s9 =	sshll.u32 s2, $0x4;
	s2 =	ssub.s32 $0x2, s2;
	s10 =	sshrl.u32 s7, $0x3  }
0xb: {  	s9 =	sor.u32 s12, s9;
	s21 =	sshrl.u32 s2, $0x1;
	s23 =	sshrl.u32 s20, $0x2  }
0xc: {  	s20 =	simm.s32 $0x5;
	s12 =	simm.s32 $0x0;
	s10 =	sadd.s32 s10, s0  }
0xd: {  	s8 =	sadd.s32 s7, s8;
	s7 =	smul.u32 $0x2800, s9;
	s2 =	ssub.s32 s2, s21  }
0xe: {  	s9 =	sor.u32 $0x1C09, s25;
	s21 =	simm.s32 $0x200;
	s25 =	simm.s32 $0x4400  }
0xf: {  	s8 =	sshrl.u32 s8, $0x3;
	s10 =	sadd.s32 $0x41800, s10;
	s26 =	smax.u32 s2, $0x1  }
0x10: {  	s2 =	simm.s32 $0x8;
	[dreg:$0x6] =	wrdreg s9;
	s0 =	sadd.s32 s8, s0  }
0x11: {  	s11 =	sshrl.u32 s7, $0x3;
	s8 =	sadd.s32 s23, s1;
	[dreg:$0x5] =	wrdreg s10  }
0x12: {  	[dreg:$0x8] =	wrdreg s26;
	s23 =	simm.s32 $0x100;
	s22 =	sadd.s32 s5, s11  }
0x13: {  	s26 =	simm.s32 $0x6;
	s24 =	sadd.s32 s6, s11;
	[dreg:$0x3] =	wrdreg s22  }
0x14: {  	s0 =	sadd.s32 $0x91800, s0;
	s10 =	sshrl.u32 s8, $0x3;
	[dreg:$0x4] =	wrdreg s24  }
0x15: {  	s11 =	simm.s32 $0x9;
	[dreg:$0x7] =	wrdreg s0;
	s22 =	simm.s32 $0x2  }
0x16: {  	s24 =	simm.s32 $0x300;
	s0 =	simm.s32 $0x4;
	[dreg:$0x9] =	wrdreg s10  }
.LBB2_1:
0x17: {  	[dreg:$0xa] =	wrdreg s12  }
0x18: {  	s8 =	rddreg [dreg:$0x3]  }
0x19: {  	s12 =	rddreg [dreg:$0x4]  }
0x1a: {  	[tilespmem:s3], [sflag:$0x1] =	stream.linear.gather [hbm4b:s8+s3], $0x80, $0x38;
	[tilespmem:$0x1C400] =	vst v63  }
0x1b: {  	s13 =	rddreg [dreg:$0x5]  }
0x1c: {  	[tilespmem:s21], [sflag:$0x1] =	stream.linear.gather [hbm4b:s12+s3], $0x80, $0x38;
	[tilespmem:$0x1C400] =	vst v63  }
0x1d: {  	[spmem:s10], [sflag:s9] =	dma.local [hbm:s13], $0x1400  }
0x1e: {  	_ =	swait.ge [sflag:s11], $0x1400  }
0x1f: {  	[sflag:s11] =	ssyncset.done $0x0  }
0x20: {  	[sflag:s11] =	ssyncadd.s32 $0xFFFFEC00  }
0x21: {  	s14 =	simm.s32 $0x0;
	[bflag:$0x0] =	sbarrier.arrive $0xFFFF  }
0x22: {  	s15 =	sand.u32 $0x3C00, s14;
	_ =	swait.ge [sflag:s16], $0x80  }
0x23: {  	s10 =	sadd.s32 s7, s15;
	s9 =	sand.u32 $0x200, s14;
	[sflag:s16] =	ssyncset.done $0x0  }
0x24: {  	s9 =	sor.u32 s9, s10;
	[sflag:s16] =	ssyncadd.s32 $0xFFFFFF80  }
0x25: {  	s9 =	sshrl.u32 s9, $0x3;
	_ =	swait.ge [sflag:s16], $0x80  }
0x26: {  	s8 =	sor.u32 $0x10, s9;
	[sflag:s16] =	ssyncset.done $0x0  }
0x27: {  	s11 =	sadd.s32 s5, s8;
	[sflag:s16] =	ssyncadd.s32 $0xFFFFFF80  }
0x28: {  	[tilespmem:s17], [sflag:$0x2] =	stream.linear.gather [hbm4b:s11+s3], $0x80, $0x38;
	[tilespmem:$0x1C400] =	vst v63  }
0x29: {  	p0 =	por $0x1, $0x1;
	s10 =	sadd.s32 s6, s8  }
0x2a: {  	[tilespmem:s18], [sflag:$0x2] =	stream.linear.gather [hbm4b:s10+s3], $0x80, $0x38;
	[tilespmem:$0x1C400] =	vst v63  }
0x2b: {  	s10 =	simm.s32 @!p0 $0x7  }
0x2c: {  	_ =	swait.ge @!p0 [sflag:s10], $0x4000  }
0x2d: {  	[sflag:s10] =	ssyncset.done @!p0 $0x0  }
0x2e: {  	[sflag:s10] =	ssyncadd.s32 @!p0 $0xFFFFC000  }
0x2f: {  	[tilespmem:s19], [sflag:$0x5] =	stream.indirect.gather [hbm4b:s4+s17], $0x80, s3, s17, $0xb8;
	[tilespmem:$0x1C400] =	vst v63  }
0x30: {  	_ =	swait.ge [sflag:s20], $0x4000  }
0x31: {  	[sflag:s20] =	ssyncset.done $0x0  }
0x32: {  	[sflag:s20] =	ssyncadd.s32 $0xFFFFC000  }
0x33: {  	[spmem:s1] =	stream.indirect.scatter.add.f32 [tilespmem:s19], [sflag:$0x7], $0x80, s21, s17, $0xb8;
	[tilespmem:$0x1C400] =	vst v63  }
0x34: {  	_ =	swait.ge [sflag:s22], $0x80  }
0x35: {  	[sflag:s22] =	ssyncset.done $0x0  }
0x36: {  	[sflag:s22] =	ssyncadd.s32 $0xFFFFFF80  }
0x37: {  	_ =	swait.ge [sflag:s22], $0x80  }
0x38: {  	s13 =	sor.u32 $0x20, s9;
	[sflag:s22] =	ssyncset.done $0x0  }
0x39: {  	s14 =	sadd.s32 s5, s13;
	[sflag:s22] =	ssyncadd.s32 $0xFFFFFF80  }
0x3a: {  	[tilespmem:s23], [sflag:$0x3] =	stream.linear.gather [hbm4b:s14+s3], $0x80, $0x38;
	[tilespmem:$0x1C400] =	vst v63  }
0x3b: {  	s12 =	simm.s32 @!p0 $0x8;
	s10 =	sadd.s32 s6, s13  }
0x3c: {  	[tilespmem:s24], [sflag:$0x3] =	stream.linear.gather [hbm4b:s10+s3], $0x80, $0x38;
	[tilespmem:$0x1C400] =	vst v63  }
0x3d: {  	_ =	swait.ge @!p0 [sflag:s12], $0x4000  }
0x3e: {  	[sflag:s12] =	ssyncset.done @!p0 $0x0  }
0x3f: {  	[sflag:s12] =	ssyncadd.s32 @!p0 $0xFFFFC000  }
0x40: {  	[tilespmem:s25], [sflag:$0x6] =	stream.indirect.gather [hbm4b:s4+s17], $0x80, s17, s17, $0xb8;
	[tilespmem:$0x1C400] =	vst v63  }
0x41: {  	_ =	swait.ge [sflag:s26], $0x4000  }
0x42: {  	[sflag:s26] =	ssyncset.done $0x0  }
0x43: {  	[sflag:s26] =	ssyncadd.s32 $0xFFFFC000  }
0x44: {  	[spmem:s1] =	stream.indirect.scatter.add.f32 [tilespmem:s25], [sflag:$0x8], $0x80, s18, s17, $0xb8;
	[tilespmem:$0x1C400] =	vst v63  }
0x45: {  	_ =	swait.ge [sflag:s28], $0x80  }
0x46: {  	[sflag:s28] =	ssyncset.done $0x0  }
0x47: {  	[sflag:s28] =	ssyncadd.s32 $0xFFFFFF80  }
0x48: {  	_ =	swait.ge [sflag:s28], $0x80  }
0x49: {  	s9 =	sor.u32 $0x30, s9;
	[sflag:s28] =	ssyncset.done $0x0  }
0x4a: {  	s15 =	sadd.s32 s5, s9;
	[sflag:s28] =	ssyncadd.s32 $0xFFFFFF80  }
0x4b: {  	[tilespmem:s29], [sflag:$0x4] =	stream.linear.gather [hbm4b:s15+s3], $0x80, $0x38;
	[tilespmem:$0x1C400] =	vst v63  }
0x4c: {  	s9 =	sadd.s32 s6, s9  }
0x4d: {  	[tilespmem:s30], [sflag:$0x4] =	stream.linear.gather [hbm4b:s9+s3], $0x80, $0x38;
	[tilespmem:$0x1C400] =	vst v63  }
0x4e: {  	_ =	swait.ge [sflag:s31], $0x4000  }
0x4f: {  	[sflag:s31] =	ssyncset.done $0x0  }
0x50: {  	[sflag:s31] =	ssyncadd.s32 $0xFFFFC000  }
0x51: {  	[tilespmem:s19], [sflag:$0x5] =	stream.indirect.gather [hbm4b:s4+s17], $0x80, s23, s17, $0xb8;
	[tilespmem:$0x1C400] =	vst v63  }
0x52: {  	_ =	swait.ge [sflag:s20], $0x4000  }
0x53: {  	[sflag:s20] =	ssyncset.done $0x0  }
0x54: {  	[sflag:s20] =	ssyncadd.s32 $0xFFFFC000  }
0x55: {  	[spmem:s1] =	stream.indirect.scatter.add.f32 [tilespmem:s19], [sflag:$0x7], $0x80, s24, s17, $0xb8;
	[tilespmem:$0x1C400] =	vst v63  }
0x56: {  	p0 =	por $0x0, $0x0;
	_ =	swait.ge [sflag:s0], $0x80  }
0x57: {  	s9 =	sand.u32 @!p0 $0x7C00, s21;
	[sflag:s0] =	ssyncset.done $0x0  }
0x58: {  	s10 =	sand.u32 @!p0 $0x200, s21;
	s9 =	sadd.s32 @!p0 s7, s9;
	[sflag:s0] =	ssyncadd.s32 $0xFFFFFF80  }
0x59: {  	s9 =	sor.u32 @!p0 s10, s9;
	_ =	swait.ge [sflag:s0], $0x80  }
0x5a: {  	s9 =	sshrl.u32 @!p0 s9, $0x3;
	[sflag:s0] =	ssyncset.done $0x0  }
0x5b: {  	s10 =	simm.s32 @!p0 $0x0;
	s12 =	sadd.s32 @!p0 s5, s9;
	[sflag:s0] =	ssyncadd.s32 $0xFFFFFF80  }
0x5c: {  	[tilespmem:s10], [sflag:$0x1] =	stream.linear.gather @!p0 [hbm4b:s12+s10], $0x80, $0x38;
	[tilespmem:$0x1C400] =	vst v63  }
0x5d: {  	s9 =	sadd.s32 @!p0 s6, s9;
	s12 =	simm.s32 @!p0 $0x200  }
0x5e: {  	[tilespmem:s12], [sflag:$0x1] =	stream.linear.gather @!p0 [hbm4b:s9+s10], $0x80, $0x38;
	[tilespmem:$0x1C400] =	vst v63  }
0x5f: {  	_ =	swait.ge [sflag:s2], $0x4000  }
0x60: {  	[sflag:s2] =	ssyncset.done $0x0  }
0x61: {  	[sflag:s2] =	ssyncadd.s32 $0xFFFFC000  }
0x62: {  	[tilespmem:s25], [sflag:$0x6] =	stream.indirect.gather [hbm4b:s4+s17], $0x80, s29, s17, $0xb8;
	[tilespmem:$0x1C400] =	vst v63  }
0x63: {  	_ =	swait.ge [sflag:s26], $0x4000  }
0x64: {  	s9 =	simm.s32 $0x1;
	s10 =	simm.s32 $0x400;
	[sflag:s26] =	ssyncset.done $0x0  }
.LBB2_2:
0x65: {  	s13 =	sadd.s32 $0xFFFFFE00, s10  }
0x66: {  	[sflag:s26] =	ssyncadd.s32 $0xFFFFC000;
	s12 =	smov.u32 s9;
	s9 =	sadd.s32 $0x1, s9  }
0x67: {  	[spmem:s1] =	stream.indirect.scatter.add.f32 [tilespmem:s25], [sflag:$0x8], $0x80, s30, s17, $0xb8;
	[tilespmem:$0x1C400] =	vst v63  }
0x68: {  	s11 =	sand.u32 $0x3C00, s13;
	p0 =	sne.s32 s9, $0x14;
	_ =	swait.ge [sflag:s16], $0x80  }
0x69: {  	s13 =	sand.u32 $0x200, s13;
	s11 =	sadd.s32 s7, s11;
	[sflag:s16] =	ssyncset.done $0x0  }
0x6a: {  	s11 =	sor.u32 s13, s11;
	[sflag:s16] =	ssyncadd.s32 $0xFFFFFF80  }
0x6b: {  	s11 =	sshrl.u32 s11, $0x3;
	_ =	swait.ge [sflag:s16], $0x80  }
0x6c: {  	s14 =	sor.u32 $0x10, s11;
	s15 =	sor.u32 $0x20, s11;
	[sflag:s16] =	ssyncset.done $0x0  }
0x6d: {  	s13 =	sor.u32 $0x30, s11;
	s8 =	sadd.s32 s5, s14;
	[sflag:s16] =	ssyncadd.s32 $0xFFFFFF80  }
0x6e: {  	[tilespmem:s17], [sflag:$0x2] =	stream.linear.gather [hbm4b:s8+s3], $0x80, $0x38;
	[tilespmem:$0x1C400] =	vst v63  }
0x6f: {  	p1 =	seq.s32 s12, $0x0;
	s8 =	sadd.s32 s6, s14  }
0x70: {  	[tilespmem:s18], [sflag:$0x2] =	stream.linear.gather [hbm4b:s8+s3], $0x80, $0x38;
	[tilespmem:$0x1C400] =	vst v63  }
0x71: {  	s8 =	simm.s32 @!p1 $0x7  }
0x72: {  	_ =	swait.ge @!p1 [sflag:s8], $0x4000  }
0x73: {  	[sflag:s8] =	ssyncset.done @!p1 $0x0  }
0x74: {  	[sflag:s8] =	ssyncadd.s32 @!p1 $0xFFFFC000  }
0x75: {  	[tilespmem:s19], [sflag:$0x5] =	stream.indirect.gather [hbm4b:s4+s17], $0x80, s3, s17, $0xb8;
	[tilespmem:$0x1C400] =	vst v63  }
0x76: {  	_ =	swait.ge [sflag:s20], $0x4000  }
0x77: {  	[sflag:s20] =	ssyncset.done $0x0  }
0x78: {  	[sflag:s20] =	ssyncadd.s32 $0xFFFFC000  }
0x79: {  	[spmem:s1] =	stream.indirect.scatter.add.f32 [tilespmem:s19], [sflag:$0x7], $0x80, s21, s17, $0xb8;
	[tilespmem:$0x1C400] =	vst v63  }
0x7a: {  	_ =	swait.ge [sflag:s22], $0x80  }
0x7b: {  	[sflag:s22] =	ssyncset.done $0x0  }
0x7c: {  	[sflag:s22] =	ssyncadd.s32 $0xFFFFFF80  }
0x7d: {  	_ =	swait.ge [sflag:s22], $0x80  }
0x7e: {  	s8 =	sadd.s32 s5, s15;
	[sflag:s22] =	ssyncset.done $0x0  }
0x7f: {  	s11 =	sadd.s32 s6, s15;
	[sflag:s22] =	ssyncadd.s32 $0xFFFFFF80  }
0x80: {  	[tilespmem:s23], [sflag:$0x3] =	stream.linear.gather [hbm4b:s8+s3], $0x80, $0x38;
	[tilespmem:$0x1C400] =	vst v63  }
0x81: {  	s8 =	simm.s32 @!p1 $0x8  }
0x82: {  	[tilespmem:s24], [sflag:$0x3] =	stream.linear.gather [hbm4b:s11+s3], $0x80, $0x38;
	[tilespmem:$0x1C400] =	vst v63  }
0x83: {  	_ =	swait.ge @!p1 [sflag:s8], $0x4000  }
0x84: {  	[sflag:s8] =	ssyncset.done @!p1 $0x0  }
0x85: {  	[sflag:s8] =	ssyncadd.s32 @!p1 $0xFFFFC000  }
0x86: {  	[tilespmem:s25], [sflag:$0x6] =	stream.indirect.gather [hbm4b:s4+s17], $0x80, s17, s17, $0xb8;
	[tilespmem:$0x1C400] =	vst v63  }
0x87: {  	_ =	swait.ge [sflag:s26], $0x4000  }
0x88: {  	[sflag:s26] =	ssyncset.done $0x0  }
0x89: {  	[sflag:s26] =	ssyncadd.s32 $0xFFFFC000  }
0x8a: {  	[spmem:s1] =	stream.indirect.scatter.add.f32 [tilespmem:s25], [sflag:$0x8], $0x80, s18, s17, $0xb8;
	[tilespmem:$0x1C400] =	vst v63  }
0x8b: {  	_ =	swait.ge [sflag:s28], $0x80  }
0x8c: {  	[sflag:s28] =	ssyncset.done $0x0  }
0x8d: {  	[sflag:s28] =	ssyncadd.s32 $0xFFFFFF80  }
0x8e: {  	_ =	swait.ge [sflag:s28], $0x80  }
0x8f: {  	s8 =	sadd.s32 s5, s13;
	[sflag:s28] =	ssyncset.done $0x0  }
0x90: {  	s11 =	sadd.s32 s6, s13;
	[sflag:s28] =	ssyncadd.s32 $0xFFFFFF80  }
0x91: {  	[tilespmem:s29], [sflag:$0x4] =	stream.linear.gather [hbm4b:s8+s3], $0x80, $0x38;
	[tilespmem:$0x1C400] =	vst v63  }
0x92: {  	_ = 	snop  }
0x93: {  	[tilespmem:s30], [sflag:$0x4] =	stream.linear.gather [hbm4b:s11+s3], $0x80, $0x38;
	[tilespmem:$0x1C400] =	vst v63  }
0x94: {  	_ =	swait.ge [sflag:s31], $0x4000  }
0x95: {  	[sflag:s31] =	ssyncset.done $0x0  }
0x96: {  	[sflag:s31] =	ssyncadd.s32 $0xFFFFC000  }
0x97: {  	[tilespmem:s19], [sflag:$0x5] =	stream.indirect.gather [hbm4b:s4+s17], $0x80, s23, s17, $0xb8;
	[tilespmem:$0x1C400] =	vst v63  }
0x98: {  	_ =	swait.ge [sflag:s20], $0x4000  }
0x99: {  	[sflag:s20] =	ssyncset.done $0x0  }
0x9a: {  	p1 =	sgt.u32 s12, $0x12;
	[sflag:s20] =	ssyncadd.s32 $0xFFFFC000  }
0x9b: {  	[spmem:s1] =	stream.indirect.scatter.add.f32 [tilespmem:s19], [sflag:$0x7], $0x80, s24, s17, $0xb8;
	[tilespmem:$0x1C400] =	vst v63  }
0x9c: {  	s8 =	sand.u32 @!p1 $0x7C00, s10;
	_ =	swait.ge [sflag:s0], $0x80  }
0x9d: {  	s8 =	sadd.s32 @!p1 s7, s8;
	s11 =	sand.u32 @!p1 $0x200, s10;
	[sflag:s0] =	ssyncset.done $0x0  }
0x9e: {  	s8 =	sor.u32 @!p1 s11, s8;
	[sflag:s0] =	ssyncadd.s32 $0xFFFFFF80  }
0x9f: {  	s11 =	simm.s32 @!p1 $0x0;
	s8 =	sshrl.u32 @!p1 s8, $0x3;
	_ =	swait.ge [sflag:s0], $0x80  }
0xa0: {  	s12 =	sadd.s32 @!p1 s5, s8;
	s8 =	sadd.s32 @!p1 s6, s8;
	[sflag:s0] =	ssyncset.done $0x0  }
0xa1: {  	s13 =	simm.s32 @!p1 $0x200;
	[sflag:s0] =	ssyncadd.s32 $0xFFFFFF80  }
0xa2: {  	[tilespmem:s11], [sflag:$0x1] =	stream.linear.gather @!p1 [hbm4b:s12+s11], $0x80, $0x38;
	[tilespmem:$0x1C400] =	vst v63  }
0xa3: {  	_ = 	snop  }
0xa4: {  	[tilespmem:s13], [sflag:$0x1] =	stream.linear.gather @!p1 [hbm4b:s8+s11], $0x80, $0x38;
	[tilespmem:$0x1C400] =	vst v63  }
0xa5: {  	_ =	swait.ge [sflag:s2], $0x4000  }
.Ltmp0:
0xa6: {  	[sflag:s2] =	ssyncset.done $0x0;
	(pc) =	sbr.rel @p0 .LBB2_2-.Ltmp0, $4  }
0xa7: {  	[sflag:s2] =	ssyncadd.s32 $0xFFFFC000  }
0xa8: {  	[tilespmem:s25], [sflag:$0x6] =	stream.indirect.gather [hbm4b:s4+s17], $0x80, s29, s17, $0xb8;
	[tilespmem:$0x1C400] =	vst v63  }
0xa9: {  	_ =	swait.ge [sflag:s26], $0x4000  }
0xaa: {  	s10 =	sadd.s32 $0x200, s10;
	[sflag:s26] =	ssyncset.done $0x0  }
0xab: {  	[sflag:s26] =	ssyncadd.s32 $0xFFFFC000  }
0xac: {  	[spmem:s1] =	stream.indirect.scatter.add.f32 [tilespmem:s25], [sflag:$0x8], $0x80, s30, s17, $0xb8;
	[tilespmem:$0x1C400] =	vst v63  }
0xad: {  	_ =	swait.ge [sflag:s31], $0x4000  }
0xae: {  	[sflag:s31] =	ssyncset.done $0x0  }
0xaf: {  	[sflag:s31] =	ssyncadd.s32 $0xFFFFC000  }
0xb0: {  	_ =	swait.ge [sflag:s2], $0x4000  }
0xb1: {  	[sflag:s2] =	ssyncset.done $0x0  }
0xb2: {  	[sflag:s2] =	ssyncadd.s32 $0xFFFFC000  }
0xb3: {  	[bflag:$0x0] =	sbarrier.arrive $0xFFFF  }
0xb4: {  	s9 =	rddreg [dreg:$0x6]  }
0xb5: {  	s8 =	rddreg [dreg:$0x7]  }
0xb6: {  	s11 =	simm.s32 $0x9;
	s10 =	rddreg [dreg:$0x9]  }
0xb7: {  	[hbm:s8], [sflag:s9] =	dma.local [spmem:s10], $0x1400  }
0xb8: {  	_ =	swait.ge [sflag:s11], $0x1400  }
0xb9: {  	s12 =	rddreg [dreg:$0xa]  }
0xba: {  	s15 =	rddreg [dreg:$0x8];
	s12 =	sadd.s32 $0x1, s12  }
0xbb: {  	p0 =	sne.s32 s12, s15  }
.Ltmp1:
0xbc: {  	_ = 	snop;
	(pc) =	sbr.rel @p0 .LBB2_1-.Ltmp1, $3  }
0xbd: {  	_ =	sdelay $0x1  }
0xbe: {  	[sflag:s11] =	ssyncset.done $0x0  }
0xbf: {  	[sflag:s11] =	ssyncadd.s32 $0xFFFFEC00  }
0xc0: {  	_ =	sfence.sel $0x180000  }
0xc1: {  	[bflag:$0x0] =	sbarrier.arrive $0xFFFF  }
0xc2: {  	_ =	strace $0x90000050  }
0xc3: {  	s0 =	stileid.u32;
	[bflag:$0x2] =	sbarrier.arrive $0xFFFF  }
0xc4: {  	p0 =	sne.s32 s0, $0x0;
	s0 =	rddreg [dreg:$0x2]  }
0xc5: {  	s0 =	sadd.s32 @!p0 $0x100000, s0  }
0xc6: {  	[sflag:s0] =	ssyncadd.tile.s32 @!p0 $0x1;
	_ =	shalt  }
.Lfunc_end2:
_tile_overlayer_lowered:
.L_overlay_start_2:
0xc7: {  	(tag) =	ssettag $0x2  }
0xc8: {  	s0 =	rddreg [dreg:$0x0];
	s2 =	stileid.u32  }
0xc9: {  	s1 =	rddreg [dreg:$0x1];
	p0 =	sne.s32 s2, $0x0  }
0xca: {  	s3 =	rddreg [dreg:$0x2];
	[bflag:$0x3] =	sbarrier.arrive $0xFFFF;
	s2 =	simm.s32 @!p0 $0x1C09  }
0xcb: {  	[timem:s3], [sflag:s2] =	dma.local @!p0 [hbm:s0], s1  }
0xcc: {  	s0 =	simm.s32 @!p0 $0x9  }
0xcd: {  	_ =	swait.ge @!p0 [sflag:s0], s1  }
0xce: {  	s1 =	ssub.s32 @!p0 $0x0, s1;
	[sflag:s0] =	ssyncset.done @!p0 $0x0  }
0xcf: {  	[sflag:s0] =	ssyncadd.s32 @!p0 s1  }
0xd0: {  	[bflag:$0x3] =	sbarrier.arrive $0xFFFF  }
0xd1: {  	_ =	shalt  }

// kernel: kernel.26.cloned.1.call-start
scs
__scs_entry_jumppad:
0x0: {  	(pc) =	sbr.rel $0x88, $3  }
0x1: {  	(tag) =	ssettag $0x0;
	lr =	simm.s32 $0x1  }
0x2: {  	[smem:$0x3F95] =	sst lr;
	_ =	strace $0xD0000000  }
0x3: {  	_ = 	snop  }
0x4: {  	_ = 	snop  }
0x5: {  	_ = 	snop  }
0x6: {  	_ = 	snop  }
0x7: {  	_ = 	snop  }
__scs_overlays_trampoline_lowered:
0x8: {  	[smem:$0x3FA4] =	sst s0  }
0x9: {  	[smem:$0x3FA5] =	sst s1  }
0xa: {  	[smem:$0x3FA6] =	sst s2  }
0xb: {  	[smem:$0x3FA7] =	sst s3  }
0xc: {  	[smem:$0x3FA8] =	sst s4  }
0xd: {  	[smem:$0x3FA9] =	sst s5  }
0xe: {  	[smem:$0x3FAA] =	sst s6  }
0xf: {  	[smem:$0x3FAB] =	sst s7  }
0x10: {  	[smem:$0x3FAC] =	sst s8  }
0x11: {  	[smem:$0x3FAD] =	sst s9;
	s0 =	simm.s32 @!p0 $0x0  }
0x12: {  	s1 =	sld [smem:$0x3F93];
	s0 =	simm.s32 @p0 $0x1  }
0x13: {  	[smem:$0x3FAE] =	sst s0;
	s0 =	simm.s32 @!p1 $0x0  }
0x14: {  	s2 =	sld [smem:$0x3F92];
	s0 =	simm.s32 @p1 $0x1  }
0x15: {  	[smem:$0x3FAF] =	sst s0;
	s0 =	simm.s32 @!p2 $0x0  }
0x16: {  	s3 =	sld [smem:$0x3FDB];
	s0 =	simm.s32 @p2 $0x1  }
0x17: {  	s4 =	simm.s32 $0x1BF5;
	[smem:$0x3FB1] =	sst s0  }
0x18: {  	s0 =	sld [smem:$0x3F94];
	_ =	swait.ge [sflag:s4], $0x0  }
0x19: {  	s7 =	sld [smem:$0x3F95]  }
0x1a: {  	s8 =	sadd.s32 $0xFFFFE003, lr  }
0x1b: {  	s9 =	sadd.s32 $0xFFFFFEF7, lr;
	s5 =	simm.s32 $0xFFFFFFFF;
	p2 =	slt.u32 s8, $0xFFFFF086  }
0x1c: {  	p1 =	slt.u32 s9, $0xF7A;
	s5 =	simm.s32 @!p2 $0x0  }
0x1d: {  	s5 =	simm.s32 @p1 $0x1;
	p0 =	seq.s32 s7, s2  }
0x1e: {  	s7 =	smul.u32 @!p0 $0xF7A, s2;
	p2 =	seq.s32 @!p0 s5, $0x0  }
0x1f: {  	s9 =	smul.u32 $0xF7A, s1;
	s8 =	simm.s32 @!p0 $0x1BF5;
	p2 =	por !p2, p0  }
0x20: {  	[sflag:s8] =	ssyncset.s32 @!p0 $0xFFFFF086;
	s6 =	sadd.s32 @!p0 s3, s7;
	s7 =	simm.s32 @!p0 $0x108  }
0x21: {  	s3 =	sadd.s32 s3, s9;
	s6 =	sadd.s32 @!p0 $0x88, s6;
	s7 =	simm.s32 @p2 $0x1082  }
0x22: {  	[simem:s7], [sflag:s8] =	dma.local @!p0 [hbm:s6], $0xF7A  }
0x23: {  	s9 =	sor.u32 $0xD0000000, s2;
	s6 =	simm.s32 $0x108;
	_ =	swait.ge @!p0 [sflag:s8], $0x0  }
0x24: {  	s3 =	sadd.s32 $0x88, s3;
	s6 =	simm.s32 @!p1 $0x1082;
	[sflag:s4] =	ssyncset.s32 $0xFFFFF086  }
0x25: {  	[simem:s6], [sflag:s4] =	dma.local [hbm:s3], $0xF7A  }
0x26: {  	[smem:$0x3F95] =	sst s1;
	(tag) =	ssettag s2;
	_ =	strace s9  }
0x27: {  	s1 =	sld [smem:$0x3FA5]  }
0x28: {  	s2 =	sld [smem:$0x3FA6]  }
0x29: {  	s4 =	sld [smem:$0x3FA8]  }
0x2a: {  	p0 =	seq.s32 s5, $0x0;
	s5 =	sld [smem:$0x3FA9]  }
0x2b: {  	s6 =	sld [smem:$0x3FAA]  }
0x2c: {  	s7 =	sld [smem:$0x3FAB]  }
0x2d: {  	s3 =	simm.s32 $0x108;
	s8 =	sld [smem:$0x3FAC]  }
0x2e: {  	s3 =	simm.s32 @!p0 $0x1082;
	s9 =	sld [smem:$0x3FAD]  }
0x2f: {  	lr =	sadd.s32 s0, s3;
	s0 =	sld [smem:$0x3FA4]  }
0x30: {  	s3 =	sld [smem:$0x3FA7]  }
0x31: {  	[smem:$0x3FB0] =	sst s10  }
0x32: {  	s10 =	sld [smem:$0x3FAE];
	_ =	sdelay $0x3  }
0x33: {  	p0 =	seq.s32 s10, $0x1;
	s10 =	sld [smem:$0x3FB0];
	_ =	sdelay $0x3  }
0x34: {  	[smem:$0x3FB0] =	sst s10  }
0x35: {  	s10 =	sld [smem:$0x3FAF];
	_ =	sdelay $0x3  }
0x36: {  	p1 =	seq.s32 s10, $0x1;
	s10 =	sld [smem:$0x3FB0];
	_ =	sdelay $0x3  }
0x37: {  	[smem:$0x3FB0] =	sst s10  }
0x38: {  	s10 =	sld [smem:$0x3FB1]  }
0x39: {  	_ = 	snop;
	(pc) =	sbr.ind lr, $3  }
0x3a: {  	_ = 	snop  }
0x3b: {  	_ = 	snop  }
0x3c: {  	p2 =	seq.s32 s10, $0x1;
	s10 =	sld [smem:$0x3FB0]  }
0x3d: {  	_ =	shalt  }
0x3e: {  	_ =	shalt  }
0x3f: {  	_ =	shalt  }
0x40: {  	_ =	shalt  }
0x41: {  	_ =	shalt  }
0x42: {  	_ =	shalt  }
0x43: {  	_ =	shalt  }
0x44: {  	_ =	shalt  }
0x45: {  	_ =	shalt  }
0x46: {  	_ =	shalt  }
0x47: {  	_ =	shalt  }
0x48: {  	_ =	shalt  }
0x49: {  	_ =	shalt  }
0x4a: {  	_ =	shalt  }
0x4b: {  	_ =	shalt  }
0x4c: {  	_ =	shalt  }
0x4d: {  	_ =	shalt  }
0x4e: {  	_ =	shalt  }
0x4f: {  	_ =	shalt  }
0x50: {  	_ =	shalt  }
0x51: {  	_ =	shalt  }
0x52: {  	_ =	shalt  }
0x53: {  	_ =	shalt  }
0x54: {  	_ =	shalt  }
0x55: {  	_ =	shalt  }
0x56: {  	_ =	shalt  }
0x57: {  	_ =	shalt  }
0x58: {  	_ =	shalt  }
0x59: {  	_ =	shalt  }
0x5a: {  	_ =	shalt  }
0x5b: {  	_ =	shalt  }
0x5c: {  	_ =	shalt  }
0x5d: {  	_ =	shalt  }
0x5e: {  	_ =	shalt  }
0x5f: {  	_ =	shalt  }
0x60: {  	_ =	shalt  }
0x61: {  	_ =	shalt  }
0x62: {  	_ =	shalt  }
0x63: {  	_ =	shalt  }
0x64: {  	_ =	shalt  }
0x65: {  	_ =	shalt  }
0x66: {  	_ =	shalt  }
0x67: {  	_ =	shalt  }
0x68: {  	_ =	shalt  }
0x69: {  	_ =	shalt  }
0x6a: {  	_ =	shalt  }
0x6b: {  	_ =	shalt  }
0x6c: {  	_ =	shalt  }
0x6d: {  	_ =	shalt  }
0x6e: {  	_ =	shalt  }
0x6f: {  	_ =	shalt  }
0x70: {  	_ =	shalt  }
0x71: {  	_ =	shalt  }
0x72: {  	_ =	shalt  }
0x73: {  	_ =	shalt  }
0x74: {  	_ =	shalt  }
0x75: {  	_ =	shalt  }
0x76: {  	_ =	shalt  }
0x77: {  	_ =	shalt  }
0x78: {  	_ =	shalt  }
0x79: {  	_ =	shalt  }
0x7a: {  	_ =	shalt  }
0x7b: {  	_ =	shalt  }
0x7c: {  	_ =	shalt  }
0x7d: {  	_ =	shalt  }
0x7e: {  	_ =	shalt  }
0x7f: {  	_ =	shalt  }
0x80: {  	_ =	shalt  }
0x81: {  	_ =	shalt  }
0x82: {  	_ =	shalt  }
0x83: {  	_ =	shalt  }
0x84: {  	_ =	shalt  }
0x85: {  	_ =	shalt  }
0x86: {  	_ =	shalt  }
0x87: {  	_ =	shalt  }
.Lfunc_end0:
.L_simem_size_0:
called_computation.4_lowered:
.L_overlay_start_0:
0x88: {  	s2 =	sld [smem:$0x3FD9]  }
0x89: {  	s3 =	sld [smem:$0x3FFE];
	_ =	sdelay $0x1  }
0x8a: {  	s1 =	srdreg.scid  }
0x8b: {  	s0 =	sand.u32 $0x1, s1  }
0x8c: {  	s16 =	sshll.u32 s0, $0xA;
	s2 =	sadd.s32 s3, s2  }
0x8d: {  	s2 =	sadd.s32 s2, s16  }
0x8e: {  	[smem:$0x3FBC] =	sst s2  }
0x8f: {  	_ = 	snop  }
0x90: {  	(tm) =	ssettm $0x1  }
0x91: {  	s17 =	sld [smem:$0x3FFB];
	_ =	sdelay $0x3  }
0x92: {  	_ =	strace s17  }
0x93: {  	s2 =	sld [smem:$0x3FFC];
	_ =	sdelay $0x3  }
0x94: {  	_ =	strace s2  }
0x95: {  	s2 =	sld [smem:$0x3FFD];
	_ =	sdelay $0x3  }
0x96: {  	_ =	strace s2  }
0x97: {  	_ =	strace $0x8FFFFFFF  }
0x98: {  	s18 =	sld [smem:$0x3FDB];
	_ =	sdelay $0x1  }
0x99: {  	s19 =	simm.s32 $_scs_section_size  }
0x9a: {  	s4 =	simm.s32 $_size__tile_overlayer_lowered;
	s5 =	simm.s32 $_tile_overlayer_lowered  }
0x9b: {  	s22 =	simm.s32 $0x1BFF;
	s21 =	sshll.u32 s5, $0x1;
	s2 =	sadd.s32 s19, s18  }
0x9c: {  	s6 =	simm.s32 $0x0;
	s20 =	sshll.u32 s4, $0x1;
	s4 =	sadd.s32 s21, s2  }
0x9d: {  	[timem:s6], [sflag:s22] =	dma.local [hbm:s4], s20  }
0x9e: {  	_ =	swait.ge [sflag:s22], s20  }
0x9f: {  	s3 =	ssub.s32 $0x0, s20;
	[sflag:s22] =	ssyncset.done $0x0  }
0xa0: {  	[sflag:s22] =	ssyncadd.s32 s3;
	_ =	sdelay $0x1  }
0xa1: {  	s23 =	simm.s32 $0x1B8B  }
0xa2: {  	_ =	swait.ge [sflag:s23], $0x1  }
0xa3: {  	[sflag:s23] =	ssyncset.done $0x0  }
0xa4: {  	s25 =	simm.s32 $0x1B8E;
	s24 =	sld [smem:$0x3FFE];
	[sflag:s23] =	ssyncadd.s32 $0xFFFFFFFF  }
0xa5: {  	s26 =	simm.s32 $execute0_lowered;
	[smem:$0x3FD2] =	sst s25  }
0xa6: {  	s4 =	sshll.u32 s26, $0x1;
	_ =	strace $0x80000052;
	[dreg:$0x1] =	wrdreg $0xFFFFFFFF  }
0xa7: {  	s28 =	simm.s32 $_size_execute0_lowered;
	s2 =	sadd.s32 s2, s4;
	[dreg:$0x0] =	wrdreg $0x0  }
0xa8: {  	s4 =	sshll.u32 s28, $0x1;
	[dreg:$0x2] =	wrdreg s2  }
0xa9: {  	[dreg:$0x3] =	wrdreg s4  }
0xaa: {  	[dreg:$0x4] =	wrdreg $0xC0  }
0xab: {  	_ =	task [dreg:s6], $0x5FFFF  }
0xac: {  	[dreg:$0x1] =	wrdreg $0xFFFFFFFF  }
0xad: {  	[dreg:$0x0] =	wrdreg $0x60  }
0xae: {  	[dreg:$0x2] =	wrdreg s24  }
0xaf: {  	[dreg:$0x3] =	wrdreg $0x84000  }
0xb0: {  	[dreg:$0x4] =	wrdreg $0x9  }
0xb1: {  	_ =	task.clear_ibuf [dreg:s6], $0x5FFFF;
	_ =	strace $0x90000052  }
0xb2: {  	s29 =	simm.s32 $0x9;
	_ =	strace $0x80000054  }
0xb3: {  	_ =	swait.ge [sflag:s29], $0x1  }
0xb4: {  	[sflag:s29] =	ssyncadd.s32 $0xFFFFFFFF  }
0xb5: {  	_ =	strace $0x90000054  }
0xb6: {  	_ =	sfence  }
0xb7: {  	s30 =	sld [smem:$0x0];
	_ =	sdelay $0x2  }
0xb8: {  	s31 =	sshll.u32 s1, $0xD;
	s1 =	sshrl.u32 s1, $0x2  }
0xb9: {  	s3 =	sand.u32 $0x4000, s31;
	s1 =	sadd.s32 s1, s30  }
0xba: {  	s0 =	sor.u32 s3, s0;
	s1 =	sshll.u32 s1, $0x11  }
0xbb: {  	s0 =	sor.u32 s1, s0  }
0xbc: {  	s0 =	sadd.s32 $0x8F2B, s0  }
0xbd: {  	[sflag:s0] =	ssyncadd.remote.s32 $0x1  }
0xbe: {  	_ =	sfence.sel $0xFFFF  }
0xbf: {  	[dreg:$0x0] =	wrdreg $0xFFFFFFFF;
	(pc) =	sbr.abs _section_cstart, $3  }
0xc0: {  	[dreg:$0x1] =	wrdreg $0xFFFFFFFF  }
0xc1: {  	_ =	task.clear_ibuf [dreg:s6], $0x2FFFF;
	_ =	strace $0x9FFFFFFF  }
0xc2: {  	(tm) =	ssettm $0x7FFFFFFF  }
0xc3: {  	_ =	shalt  }
tec
execute0_lowered:
.L_overlay_start_1:
0x0: {  	(tag) =	ssettag $0x1  }
0x1: {  	s0 =	rddreg [dreg:$0x0]  }
0x2: {  	s1 =	rddreg [dreg:$0x1]  }
0x3: {  	s3 =	simm.s32 $0x0;
	s12 =	stileid.u32;
	s2 =	srdreg.scid  }
0x4: {  	s16 =	simm.s32 $0x1;
	s17 =	simm.s32 $0x80;
	s18 =	simm.s32 $0x280  }
0x5: {  	s19 =	simm.s32 $0x400;
	s28 =	simm.s32 $0x3;
	s29 =	simm.s32 $0x180  }
0x6: {  	s30 =	simm.s32 $0x380;
	s31 =	simm.s32 $0x7;
	[smem:$0x7FF] =	sst s3  }
0x7: {  	s4 =	sadd.s32 $0x19800, s0;
	s7 =	smul.u32 $0xA000, s12;
	s2 =	sand.u32 $0x1, s2  }
0x8: {  	s5 =	sadd.s32 $0xF800, s0;
	s6 =	sadd.s32 $0x5800, s0;
	s20 =	smul.u32 $0x28000, s12  }
0x9: {  	s25 =	sshll.u32 s12, $0x6;
	_ =	strace $0x80000053;
	s8 =	smul.u32 $0x140000, s2  }
0xa: {  	s9 =	sshll.u32 s2, $0x4;
	s2 =	ssub.s32 $0x2, s2;
	s10 =	sshrl.u32 s7, $0x3  }
0xb: {  	s9 =	sor.u32 s12, s9;
	s21 =	sshrl.u32 s2, $0x1;
	s23 =	sshrl.u32 s20, $0x2  }
0xc: {  	s20 =	simm.s32 $0x5;
	s12 =	simm.s32 $0x0;
	s10 =	sadd.s32 s10, s0  }
0xd: {  	s8 =	sadd.s32 s7, s8;
	s7 =	smul.u32 $0x2800, s9;
	s2 =	ssub.s32 s2, s21  }
0xe: {  	s9 =	sor.u32 $0x1C09, s25;
	s21 =	simm.s32 $0x200;
	s25 =	simm.s32 $0x4400  }
0xf: {  	s8 =	sshrl.u32 s8, $0x3;
	s10 =	sadd.s32 $0x41800, s10;
	s26 =	smax.u32 s2, $0x1  }
0x10: {  	s2 =	simm.s32 $0x8;
	[dreg:$0x6] =	wrdreg s9;
	s0 =	sadd.s32 s8, s0  }
0x11: {  	s11 =	sshrl.u32 s7, $0x3;
	s8 =	sadd.s32 s23, s1;
	[dreg:$0x5] =	wrdreg s10  }
0x12: {  	[dreg:$0x8] =	wrdreg s26;
	s23 =	simm.s32 $0x100;
	s22 =	sadd.s32 s5, s11  }
0x13: {  	s26 =	simm.s32 $0x6;
	s24 =	sadd.s32 s6, s11;
	[dreg:$0x3] =	wrdreg s22  }
0x14: {  	s0 =	sadd.s32 $0x91800, s0;
	s10 =	sshrl.u32 s8, $0x3;
	[dreg:$0x4] =	wrdreg s24  }
0x15: {  	s11 =	simm.s32 $0x9;
	[dreg:$0x7] =	wrdreg s0;
	s22 =	simm.s32 $0x2  }
0x16: {  	s24 =	simm.s32 $0x300;
	s0 =	simm.s32 $0x4;
	[dreg:$0x9] =	wrdreg s10  }
.LBB2_1:
0x17: {  	[dreg:$0xa] =	wrdreg s12  }
0x18: {  	s8 =	rddreg [dreg:$0x3]  }
0x19: {  	s12 =	rddreg [dreg:$0x4]  }
0x1a: {  	[tilespmem:s3], [sflag:$0x1] =	stream.linear.gather [hbm4b:s8+s3], $0x80, $0x38;
	[tilespmem:$0x1C400] =	vst v63  }
0x1b: {  	s13 =	rddreg [dreg:$0x5]  }
0x1c: {  	[tilespmem:s21], [sflag:$0x1] =	stream.linear.gather [hbm4b:s12+s3], $0x80, $0x38;
	[tilespmem:$0x1C400] =	vst v63  }
0x1d: {  	[spmem:s10], [sflag:s9] =	dma.local [hbm:s13], $0x1400  }
0x1e: {  	_ =	swait.ge [sflag:s11], $0x1400  }
0x1f: {  	[sflag:s11] =	ssyncset.done $0x0  }
0x20: {  	[sflag:s11] =	ssyncadd.s32 $0xFFFFEC00  }
0x21: {  	s14 =	simm.s32 $0x0;
	[bflag:$0x0] =	sbarrier.arrive $0xFFFF  }
0x22: {  	s15 =	sand.u32 $0x3C00, s14;
	_ =	swait.ge [sflag:s16], $0x80  }
0x23: {  	s10 =	sadd.s32 s7, s15;
	s9 =	sand.u32 $0x200, s14;
	[sflag:s16] =	ssyncset.done $0x0  }
0x24: {  	s9 =	sor.u32 s9, s10;
	[sflag:s16] =	ssyncadd.s32 $0xFFFFFF80  }
0x25: {  	s9 =	sshrl.u32 s9, $0x3;
	_ =	swait.ge [sflag:s16], $0x80  }
0x26: {  	s8 =	sor.u32 $0x10, s9;
	[sflag:s16] =	ssyncset.done $0x0  }
0x27: {  	s11 =	sadd.s32 s5, s8;
	[sflag:s16] =	ssyncadd.s32 $0xFFFFFF80  }
0x28: {  	[tilespmem:s17], [sflag:$0x2] =	stream.linear.gather [hbm4b:s11+s3], $0x80, $0x38;
	[tilespmem:$0x1C400] =	vst v63  }
0x29: {  	p0 =	por $0x1, $0x1;
	s10 =	sadd.s32 s6, s8  }
0x2a: {  	[tilespmem:s18], [sflag:$0x2] =	stream.linear.gather [hbm4b:s10+s3], $0x80, $0x38;
	[tilespmem:$0x1C400] =	vst v63  }
0x2b: {  	s10 =	simm.s32 @!p0 $0x7  }
0x2c: {  	_ =	swait.ge @!p0 [sflag:s10], $0x4000  }
0x2d: {  	[sflag:s10] =	ssyncset.done @!p0 $0x0  }
0x2e: {  	[sflag:s10] =	ssyncadd.s32 @!p0 $0xFFFFC000  }
0x2f: {  	[tilespmem:s19], [sflag:$0x5] =	stream.indirect.gather [hbm4b:s4+s17], $0x80, s3, s17, $0xb8;
	[tilespmem:$0x1C400] =	vst v63  }
0x30: {  	_ =	swait.ge [sflag:s20], $0x4000  }
0x31: {  	[sflag:s20] =	ssyncset.done $0x0  }
0x32: {  	[sflag:s20] =	ssyncadd.s32 $0xFFFFC000  }
0x33: {  	[spmem:s1] =	stream.indirect.scatter.add.f32 [tilespmem:s19], [sflag:$0x7], $0x80, s21, s17, $0xb8;
	[tilespmem:$0x1C400] =	vst v63  }
0x34: {  	_ =	swait.ge [sflag:s22], $0x80  }
0x35: {  	[sflag:s22] =	ssyncset.done $0x0  }
0x36: {  	[sflag:s22] =	ssyncadd.s32 $0xFFFFFF80  }
0x37: {  	_ =	swait.ge [sflag:s22], $0x80  }
0x38: {  	s13 =	sor.u32 $0x20, s9;
	[sflag:s22] =	ssyncset.done $0x0  }
0x39: {  	s14 =	sadd.s32 s5, s13;
	[sflag:s22] =	ssyncadd.s32 $0xFFFFFF80  }
0x3a: {  	[tilespmem:s23], [sflag:$0x3] =	stream.linear.gather [hbm4b:s14+s3], $0x80, $0x38;
	[tilespmem:$0x1C400] =	vst v63  }
0x3b: {  	s12 =	simm.s32 @!p0 $0x8;
	s10 =	sadd.s32 s6, s13  }
0x3c: {  	[tilespmem:s24], [sflag:$0x3] =	stream.linear.gather [hbm4b:s10+s3], $0x80, $0x38;
	[tilespmem:$0x1C400] =	vst v63  }
0x3d: {  	_ =	swait.ge @!p0 [sflag:s12], $0x4000  }
0x3e: {  	[sflag:s12] =	ssyncset.done @!p0 $0x0  }
0x3f: {  	[sflag:s12] =	ssyncadd.s32 @!p0 $0xFFFFC000  }
0x40: {  	[tilespmem:s25], [sflag:$0x6] =	stream.indirect.gather [hbm4b:s4+s17], $0x80, s17, s17, $0xb8;
	[tilespmem:$0x1C400] =	vst v63  }
0x41: {  	_ =	swait.ge [sflag:s26], $0x4000  }
0x42: {  	[sflag:s26] =	ssyncset.done $0x0  }
0x43: {  	[sflag:s26] =	ssyncadd.s32 $0xFFFFC000  }
0x44: {  	[spmem:s1] =	stream.indirect.scatter.add.f32 [tilespmem:s25], [sflag:$0x8], $0x80, s18, s17, $0xb8;
	[tilespmem:$0x1C400] =	vst v63  }
0x45: {  	_ =	swait.ge [sflag:s28], $0x80  }
0x46: {  	[sflag:s28] =	ssyncset.done $0x0  }
0x47: {  	[sflag:s28] =	ssyncadd.s32 $0xFFFFFF80  }
0x48: {  	_ =	swait.ge [sflag:s28], $0x80  }
0x49: {  	s9 =	sor.u32 $0x30, s9;
	[sflag:s28] =	ssyncset.done $0x0  }
0x4a: {  	s15 =	sadd.s32 s5, s9;
	[sflag:s28] =	ssyncadd.s32 $0xFFFFFF80  }
0x4b: {  	[tilespmem:s29], [sflag:$0x4] =	stream.linear.gather [hbm4b:s15+s3], $0x80, $0x38;
	[tilespmem:$0x1C400] =	vst v63  }
0x4c: {  	s9 =	sadd.s32 s6, s9  }
0x4d: {  	[tilespmem:s30], [sflag:$0x4] =	stream.linear.gather [hbm4b:s9+s3], $0x80, $0x38;
	[tilespmem:$0x1C400] =	vst v63  }
0x4e: {  	_ =	swait.ge [sflag:s31], $0x4000  }
0x4f: {  	[sflag:s31] =	ssyncset.done $0x0  }
0x50: {  	[sflag:s31] =	ssyncadd.s32 $0xFFFFC000  }
0x51: {  	[tilespmem:s19], [sflag:$0x5] =	stream.indirect.gather [hbm4b:s4+s17], $0x80, s23, s17, $0xb8;
	[tilespmem:$0x1C400] =	vst v63  }
0x52: {  	_ =	swait.ge [sflag:s20], $0x4000  }
0x53: {  	[sflag:s20] =	ssyncset.done $0x0  }
0x54: {  	[sflag:s20] =	ssyncadd.s32 $0xFFFFC000  }
0x55: {  	[spmem:s1] =	stream.indirect.scatter.add.f32 [tilespmem:s19], [sflag:$0x7], $0x80, s24, s17, $0xb8;
	[tilespmem:$0x1C400] =	vst v63  }
0x56: {  	p0 =	por $0x0, $0x0;
	_ =	swait.ge [sflag:s0], $0x80  }
0x57: {  	s9 =	sand.u32 @!p0 $0x7C00, s21;
	[sflag:s0] =	ssyncset.done $0x0  }
0x58: {  	s10 =	sand.u32 @!p0 $0x200, s21;
	s9 =	sadd.s32 @!p0 s7, s9;
	[sflag:s0] =	ssyncadd.s32 $0xFFFFFF80  }
0x59: {  	s9 =	sor.u32 @!p0 s10, s9;
	_ =	swait.ge [sflag:s0], $0x80  }
0x5a: {  	s9 =	sshrl.u32 @!p0 s9, $0x3;
	[sflag:s0] =	ssyncset.done $0x0  }
0x5b: {  	s10 =	simm.s32 @!p0 $0x0;
	s12 =	sadd.s32 @!p0 s5, s9;
	[sflag:s0] =	ssyncadd.s32 $0xFFFFFF80  }
0x5c: {  	[tilespmem:s10], [sflag:$0x1] =	stream.linear.gather @!p0 [hbm4b:s12+s10], $0x80, $0x38;
	[tilespmem:$0x1C400] =	vst v63  }
0x5d: {  	s9 =	sadd.s32 @!p0 s6, s9;
	s12 =	simm.s32 @!p0 $0x200  }
0x5e: {  	[tilespmem:s12], [sflag:$0x1] =	stream.linear.gather @!p0 [hbm4b:s9+s10], $0x80, $0x38;
	[tilespmem:$0x1C400] =	vst v63  }
0x5f: {  	_ =	swait.ge [sflag:s2], $0x4000  }
0x60: {  	[sflag:s2] =	ssyncset.done $0x0  }
0x61: {  	[sflag:s2] =	ssyncadd.s32 $0xFFFFC000  }
0x62: {  	[tilespmem:s25], [sflag:$0x6] =	stream.indirect.gather [hbm4b:s4+s17], $0x80, s29, s17, $0xb8;
	[tilespmem:$0x1C400] =	vst v63  }
0x63: {  	_ =	swait.ge [sflag:s26], $0x4000  }
0x64: {  	s9 =	simm.s32 $0x1;
	s10 =	simm.s32 $0x400;
	[sflag:s26] =	ssyncset.done $0x0  }
.LBB2_2:
0x65: {  	s13 =	sadd.s32 $0xFFFFFE00, s10  }
0x66: {  	[sflag:s26] =	ssyncadd.s32 $0xFFFFC000;
	s12 =	smov.u32 s9;
	s9 =	sadd.s32 $0x1, s9  }
0x67: {  	[spmem:s1] =	stream.indirect.scatter.add.f32 [tilespmem:s25], [sflag:$0x8], $0x80, s30, s17, $0xb8;
	[tilespmem:$0x1C400] =	vst v63  }
0x68: {  	s11 =	sand.u32 $0x3C00, s13;
	p0 =	sne.s32 s9, $0x14;
	_ =	swait.ge [sflag:s16], $0x80  }
0x69: {  	s13 =	sand.u32 $0x200, s13;
	s11 =	sadd.s32 s7, s11;
	[sflag:s16] =	ssyncset.done $0x0  }
0x6a: {  	s11 =	sor.u32 s13, s11;
	[sflag:s16] =	ssyncadd.s32 $0xFFFFFF80  }
0x6b: {  	s11 =	sshrl.u32 s11, $0x3;
	_ =	swait.ge [sflag:s16], $0x80  }
0x6c: {  	s14 =	sor.u32 $0x10, s11;
	s15 =	sor.u32 $0x20, s11;
	[sflag:s16] =	ssyncset.done $0x0  }
0x6d: {  	s13 =	sor.u32 $0x30, s11;
	s8 =	sadd.s32 s5, s14;
	[sflag:s16] =	ssyncadd.s32 $0xFFFFFF80  }
0x6e: {  	[tilespmem:s17], [sflag:$0x2] =	stream.linear.gather [hbm4b:s8+s3], $0x80, $0x38;
	[tilespmem:$0x1C400] =	vst v63  }
0x6f: {  	p1 =	seq.s32 s12, $0x0;
	s8 =	sadd.s32 s6, s14  }
0x70: {  	[tilespmem:s18], [sflag:$0x2] =	stream.linear.gather [hbm4b:s8+s3], $0x80, $0x38;
	[tilespmem:$0x1C400] =	vst v63  }
0x71: {  	s8 =	simm.s32 @!p1 $0x7  }
0x72: {  	_ =	swait.ge @!p1 [sflag:s8], $0x4000  }
0x73: {  	[sflag:s8] =	ssyncset.done @!p1 $0x0  }
0x74: {  	[sflag:s8] =	ssyncadd.s32 @!p1 $0xFFFFC000  }
0x75: {  	[tilespmem:s19], [sflag:$0x5] =	stream.indirect.gather [hbm4b:s4+s17], $0x80, s3, s17, $0xb8;
	[tilespmem:$0x1C400] =	vst v63  }
0x76: {  	_ =	swait.ge [sflag:s20], $0x4000  }
0x77: {  	[sflag:s20] =	ssyncset.done $0x0  }
0x78: {  	[sflag:s20] =	ssyncadd.s32 $0xFFFFC000  }
0x79: {  	[spmem:s1] =	stream.indirect.scatter.add.f32 [tilespmem:s19], [sflag:$0x7], $0x80, s21, s17, $0xb8;
	[tilespmem:$0x1C400] =	vst v63  }
0x7a: {  	_ =	swait.ge [sflag:s22], $0x80  }
0x7b: {  	[sflag:s22] =	ssyncset.done $0x0  }
0x7c: {  	[sflag:s22] =	ssyncadd.s32 $0xFFFFFF80  }
0x7d: {  	_ =	swait.ge [sflag:s22], $0x80  }
0x7e: {  	s8 =	sadd.s32 s5, s15;
	[sflag:s22] =	ssyncset.done $0x0  }
0x7f: {  	s11 =	sadd.s32 s6, s15;
	[sflag:s22] =	ssyncadd.s32 $0xFFFFFF80  }
0x80: {  	[tilespmem:s23], [sflag:$0x3] =	stream.linear.gather [hbm4b:s8+s3], $0x80, $0x38;
	[tilespmem:$0x1C400] =	vst v63  }
0x81: {  	s8 =	simm.s32 @!p1 $0x8  }
0x82: {  	[tilespmem:s24], [sflag:$0x3] =	stream.linear.gather [hbm4b:s11+s3], $0x80, $0x38;
	[tilespmem:$0x1C400] =	vst v63  }
0x83: {  	_ =	swait.ge @!p1 [sflag:s8], $0x4000  }
0x84: {  	[sflag:s8] =	ssyncset.done @!p1 $0x0  }
0x85: {  	[sflag:s8] =	ssyncadd.s32 @!p1 $0xFFFFC000  }
0x86: {  	[tilespmem:s25], [sflag:$0x6] =	stream.indirect.gather [hbm4b:s4+s17], $0x80, s17, s17, $0xb8;
	[tilespmem:$0x1C400] =	vst v63  }
0x87: {  	_ =	swait.ge [sflag:s26], $0x4000  }
0x88: {  	[sflag:s26] =	ssyncset.done $0x0  }
0x89: {  	[sflag:s26] =	ssyncadd.s32 $0xFFFFC000  }
0x8a: {  	[spmem:s1] =	stream.indirect.scatter.add.f32 [tilespmem:s25], [sflag:$0x8], $0x80, s18, s17, $0xb8;
	[tilespmem:$0x1C400] =	vst v63  }
0x8b: {  	_ =	swait.ge [sflag:s28], $0x80  }
0x8c: {  	[sflag:s28] =	ssyncset.done $0x0  }
0x8d: {  	[sflag:s28] =	ssyncadd.s32 $0xFFFFFF80  }
0x8e: {  	_ =	swait.ge [sflag:s28], $0x80  }
0x8f: {  	s8 =	sadd.s32 s5, s13;
	[sflag:s28] =	ssyncset.done $0x0  }
0x90: {  	s11 =	sadd.s32 s6, s13;
	[sflag:s28] =	ssyncadd.s32 $0xFFFFFF80  }
0x91: {  	[tilespmem:s29], [sflag:$0x4] =	stream.linear.gather [hbm4b:s8+s3], $0x80, $0x38;
	[tilespmem:$0x1C400] =	vst v63  }
0x92: {  	_ = 	snop  }
0x93: {  	[tilespmem:s30], [sflag:$0x4] =	stream.linear.gather [hbm4b:s11+s3], $0x80, $0x38;
	[tilespmem:$0x1C400] =	vst v63  }
0x94: {  	_ =	swait.ge [sflag:s31], $0x4000  }
0x95: {  	[sflag:s31] =	ssyncset.done $0x0  }
0x96: {  	[sflag:s31] =	ssyncadd.s32 $0xFFFFC000  }
0x97: {  	[tilespmem:s19], [sflag:$0x5] =	stream.indirect.gather [hbm4b:s4+s17], $0x80, s23, s17, $0xb8;
	[tilespmem:$0x1C400] =	vst v63  }
0x98: {  	_ =	swait.ge [sflag:s20], $0x4000  }
0x99: {  	[sflag:s20] =	ssyncset.done $0x0  }
0x9a: {  	p1 =	sgt.u32 s12, $0x12;
	[sflag:s20] =	ssyncadd.s32 $0xFFFFC000  }
0x9b: {  	[spmem:s1] =	stream.indirect.scatter.add.f32 [tilespmem:s19], [sflag:$0x7], $0x80, s24, s17, $0xb8;
	[tilespmem:$0x1C400] =	vst v63  }
0x9c: {  	s8 =	sand.u32 @!p1 $0x7C00, s10;
	_ =	swait.ge [sflag:s0], $0x80  }
0x9d: {  	s8 =	sadd.s32 @!p1 s7, s8;
	s11 =	sand.u32 @!p1 $0x200, s10;
	[sflag:s0] =	ssyncset.done $0x0  }
0x9e: {  	s8 =	sor.u32 @!p1 s11, s8;
	[sflag:s0] =	ssyncadd.s32 $0xFFFFFF80  }
0x9f: {  	s11 =	simm.s32 @!p1 $0x0;
	s8 =	sshrl.u32 @!p1 s8, $0x3;
	_ =	swait.ge [sflag:s0], $0x80  }
0xa0: {  	s12 =	sadd.s32 @!p1 s5, s8;
	s8 =	sadd.s32 @!p1 s6, s8;
	[sflag:s0] =	ssyncset.done $0x0  }
0xa1: {  	s13 =	simm.s32 @!p1 $0x200;
	[sflag:s0] =	ssyncadd.s32 $0xFFFFFF80  }
0xa2: {  	[tilespmem:s11], [sflag:$0x1] =	stream.linear.gather @!p1 [hbm4b:s12+s11], $0x80, $0x38;
	[tilespmem:$0x1C400] =	vst v63  }
0xa3: {  	_ = 	snop  }
0xa4: {  	[tilespmem:s13], [sflag:$0x1] =	stream.linear.gather @!p1 [hbm4b:s8+s11], $0x80, $0x38;
	[tilespmem:$0x1C400] =	vst v63  }
0xa5: {  	_ =	swait.ge [sflag:s2], $0x4000  }
.Ltmp0:
0xa6: {  	[sflag:s2] =	ssyncset.done $0x0;
	(pc) =	sbr.rel @p0 .LBB2_2-.Ltmp0, $4  }
0xa7: {  	[sflag:s2] =	ssyncadd.s32 $0xFFFFC000  }
0xa8: {  	[tilespmem:s25], [sflag:$0x6] =	stream.indirect.gather [hbm4b:s4+s17], $0x80, s29, s17, $0xb8;
	[tilespmem:$0x1C400] =	vst v63  }
0xa9: {  	_ =	swait.ge [sflag:s26], $0x4000  }
0xaa: {  	s10 =	sadd.s32 $0x200, s10;
	[sflag:s26] =	ssyncset.done $0x0  }
0xab: {  	[sflag:s26] =	ssyncadd.s32 $0xFFFFC000  }
0xac: {  	[spmem:s1] =	stream.indirect.scatter.add.f32 [tilespmem:s25], [sflag:$0x8], $0x80, s30, s17, $0xb8;
	[tilespmem:$0x1C400] =	vst v63  }
0xad: {  	_ =	swait.ge [sflag:s31], $0x4000  }
0xae: {  	[sflag:s31] =	ssyncset.done $0x0  }
0xaf: {  	[sflag:s31] =	ssyncadd.s32 $0xFFFFC000  }
0xb0: {  	_ =	swait.ge [sflag:s2], $0x4000  }
0xb1: {  	[sflag:s2] =	ssyncset.done $0x0  }
0xb2: {  	[sflag:s2] =	ssyncadd.s32 $0xFFFFC000  }
0xb3: {  	[bflag:$0x0] =	sbarrier.arrive $0xFFFF  }
0xb4: {  	s9 =	rddreg [dreg:$0x6]  }
0xb5: {  	s8 =	rddreg [dreg:$0x7]  }
0xb6: {  	s11 =	simm.s32 $0x9;
	s10 =	rddreg [dreg:$0x9]  }
0xb7: {  	[hbm:s8], [sflag:s9] =	dma.local [spmem:s10], $0x1400  }
0xb8: {  	_ =	swait.ge [sflag:s11], $0x1400  }
0xb9: {  	s12 =	rddreg [dreg:$0xa]  }
0xba: {  	s15 =	rddreg [dreg:$0x8];
	s12 =	sadd.s32 $0x1, s12  }
0xbb: {  	p0 =	sne.s32 s12, s15  }
.Ltmp1:
0xbc: {  	_ = 	snop;
	(pc) =	sbr.rel @p0 .LBB2_1-.Ltmp1, $3  }
0xbd: {  	_ =	sdelay $0x1  }
0xbe: {  	[sflag:s11] =	ssyncset.done $0x0  }
0xbf: {  	[sflag:s11] =	ssyncadd.s32 $0xFFFFEC00  }
0xc0: {  	_ =	sfence.sel $0x180000  }
0xc1: {  	[bflag:$0x0] =	sbarrier.arrive $0xFFFF  }
0xc2: {  	_ =	strace $0x90000053  }
0xc3: {  	s0 =	stileid.u32;
	[bflag:$0x2] =	sbarrier.arrive $0xFFFF  }
0xc4: {  	p0 =	sne.s32 s0, $0x0;
	s0 =	rddreg [dreg:$0x2]  }
0xc5: {  	s0 =	sadd.s32 @!p0 $0x100000, s0  }
0xc6: {  	[sflag:s0] =	ssyncadd.tile.s32 @!p0 $0x1;
	_ =	shalt  }
.Lfunc_end2:
_tile_overlayer_lowered:
.L_overlay_start_2:
0xc7: {  	(tag) =	ssettag $0x2  }
0xc8: {  	s0 =	rddreg [dreg:$0x0];
	s2 =	stileid.u32  }
0xc9: {  	s1 =	rddreg [dreg:$0x1];
	p0 =	sne.s32 s2, $0x0  }
0xca: {  	s3 =	rddreg [dreg:$0x2];
	[bflag:$0x3] =	sbarrier.arrive $0xFFFF;
	s2 =	simm.s32 @!p0 $0x1C09  }
0xcb: {  	[timem:s3], [sflag:s2] =	dma.local @!p0 [hbm:s0], s1  }
0xcc: {  	s0 =	simm.s32 @!p0 $0x9  }
0xcd: {  	_ =	swait.ge @!p0 [sflag:s0], s1  }
0xce: {  	s1 =	ssub.s32 @!p0 $0x0, s1;
	[sflag:s0] =	ssyncset.done @!p0 $0x0  }
0xcf: {  	[sflag:s0] =	ssyncadd.s32 @!p0 s1  }
0xd0: {  	[bflag:$0x3] =	sbarrier.arrive $0xFFFF  }
0xd1: {  	_ =	shalt  }

</sc_bundles>
